<compile_context>
chip_gen: v7x
topology: tpu7x:2x2x1
jax: 0.10.2.dev20260603
libtpu: 0.0.44.dev20260713+nightly
codegen_flags: <defaults>
</compile_context>

<pallas_src>
import functools

import jax
import jax.numpy as jnp
from jax import lax
from jax.experimental import pallas as pl
from jax.experimental.pallas import tpu as pltpu
from jax.experimental.pallas import tpu_sc as plsc

_NUM_WORKERS = 32
_CHUNK = 640
_NSLOT = 4


def _emb_body(table_hbm, idx_hbm, out_hbm, idx_v, rows_v, gsems, osems):
    wid = lax.axis_index("s") * 2 + lax.axis_index("c")
    n_per_w = idx_hbm.shape[0] // _NUM_WORKERS
    base = wid * n_per_w
    steps = n_per_w // _CHUNK

    def gather(i):
        s = i % _NSLOT
        return pltpu.make_async_copy(
            table_hbm.at[idx_v.at[pl.ds(i * _CHUNK, _CHUNK)]],
            rows_v.at[s], gsems[s])

    def owrite(i):
        s = i % _NSLOT
        return pltpu.make_async_copy(
            rows_v.at[s], out_hbm.at[pl.ds(base + i * _CHUNK, _CHUNK)],
            osems[s])

    pltpu.sync_copy(idx_hbm.at[pl.ds(base, n_per_w)], idx_v)
    gather(0).start()
    gather(1).start()
    gather(2).start()

    for i in range(steps):
        gather(i).wait()
        owrite(i).start()
        if i + 3 < steps:
            if i >= 1:
                owrite(i - 1).wait()
            gather(i + 3).start()
    for i in range(max(0, steps - 4), steps):
        owrite(i).wait()


def kernel(indices_, tables):
    b, l = indices_.shape
    n = b * l
    d = tables.shape[-1]
    table = tables.reshape(-1, d)
    flat = indices_.reshape(n).astype(jnp.int32)

    n_per_w = n // _NUM_WORKERS
    mesh = plsc.VectorSubcoreMesh(core_axis_name="c", subcore_axis_name="s")
    run = functools.partial(
        pl.kernel,
        mesh=mesh,
        compiler_params=pltpu.CompilerParams(use_tc_tiling_on_sc=False),
        out_type=jax.ShapeDtypeStruct((n, d), jnp.float32),
        scratch_types=[
            pltpu.VMEM((n_per_w,), jnp.int32),
            pltpu.VMEM((_NSLOT, _CHUNK, d), jnp.float32),
            [pltpu.SemaphoreType.DMA] * _NSLOT,
            [pltpu.SemaphoreType.DMA] * _NSLOT,
        ],
    )(_emb_body)
    out = run(table, flat)
    return out.reshape(b, l, d)

# --- scband reference (transcript-rebuilt; emitter-appended) ---
"""Pipeline reference for scband-large-embedding-90494960927132 (READ-ONLY COPY).

The authoritative reference and input builder live on the scoring server;
editing this copy changes nothing except your own understanding.
"""

import jax, jax.numpy as jnp
import numpy as np

N_WORDS = 1000000
DIM_WORD = 32
PAGE_SIZE = 250000
NUM_PAGES = (N_WORDS + PAGE_SIZE - 1) // PAGE_SIZE
BATCH = 4096
HIST = 200


def setup_inputs(seed: int = 0) -> dict:
    key = jax.random.key(seed)
    k_idx, k_tab = jax.random.split(key)
    indices_ = jax.random.randint(k_idx, (BATCH, HIST), 0, N_WORDS)
    # Paged embedding tables: one LUT per page, stacked [NUM_PAGES, PAGE_SIZE, DIM_WORD]
    tables = jax.random.normal(k_tab, (NUM_PAGES, PAGE_SIZE, DIM_WORD), dtype=jnp.float32) * 0.02
    return {"indices_": indices_, "tables": tables}


def reference(indices_, tables):
    # Faithful translation of LargeEmbedding.forward: flatten indices, route each
    # index to its page, look up in the per-page LUT, and merge (index_copy) back.
    b, l = indices_.shape
    flat = indices_.reshape(-1)
    n = flat.shape[0]
    y = jnp.zeros((n, DIM_WORD), dtype=tables.dtype)
    page_offset = 0
    for i in range(NUM_PAGES):
        mask_i = (flat >= page_offset) & (flat < page_offset + PAGE_SIZE)
        indices_i = jnp.where(mask_i, flat - page_offset, 0)
        v_i = jnp.take(tables[i], indices_i, axis=0)
        y = jnp.where(mask_i[:, None], v_i, y)
        page_offset += PAGE_SIZE
    return y.reshape(b, l, DIM_WORD)

if __name__ == "__main__":
    import jax
    _d = setup_inputs()
    print(jax.jit(kernel)(*tuple(_d.values())))

</pallas_src>

<mosaic_0001>
#map = affine_map<(d0, d1) -> (0, 0)>
#map1 = affine_map<(d0, d1) -> (0)>
module attributes {stable_mosaic.version = 14 : i64} {
  func.func @_emb_body(%arg0: i32, %arg1: i32, %arg2: memref<1000000x32xf32, #tpu.memory_space<hbm>>, %arg3: memref<819200xi32, #tpu.memory_space<hbm>>, %arg4: memref<819200x32xf32, #tpu.memory_space<hbm>>, %arg5: memref<25600xi32, #tpu.memory_space<vmem>>, %arg6: memref<4x640x32xf32, #tpu.memory_space<vmem>>, %arg7: memref<!tpu.dma_semaphore, #tpu.memory_space<semaphore_mem>>, %arg8: memref<!tpu.dma_semaphore, #tpu.memory_space<semaphore_mem>>, %arg9: memref<!tpu.dma_semaphore, #tpu.memory_space<semaphore_mem>>, %arg10: memref<!tpu.dma_semaphore, #tpu.memory_space<semaphore_mem>>, %arg11: memref<!tpu.dma_semaphore, #tpu.memory_space<semaphore_mem>>, %arg12: memref<!tpu.dma_semaphore, #tpu.memory_space<semaphore_mem>>, %arg13: memref<!tpu.dma_semaphore, #tpu.memory_space<semaphore_mem>>, %arg14: memref<!tpu.dma_semaphore, #tpu.memory_space<semaphore_mem>>) attributes {dimension_semantics = [#tpu.dimension_semantics<core_parallel>, #tpu.dimension_semantics<subcore_parallel>], iteration_bounds = array<i64: 2, 16>, scalar_prefetch = 0 : i64, scratch_operands = 10 : i64, tpu.core_type = #tpu.core_type<sc_vector_subcore>, window_params = [{transform_indices = #map}, {transform_indices = #map1}, {transform_indices = #map}]} {
    %mul3A = arith.constant 2 : i32
    %mul3A_0 = arith.muli %arg1, %mul3A : i32
    %add3A = arith.addi %mul3A_0, %arg0 : i32
    %mul3A_1 = arith.constant 25600 : i32
    %mul3A_2 = arith.muli %add3A, %mul3A_1 : i32
    "tpu.region"() ({
      %run_scoped3A = tpu.sem_alloc : memref<!tpu.dma_semaphore, #tpu.memory_space<semaphore_mem>>
      %dma_start3A_2001 = tpu.memref_slice %arg3[%mul3A_2] : memref<819200xi32, #tpu.memory_space<hbm>> -> memref<25600xi32, #tpu.memory_space<hbm>>
      %dma_start3A_2002 = tpu.memref_slice %arg3[%mul3A_2] : memref<819200xi32, #tpu.memory_space<hbm>> -> memref<25600xi32, #tpu.memory_space<hbm>>
      tpu.enqueue_dma source(%dma_start3A_2002 : memref<25600xi32, #tpu.memory_space<hbm>>) target(%arg5 : memref<25600xi32, #tpu.memory_space<vmem>>) target_semaphore(%run_scoped3A : memref<!tpu.dma_semaphore, #tpu.memory_space<semaphore_mem>>)
      %dma_wait3A_2003 = tpu.memref_slice %arg3[%mul3A_2] : memref<819200xi32, #tpu.memory_space<hbm>> -> memref<25600xi32, #tpu.memory_space<hbm>>
      %dma_wait3A_2004 = tpu.memref_slice %arg3[%mul3A_2] : memref<819200xi32, #tpu.memory_space<hbm>> -> memref<25600xi32, #tpu.memory_space<hbm>>
      tpu.wait_dma2 semaphore(%run_scoped3A : memref<!tpu.dma_semaphore, #tpu.memory_space<semaphore_mem>>) src(%dma_wait3A_2004 : memref<25600xi32, #tpu.memory_space<hbm>>) dst(%arg5 : memref<25600xi32, #tpu.memory_space<vmem>>)
      tpu.yield
    }) : () -> ()
    %dma_start3A = arith.constant 0 : i32
    %dma_start3A_3 = arith.constant 0 : i32
    %dma_start3A_4 = arith.constant 0 : i32
    %dma_start3A_5 = tpu.memref_slice %arg6[%dma_start3A, %dma_start3A_3, %dma_start3A_4] : memref<4x640x32xf32, #tpu.memory_space<vmem>> -> memref<1x640x32xf32, #tpu.memory_space<vmem>>
    %dma_start3A_6 = tpu.memref_squeeze %dma_start3A_5 : memref<1x640x32xf32, #tpu.memory_space<vmem>> -> memref<640x32xf32, #tpu.memory_space<vmem>>
    %dma_start3A_7 = arith.constant 0 : i32
    %dma_start3A_8 = tpu.memref_slice %arg5[%dma_start3A_7] : memref<25600xi32, #tpu.memory_space<vmem>> -> memref<640xi32, #tpu.memory_space<vmem>>
    %dma_start3A_9 = arith.constant 0 : i32
    %dma_start3A_10 = arith.constant 0 : i32
    %dma_start3A_11 = tpu.memref_slice %arg2[%dma_start3A_9, %dma_start3A_10] : memref<1000000x32xf32, #tpu.memory_space<hbm>> -> memref<1000000x32xf32, #tpu.memory_space<hbm>>
    tpu.enqueue_indirect_dma source(%dma_start3A_11 : memref<1000000x32xf32, #tpu.memory_space<hbm>>) target(%dma_start3A_6 : memref<640x32xf32, #tpu.memory_space<vmem>>) offsets(%dma_start3A_8 : memref<640xi32, #tpu.memory_space<vmem>>) semaphore(%arg7 : memref<!tpu.dma_semaphore, #tpu.memory_space<semaphore_mem>>)
    %dma_start3A_12 = arith.constant 1 : i32
    %dma_start3A_13 = arith.constant 0 : i32
    %dma_start3A_14 = arith.constant 0 : i32
    %dma_start3A_15 = tpu.memref_slice %arg6[%dma_start3A_12, %dma_start3A_13, %dma_start3A_14] : memref<4x640x32xf32, #tpu.memory_space<vmem>> -> memref<1x640x32xf32, #tpu.memory_space<vmem>>
    %dma_start3A_16 = tpu.memref_squeeze %dma_start3A_15 : memref<1x640x32xf32, #tpu.memory_space<vmem>> -> memref<640x32xf32, #tpu.memory_space<vmem>>
    %dma_start3A_17 = arith.constant 640 : i32
    %dma_start3A_18 = tpu.memref_slice %arg5[%dma_start3A_17] : memref<25600xi32, #tpu.memory_space<vmem>> -> memref<640xi32, #tpu.memory_space<vmem>>
    %dma_start3A_19 = arith.constant 0 : i32
    %dma_start3A_20 = arith.constant 0 : i32
    %dma_start3A_21 = tpu.memref_slice %arg2[%dma_start3A_19, %dma_start3A_20] : memref<1000000x32xf32, #tpu.memory_space<hbm>> -> memref<1000000x32xf32, #tpu.memory_space<hbm>>
    tpu.enqueue_indirect_dma source(%dma_start3A_21 : memref<1000000x32xf32, #tpu.memory_space<hbm>>) target(%dma_start3A_16 : memref<640x32xf32, #tpu.memory_space<vmem>>) offsets(%dma_start3A_18 : memref<640xi32, #tpu.memory_space<vmem>>) semaphore(%arg8 : memref<!tpu.dma_semaphore, #tpu.memory_space<semaphore_mem>>)
    %dma_start3A_22 = arith.constant 2 : i32
    %dma_start3A_23 = arith.constant 0 : i32
    %dma_start3A_24 = arith.constant 0 : i32
    %dma_start3A_25 = tpu.memref_slice %arg6[%dma_start3A_22, %dma_start3A_23, %dma_start3A_24] : memref<4x640x32xf32, #tpu.memory_space<vmem>> -> memref<1x640x32xf32, #tpu.memory_space<vmem>>
    %dma_start3A_26 = tpu.memref_squeeze %dma_start3A_25 : memref<1x640x32xf32, #tpu.memory_space<vmem>> -> memref<640x32xf32, #tpu.memory_space<vmem>>
    %dma_start3A_27 = arith.constant 1280 : i32
    %dma_start3A_28 = tpu.memref_slice %arg5[%dma_start3A_27] : memref<25600xi32, #tpu.memory_space<vmem>> -> memref<640xi32, #tpu.memory_space<vmem>>
    %dma_start3A_29 = arith.constant 0 : i32
    %dma_start3A_30 = arith.constant 0 : i32
    %dma_start3A_31 = tpu.memref_slice %arg2[%dma_start3A_29, %dma_start3A_30] : memref<1000000x32xf32, #tpu.memory_space<hbm>> -> memref<1000000x32xf32, #tpu.memory_space<hbm>>
    tpu.enqueue_indirect_dma source(%dma_start3A_31 : memref<1000000x32xf32, #tpu.memory_space<hbm>>) target(%dma_start3A_26 : memref<640x32xf32, #tpu.memory_space<vmem>>) offsets(%dma_start3A_28 : memref<640xi32, #tpu.memory_space<vmem>>) semaphore(%arg9 : memref<!tpu.dma_semaphore, #tpu.memory_space<semaphore_mem>>)
    %dma_wait3A = arith.constant 0 : i32
    %dma_wait3A_32 = arith.constant 0 : i32
    %dma_wait3A_33 = arith.constant 0 : i32
    %dma_wait3A_34 = tpu.memref_slice %arg6[%dma_wait3A, %dma_wait3A_32, %dma_wait3A_33] : memref<4x640x32xf32, #tpu.memory_space<vmem>> -> memref<1x640x32xf32, #tpu.memory_space<vmem>>
    %dma_wait3A_35 = tpu.memref_squeeze %dma_wait3A_34 : memref<1x640x32xf32, #tpu.memory_space<vmem>> -> memref<640x32xf32, #tpu.memory_space<vmem>>
    %dma_wait3A_36 = arith.constant 0 : i32
    %dma_wait3A_37 = tpu.memref_slice %arg5[%dma_wait3A_36] : memref<25600xi32, #tpu.memory_space<vmem>> -> memref<640xi32, #tpu.memory_space<vmem>>
    %dma_wait3A_38 = arith.constant 0 : i32
    %dma_wait3A_39 = arith.constant 0 : i32
    %dma_wait3A_40 = tpu.memref_slice %arg2[%dma_wait3A_38, %dma_wait3A_39] : memref<1000000x32xf32, #tpu.memory_space<hbm>> -> memref<1000000x32xf32, #tpu.memory_space<hbm>>
    tpu.wait_indirect_dma semaphore(%arg7 : memref<!tpu.dma_semaphore, #tpu.memory_space<semaphore_mem>>) src(%dma_wait3A_40 : memref<1000000x32xf32, #tpu.memory_space<hbm>>) dst(%dma_wait3A_35 : memref<640x32xf32, #tpu.memory_space<vmem>>)
    %add3A_41 = arith.constant 0 : i32
    %add3A_42 = arith.addi %mul3A_2, %add3A_41 : i32
    %dma_start3A_43 = arith.constant 0 : i32
    %dma_start3A_44 = arith.constant 0 : i32
    %dma_start3A_45 = arith.constant 0 : i32
    %dma_start3A_46 = tpu.memref_slice %arg6[%dma_start3A_43, %dma_start3A_44, %dma_start3A_45] : memref<4x640x32xf32, #tpu.memory_space<vmem>> -> memref<1x640x32xf32, #tpu.memory_space<vmem>>
    %dma_start3A_47 = tpu.memref_squeeze %dma_start3A_46 : memref<1x640x32xf32, #tpu.memory_space<vmem>> -> memref<640x32xf32, #tpu.memory_space<vmem>>
    %dma_start3A_48 = arith.constant 0 : i32
    %dma_start3A_49 = tpu.memref_slice %arg4[%add3A_42, %dma_start3A_48] : memref<819200x32xf32, #tpu.memory_space<hbm>> -> memref<640x32xf32, #tpu.memory_space<hbm>>
    %dma_start3A_50 = arith.constant 0 : i32
    %dma_start3A_51 = tpu.memref_slice %arg4[%add3A_42, %dma_start3A_50] : memref<819200x32xf32, #tpu.memory_space<hbm>> -> memref<640x32xf32, #tpu.memory_space<hbm>>
    %dma_start3A_52 = arith.constant 0 : i32
    %dma_start3A_53 = arith.constant 0 : i32
    %dma_start3A_54 = tpu.memref_slice %arg6[%dma_start3A_43, %dma_start3A_52, %dma_start3A_53] : memref<4x640x32xf32, #tpu.memory_space<vmem>> -> memref<1x640x32xf32, #tpu.memory_space<vmem>>
    %dma_start3A_55 = tpu.memref_squeeze %dma_start3A_54 : memref<1x640x32xf32, #tpu.memory_space<vmem>> -> memref<640x32xf32, #tpu.memory_space<vmem>>
    tpu.enqueue_dma source(%dma_start3A_55 : memref<640x32xf32, #tpu.memory_space<vmem>>) target(%dma_start3A_51 : memref<640x32xf32, #tpu.memory_space<hbm>>) target_semaphore(%arg11 : memref<!tpu.dma_semaphore, #tpu.memory_space<semaphore_mem>>)
    %dma_start3A_56 = arith.constant 3 : i32
    %dma_start3A_57 = arith.constant 0 : i32
    %dma_start3A_58 = arith.constant 0 : i32
    %dma_start3A_59 = tpu.memref_slice %arg6[%dma_start3A_56, %dma_start3A_57, %dma_start3A_58] : memref<4x640x32xf32, #tpu.memory_space<vmem>> -> memref<1x640x32xf32, #tpu.memory_space<vmem>>
    %dma_start3A_60 = tpu.memref_squeeze %dma_start3A_59 : memref<1x640x32xf32, #tpu.memory_space<vmem>> -> memref<640x32xf32, #tpu.memory_space<vmem>>
    %dma_start3A_61 = arith.constant 1920 : i32
    %dma_start3A_62 = tpu.memref_slice %arg5[%dma_start3A_61] : memref<25600xi32, #tpu.memory_space<vmem>> -> memref<640xi32, #tpu.memory_space<vmem>>
    %dma_start3A_63 = arith.constant 0 : i32
    %dma_start3A_64 = arith.constant 0 : i32
    %dma_start3A_65 = tpu.memref_slice %arg2[%dma_start3A_63, %dma_start3A_64] : memref<1000000x32xf32, #tpu.memory_space<hbm>> -> memref<1000000x32xf32, #tpu.memory_space<hbm>>
    tpu.enqueue_indirect_dma source(%dma_start3A_65 : memref<1000000x32xf32, #tpu.memory_space<hbm>>) target(%dma_start3A_60 : memref<640x32xf32, #tpu.memory_space<vmem>>) offsets(%dma_start3A_62 : memref<640xi32, #tpu.memory_space<vmem>>) semaphore(%arg10 : memref<!tpu.dma_semaphore, #tpu.memory_space<semaphore_mem>>)
    %dma_wait3A_66 = arith.constant 1 : i32
    %dma_wait3A_67 = arith.constant 0 : i32
    %dma_wait3A_68 = arith.constant 0 : i32
    %dma_wait3A_69 = tpu.memref_slice %arg6[%dma_wait3A_66, %dma_wait3A_67, %dma_wait3A_68] : memref<4x640x32xf32, #tpu.memory_space<vmem>> -> memref<1x640x32xf32, #tpu.memory_space<vmem>>
    %dma_wait3A_70 = tpu.memref_squeeze %dma_wait3A_69 : memref<1x640x32xf32, #tpu.memory_space<vmem>> -> memref<640x32xf32, #tpu.memory_space<vmem>>
    %dma_wait3A_71 = arith.constant 640 : i32
    %dma_wait3A_72 = tpu.memref_slice %arg5[%dma_wait3A_71] : memref<25600xi32, #tpu.memory_space<vmem>> -> memref<640xi32, #tpu.memory_space<vmem>>
    %dma_wait3A_73 = arith.constant 0 : i32
    %dma_wait3A_74 = arith.constant 0 : i32
    %dma_wait3A_75 = tpu.memref_slice %arg2[%dma_wait3A_73, %dma_wait3A_74] : memref<1000000x32xf32, #tpu.memory_space<hbm>> -> memref<1000000x32xf32, #tpu.memory_space<hbm>>
    tpu.wait_indirect_dma semaphore(%arg8 : memref<!tpu.dma_semaphore, #tpu.memory_space<semaphore_mem>>) src(%dma_wait3A_75 : memref<1000000x32xf32, #tpu.memory_space<hbm>>) dst(%dma_wait3A_70 : memref<640x32xf32, #tpu.memory_space<vmem>>)
    %add3A_76 = arith.constant 640 : i32
    %add3A_77 = arith.addi %mul3A_2, %add3A_76 : i32
    %dma_start3A_78 = arith.constant 1 : i32
    %dma_start3A_79 = arith.constant 0 : i32
    %dma_start3A_80 = arith.constant 0 : i32
    %dma_start3A_81 = tpu.memref_slice %arg6[%dma_start3A_78, %dma_start3A_79, %dma_start3A_80] : memref<4x640x32xf32, #tpu.memory_space<vmem>> -> memref<1x640x32xf32, #tpu.memory_space<vmem>>
    %dma_start3A_82 = tpu.memref_squeeze %dma_start3A_81 : memref<1x640x32xf32, #tpu.memory_space<vmem>> -> memref<640x32xf32, #tpu.memory_space<vmem>>
    %dma_start3A_83 = arith.constant 0 : i32
    %dma_start3A_84 = tpu.memref_slice %arg4[%add3A_77, %dma_start3A_83] : memref<819200x32xf32, #tpu.memory_space<hbm>> -> memref<640x32xf32, #tpu.memory_space<hbm>>
    %dma_start3A_85 = arith.constant 0 : i32
    %dma_start3A_86 = tpu.memref_slice %arg4[%add3A_77, %dma_start3A_85] : memref<819200x32xf32, #tpu.memory_space<hbm>> -> memref<640x32xf32, #tpu.memory_space<hbm>>
    %dma_start3A_87 = arith.constant 0 : i32
    %dma_start3A_88 = arith.constant 0 : i32
    %dma_start3A_89 = tpu.memref_slice %arg6[%dma_start3A_78, %dma_start3A_87, %dma_start3A_88] : memref<4x640x32xf32, #tpu.memory_space<vmem>> -> memref<1x640x32xf32, #tpu.memory_space<vmem>>
    %dma_start3A_90 = tpu.memref_squeeze %dma_start3A_89 : memref<1x640x32xf32, #tpu.memory_space<vmem>> -> memref<640x32xf32, #tpu.memory_space<vmem>>
    tpu.enqueue_dma source(%dma_start3A_90 : memref<640x32xf32, #tpu.memory_space<vmem>>) target(%dma_start3A_86 : memref<640x32xf32, #tpu.memory_space<hbm>>) target_semaphore(%arg12 : memref<!tpu.dma_semaphore, #tpu.memory_space<semaphore_mem>>)
    %add3A_91 = arith.constant 0 : i32
    %add3A_92 = arith.addi %mul3A_2, %add3A_91 : i32
    %dma_wait3A_93 = arith.constant 0 : i32
    %dma_wait3A_94 = arith.constant 0 : i32
    %dma_wait3A_95 = arith.constant 0 : i32
    %dma_wait3A_96 = tpu.memref_slice %arg6[%dma_wait3A_93, %dma_wait3A_94, %dma_wait3A_95] : memref<4x640x32xf32, #tpu.memory_space<vmem>> -> memref<1x640x32xf32, #tpu.memory_space<vmem>>
    %dma_wait3A_97 = tpu.memref_squeeze %dma_wait3A_96 : memref<1x640x32xf32, #tpu.memory_space<vmem>> -> memref<640x32xf32, #tpu.memory_space<vmem>>
    %dma_wait3A_98 = arith.constant 0 : i32
    %dma_wait3A_99 = tpu.memref_slice %arg4[%add3A_92, %dma_wait3A_98] : memref<819200x32xf32, #tpu.memory_space<hbm>> -> memref<640x32xf32, #tpu.memory_space<hbm>>
    %dma_wait3A_100 = arith.constant 0 : i32
    %dma_wait3A_101 = tpu.memref_slice %arg4[%add3A_92, %dma_wait3A_100] : memref<819200x32xf32, #tpu.memory_space<hbm>> -> memref<640x32xf32, #tpu.memory_space<hbm>>
    %dma_wait3A_102 = arith.constant 0 : i32
    %dma_wait3A_103 = arith.constant 0 : i32
    %dma_wait3A_104 = tpu.memref_slice %arg6[%dma_wait3A_93, %dma_wait3A_102, %dma_wait3A_103] : memref<4x640x32xf32, #tpu.memory_space<vmem>> -> memref<1x640x32xf32, #tpu.memory_space<vmem>>
    %dma_wait3A_105 = tpu.memref_squeeze %dma_wait3A_104 : memref<1x640x32xf32, #tpu.memory_space<vmem>> -> memref<640x32xf32, #tpu.memory_space<vmem>>
    tpu.wait_dma2 semaphore(%arg11 : memref<!tpu.dma_semaphore, #tpu.memory_space<semaphore_mem>>) src(%dma_wait3A_105 : memref<640x32xf32, #tpu.memory_space<vmem>>) dst(%dma_wait3A_101 : memref<640x32xf32, #tpu.memory_space<hbm>>)
    %dma_start3A_106 = arith.constant 0 : i32
    %dma_start3A_107 = arith.constant 0 : i32
    %dma_start3A_108 = arith.constant 0 : i32
    %dma_start3A_109 = tpu.memref_slice %arg6[%dma_start3A_106, %dma_start3A_107, %dma_start3A_108] : memref<4x640x32xf32, #tpu.memory_space<vmem>> -> memref<1x640x32xf32, #tpu.memory_space<vmem>>
    %dma_start3A_110 = tpu.memref_squeeze %dma_start3A_109 : memref<1x640x32xf32, #tpu.memory_space<vmem>> -> memref<640x32xf32, #tpu.memory_space<vmem>>
    %dma_start3A_111 = arith.constant 2560 : i32
    %dma_start3A_112 = tpu.memref_slice %arg5[%dma_start3A_111] : memref<25600xi32, #tpu.memory_space<vmem>> -> memref<640xi32, #tpu.memory_space<vmem>>
    %dma_start3A_113 = arith.constant 0 : i32
    %dma_start3A_114 = arith.constant 0 : i32
    %dma_start3A_115 = tpu.memref_slice %arg2[%dma_start3A_113, %dma_start3A_114] : memref<1000000x32xf32, #tpu.memory_space<hbm>> -> memref<1000000x32xf32, #tpu.memory_space<hbm>>
    tpu.enqueue_indirect_dma source(%dma_start3A_115 : memref<1000000x32xf32, #tpu.memory_space<hbm>>) target(%dma_start3A_110 : memref<640x32xf32, #tpu.memory_space<vmem>>) offsets(%dma_start3A_112 : memref<640xi32, #tpu.memory_space<vmem>>) semaphore(%arg7 : memref<!tpu.dma_semaphore, #tpu.memory_space<semaphore_mem>>)
    %dma_wait3A_116 = arith.constant 2 : i32
    %dma_wait3A_117 = arith.constant 0 : i32
    %dma_wait3A_118 = arith.constant 0 : i32
    %dma_wait3A_119 = tpu.memref_slice %arg6[%dma_wait3A_116, %dma_wait3A_117, %dma_wait3A_118] : memref<4x640x32xf32, #tpu.memory_space<vmem>> -> memref<1x640x32xf32, #tpu.memory_space<vmem>>
    %dma_wait3A_120 = tpu.memref_squeeze %dma_wait3A_119 : memref<1x640x32xf32, #tpu.memory_space<vmem>> -> memref<640x32xf32, #tpu.memory_space<vmem>>
    %dma_wait3A_121 = arith.constant 1280 : i32
    %dma_wait3A_122 = tpu.memref_slice %arg5[%dma_wait3A_121] : memref<25600xi32, #tpu.memory_space<vmem>> -> memref<640xi32, #tpu.memory_space<vmem>>
    %dma_wait3A_123 = arith.constant 0 : i32
    %dma_wait3A_124 = arith.constant 0 : i32
    %dma_wait3A_125 = tpu.memref_slice %arg2[%dma_wait3A_123, %dma_wait3A_124] : memref<1000000x32xf32, #tpu.memory_space<hbm>> -> memref<1000000x32xf32, #tpu.memory_space<hbm>>
    tpu.wait_indirect_dma semaphore(%arg9 : memref<!tpu.dma_semaphore, #tpu.memory_space<semaphore_mem>>) src(%dma_wait3A_125 : memref<1000000x32xf32, #tpu.memory_space<hbm>>) dst(%dma_wait3A_120 : memref<640x32xf32, #tpu.memory_space<vmem>>)
    %add3A_126 = arith.constant 1280 : i32
    %add3A_127 = arith.addi %mul3A_2, %add3A_126 : i32
    %dma_start3A_128 = arith.constant 2 : i32
    %dma_start3A_129 = arith.constant 0 : i32
    %dma_start3A_130 = arith.constant 0 : i32
    %dma_start3A_131 = tpu.memref_slice %arg6[%dma_start3A_128, %dma_start3A_129, %dma_start3A_130] : memref<4x640x32xf32, #tpu.memory_space<vmem>> -> memref<1x640x32xf32, #tpu.memory_space<vmem>>
    %dma_start3A_132 = tpu.memref_squeeze %dma_start3A_131 : memref<1x640x32xf32, #tpu.memory_space<vmem>> -> memref<640x32xf32, #tpu.memory_space<vmem>>
    %dma_start3A_133 = arith.constant 0 : i32
    %dma_start3A_134 = tpu.memref_slice %arg4[%add3A_127, %dma_start3A_133] : memref<819200x32xf32, #tpu.memory_space<hbm>> -> memref<640x32xf32, #tpu.memory_space<hbm>>
    %dma_start3A_135 = arith.constant 0 : i32
    %dma_start3A_136 = tpu.memref_slice %arg4[%add3A_127, %dma_start3A_135] : memref<819200x32xf32, #tpu.memory_space<hbm>> -> memref<640x32xf32, #tpu.memory_space<hbm>>
    %dma_start3A_137 = arith.constant 0 : i32
    %dma_start3A_138 = arith.constant 0 : i32
    %dma_start3A_139 = tpu.memref_slice %arg6[%dma_start3A_128, %dma_start3A_137, %dma_start3A_138] : memref<4x640x32xf32, #tpu.memory_space<vmem>> -> memref<1x640x32xf32, #tpu.memory_space<vmem>>
    %dma_start3A_140 = tpu.memref_squeeze %dma_start3A_139 : memref<1x640x32xf32, #tpu.memory_space<vmem>> -> memref<640x32xf32, #tpu.memory_space<vmem>>
    tpu.enqueue_dma source(%dma_start3A_140 : memref<640x32xf32, #tpu.memory_space<vmem>>) target(%dma_start3A_136 : memref<640x32xf32, #tpu.memory_space<hbm>>) target_semaphore(%arg13 : memref<!tpu.dma_semaphore, #tpu.memory_space<semaphore_mem>>)
    %add3A_141 = arith.constant 640 : i32
    %add3A_142 = arith.addi %mul3A_2, %add3A_141 : i32
    %dma_wait3A_143 = arith.constant 1 : i32
    %dma_wait3A_144 = arith.constant 0 : i32
    %dma_wait3A_145 = arith.constant 0 : i32
    %dma_wait3A_146 = tpu.memref_slice %arg6[%dma_wait3A_143, %dma_wait3A_144, %dma_wait3A_145] : memref<4x640x32xf32, #tpu.memory_space<vmem>> -> memref<1x640x32xf32, #tpu.memory_space<vmem>>
    %dma_wait3A_147 = tpu.memref_squeeze %dma_wait3A_146 : memref<1x640x32xf32, #tpu.memory_space<vmem>> -> memref<640x32xf32, #tpu.memory_space<vmem>>
    %dma_wait3A_148 = arith.constant 0 : i32
    %dma_wait3A_149 = tpu.memref_slice %arg4[%add3A_142, %dma_wait3A_148] : memref<819200x32xf32, #tpu.memory_space<hbm>> -> memref<640x32xf32, #tpu.memory_space<hbm>>
    %dma_wait3A_150 = arith.constant 0 : i32
    %dma_wait3A_151 = tpu.memref_slice %arg4[%add3A_142, %dma_wait3A_150] : memref<819200x32xf32, #tpu.memory_space<hbm>> -> memref<640x32xf32, #tpu.memory_space<hbm>>
    %dma_wait3A_152 = arith.constant 0 : i32
    %dma_wait3A_153 = arith.constant 0 : i32
    %dma_wait3A_154 = tpu.memref_slice %arg6[%dma_wait3A_143, %dma_wait3A_152, %dma_wait3A_153] : memref<4x640x32xf32, #tpu.memory_space<vmem>> -> memref<1x640x32xf32, #tpu.memory_space<vmem>>
    %dma_wait3A_155 = tpu.memref_squeeze %dma_wait3A_154 : memref<1x640x32xf32, #tpu.memory_space<vmem>> -> memref<640x32xf32, #tpu.memory_space<vmem>>
    tpu.wait_dma2 semaphore(%arg12 : memref<!tpu.dma_semaphore, #tpu.memory_space<semaphore_mem>>) src(%dma_wait3A_155 : memref<640x32xf32, #tpu.memory_space<vmem>>) dst(%dma_wait3A_151 : memref<640x32xf32, #tpu.memory_space<hbm>>)
    %dma_start3A_156 = arith.constant 1 : i32
    %dma_start3A_157 = arith.constant 0 : i32
    %dma_start3A_158 = arith.constant 0 : i32
    %dma_start3A_159 = tpu.memref_slice %arg6[%dma_start3A_156, %dma_start3A_157, %dma_start3A_158] : memref<4x640x32xf32, #tpu.memory_space<vmem>> -> memref<1x640x32xf32, #tpu.memory_space<vmem>>
    %dma_start3A_160 = tpu.memref_squeeze %dma_start3A_159 : memref<1x640x32xf32, #tpu.memory_space<vmem>> -> memref<640x32xf32, #tpu.memory_space<vmem>>
    %dma_start3A_161 = arith.constant 3200 : i32
    %dma_start3A_162 = tpu.memref_slice %arg5[%dma_start3A_161] : memref<25600xi32, #tpu.memory_space<vmem>> -> memref<640xi32, #tpu.memory_space<vmem>>
    %dma_start3A_163 = arith.constant 0 : i32
    %dma_start3A_164 = arith.constant 0 : i32
    %dma_start3A_165 = tpu.memref_slice %arg2[%dma_start3A_163, %dma_start3A_164] : memref<1000000x32xf32, #tpu.memory_space<hbm>> -> memref<1000000x32xf32, #tpu.memory_space<hbm>>
    tpu.enqueue_indirect_dma source(%dma_start3A_165 : memref<1000000x32xf32, #tpu.memory_space<hbm>>) target(%dma_start3A_160 : memref<640x32xf32, #tpu.memory_space<vmem>>) offsets(%dma_start3A_162 : memref<640xi32, #tpu.memory_space<vmem>>) semaphore(%arg8 : memref<!tpu.dma_semaphore, #tpu.memory_space<semaphore_mem>>)
    %dma_wait3A_166 = arith.constant 3 : i32
    %dma_wait3A_167 = arith.constant 0 : i32
    %dma_wait3A_168 = arith.constant 0 : i32
    %dma_wait3A_169 = tpu.memref_slice %arg6[%dma_wait3A_166, %dma_wait3A_167, %dma_wait3A_168] : memref<4x640x32xf32, #tpu.memory_space<vmem>> -> memref<1x640x32xf32, #tpu.memory_space<vmem>>
    %dma_wait3A_170 = tpu.memref_squeeze %dma_wait3A_169 : memref<1x640x32xf32, #tpu.memory_space<vmem>> -> memref<640x32xf32, #tpu.memory_space<vmem>>
    %dma_wait3A_171 = arith.constant 1920 : i32
    %dma_wait3A_172 = tpu.memref_slice %arg5[%dma_wait3A_171] : memref<25600xi32, #tpu.memory_space<vmem>> -> memref<640xi32, #tpu.memory_space<vmem>>
    %dma_wait3A_173 = arith.constant 0 : i32
    %dma_wait3A_174 = arith.constant 0 : i32
    %dma_wait3A_175 = tpu.memref_slice %arg2[%dma_wait3A_173, %dma_wait3A_174] : memref<1000000x32xf32, #tpu.memory_space<hbm>> -> memref<1000000x32xf32, #tpu.memory_space<hbm>>
    tpu.wait_indirect_dma semaphore(%arg10 : memref<!tpu.dma_semaphore, #tpu.memory_space<semaphore_mem>>) src(%dma_wait3A_175 : memref<1000000x32xf32, #tpu.memory_space<hbm>>) dst(%dma_wait3A_170 : memref<640x32xf32, #tpu.memory_space<vmem>>)
    %add3A_176 = arith.constant 1920 : i32
    %add3A_177 = arith.addi %mul3A_2, %add3A_176 : i32
    %dma_start3A_178 = arith.constant 3 : i32
    %dma_start3A_179 = arith.constant 0 : i32
    %dma_start3A_180 = arith.constant 0 : i32
    %dma_start3A_181 = tpu.memref_slice %arg6[%dma_start3A_178, %dma_start3A_179, %dma_start3A_180] : memref<4x640x32xf32, #tpu.memory_space<vmem>> -> memref<1x640x32xf32, #tpu.memory_space<vmem>>
    %dma_start3A_182 = tpu.memref_squeeze %dma_start3A_181 : memref<1x640x32xf32, #tpu.memory_space<vmem>> -> memref<640x32xf32, #tpu.memory_space<vmem>>
    %dma_start3A_183 = arith.constant 0 : i32
    %dma_start3A_184 = tpu.memref_slice %arg4[%add3A_177, %dma_start3A_183] : memref<819200x32xf32, #tpu.memory_space<hbm>> -> memref<640x32xf32, #tpu.memory_space<hbm>>
    %dma_start3A_185 = arith.constant 0 : i32
    %dma_start3A_186 = tpu.memref_slice %arg4[%add3A_177, %dma_start3A_185] : memref<819200x32xf32, #tpu.memory_space<hbm>> -> memref<640x32xf32, #tpu.memory_space<hbm>>
    %dma_start3A_187 = arith.constant 0 : i32
    %dma_start3A_188 = arith.constant 0 : i32
    %dma_start3A_189 = tpu.memref_slice %arg6[%dma_start3A_178, %dma_start3A_187, %dma_start3A_188] : memref<4x640x32xf32, #tpu.memory_space<vmem>> -> memref<1x640x32xf32, #tpu.memory_space<vmem>>
    %dma_start3A_190 = tpu.memref_squeeze %dma_start3A_189 : memref<1x640x32xf32, #tpu.memory_space<vmem>> -> memref<640x32xf32, #tpu.memory_space<vmem>>
    tpu.enqueue_dma source(%dma_start3A_190 : memref<640x32xf32, #tpu.memory_space<vmem>>) target(%dma_start3A_186 : memref<640x32xf32, #tpu.memory_space<hbm>>) target_semaphore(%arg14 : memref<!tpu.dma_semaphore, #tpu.memory_space<semaphore_mem>>)
    %add3A_191 = arith.constant 1280 : i32
    %add3A_192 = arith.addi %mul3A_2, %add3A_191 : i32
    %dma_wait3A_193 = arith.constant 2 : i32
    %dma_wait3A_194 = arith.constant 0 : i32
    %dma_wait3A_195 = arith.constant 0 : i32
    %dma_wait3A_196 = tpu.memref_slice %arg6[%dma_wait3A_193, %dma_wait3A_194, %dma_wait3A_195] : memref<4x640x32xf32, #tpu.memory_space<vmem>> -> memref<1x640x32xf32, #tpu.memory_space<vmem>>
    %dma_wait3A_197 = tpu.memref_squeeze %dma_wait3A_196 : memref<1x640x32xf32, #tpu.memory_space<vmem>> -> memref<640x32xf32, #tpu.memory_space<vmem>>
    %dma_wait3A_198 = arith.constant 0 : i32
    %dma_wait3A_199 = tpu.memref_slice %arg4[%add3A_192, %dma_wait3A_198] : memref<819200x32xf32, #tpu.memory_space<hbm>> -> memref<640x32xf32, #tpu.memory_space<hbm>>
    %dma_wait3A_200 = arith.constant 0 : i32
    %dma_wait3A_201 = tpu.memref_slice %arg4[%add3A_192, %dma_wait3A_200] : memref<819200x32xf32, #tpu.memory_space<hbm>> -> memref<640x32xf32, #tpu.memory_space<hbm>>
    %dma_wait3A_202 = arith.constant 0 : i32
    %dma_wait3A_203 = arith.constant 0 : i32
    %dma_wait3A_204 = tpu.memref_slice %arg6[%dma_wait3A_193, %dma_wait3A_202, %dma_wait3A_203] : memref<4x640x32xf32, #tpu.memory_space<vmem>> -> memref<1x640x32xf32, #tpu.memory_space<vmem>>
    %dma_wait3A_205 = tpu.memref_squeeze %dma_wait3A_204 : memref<1x640x32xf32, #tpu.memory_space<vmem>> -> memref<640x32xf32, #tpu.memory_space<vmem>>
    tpu.wait_dma2 semaphore(%arg13 : memref<!tpu.dma_semaphore, #tpu.memory_space<semaphore_mem>>) src(%dma_wait3A_205 : memref<640x32xf32, #tpu.memory_space<vmem>>) dst(%dma_wait3A_201 : memref<640x32xf32, #tpu.memory_space<hbm>>)
    %dma_start3A_206 = arith.constant 2 : i32
    %dma_start3A_207 = arith.constant 0 : i32
    %dma_start3A_208 = arith.constant 0 : i32
    %dma_start3A_209 = tpu.memref_slice %arg6[%dma_start3A_206, %dma_start3A_207, %dma_start3A_208] : memref<4x640x32xf32, #tpu.memory_space<vmem>> -> memref<1x640x32xf32, #tpu.memory_space<vmem>>
    %dma_start3A_210 = tpu.memref_squeeze %dma_start3A_209 : memref<1x640x32xf32, #tpu.memory_space<vmem>> -> memref<640x32xf32, #tpu.memory_space<vmem>>
    %dma_start3A_211 = arith.constant 3840 : i32
    %dma_start3A_212 = tpu.memref_slice %arg5[%dma_start3A_211] : memref<25600xi32, #tpu.memory_space<vmem>> -> memref<640xi32, #tpu.memory_space<vmem>>
    %dma_start3A_213 = arith.constant 0 : i32
    %dma_start3A_214 = arith.constant 0 : i32
    %dma_start3A_215 = tpu.memref_slice %arg2[%dma_start3A_213, %dma_start3A_214] : memref<1000000x32xf32, #tpu.memory_space<hbm>> -> memref<1000000x32xf32, #tpu.memory_space<hbm>>
    tpu.enqueue_indirect_dma source(%dma_start3A_215 : memref<1000000x32xf32, #tpu.memory_space<hbm>>) target(%dma_start3A_210 : memref<640x32xf32, #tpu.memory_space<vmem>>) offsets(%dma_start3A_212 : memref<640xi32, #tpu.memory_space<vmem>>) semaphore(%arg9 : memref<!tpu.dma_semaphore, #tpu.memory_space<semaphore_mem>>)
    %dma_wait3A_216 = arith.constant 0 : i32
    %dma_wait3A_217 = arith.constant 0 : i32
    %dma_wait3A_218 = arith.constant 0 : i32
    %dma_wait3A_219 = tpu.memref_slice %arg6[%dma_wait3A_216, %dma_wait3A_217, %dma_wait3A_218] : memref<4x640x32xf32, #tpu.memory_space<vmem>> -> memref<1x640x32xf32, #tpu.memory_space<vmem>>
    %dma_wait3A_220 = tpu.memref_squeeze %dma_wait3A_219 : memref<1x640x32xf32, #tpu.memory_space<vmem>> -> memref<640x32xf32, #tpu.memory_space<vmem>>
    %dma_wait3A_221 = arith.constant 2560 : i32
    %dma_wait3A_222 = tpu.memref_slice %arg5[%dma_wait3A_221] : memref<25600xi32, #tpu.memory_space<vmem>> -> memref<640xi32, #tpu.memory_space<vmem>>
    %dma_wait3A_223 = arith.constant 0 : i32
    %dma_wait3A_224 = arith.constant 0 : i32
    %dma_wait3A_225 = tpu.memref_slice %arg2[%dma_wait3A_223, %dma_wait3A_224] : memref<1000000x32xf32, #tpu.memory_space<hbm>> -> memref<1000000x32xf32, #tpu.memory_space<hbm>>
    tpu.wait_indirect_dma semaphore(%arg7 : memref<!tpu.dma_semaphore, #tpu.memory_space<semaphore_mem>>) src(%dma_wait3A_225 : memref<1000000x32xf32, #tpu.memory_space<hbm>>) dst(%dma_wait3A_220 : memref<640x32xf32, #tpu.memory_space<vmem>>)
    %add3A_226 = arith.constant 2560 : i32
    %add3A_227 = arith.addi %mul3A_2, %add3A_226 : i32
    %dma_start3A_228 = arith.constant 0 : i32
    %dma_start3A_229 = arith.constant 0 : i32
    %dma_start3A_230 = arith.constant 0 : i32
    %dma_start3A_231 = tpu.memref_slice %arg6[%dma_start3A_228, %dma_start3A_229, %dma_start3A_230] : memref<4x640x32xf32, #tpu.memory_space<vmem>> -> memref<1x640x32xf32, #tpu.memory_space<vmem>>
    %dma_start3A_232 = tpu.memref_squeeze %dma_start3A_231 : memref<1x640x32xf32, #tpu.memory_space<vmem>> -> memref<640x32xf32, #tpu.memory_space<vmem>>
    %dma_start3A_233 = arith.constant 0 : i32
    %dma_start3A_234 = tpu.memref_slice %arg4[%add3A_227, %dma_start3A_233] : memref<819200x32xf32, #tpu.memory_space<hbm>> -> memref<640x32xf32, #tpu.memory_space<hbm>>
    %dma_start3A_235 = arith.constant 0 : i32
    %dma_start3A_236 = tpu.memref_slice %arg4[%add3A_227, %dma_start3A_235] : memref<819200x32xf32, #tpu.memory_space<hbm>> -> memref<640x32xf32, #tpu.memory_space<hbm>>
    %dma_start3A_237 = arith.constant 0 : i32
    %dma_start3A_238 = arith.constant 0 : i32
    %dma_start3A_239 = tpu.memref_slice %arg6[%dma_start3A_228, %dma_start3A_237, %dma_start3A_238] : memref<4x640x32xf32, #tpu.memory_space<vmem>> -> memref<1x640x32xf32, #tpu.memory_space<vmem>>
    %dma_start3A_240 = tpu.memref_squeeze %dma_start3A_239 : memref<1x640x32xf32, #tpu.memory_space<vmem>> -> memref<640x32xf32, #tpu.memory_space<vmem>>
    tpu.enqueue_dma source(%dma_start3A_240 : memref<640x32xf32, #tpu.memory_space<vmem>>) target(%dma_start3A_236 : memref<640x32xf32, #tpu.memory_space<hbm>>) target_semaphore(%arg11 : memref<!tpu.dma_semaphore, #tpu.memory_space<semaphore_mem>>)
    %add3A_241 = arith.constant 1920 : i32
    %add3A_242 = arith.addi %mul3A_2, %add3A_241 : i32
    %dma_wait3A_243 = arith.constant 3 : i32
    %dma_wait3A_244 = arith.constant 0 : i32
    %dma_wait3A_245 = arith.constant 0 : i32
    %dma_wait3A_246 = tpu.memref_slice %arg6[%dma_wait3A_243, %dma_wait3A_244, %dma_wait3A_245] : memref<4x640x32xf32, #tpu.memory_space<vmem>> -> memref<1x640x32xf32, #tpu.memory_space<vmem>>
    %dma_wait3A_247 = tpu.memref_squeeze %dma_wait3A_246 : memref<1x640x32xf32, #tpu.memory_space<vmem>> -> memref<640x32xf32, #tpu.memory_space<vmem>>
    %dma_wait3A_248 = arith.constant 0 : i32
    %dma_wait3A_249 = tpu.memref_slice %arg4[%add3A_242, %dma_wait3A_248] : memref<819200x32xf32, #tpu.memory_space<hbm>> -> memref<640x32xf32, #tpu.memory_space<hbm>>
    %dma_wait3A_250 = arith.constant 0 : i32
    %dma_wait3A_251 = tpu.memref_slice %arg4[%add3A_242, %dma_wait3A_250] : memref<819200x32xf32, #tpu.memory_space<hbm>> -> memref<640x32xf32, #tpu.memory_space<hbm>>
    %dma_wait3A_252 = arith.constant 0 : i32
    %dma_wait3A_253 = arith.constant 0 : i32
    %dma_wait3A_254 = tpu.memref_slice %arg6[%dma_wait3A_243, %dma_wait3A_252, %dma_wait3A_253] : memref<4x640x32xf32, #tpu.memory_space<vmem>> -> memref<1x640x32xf32, #tpu.memory_space<vmem>>
    %dma_wait3A_255 = tpu.memref_squeeze %dma_wait3A_254 : memref<1x640x32xf32, #tpu.memory_space<vmem>> -> memref<640x32xf32, #tpu.memory_space<vmem>>
    tpu.wait_dma2 semaphore(%arg14 : memref<!tpu.dma_semaphore, #tpu.memory_space<semaphore_mem>>) src(%dma_wait3A_255 : memref<640x32xf32, #tpu.memory_space<vmem>>) dst(%dma_wait3A_251 : memref<640x32xf32, #tpu.memory_space<hbm>>)
    %dma_start3A_256 = arith.constant 3 : i32
    %dma_start3A_257 = arith.constant 0 : i32
    %dma_start3A_258 = arith.constant 0 : i32
    %dma_start3A_259 = tpu.memref_slice %arg6[%dma_start3A_256, %dma_start3A_257, %dma_start3A_258] : memref<4x640x32xf32, #tpu.memory_space<vmem>> -> memref<1x640x32xf32, #tpu.memory_space<vmem>>
    %dma_start3A_260 = tpu.memref_squeeze %dma_start3A_259 : memref<1x640x32xf32, #tpu.memory_space<vmem>> -> memref<640x32xf32, #tpu.memory_space<vmem>>
    %dma_start3A_261 = arith.constant 4480 : i32
    %dma_start3A_262 = tpu.memref_slice %arg5[%dma_start3A_261] : memref<25600xi32, #tpu.memory_space<vmem>> -> memref<640xi32, #tpu.memory_space<vmem>>
    %dma_start3A_263 = arith.constant 0 : i32
    %dma_start3A_264 = arith.constant 0 : i32
    %dma_start3A_265 = tpu.memref_slice %arg2[%dma_start3A_263, %dma_start3A_264] : memref<1000000x32xf32, #tpu.memory_space<hbm>> -> memref<1000000x32xf32, #tpu.memory_space<hbm>>
    tpu.enqueue_indirect_dma source(%dma_start3A_265 : memref<1000000x32xf32, #tpu.memory_space<hbm>>) target(%dma_start3A_260 : memref<640x32xf32, #tpu.memory_space<vmem>>) offsets(%dma_start3A_262 : memref<640xi32, #tpu.memory_space<vmem>>) semaphore(%arg10 : memref<!tpu.dma_semaphore, #tpu.memory_space<semaphore_mem>>)
    %dma_wait3A_266 = arith.constant 1 : i32
    %dma_wait3A_267 = arith.constant 0 : i32
    %dma_wait3A_268 = arith.constant 0 : i32
    %dma_wait3A_269 = tpu.memref_slice %arg6[%dma_wait3A_266, %dma_wait3A_267, %dma_wait3A_268] : memref<4x640x32xf32, #tpu.memory_space<vmem>> -> memref<1x640x32xf32, #tpu.memory_space<vmem>>
    %dma_wait3A_270 = tpu.memref_squeeze %dma_wait3A_269 : memref<1x640x32xf32, #tpu.memory_space<vmem>> -> memref<640x32xf32, #tpu.memory_space<vmem>>
    %dma_wait3A_271 = arith.constant 3200 : i32
    %dma_wait3A_272 = tpu.memref_slice %arg5[%dma_wait3A_271] : memref<25600xi32, #tpu.memory_space<vmem>> -> memref<640xi32, #tpu.memory_space<vmem>>
    %dma_wait3A_273 = arith.constant 0 : i32
    %dma_wait3A_274 = arith.constant 0 : i32
    %dma_wait3A_275 = tpu.memref_slice %arg2[%dma_wait3A_273, %dma_wait3A_274] : memref<1000000x32xf32, #tpu.memory_space<hbm>> -> memref<1000000x32xf32, #tpu.memory_space<hbm>>
    tpu.wait_indirect_dma semaphore(%arg8 : memref<!tpu.dma_semaphore, #tpu.memory_space<semaphore_mem>>) src(%dma_wait3A_275 : memref<1000000x32xf32, #tpu.memory_space<hbm>>) dst(%dma_wait3A_270 : memref<640x32xf32, #tpu.memory_space<vmem>>)
    %add3A_276 = arith.constant 3200 : i32
    %add3A_277 = arith.addi %mul3A_2, %add3A_276 : i32
    %dma_start3A_278 = arith.constant 1 : i32
    %dma_start3A_279 = arith.constant 0 : i32
    %dma_start3A_280 = arith.constant 0 : i32
    %dma_start3A_281 = tpu.memref_slice %arg6[%dma_start3A_278, %dma_start3A_279, %dma_start3A_280] : memref<4x640x32xf32, #tpu.memory_space<vmem>> -> memref<1x640x32xf32, #tpu.memory_space<vmem>>
    %dma_start3A_282 = tpu.memref_squeeze %dma_start3A_281 : memref<1x640x32xf32, #tpu.memory_space<vmem>> -> memref<640x32xf32, #tpu.memory_space<vmem>>
    %dma_start3A_283 = arith.constant 0 : i32
    %dma_start3A_284 = tpu.memref_slice %arg4[%add3A_277, %dma_start3A_283] : memref<819200x32xf32, #tpu.memory_space<hbm>> -> memref<640x32xf32, #tpu.memory_space<hbm>>
    %dma_start3A_285 = arith.constant 0 : i32
    %dma_start3A_286 = tpu.memref_slice %arg4[%add3A_277, %dma_start3A_285] : memref<819200x32xf32, #tpu.memory_space<hbm>> -> memref<640x32xf32, #tpu.memory_space<hbm>>
    %dma_start3A_287 = arith.constant 0 : i32
    %dma_start3A_288 = arith.constant 0 : i32
    %dma_start3A_289 = tpu.memref_slice %arg6[%dma_start3A_278, %dma_start3A_287, %dma_start3A_288] : memref<4x640x32xf32, #tpu.memory_space<vmem>> -> memref<1x640x32xf32, #tpu.memory_space<vmem>>
    %dma_start3A_290 = tpu.memref_squeeze %dma_start3A_289 : memref<1x640x32xf32, #tpu.memory_space<vmem>> -> memref<640x32xf32, #tpu.memory_space<vmem>>
    tpu.enqueue_dma source(%dma_start3A_290 : memref<640x32xf32, #tpu.memory_space<vmem>>) target(%dma_start3A_286 : memref<640x32xf32, #tpu.memory_space<hbm>>) target_semaphore(%arg12 : memref<!tpu.dma_semaphore, #tpu.memory_space<semaphore_mem>>)
    %add3A_291 = arith.constant 2560 : i32
    %add3A_292 = arith.addi %mul3A_2, %add3A_291 : i32
    %dma_wait3A_293 = arith.constant 0 : i32
    %dma_wait3A_294 = arith.constant 0 : i32
    %dma_wait3A_295 = arith.constant 0 : i32
    %dma_wait3A_296 = tpu.memref_slice %arg6[%dma_wait3A_293, %dma_wait3A_294, %dma_wait3A_295] : memref<4x640x32xf32, #tpu.memory_space<vmem>> -> memref<1x640x32xf32, #tpu.memory_space<vmem>>
    %dma_wait3A_297 = tpu.memref_squeeze %dma_wait3A_296 : memref<1x640x32xf32, #tpu.memory_space<vmem>> -> memref<640x32xf32, #tpu.memory_space<vmem>>
    %dma_wait3A_298 = arith.constant 0 : i32
    %dma_wait3A_299 = tpu.memref_slice %arg4[%add3A_292, %dma_wait3A_298] : memref<819200x32xf32, #tpu.memory_space<hbm>> -> memref<640x32xf32, #tpu.memory_space<hbm>>
    %dma_wait3A_300 = arith.constant 0 : i32
    %dma_wait3A_301 = tpu.memref_slice %arg4[%add3A_292, %dma_wait3A_300] : memref<819200x32xf32, #tpu.memory_space<hbm>> -> memref<640x32xf32, #tpu.memory_space<hbm>>
    %dma_wait3A_302 = arith.constant 0 : i32
    %dma_wait3A_303 = arith.constant 0 : i32
    %dma_wait3A_304 = tpu.memref_slice %arg6[%dma_wait3A_293, %dma_wait3A_302, %dma_wait3A_303] : memref<4x640x32xf32, #tpu.memory_space<vmem>> -> memref<1x640x32xf32, #tpu.memory_space<vmem>>
    %dma_wait3A_305 = tpu.memref_squeeze %dma_wait3A_304 : memref<1x640x32xf32, #tpu.memory_space<vmem>> -> memref<640x32xf32, #tpu.memory_space<vmem>>
    tpu.wait_dma2 semaphore(%arg11 : memref<!tpu.dma_semaphore, #tpu.memory_space<semaphore_mem>>) src(%dma_wait3A_305 : memref<640x32xf32, #tpu.memory_space<vmem>>) dst(%dma_wait3A_301 : memref<640x32xf32, #tpu.memory_space<hbm>>)
    %dma_start3A_306 = arith.constant 0 : i32
    %dma_start3A_307 = arith.constant 0 : i32
    %dma_start3A_308 = arith.constant 0 : i32
    %dma_start3A_309 = tpu.memref_slice %arg6[%dma_start3A_306, %dma_start3A_307, %dma_start3A_308] : memref<4x640x32xf32, #tpu.memory_space<vmem>> -> memref<1x640x32xf32, #tpu.memory_space<vmem>>
    %dma_start3A_310 = tpu.memref_squeeze %dma_start3A_309 : memref<1x640x32xf32, #tpu.memory_space<vmem>> -> memref<640x32xf32, #tpu.memory_space<vmem>>
    %dma_start3A_311 = arith.constant 5120 : i32
    %dma_start3A_312 = tpu.memref_slice %arg5[%dma_start3A_311] : memref<25600xi32, #tpu.memory_space<vmem>> -> memref<640xi32, #tpu.memory_space<vmem>>
    %dma_start3A_313 = arith.constant 0 : i32
    %dma_start3A_314 = arith.constant 0 : i32
    %dma_start3A_315 = tpu.memref_slice %arg2[%dma_start3A_313, %dma_start3A_314] : memref<1000000x32xf32, #tpu.memory_space<hbm>> -> memref<1000000x32xf32, #tpu.memory_space<hbm>>
    tpu.enqueue_indirect_dma source(%dma_start3A_315 : memref<1000000x32xf32, #tpu.memory_space<hbm>>) target(%dma_start3A_310 : memref<640x32xf32, #tpu.memory_space<vmem>>) offsets(%dma_start3A_312 : memref<640xi32, #tpu.memory_space<vmem>>) semaphore(%arg7 : memref<!tpu.dma_semaphore, #tpu.memory_space<semaphore_mem>>)
    %dma_wait3A_316 = arith.constant 2 : i32
    %dma_wait3A_317 = arith.constant 0 : i32
    %dma_wait3A_318 = arith.constant 0 : i32
    %dma_wait3A_319 = tpu.memref_slice %arg6[%dma_wait3A_316, %dma_wait3A_317, %dma_wait3A_318] : memref<4x640x32xf32, #tpu.memory_space<vmem>> -> memref<1x640x32xf32, #tpu.memory_space<vmem>>
    %dma_wait3A_320 = tpu.memref_squeeze %dma_wait3A_319 : memref<1x640x32xf32, #tpu.memory_space<vmem>> -> memref<640x32xf32, #tpu.memory_space<vmem>>
    %dma_wait3A_321 = arith.constant 3840 : i32
    %dma_wait3A_322 = tpu.memref_slice %arg5[%dma_wait3A_321] : memref<25600xi32, #tpu.memory_space<vmem>> -> memref<640xi32, #tpu.memory_space<vmem>>
    %dma_wait3A_323 = arith.constant 0 : i32
    %dma_wait3A_324 = arith.constant 0 : i32
    %dma_wait3A_325 = tpu.memref_slice %arg2[%dma_wait3A_323, %dma_wait3A_324] : memref<1000000x32xf32, #tpu.memory_space<hbm>> -> memref<1000000x32xf32, #tpu.memory_space<hbm>>
    tpu.wait_indirect_dma semaphore(%arg9 : memref<!tpu.dma_semaphore, #tpu.memory_space<semaphore_mem>>) src(%dma_wait3A_325 : memref<1000000x32xf32, #tpu.memory_space<hbm>>) dst(%dma_wait3A_320 : memref<640x32xf32, #tpu.memory_space<vmem>>)
    %add3A_326 = arith.constant 3840 : i32
    %add3A_327 = arith.addi %mul3A_2, %add3A_326 : i32
    %dma_start3A_328 = arith.constant 2 : i32
    %dma_start3A_329 = arith.constant 0 : i32
    %dma_start3A_330 = arith.constant 0 : i32
    %dma_start3A_331 = tpu.memref_slice %arg6[%dma_start3A_328, %dma_start3A_329, %dma_start3A_330] : memref<4x640x32xf32, #tpu.memory_space<vmem>> -> memref<1x640x32xf32, #tpu.memory_space<vmem>>
    %dma_start3A_332 = tpu.memref_squeeze %dma_start3A_331 : memref<1x640x32xf32, #tpu.memory_space<vmem>> -> memref<640x32xf32, #tpu.memory_space<vmem>>
    %dma_start3A_333 = arith.constant 0 : i32
    %dma_start3A_334 = tpu.memref_slice %arg4[%add3A_327, %dma_start3A_333] : memref<819200x32xf32, #tpu.memory_space<hbm>> -> memref<640x32xf32, #tpu.memory_space<hbm>>
    %dma_start3A_335 = arith.constant 0 : i32
    %dma_start3A_336 = tpu.memref_slice %arg4[%add3A_327, %dma_start3A_335] : memref<819200x32xf32, #tpu.memory_space<hbm>> -> memref<640x32xf32, #tpu.memory_space<hbm>>
    %dma_start3A_337 = arith.constant 0 : i32
    %dma_start3A_338 = arith.constant 0 : i32
    %dma_start3A_339 = tpu.memref_slice %arg6[%dma_start3A_328, %dma_start3A_337, %dma_start3A_338] : memref<4x640x32xf32, #tpu.memory_space<vmem>> -> memref<1x640x32xf32, #tpu.memory_space<vmem>>
    %dma_start3A_340 = tpu.memref_squeeze %dma_start3A_339 : memref<1x640x32xf32, #tpu.memory_space<vmem>> -> memref<640x32xf32, #tpu.memory_space<vmem>>
    tpu.enqueue_dma source(%dma_start3A_340 : memref<640x32xf32, #tpu.memory_space<vmem>>) target(%dma_start3A_336 : memref<640x32xf32, #tpu.memory_space<hbm>>) target_semaphore(%arg13 : memref<!tpu.dma_semaphore, #tpu.memory_space<semaphore_mem>>)
    %add3A_341 = arith.constant 3200 : i32
    %add3A_342 = arith.addi %mul3A_2, %add3A_341 : i32
    %dma_wait3A_343 = arith.constant 1 : i32
    %dma_wait3A_344 = arith.constant 0 : i32
    %dma_wait3A_345 = arith.constant 0 : i32
    %dma_wait3A_346 = tpu.memref_slice %arg6[%dma_wait3A_343, %dma_wait3A_344, %dma_wait3A_345] : memref<4x640x32xf32, #tpu.memory_space<vmem>> -> memref<1x640x32xf32, #tpu.memory_space<vmem>>
    %dma_wait3A_347 = tpu.memref_squeeze %dma_wait3A_346 : memref<1x640x32xf32, #tpu.memory_space<vmem>> -> memref<640x32xf32, #tpu.memory_space<vmem>>
    %dma_wait3A_348 = arith.constant 0 : i32
    %dma_wait3A_349 = tpu.memref_slice %arg4[%add3A_342, %dma_wait3A_348] : memref<819200x32xf32, #tpu.memory_space<hbm>> -> memref<640x32xf32, #tpu.memory_space<hbm>>
    %dma_wait3A_350 = arith.constant 0 : i32
    %dma_wait3A_351 = tpu.memref_slice %arg4[%add3A_342, %dma_wait3A_350] : memref<819200x32xf32, #tpu.memory_space<hbm>> -> memref<640x32xf32, #tpu.memory_space<hbm>>
    %dma_wait3A_352 = arith.constant 0 : i32
    %dma_wait3A_353 = arith.constant 0 : i32
    %dma_wait3A_354 = tpu.memref_slice %arg6[%dma_wait3A_343, %dma_wait3A_352, %dma_wait3A_353] : memref<4x640x32xf32, #tpu.memory_space<vmem>> -> memref<1x640x32xf32, #tpu.memory_space<vmem>>
    %dma_wait3A_355 = tpu.memref_squeeze %dma_wait3A_354 : memref<1x640x32xf32, #tpu.memory_space<vmem>> -> memref<640x32xf32, #tpu.memory_space<vmem>>
    tpu.wait_dma2 semaphore(%arg12 : memref<!tpu.dma_semaphore, #tpu.memory_space<semaphore_mem>>) src(%dma_wait3A_355 : memref<640x32xf32, #tpu.memory_space<vmem>>) dst(%dma_wait3A_351 : memref<640x32xf32, #tpu.memory_space<hbm>>)
    %dma_start3A_356 = arith.constant 1 : i32
    %dma_start3A_357 = arith.constant 0 : i32
    %dma_start3A_358 = arith.constant 0 : i32
    %dma_start3A_359 = tpu.memref_slice %arg6[%dma_start3A_356, %dma_start3A_357, %dma_start3A_358] : memref<4x640x32xf32, #tpu.memory_space<vmem>> -> memref<1x640x32xf32, #tpu.memory_space<vmem>>
    %dma_start3A_360 = tpu.memref_squeeze %dma_start3A_359 : memref<1x640x32xf32, #tpu.memory_space<vmem>> -> memref<640x32xf32, #tpu.memory_space<vmem>>
    %dma_start3A_361 = arith.constant 5760 : i32
    %dma_start3A_362 = tpu.memref_slice %arg5[%dma_start3A_361] : memref<25600xi32, #tpu.memory_space<vmem>> -> memref<640xi32, #tpu.memory_space<vmem>>
    %dma_start3A_363 = arith.constant 0 : i32
    %dma_start3A_364 = arith.constant 0 : i32
    %dma_start3A_365 = tpu.memref_slice %arg2[%dma_start3A_363, %dma_start3A_364] : memref<1000000x32xf32, #tpu.memory_space<hbm>> -> memref<1000000x32xf32, #tpu.memory_space<hbm>>
    tpu.enqueue_indirect_dma source(%dma_start3A_365 : memref<1000000x32xf32, #tpu.memory_space<hbm>>) target(%dma_start3A_360 : memref<640x32xf32, #tpu.memory_space<vmem>>) offsets(%dma_start3A_362 : memref<640xi32, #tpu.memory_space<vmem>>) semaphore(%arg8 : memref<!tpu.dma_semaphore, #tpu.memory_space<semaphore_mem>>)
    %dma_wait3A_366 = arith.constant 3 : i32
    %dma_wait3A_367 = arith.constant 0 : i32
    %dma_wait3A_368 = arith.constant 0 : i32
    %dma_wait3A_369 = tpu.memref_slice %arg6[%dma_wait3A_366, %dma_wait3A_367, %dma_wait3A_368] : memref<4x640x32xf32, #tpu.memory_space<vmem>> -> memref<1x640x32xf32, #tpu.memory_space<vmem>>
    %dma_wait3A_370 = tpu.memref_squeeze %dma_wait3A_369 : memref<1x640x32xf32, #tpu.memory_space<vmem>> -> memref<640x32xf32, #tpu.memory_space<vmem>>
    %dma_wait3A_371 = arith.constant 4480 : i32
    %dma_wait3A_372 = tpu.memref_slice %arg5[%dma_wait3A_371] : memref<25600xi32, #tpu.memory_space<vmem>> -> memref<640xi32, #tpu.memory_space<vmem>>
    %dma_wait3A_373 = arith.constant 0 : i32
    %dma_wait3A_374 = arith.constant 0 : i32
    %dma_wait3A_375 = tpu.memref_slice %arg2[%dma_wait3A_373, %dma_wait3A_374] : memref<1000000x32xf32, #tpu.memory_space<hbm>> -> memref<1000000x32xf32, #tpu.memory_space<hbm>>
    tpu.wait_indirect_dma semaphore(%arg10 : memref<!tpu.dma_semaphore, #tpu.memory_space<semaphore_mem>>) src(%dma_wait3A_375 : memref<1000000x32xf32, #tpu.memory_space<hbm>>) dst(%dma_wait3A_370 : memref<640x32xf32, #tpu.memory_space<vmem>>)
    %add3A_376 = arith.constant 4480 : i32
    %add3A_377 = arith.addi %mul3A_2, %add3A_376 : i32
    %dma_start3A_378 = arith.constant 3 : i32
    %dma_start3A_379 = arith.constant 0 : i32
    %dma_start3A_380 = arith.constant 0 : i32
    %dma_start3A_381 = tpu.memref_slice %arg6[%dma_start3A_378, %dma_start3A_379, %dma_start3A_380] : memref<4x640x32xf32, #tpu.memory_space<vmem>> -> memref<1x640x32xf32, #tpu.memory_space<vmem>>
    %dma_start3A_382 = tpu.memref_squeeze %dma_start3A_381 : memref<1x640x32xf32, #tpu.memory_space<vmem>> -> memref<640x32xf32, #tpu.memory_space<vmem>>
    %dma_start3A_383 = arith.constant 0 : i32
    %dma_start3A_384 = tpu.memref_slice %arg4[%add3A_377, %dma_start3A_383] : memref<819200x32xf32, #tpu.memory_space<hbm>> -> memref<640x32xf32, #tpu.memory_space<hbm>>
    %dma_start3A_385 = arith.constant 0 : i32
    %dma_start3A_386 = tpu.memref_slice %arg4[%add3A_377, %dma_start3A_385] : memref<819200x32xf32, #tpu.memory_space<hbm>> -> memref<640x32xf32, #tpu.memory_space<hbm>>
    %dma_start3A_387 = arith.constant 0 : i32
    %dma_start3A_388 = arith.constant 0 : i32
    %dma_start3A_389 = tpu.memref_slice %arg6[%dma_start3A_378, %dma_start3A_387, %dma_start3A_388] : memref<4x640x32xf32, #tpu.memory_space<vmem>> -> memref<1x640x32xf32, #tpu.memory_space<vmem>>
    %dma_start3A_390 = tpu.memref_squeeze %dma_start3A_389 : memref<1x640x32xf32, #tpu.memory_space<vmem>> -> memref<640x32xf32, #tpu.memory_space<vmem>>
    tpu.enqueue_dma source(%dma_start3A_390 : memref<640x32xf32, #tpu.memory_space<vmem>>) target(%dma_start3A_386 : memref<640x32xf32, #tpu.memory_space<hbm>>) target_semaphore(%arg14 : memref<!tpu.dma_semaphore, #tpu.memory_space<semaphore_mem>>)
    %add3A_391 = arith.constant 3840 : i32
    %add3A_392 = arith.addi %mul3A_2, %add3A_391 : i32
    %dma_wait3A_393 = arith.constant 2 : i32
    %dma_wait3A_394 = arith.constant 0 : i32
    %dma_wait3A_395 = arith.constant 0 : i32
    %dma_wait3A_396 = tpu.memref_slice %arg6[%dma_wait3A_393, %dma_wait3A_394, %dma_wait3A_395] : memref<4x640x32xf32, #tpu.memory_space<vmem>> -> memref<1x640x32xf32, #tpu.memory_space<vmem>>
    %dma_wait3A_397 = tpu.memref_squeeze %dma_wait3A_396 : memref<1x640x32xf32, #tpu.memory_space<vmem>> -> memref<640x32xf32, #tpu.memory_space<vmem>>
    %dma_wait3A_398 = arith.constant 0 : i32
    %dma_wait3A_399 = tpu.memref_slice %arg4[%add3A_392, %dma_wait3A_398] : memref<819200x32xf32, #tpu.memory_space<hbm>> -> memref<640x32xf32, #tpu.memory_space<hbm>>
    %dma_wait3A_400 = arith.constant 0 : i32
    %dma_wait3A_401 = tpu.memref_slice %arg4[%add3A_392, %dma_wait3A_400] : memref<819200x32xf32, #tpu.memory_space<hbm>> -> memref<640x32xf32, #tpu.memory_space<hbm>>
    %dma_wait3A_402 = arith.constant 0 : i32
    %dma_wait3A_403 = arith.constant 0 : i32
    %dma_wait3A_404 = tpu.memref_slice %arg6[%dma_wait3A_393, %dma_wait3A_402, %dma_wait3A_403] : memref<4x640x32xf32, #tpu.memory_space<vmem>> -> memref<1x640x32xf32, #tpu.memory_space<vmem>>
    %dma_wait3A_405 = tpu.memref_squeeze %dma_wait3A_404 : memref<1x640x32xf32, #tpu.memory_space<vmem>> -> memref<640x32xf32, #tpu.memory_space<vmem>>
    tpu.wait_dma2 semaphore(%arg13 : memref<!tpu.dma_semaphore, #tpu.memory_space<semaphore_mem>>) src(%dma_wait3A_405 : memref<640x32xf32, #tpu.memory_space<vmem>>) dst(%dma_wait3A_401 : memref<640x32xf32, #tpu.memory_space<hbm>>)
    %dma_start3A_406 = arith.constant 2 : i32
    %dma_start3A_407 = arith.constant 0 : i32
    %dma_start3A_408 = arith.constant 0 : i32
    %dma_start3A_409 = tpu.memref_slice %arg6[%dma_start3A_406, %dma_start3A_407, %dma_start3A_408] : memref<4x640x32xf32, #tpu.memory_space<vmem>> -> memref<1x640x32xf32, #tpu.memory_space<vmem>>
    %dma_start3A_410 = tpu.memref_squeeze %dma_start3A_409 : memref<1x640x32xf32, #tpu.memory_space<vmem>> -> memref<640x32xf32, #tpu.memory_space<vmem>>
    %dma_start3A_411 = arith.constant 6400 : i32
    %dma_start3A_412 = tpu.memref_slice %arg5[%dma_start3A_411] : memref<25600xi32, #tpu.memory_space<vmem>> -> memref<640xi32, #tpu.memory_space<vmem>>
    %dma_start3A_413 = arith.constant 0 : i32
    %dma_start3A_414 = arith.constant 0 : i32
    %dma_start3A_415 = tpu.memref_slice %arg2[%dma_start3A_413, %dma_start3A_414] : memref<1000000x32xf32, #tpu.memory_space<hbm>> -> memref<1000000x32xf32, #tpu.memory_space<hbm>>
    tpu.enqueue_indirect_dma source(%dma_start3A_415 : memref<1000000x32xf32, #tpu.memory_space<hbm>>) target(%dma_start3A_410 : memref<640x32xf32, #tpu.memory_space<vmem>>) offsets(%dma_start3A_412 : memref<640xi32, #tpu.memory_space<vmem>>) semaphore(%arg9 : memref<!tpu.dma_semaphore, #tpu.memory_space<semaphore_mem>>)
    %dma_wait3A_416 = arith.constant 0 : i32
    %dma_wait3A_417 = arith.constant 0 : i32
    %dma_wait3A_418 = arith.constant 0 : i32
    %dma_wait3A_419 = tpu.memref_slice %arg6[%dma_wait3A_416, %dma_wait3A_417, %dma_wait3A_418] : memref<4x640x32xf32, #tpu.memory_space<vmem>> -> memref<1x640x32xf32, #tpu.memory_space<vmem>>
    %dma_wait3A_420 = tpu.memref_squeeze %dma_wait3A_419 : memref<1x640x32xf32, #tpu.memory_space<vmem>> -> memref<640x32xf32, #tpu.memory_space<vmem>>
    %dma_wait3A_421 = arith.constant 5120 : i32
    %dma_wait3A_422 = tpu.memref_slice %arg5[%dma_wait3A_421] : memref<25600xi32, #tpu.memory_space<vmem>> -> memref<640xi32, #tpu.memory_space<vmem>>
    %dma_wait3A_423 = arith.constant 0 : i32
    %dma_wait3A_424 = arith.constant 0 : i32
    %dma_wait3A_425 = tpu.memref_slice %arg2[%dma_wait3A_423, %dma_wait3A_424] : memref<1000000x32xf32, #tpu.memory_space<hbm>> -> memref<1000000x32xf32, #tpu.memory_space<hbm>>
    tpu.wait_indirect_dma semaphore(%arg7 : memref<!tpu.dma_semaphore, #tpu.memory_space<semaphore_mem>>) src(%dma_wait3A_425 : memref<1000000x32xf32, #tpu.memory_space<hbm>>) dst(%dma_wait3A_420 : memref<640x32xf32, #tpu.memory_space<vmem>>)
    %add3A_426 = arith.constant 5120 : i32
    %add3A_427 = arith.addi %mul3A_2, %add3A_426 : i32
    %dma_start3A_428 = arith.constant 0 : i32
    %dma_start3A_429 = arith.constant 0 : i32
    %dma_start3A_430 = arith.constant 0 : i32
    %dma_start3A_431 = tpu.memref_slice %arg6[%dma_start3A_428, %dma_start3A_429, %dma_start3A_430] : memref<4x640x32xf32, #tpu.memory_space<vmem>> -> memref<1x640x32xf32, #tpu.memory_space<vmem>>
    %dma_start3A_432 = tpu.memref_squeeze %dma_start3A_431 : memref<1x640x32xf32, #tpu.memory_space<vmem>> -> memref<640x32xf32, #tpu.memory_space<vmem>>
    %dma_start3A_433 = arith.constant 0 : i32
    %dma_start3A_434 = tpu.memref_slice %arg4[%add3A_427, %dma_start3A_433] : memref<819200x32xf32, #tpu.memory_space<hbm>> -> memref<640x32xf32, #tpu.memory_space<hbm>>
    %dma_start3A_435 = arith.constant 0 : i32
    %dma_start3A_436 = tpu.memref_slice %arg4[%add3A_427, %dma_start3A_435] : memref<819200x32xf32, #tpu.memory_space<hbm>> -> memref<640x32xf32, #tpu.memory_space<hbm>>
    %dma_start3A_437 = arith.constant 0 : i32
    %dma_start3A_438 = arith.constant 0 : i32
    %dma_start3A_439 = tpu.memref_slice %arg6[%dma_start3A_428, %dma_start3A_437, %dma_start3A_438] : memref<4x640x32xf32, #tpu.memory_space<vmem>> -> memref<1x640x32xf32, #tpu.memory_space<vmem>>
    %dma_start3A_440 = tpu.memref_squeeze %dma_start3A_439 : memref<1x640x32xf32, #tpu.memory_space<vmem>> -> memref<640x32xf32, #tpu.memory_space<vmem>>
    tpu.enqueue_dma source(%dma_start3A_440 : memref<640x32xf32, #tpu.memory_space<vmem>>) target(%dma_start3A_436 : memref<640x32xf32, #tpu.memory_space<hbm>>) target_semaphore(%arg11 : memref<!tpu.dma_semaphore, #tpu.memory_space<semaphore_mem>>)
    %add3A_441 = arith.constant 4480 : i32
    %add3A_442 = arith.addi %mul3A_2, %add3A_441 : i32
    %dma_wait3A_443 = arith.constant 3 : i32
    %dma_wait3A_444 = arith.constant 0 : i32
    %dma_wait3A_445 = arith.constant 0 : i32
    %dma_wait3A_446 = tpu.memref_slice %arg6[%dma_wait3A_443, %dma_wait3A_444, %dma_wait3A_445] : memref<4x640x32xf32, #tpu.memory_space<vmem>> -> memref<1x640x32xf32, #tpu.memory_space<vmem>>
    %dma_wait3A_447 = tpu.memref_squeeze %dma_wait3A_446 : memref<1x640x32xf32, #tpu.memory_space<vmem>> -> memref<640x32xf32, #tpu.memory_space<vmem>>
    %dma_wait3A_448 = arith.constant 0 : i32
    %dma_wait3A_449 = tpu.memref_slice %arg4[%add3A_442, %dma_wait3A_448] : memref<819200x32xf32, #tpu.memory_space<hbm>> -> memref<640x32xf32, #tpu.memory_space<hbm>>
    %dma_wait3A_450 = arith.constant 0 : i32
    %dma_wait3A_451 = tpu.memref_slice %arg4[%add3A_442, %dma_wait3A_450] : memref<819200x32xf32, #tpu.memory_space<hbm>> -> memref<640x32xf32, #tpu.memory_space<hbm>>
    %dma_wait3A_452 = arith.constant 0 : i32
    %dma_wait3A_453 = arith.constant 0 : i32
    %dma_wait3A_454 = tpu.memref_slice %arg6[%dma_wait3A_443, %dma_wait3A_452, %dma_wait3A_453] : memref<4x640x32xf32, #tpu.memory_space<vmem>> -> memref<1x640x32xf32, #tpu.memory_space<vmem>>
    %dma_wait3A_455 = tpu.memref_squeeze %dma_wait3A_454 : memref<1x640x32xf32, #tpu.memory_space<vmem>> -> memref<640x32xf32, #tpu.memory_space<vmem>>
    tpu.wait_dma2 semaphore(%arg14 : memref<!tpu.dma_semaphore, #tpu.memory_space<semaphore_mem>>) src(%dma_wait3A_455 : memref<640x32xf32, #tpu.memory_space<vmem>>) dst(%dma_wait3A_451 : memref<640x32xf32, #tpu.memory_space<hbm>>)
    %dma_start3A_456 = arith.constant 3 : i32
    %dma_start3A_457 = arith.constant 0 : i32
    %dma_start3A_458 = arith.constant 0 : i32
    %dma_start3A_459 = tpu.memref_slice %arg6[%dma_start3A_456, %dma_start3A_457, %dma_start3A_458] : memref<4x640x32xf32, #tpu.memory_space<vmem>> -> memref<1x640x32xf32, #tpu.memory_space<vmem>>
    %dma_start3A_460 = tpu.memref_squeeze %dma_start3A_459 : memref<1x640x32xf32, #tpu.memory_space<vmem>> -> memref<640x32xf32, #tpu.memory_space<vmem>>
    %dma_start3A_461 = arith.constant 7040 : i32
    %dma_start3A_462 = tpu.memref_slice %arg5[%dma_start3A_461] : memref<25600xi32, #tpu.memory_space<vmem>> -> memref<640xi32, #tpu.memory_space<vmem>>
    %dma_start3A_463 = arith.constant 0 : i32
    %dma_start3A_464 = arith.constant 0 : i32
    %dma_start3A_465 = tpu.memref_slice %arg2[%dma_start3A_463, %dma_start3A_464] : memref<1000000x32xf32, #tpu.memory_space<hbm>> -> memref<1000000x32xf32, #tpu.memory_space<hbm>>
    tpu.enqueue_indirect_dma source(%dma_start3A_465 : memref<1000000x32xf32, #tpu.memory_space<hbm>>) target(%dma_start3A_460 : memref<640x32xf32, #tpu.memory_space<vmem>>) offsets(%dma_start3A_462 : memref<640xi32, #tpu.memory_space<vmem>>) semaphore(%arg10 : memref<!tpu.dma_semaphore, #tpu.memory_space<semaphore_mem>>)
    %dma_wait3A_466 = arith.constant 1 : i32
    %dma_wait3A_467 = arith.constant 0 : i32
    %dma_wait3A_468 = arith.constant 0 : i32
    %dma_wait3A_469 = tpu.memref_slice %arg6[%dma_wait3A_466, %dma_wait3A_467, %dma_wait3A_468] : memref<4x640x32xf32, #tpu.memory_space<vmem>> -> memref<1x640x32xf32, #tpu.memory_space<vmem>>
    %dma_wait3A_470 = tpu.memref_squeeze %dma_wait3A_469 : memref<1x640x32xf32, #tpu.memory_space<vmem>> -> memref<640x32xf32, #tpu.memory_space<vmem>>
    %dma_wait3A_471 = arith.constant 5760 : i32
    %dma_wait3A_472 = tpu.memref_slice %arg5[%dma_wait3A_471] : memref<25600xi32, #tpu.memory_space<vmem>> -> memref<640xi32, #tpu.memory_space<vmem>>
    %dma_wait3A_473 = arith.constant 0 : i32
    %dma_wait3A_474 = arith.constant 0 : i32
    %dma_wait3A_475 = tpu.memref_slice %arg2[%dma_wait3A_473, %dma_wait3A_474] : memref<1000000x32xf32, #tpu.memory_space<hbm>> -> memref<1000000x32xf32, #tpu.memory_space<hbm>>
    tpu.wait_indirect_dma semaphore(%arg8 : memref<!tpu.dma_semaphore, #tpu.memory_space<semaphore_mem>>) src(%dma_wait3A_475 : memref<1000000x32xf32, #tpu.memory_space<hbm>>) dst(%dma_wait3A_470 : memref<640x32xf32, #tpu.memory_space<vmem>>)
    %add3A_476 = arith.constant 5760 : i32
    %add3A_477 = arith.addi %mul3A_2, %add3A_476 : i32
    %dma_start3A_478 = arith.constant 1 : i32
    %dma_start3A_479 = arith.constant 0 : i32
    %dma_start3A_480 = arith.constant 0 : i32
    %dma_start3A_481 = tpu.memref_slice %arg6[%dma_start3A_478, %dma_start3A_479, %dma_start3A_480] : memref<4x640x32xf32, #tpu.memory_space<vmem>> -> memref<1x640x32xf32, #tpu.memory_space<vmem>>
    %dma_start3A_482 = tpu.memref_squeeze %dma_start3A_481 : memref<1x640x32xf32, #tpu.memory_space<vmem>> -> memref<640x32xf32, #tpu.memory_space<vmem>>
    %dma_start3A_483 = arith.constant 0 : i32
    %dma_start3A_484 = tpu.memref_slice %arg4[%add3A_477, %dma_start3A_483] : memref<819200x32xf32, #tpu.memory_space<hbm>> -> memref<640x32xf32, #tpu.memory_space<hbm>>
    %dma_start3A_485 = arith.constant 0 : i32
    %dma_start3A_486 = tpu.memref_slice %arg4[%add3A_477, %dma_start3A_485] : memref<819200x32xf32, #tpu.memory_space<hbm>> -> memref<640x32xf32, #tpu.memory_space<hbm>>
    %dma_start3A_487 = arith.constant 0 : i32
    %dma_start3A_488 = arith.constant 0 : i32
    %dma_start3A_489 = tpu.memref_slice %arg6[%dma_start3A_478, %dma_start3A_487, %dma_start3A_488] : memref<4x640x32xf32, #tpu.memory_space<vmem>> -> memref<1x640x32xf32, #tpu.memory_space<vmem>>
    %dma_start3A_490 = tpu.memref_squeeze %dma_start3A_489 : memref<1x640x32xf32, #tpu.memory_space<vmem>> -> memref<640x32xf32, #tpu.memory_space<vmem>>
    tpu.enqueue_dma source(%dma_start3A_490 : memref<640x32xf32, #tpu.memory_space<vmem>>) target(%dma_start3A_486 : memref<640x32xf32, #tpu.memory_space<hbm>>) target_semaphore(%arg12 : memref<!tpu.dma_semaphore, #tpu.memory_space<semaphore_mem>>)
    %add3A_491 = arith.constant 5120 : i32
    %add3A_492 = arith.addi %mul3A_2, %add3A_491 : i32
    %dma_wait3A_493 = arith.constant 0 : i32
    %dma_wait3A_494 = arith.constant 0 : i32
    %dma_wait3A_495 = arith.constant 0 : i32
    %dma_wait3A_496 = tpu.memref_slice %arg6[%dma_wait3A_493, %dma_wait3A_494, %dma_wait3A_495] : memref<4x640x32xf32, #tpu.memory_space<vmem>> -> memref<1x640x32xf32, #tpu.memory_space<vmem>>
    %dma_wait3A_497 = tpu.memref_squeeze %dma_wait3A_496 : memref<1x640x32xf32, #tpu.memory_space<vmem>> -> memref<640x32xf32, #tpu.memory_space<vmem>>
    %dma_wait3A_498 = arith.constant 0 : i32
    %dma_wait3A_499 = tpu.memref_slice %arg4[%add3A_492, %dma_wait3A_498] : memref<819200x32xf32, #tpu.memory_space<hbm>> -> memref<640x32xf32, #tpu.memory_space<hbm>>
    %dma_wait3A_500 = arith.constant 0 : i32
    %dma_wait3A_501 = tpu.memref_slice %arg4[%add3A_492, %dma_wait3A_500] : memref<819200x32xf32, #tpu.memory_space<hbm>> -> memref<640x32xf32, #tpu.memory_space<hbm>>
    %dma_wait3A_502 = arith.constant 0 : i32
    %dma_wait3A_503 = arith.constant 0 : i32
    %dma_wait3A_504 = tpu.memref_slice %arg6[%dma_wait3A_493, %dma_wait3A_502, %dma_wait3A_503] : memref<4x640x32xf32, #tpu.memory_space<vmem>> -> memref<1x640x32xf32, #tpu.memory_space<vmem>>
    %dma_wait3A_505 = tpu.memref_squeeze %dma_wait3A_504 : memref<1x640x32xf32, #tpu.memory_space<vmem>> -> memref<640x32xf32, #tpu.memory_space<vmem>>
    tpu.wait_dma2 semaphore(%arg11 : memref<!tpu.dma_semaphore, #tpu.memory_space<semaphore_mem>>) src(%dma_wait3A_505 : memref<640x32xf32, #tpu.memory_space<vmem>>) dst(%dma_wait3A_501 : memref<640x32xf32, #tpu.memory_space<hbm>>)
    %dma_start3A_506 = arith.constant 0 : i32
    %dma_start3A_507 = arith.constant 0 : i32
    %dma_start3A_508 = arith.constant 0 : i32
    %dma_start3A_509 = tpu.memref_slice %arg6[%dma_start3A_506, %dma_start3A_507, %dma_start3A_508] : memref<4x640x32xf32, #tpu.memory_space<vmem>> -> memref<1x640x32xf32, #tpu.memory_space<vmem>>
    %dma_start3A_510 = tpu.memref_squeeze %dma_start3A_509 : memref<1x640x32xf32, #tpu.memory_space<vmem>> -> memref<640x32xf32, #tpu.memory_space<vmem>>
    %dma_start3A_511 = arith.constant 7680 : i32
    %dma_start3A_512 = tpu.memref_slice %arg5[%dma_start3A_511] : memref<25600xi32, #tpu.memory_space<vmem>> -> memref<640xi32, #tpu.memory_space<vmem>>
    %dma_start3A_513 = arith.constant 0 : i32
    %dma_start3A_514 = arith.constant 0 : i32
    %dma_start3A_515 = tpu.memref_slice %arg2[%dma_start3A_513, %dma_start3A_514] : memref<1000000x32xf32, #tpu.memory_space<hbm>> -> memref<1000000x32xf32, #tpu.memory_space<hbm>>
    tpu.enqueue_indirect_dma source(%dma_start3A_515 : memref<1000000x32xf32, #tpu.memory_space<hbm>>) target(%dma_start3A_510 : memref<640x32xf32, #tpu.memory_space<vmem>>) offsets(%dma_start3A_512 : memref<640xi32, #tpu.memory_space<vmem>>) semaphore(%arg7 : memref<!tpu.dma_semaphore, #tpu.memory_space<semaphore_mem>>)
    %dma_wait3A_516 = arith.constant 2 : i32
    %dma_wait3A_517 = arith.constant 0 : i32
    %dma_wait3A_518 = arith.constant 0 : i32
    %dma_wait3A_519 = tpu.memref_slice %arg6[%dma_wait3A_516, %dma_wait3A_517, %dma_wait3A_518] : memref<4x640x32xf32, #tpu.memory_space<vmem>> -> memref<1x640x32xf32, #tpu.memory_space<vmem>>
    %dma_wait3A_520 = tpu.memref_squeeze %dma_wait3A_519 : memref<1x640x32xf32, #tpu.memory_space<vmem>> -> memref<640x32xf32, #tpu.memory_space<vmem>>
    %dma_wait3A_521 = arith.constant 6400 : i32
    %dma_wait3A_522 = tpu.memref_slice %arg5[%dma_wait3A_521] : memref<25600xi32, #tpu.memory_space<vmem>> -> memref<640xi32, #tpu.memory_space<vmem>>
    %dma_wait3A_523 = arith.constant 0 : i32
    %dma_wait3A_524 = arith.constant 0 : i32
    %dma_wait3A_525 = tpu.memref_slice %arg2[%dma_wait3A_523, %dma_wait3A_524] : memref<1000000x32xf32, #tpu.memory_space<hbm>> -> memref<1000000x32xf32, #tpu.memory_space<hbm>>
    tpu.wait_indirect_dma semaphore(%arg9 : memref<!tpu.dma_semaphore, #tpu.memory_space<semaphore_mem>>) src(%dma_wait3A_525 : memref<1000000x32xf32, #tpu.memory_space<hbm>>) dst(%dma_wait3A_520 : memref<640x32xf32, #tpu.memory_space<vmem>>)
    %add3A_526 = arith.constant 6400 : i32
    %add3A_527 = arith.addi %mul3A_2, %add3A_526 : i32
    %dma_start3A_528 = arith.constant 2 : i32
    %dma_start3A_529 = arith.constant 0 : i32
    %dma_start3A_530 = arith.constant 0 : i32
    %dma_start3A_531 = tpu.memref_slice %arg6[%dma_start3A_528, %dma_start3A_529, %dma_start3A_530] : memref<4x640x32xf32, #tpu.memory_space<vmem>> -> memref<1x640x32xf32, #tpu.memory_space<vmem>>
    %dma_start3A_532 = tpu.memref_squeeze %dma_start3A_531 : memref<1x640x32xf32, #tpu.memory_space<vmem>> -> memref<640x32xf32, #tpu.memory_space<vmem>>
    %dma_start3A_533 = arith.constant 0 : i32
    %dma_start3A_534 = tpu.memref_slice %arg4[%add3A_527, %dma_start3A_533] : memref<819200x32xf32, #tpu.memory_space<hbm>> -> memref<640x32xf32, #tpu.memory_space<hbm>>
    %dma_start3A_535 = arith.constant 0 : i32
    %dma_start3A_536 = tpu.memref_slice %arg4[%add3A_527, %dma_start3A_535] : memref<819200x32xf32, #tpu.memory_space<hbm>> -> memref<640x32xf32, #tpu.memory_space<hbm>>
    %dma_start3A_537 = arith.constant 0 : i32
    %dma_start3A_538 = arith.constant 0 : i32
    %dma_start3A_539 = tpu.memref_slice %arg6[%dma_start3A_528, %dma_start3A_537, %dma_start3A_538] : memref<4x640x32xf32, #tpu.memory_space<vmem>> -> memref<1x640x32xf32, #tpu.memory_space<vmem>>
    %dma_start3A_540 = tpu.memref_squeeze %dma_start3A_539 : memref<1x640x32xf32, #tpu.memory_space<vmem>> -> memref<640x32xf32, #tpu.memory_space<vmem>>
    tpu.enqueue_dma source(%dma_start3A_540 : memref<640x32xf32, #tpu.memory_space<vmem>>) target(%dma_start3A_536 : memref<640x32xf32, #tpu.memory_space<hbm>>) target_semaphore(%arg13 : memref<!tpu.dma_semaphore, #tpu.memory_space<semaphore_mem>>)
    %add3A_541 = arith.constant 5760 : i32
    %add3A_542 = arith.addi %mul3A_2, %add3A_541 : i32
    %dma_wait3A_543 = arith.constant 1 : i32
    %dma_wait3A_544 = arith.constant 0 : i32
    %dma_wait3A_545 = arith.constant 0 : i32
    %dma_wait3A_546 = tpu.memref_slice %arg6[%dma_wait3A_543, %dma_wait3A_544, %dma_wait3A_545] : memref<4x640x32xf32, #tpu.memory_space<vmem>> -> memref<1x640x32xf32, #tpu.memory_space<vmem>>
    %dma_wait3A_547 = tpu.memref_squeeze %dma_wait3A_546 : memref<1x640x32xf32, #tpu.memory_space<vmem>> -> memref<640x32xf32, #tpu.memory_space<vmem>>
    %dma_wait3A_548 = arith.constant 0 : i32
    %dma_wait3A_549 = tpu.memref_slice %arg4[%add3A_542, %dma_wait3A_548] : memref<819200x32xf32, #tpu.memory_space<hbm>> -> memref<640x32xf32, #tpu.memory_space<hbm>>
    %dma_wait3A_550 = arith.constant 0 : i32
    %dma_wait3A_551 = tpu.memref_slice %arg4[%add3A_542, %dma_wait3A_550] : memref<819200x32xf32, #tpu.memory_space<hbm>> -> memref<640x32xf32, #tpu.memory_space<hbm>>
    %dma_wait3A_552 = arith.constant 0 : i32
    %dma_wait3A_553 = arith.constant 0 : i32
    %dma_wait3A_554 = tpu.memref_slice %arg6[%dma_wait3A_543, %dma_wait3A_552, %dma_wait3A_553] : memref<4x640x32xf32, #tpu.memory_space<vmem>> -> memref<1x640x32xf32, #tpu.memory_space<vmem>>
    %dma_wait3A_555 = tpu.memref_squeeze %dma_wait3A_554 : memref<1x640x32xf32, #tpu.memory_space<vmem>> -> memref<640x32xf32, #tpu.memory_space<vmem>>
    tpu.wait_dma2 semaphore(%arg12 : memref<!tpu.dma_semaphore, #tpu.memory_space<semaphore_mem>>) src(%dma_wait3A_555 : memref<640x32xf32, #tpu.memory_space<vmem>>) dst(%dma_wait3A_551 : memref<640x32xf32, #tpu.memory_space<hbm>>)
    %dma_start3A_556 = arith.constant 1 : i32
    %dma_start3A_557 = arith.constant 0 : i32
    %dma_start3A_558 = arith.constant 0 : i32
    %dma_start3A_559 = tpu.memref_slice %arg6[%dma_start3A_556, %dma_start3A_557, %dma_start3A_558] : memref<4x640x32xf32, #tpu.memory_space<vmem>> -> memref<1x640x32xf32, #tpu.memory_space<vmem>>
    %dma_start3A_560 = tpu.memref_squeeze %dma_start3A_559 : memref<1x640x32xf32, #tpu.memory_space<vmem>> -> memref<640x32xf32, #tpu.memory_space<vmem>>
    %dma_start3A_561 = arith.constant 8320 : i32
    %dma_start3A_562 = tpu.memref_slice %arg5[%dma_start3A_561] : memref<25600xi32, #tpu.memory_space<vmem>> -> memref<640xi32, #tpu.memory_space<vmem>>
    %dma_start3A_563 = arith.constant 0 : i32
    %dma_start3A_564 = arith.constant 0 : i32
    %dma_start3A_565 = tpu.memref_slice %arg2[%dma_start3A_563, %dma_start3A_564] : memref<1000000x32xf32, #tpu.memory_space<hbm>> -> memref<1000000x32xf32, #tpu.memory_space<hbm>>
    tpu.enqueue_indirect_dma source(%dma_start3A_565 : memref<1000000x32xf32, #tpu.memory_space<hbm>>) target(%dma_start3A_560 : memref<640x32xf32, #tpu.memory_space<vmem>>) offsets(%dma_start3A_562 : memref<640xi32, #tpu.memory_space<vmem>>) semaphore(%arg8 : memref<!tpu.dma_semaphore, #tpu.memory_space<semaphore_mem>>)
    %dma_wait3A_566 = arith.constant 3 : i32
    %dma_wait3A_567 = arith.constant 0 : i32
    %dma_wait3A_568 = arith.constant 0 : i32
    %dma_wait3A_569 = tpu.memref_slice %arg6[%dma_wait3A_566, %dma_wait3A_567, %dma_wait3A_568] : memref<4x640x32xf32, #tpu.memory_space<vmem>> -> memref<1x640x32xf32, #tpu.memory_space<vmem>>
    %dma_wait3A_570 = tpu.memref_squeeze %dma_wait3A_569 : memref<1x640x32xf32, #tpu.memory_space<vmem>> -> memref<640x32xf32, #tpu.memory_space<vmem>>
    %dma_wait3A_571 = arith.constant 7040 : i32
    %dma_wait3A_572 = tpu.memref_slice %arg5[%dma_wait3A_571] : memref<25600xi32, #tpu.memory_space<vmem>> -> memref<640xi32, #tpu.memory_space<vmem>>
    %dma_wait3A_573 = arith.constant 0 : i32
    %dma_wait3A_574 = arith.constant 0 : i32
    %dma_wait3A_575 = tpu.memref_slice %arg2[%dma_wait3A_573, %dma_wait3A_574] : memref<1000000x32xf32, #tpu.memory_space<hbm>> -> memref<1000000x32xf32, #tpu.memory_space<hbm>>
    tpu.wait_indirect_dma semaphore(%arg10 : memref<!tpu.dma_semaphore, #tpu.memory_space<semaphore_mem>>) src(%dma_wait3A_575 : memref<1000000x32xf32, #tpu.memory_space<hbm>>) dst(%dma_wait3A_570 : memref<640x32xf32, #tpu.memory_space<vmem>>)
    %add3A_576 = arith.constant 7040 : i32
    %add3A_577 = arith.addi %mul3A_2, %add3A_576 : i32
    %dma_start3A_578 = arith.constant 3 : i32
    %dma_start3A_579 = arith.constant 0 : i32
    %dma_start3A_580 = arith.constant 0 : i32
    %dma_start3A_581 = tpu.memref_slice %arg6[%dma_start3A_578, %dma_start3A_579, %dma_start3A_580] : memref<4x640x32xf32, #tpu.memory_space<vmem>> -> memref<1x640x32xf32, #tpu.memory_space<vmem>>
    %dma_start3A_582 = tpu.memref_squeeze %dma_start3A_581 : memref<1x640x32xf32, #tpu.memory_space<vmem>> -> memref<640x32xf32, #tpu.memory_space<vmem>>
    %dma_start3A_583 = arith.constant 0 : i32
    %dma_start3A_584 = tpu.memref_slice %arg4[%add3A_577, %dma_start3A_583] : memref<819200x32xf32, #tpu.memory_space<hbm>> -> memref<640x32xf32, #tpu.memory_space<hbm>>
    %dma_start3A_585 = arith.constant 0 : i32
    %dma_start3A_586 = tpu.memref_slice %arg4[%add3A_577, %dma_start3A_585] : memref<819200x32xf32, #tpu.memory_space<hbm>> -> memref<640x32xf32, #tpu.memory_space<hbm>>
    %dma_start3A_587 = arith.constant 0 : i32
    %dma_start3A_588 = arith.constant 0 : i32
    %dma_start3A_589 = tpu.memref_slice %arg6[%dma_start3A_578, %dma_start3A_587, %dma_start3A_588] : memref<4x640x32xf32, #tpu.memory_space<vmem>> -> memref<1x640x32xf32, #tpu.memory_space<vmem>>
    %dma_start3A_590 = tpu.memref_squeeze %dma_start3A_589 : memref<1x640x32xf32, #tpu.memory_space<vmem>> -> memref<640x32xf32, #tpu.memory_space<vmem>>
    tpu.enqueue_dma source(%dma_start3A_590 : memref<640x32xf32, #tpu.memory_space<vmem>>) target(%dma_start3A_586 : memref<640x32xf32, #tpu.memory_space<hbm>>) target_semaphore(%arg14 : memref<!tpu.dma_semaphore, #tpu.memory_space<semaphore_mem>>)
    %add3A_591 = arith.constant 6400 : i32
    %add3A_592 = arith.addi %mul3A_2, %add3A_591 : i32
    %dma_wait3A_593 = arith.constant 2 : i32
    %dma_wait3A_594 = arith.constant 0 : i32
    %dma_wait3A_595 = arith.constant 0 : i32
    %dma_wait3A_596 = tpu.memref_slice %arg6[%dma_wait3A_593, %dma_wait3A_594, %dma_wait3A_595] : memref<4x640x32xf32, #tpu.memory_space<vmem>> -> memref<1x640x32xf32, #tpu.memory_space<vmem>>
    %dma_wait3A_597 = tpu.memref_squeeze %dma_wait3A_596 : memref<1x640x32xf32, #tpu.memory_space<vmem>> -> memref<640x32xf32, #tpu.memory_space<vmem>>
    %dma_wait3A_598 = arith.constant 0 : i32
    %dma_wait3A_599 = tpu.memref_slice %arg4[%add3A_592, %dma_wait3A_598] : memref<819200x32xf32, #tpu.memory_space<hbm>> -> memref<640x32xf32, #tpu.memory_space<hbm>>
    %dma_wait3A_600 = arith.constant 0 : i32
    %dma_wait3A_601 = tpu.memref_slice %arg4[%add3A_592, %dma_wait3A_600] : memref<819200x32xf32, #tpu.memory_space<hbm>> -> memref<640x32xf32, #tpu.memory_space<hbm>>
    %dma_wait3A_602 = arith.constant 0 : i32
    %dma_wait3A_603 = arith.constant 0 : i32
    %dma_wait3A_604 = tpu.memref_slice %arg6[%dma_wait3A_593, %dma_wait3A_602, %dma_wait3A_603] : memref<4x640x32xf32, #tpu.memory_space<vmem>> -> memref<1x640x32xf32, #tpu.memory_space<vmem>>
    %dma_wait3A_605 = tpu.memref_squeeze %dma_wait3A_604 : memref<1x640x32xf32, #tpu.memory_space<vmem>> -> memref<640x32xf32, #tpu.memory_space<vmem>>
    tpu.wait_dma2 semaphore(%arg13 : memref<!tpu.dma_semaphore, #tpu.memory_space<semaphore_mem>>) src(%dma_wait3A_605 : memref<640x32xf32, #tpu.memory_space<vmem>>) dst(%dma_wait3A_601 : memref<640x32xf32, #tpu.memory_space<hbm>>)
    %dma_start3A_606 = arith.constant 2 : i32
    %dma_start3A_607 = arith.constant 0 : i32
    %dma_start3A_608 = arith.constant 0 : i32
    %dma_start3A_609 = tpu.memref_slice %arg6[%dma_start3A_606, %dma_start3A_607, %dma_start3A_608] : memref<4x640x32xf32, #tpu.memory_space<vmem>> -> memref<1x640x32xf32, #tpu.memory_space<vmem>>
    %dma_start3A_610 = tpu.memref_squeeze %dma_start3A_609 : memref<1x640x32xf32, #tpu.memory_space<vmem>> -> memref<640x32xf32, #tpu.memory_space<vmem>>
    %dma_start3A_611 = arith.constant 8960 : i32
    %dma_start3A_612 = tpu.memref_slice %arg5[%dma_start3A_611] : memref<25600xi32, #tpu.memory_space<vmem>> -> memref<640xi32, #tpu.memory_space<vmem>>
    %dma_start3A_613 = arith.constant 0 : i32
    %dma_start3A_614 = arith.constant 0 : i32
    %dma_start3A_615 = tpu.memref_slice %arg2[%dma_start3A_613, %dma_start3A_614] : memref<1000000x32xf32, #tpu.memory_space<hbm>> -> memref<1000000x32xf32, #tpu.memory_space<hbm>>
    tpu.enqueue_indirect_dma source(%dma_start3A_615 : memref<1000000x32xf32, #tpu.memory_space<hbm>>) target(%dma_start3A_610 : memref<640x32xf32, #tpu.memory_space<vmem>>) offsets(%dma_start3A_612 : memref<640xi32, #tpu.memory_space<vmem>>) semaphore(%arg9 : memref<!tpu.dma_semaphore, #tpu.memory_space<semaphore_mem>>)
    %dma_wait3A_616 = arith.constant 0 : i32
    %dma_wait3A_617 = arith.constant 0 : i32
    %dma_wait3A_618 = arith.constant 0 : i32
    %dma_wait3A_619 = tpu.memref_slice %arg6[%dma_wait3A_616, %dma_wait3A_617, %dma_wait3A_618] : memref<4x640x32xf32, #tpu.memory_space<vmem>> -> memref<1x640x32xf32, #tpu.memory_space<vmem>>
    %dma_wait3A_620 = tpu.memref_squeeze %dma_wait3A_619 : memref<1x640x32xf32, #tpu.memory_space<vmem>> -> memref<640x32xf32, #tpu.memory_space<vmem>>
    %dma_wait3A_621 = arith.constant 7680 : i32
    %dma_wait3A_622 = tpu.memref_slice %arg5[%dma_wait3A_621] : memref<25600xi32, #tpu.memory_space<vmem>> -> memref<640xi32, #tpu.memory_space<vmem>>
    %dma_wait3A_623 = arith.constant 0 : i32
    %dma_wait3A_624 = arith.constant 0 : i32
    %dma_wait3A_625 = tpu.memref_slice %arg2[%dma_wait3A_623, %dma_wait3A_624] : memref<1000000x32xf32, #tpu.memory_space<hbm>> -> memref<1000000x32xf32, #tpu.memory_space<hbm>>
    tpu.wait_indirect_dma semaphore(%arg7 : memref<!tpu.dma_semaphore, #tpu.memory_space<semaphore_mem>>) src(%dma_wait3A_625 : memref<1000000x32xf32, #tpu.memory_space<hbm>>) dst(%dma_wait3A_620 : memref<640x32xf32, #tpu.memory_space<vmem>>)
    %add3A_626 = arith.constant 7680 : i32
    %add3A_627 = arith.addi %mul3A_2, %add3A_626 : i32
    %dma_start3A_628 = arith.constant 0 : i32
    %dma_start3A_629 = arith.constant 0 : i32
    %dma_start3A_630 = arith.constant 0 : i32
    %dma_start3A_631 = tpu.memref_slice %arg6[%dma_start3A_628, %dma_start3A_629, %dma_start3A_630] : memref<4x640x32xf32, #tpu.memory_space<vmem>> -> memref<1x640x32xf32, #tpu.memory_space<vmem>>
    %dma_start3A_632 = tpu.memref_squeeze %dma_start3A_631 : memref<1x640x32xf32, #tpu.memory_space<vmem>> -> memref<640x32xf32, #tpu.memory_space<vmem>>
    %dma_start3A_633 = arith.constant 0 : i32
    %dma_start3A_634 = tpu.memref_slice %arg4[%add3A_627, %dma_start3A_633] : memref<819200x32xf32, #tpu.memory_space<hbm>> -> memref<640x32xf32, #tpu.memory_space<hbm>>
    %dma_start3A_635 = arith.constant 0 : i32
    %dma_start3A_636 = tpu.memref_slice %arg4[%add3A_627, %dma_start3A_635] : memref<819200x32xf32, #tpu.memory_space<hbm>> -> memref<640x32xf32, #tpu.memory_space<hbm>>
    %dma_start3A_637 = arith.constant 0 : i32
    %dma_start3A_638 = arith.constant 0 : i32
    %dma_start3A_639 = tpu.memref_slice %arg6[%dma_start3A_628, %dma_start3A_637, %dma_start3A_638] : memref<4x640x32xf32, #tpu.memory_space<vmem>> -> memref<1x640x32xf32, #tpu.memory_space<vmem>>
    %dma_start3A_640 = tpu.memref_squeeze %dma_start3A_639 : memref<1x640x32xf32, #tpu.memory_space<vmem>> -> memref<640x32xf32, #tpu.memory_space<vmem>>
    tpu.enqueue_dma source(%dma_start3A_640 : memref<640x32xf32, #tpu.memory_space<vmem>>) target(%dma_start3A_636 : memref<640x32xf32, #tpu.memory_space<hbm>>) target_semaphore(%arg11 : memref<!tpu.dma_semaphore, #tpu.memory_space<semaphore_mem>>)
    %add3A_641 = arith.constant 7040 : i32
    %add3A_642 = arith.addi %mul3A_2, %add3A_641 : i32
    %dma_wait3A_643 = arith.constant 3 : i32
    %dma_wait3A_644 = arith.constant 0 : i32
    %dma_wait3A_645 = arith.constant 0 : i32
    %dma_wait3A_646 = tpu.memref_slice %arg6[%dma_wait3A_643, %dma_wait3A_644, %dma_wait3A_645] : memref<4x640x32xf32, #tpu.memory_space<vmem>> -> memref<1x640x32xf32, #tpu.memory_space<vmem>>
    %dma_wait3A_647 = tpu.memref_squeeze %dma_wait3A_646 : memref<1x640x32xf32, #tpu.memory_space<vmem>> -> memref<640x32xf32, #tpu.memory_space<vmem>>
    %dma_wait3A_648 = arith.constant 0 : i32
    %dma_wait3A_649 = tpu.memref_slice %arg4[%add3A_642, %dma_wait3A_648] : memref<819200x32xf32, #tpu.memory_space<hbm>> -> memref<640x32xf32, #tpu.memory_space<hbm>>
    %dma_wait3A_650 = arith.constant 0 : i32
    %dma_wait3A_651 = tpu.memref_slice %arg4[%add3A_642, %dma_wait3A_650] : memref<819200x32xf32, #tpu.memory_space<hbm>> -> memref<640x32xf32, #tpu.memory_space<hbm>>
    %dma_wait3A_652 = arith.constant 0 : i32
    %dma_wait3A_653 = arith.constant 0 : i32
    %dma_wait3A_654 = tpu.memref_slice %arg6[%dma_wait3A_643, %dma_wait3A_652, %dma_wait3A_653] : memref<4x640x32xf32, #tpu.memory_space<vmem>> -> memref<1x640x32xf32, #tpu.memory_space<vmem>>
    %dma_wait3A_655 = tpu.memref_squeeze %dma_wait3A_654 : memref<1x640x32xf32, #tpu.memory_space<vmem>> -> memref<640x32xf32, #tpu.memory_space<vmem>>
    tpu.wait_dma2 semaphore(%arg14 : memref<!tpu.dma_semaphore, #tpu.memory_space<semaphore_mem>>) src(%dma_wait3A_655 : memref<640x32xf32, #tpu.memory_space<vmem>>) dst(%dma_wait3A_651 : memref<640x32xf32, #tpu.memory_space<hbm>>)
    %dma_start3A_656 = arith.constant 3 : i32
    %dma_start3A_657 = arith.constant 0 : i32
    %dma_start3A_658 = arith.constant 0 : i32
    %dma_start3A_659 = tpu.memref_slice %arg6[%dma_start3A_656, %dma_start3A_657, %dma_start3A_658] : memref<4x640x32xf32, #tpu.memory_space<vmem>> -> memref<1x640x32xf32, #tpu.memory_space<vmem>>
    %dma_start3A_660 = tpu.memref_squeeze %dma_start3A_659 : memref<1x640x32xf32, #tpu.memory_space<vmem>> -> memref<640x32xf32, #tpu.memory_space<vmem>>
    %dma_start3A_661 = arith.constant 9600 : i32
    %dma_start3A_662 = tpu.memref_slice %arg5[%dma_start3A_661] : memref<25600xi32, #tpu.memory_space<vmem>> -> memref<640xi32, #tpu.memory_space<vmem>>
    %dma_start3A_663 = arith.constant 0 : i32
    %dma_start3A_664 = arith.constant 0 : i32
    %dma_start3A_665 = tpu.memref_slice %arg2[%dma_start3A_663, %dma_start3A_664] : memref<1000000x32xf32, #tpu.memory_space<hbm>> -> memref<1000000x32xf32, #tpu.memory_space<hbm>>
    tpu.enqueue_indirect_dma source(%dma_start3A_665 : memref<1000000x32xf32, #tpu.memory_space<hbm>>) target(%dma_start3A_660 : memref<640x32xf32, #tpu.memory_space<vmem>>) offsets(%dma_start3A_662 : memref<640xi32, #tpu.memory_space<vmem>>) semaphore(%arg10 : memref<!tpu.dma_semaphore, #tpu.memory_space<semaphore_mem>>)
    %dma_wait3A_666 = arith.constant 1 : i32
    %dma_wait3A_667 = arith.constant 0 : i32
    %dma_wait3A_668 = arith.constant 0 : i32
    %dma_wait3A_669 = tpu.memref_slice %arg6[%dma_wait3A_666, %dma_wait3A_667, %dma_wait3A_668] : memref<4x640x32xf32, #tpu.memory_space<vmem>> -> memref<1x640x32xf32, #tpu.memory_space<vmem>>
    %dma_wait3A_670 = tpu.memref_squeeze %dma_wait3A_669 : memref<1x640x32xf32, #tpu.memory_space<vmem>> -> memref<640x32xf32, #tpu.memory_space<vmem>>
    %dma_wait3A_671 = arith.constant 8320 : i32
    %dma_wait3A_672 = tpu.memref_slice %arg5[%dma_wait3A_671] : memref<25600xi32, #tpu.memory_space<vmem>> -> memref<640xi32, #tpu.memory_space<vmem>>
    %dma_wait3A_673 = arith.constant 0 : i32
    %dma_wait3A_674 = arith.constant 0 : i32
    %dma_wait3A_675 = tpu.memref_slice %arg2[%dma_wait3A_673, %dma_wait3A_674] : memref<1000000x32xf32, #tpu.memory_space<hbm>> -> memref<1000000x32xf32, #tpu.memory_space<hbm>>
    tpu.wait_indirect_dma semaphore(%arg8 : memref<!tpu.dma_semaphore, #tpu.memory_space<semaphore_mem>>) src(%dma_wait3A_675 : memref<1000000x32xf32, #tpu.memory_space<hbm>>) dst(%dma_wait3A_670 : memref<640x32xf32, #tpu.memory_space<vmem>>)
    %add3A_676 = arith.constant 8320 : i32
    %add3A_677 = arith.addi %mul3A_2, %add3A_676 : i32
    %dma_start3A_678 = arith.constant 1 : i32
    %dma_start3A_679 = arith.constant 0 : i32
    %dma_start3A_680 = arith.constant 0 : i32
    %dma_start3A_681 = tpu.memref_slice %arg6[%dma_start3A_678, %dma_start3A_679, %dma_start3A_680] : memref<4x640x32xf32, #tpu.memory_space<vmem>> -> memref<1x640x32xf32, #tpu.memory_space<vmem>>
    %dma_start3A_682 = tpu.memref_squeeze %dma_start3A_681 : memref<1x640x32xf32, #tpu.memory_space<vmem>> -> memref<640x32xf32, #tpu.memory_space<vmem>>
    %dma_start3A_683 = arith.constant 0 : i32
    %dma_start3A_684 = tpu.memref_slice %arg4[%add3A_677, %dma_start3A_683] : memref<819200x32xf32, #tpu.memory_space<hbm>> -> memref<640x32xf32, #tpu.memory_space<hbm>>
    %dma_start3A_685 = arith.constant 0 : i32
    %dma_start3A_686 = tpu.memref_slice %arg4[%add3A_677, %dma_start3A_685] : memref<819200x32xf32, #tpu.memory_space<hbm>> -> memref<640x32xf32, #tpu.memory_space<hbm>>
    %dma_start3A_687 = arith.constant 0 : i32
    %dma_start3A_688 = arith.constant 0 : i32
    %dma_start3A_689 = tpu.memref_slice %arg6[%dma_start3A_678, %dma_start3A_687, %dma_start3A_688] : memref<4x640x32xf32, #tpu.memory_space<vmem>> -> memref<1x640x32xf32, #tpu.memory_space<vmem>>
    %dma_start3A_690 = tpu.memref_squeeze %dma_start3A_689 : memref<1x640x32xf32, #tpu.memory_space<vmem>> -> memref<640x32xf32, #tpu.memory_space<vmem>>
    tpu.enqueue_dma source(%dma_start3A_690 : memref<640x32xf32, #tpu.memory_space<vmem>>) target(%dma_start3A_686 : memref<640x32xf32, #tpu.memory_space<hbm>>) target_semaphore(%arg12 : memref<!tpu.dma_semaphore, #tpu.memory_space<semaphore_mem>>)
    %add3A_691 = arith.constant 7680 : i32
    %add3A_692 = arith.addi %mul3A_2, %add3A_691 : i32
    %dma_wait3A_693 = arith.constant 0 : i32
    %dma_wait3A_694 = arith.constant 0 : i32
    %dma_wait3A_695 = arith.constant 0 : i32
    %dma_wait3A_696 = tpu.memref_slice %arg6[%dma_wait3A_693, %dma_wait3A_694, %dma_wait3A_695] : memref<4x640x32xf32, #tpu.memory_space<vmem>> -> memref<1x640x32xf32, #tpu.memory_space<vmem>>
    %dma_wait3A_697 = tpu.memref_squeeze %dma_wait3A_696 : memref<1x640x32xf32, #tpu.memory_space<vmem>> -> memref<640x32xf32, #tpu.memory_space<vmem>>
    %dma_wait3A_698 = arith.constant 0 : i32
    %dma_wait3A_699 = tpu.memref_slice %arg4[%add3A_692, %dma_wait3A_698] : memref<819200x32xf32, #tpu.memory_space<hbm>> -> memref<640x32xf32, #tpu.memory_space<hbm>>
    %dma_wait3A_700 = arith.constant 0 : i32
    %dma_wait3A_701 = tpu.memref_slice %arg4[%add3A_692, %dma_wait3A_700] : memref<819200x32xf32, #tpu.memory_space<hbm>> -> memref<640x32xf32, #tpu.memory_space<hbm>>
    %dma_wait3A_702 = arith.constant 0 : i32
    %dma_wait3A_703 = arith.constant 0 : i32
    %dma_wait3A_704 = tpu.memref_slice %arg6[%dma_wait3A_693, %dma_wait3A_702, %dma_wait3A_703] : memref<4x640x32xf32, #tpu.memory_space<vmem>> -> memref<1x640x32xf32, #tpu.memory_space<vmem>>
    %dma_wait3A_705 = tpu.memref_squeeze %dma_wait3A_704 : memref<1x640x32xf32, #tpu.memory_space<vmem>> -> memref<640x32xf32, #tpu.memory_space<vmem>>
    tpu.wait_dma2 semaphore(%arg11 : memref<!tpu.dma_semaphore, #tpu.memory_space<semaphore_mem>>) src(%dma_wait3A_705 : memref<640x32xf32, #tpu.memory_space<vmem>>) dst(%dma_wait3A_701 : memref<640x32xf32, #tpu.memory_space<hbm>>)
    %dma_start3A_706 = arith.constant 0 : i32
    %dma_start3A_707 = arith.constant 0 : i32
    %dma_start3A_708 = arith.constant 0 : i32
    %dma_start3A_709 = tpu.memref_slice %arg6[%dma_start3A_706, %dma_start3A_707, %dma_start3A_708] : memref<4x640x32xf32, #tpu.memory_space<vmem>> -> memref<1x640x32xf32, #tpu.memory_space<vmem>>
    %dma_start3A_710 = tpu.memref_squeeze %dma_start3A_709 : memref<1x640x32xf32, #tpu.memory_space<vmem>> -> memref<640x32xf32, #tpu.memory_space<vmem>>
    %dma_start3A_711 = arith.constant 10240 : i32
    %dma_start3A_712 = tpu.memref_slice %arg5[%dma_start3A_711] : memref<25600xi32, #tpu.memory_space<vmem>> -> memref<640xi32, #tpu.memory_space<vmem>>
    %dma_start3A_713 = arith.constant 0 : i32
    %dma_start3A_714 = arith.constant 0 : i32
    %dma_start3A_715 = tpu.memref_slice %arg2[%dma_start3A_713, %dma_start3A_714] : memref<1000000x32xf32, #tpu.memory_space<hbm>> -> memref<1000000x32xf32, #tpu.memory_space<hbm>>
    tpu.enqueue_indirect_dma source(%dma_start3A_715 : memref<1000000x32xf32, #tpu.memory_space<hbm>>) target(%dma_start3A_710 : memref<640x32xf32, #tpu.memory_space<vmem>>) offsets(%dma_start3A_712 : memref<640xi32, #tpu.memory_space<vmem>>) semaphore(%arg7 : memref<!tpu.dma_semaphore, #tpu.memory_space<semaphore_mem>>)
    %dma_wait3A_716 = arith.constant 2 : i32
    %dma_wait3A_717 = arith.constant 0 : i32
    %dma_wait3A_718 = arith.constant 0 : i32
    %dma_wait3A_719 = tpu.memref_slice %arg6[%dma_wait3A_716, %dma_wait3A_717, %dma_wait3A_718] : memref<4x640x32xf32, #tpu.memory_space<vmem>> -> memref<1x640x32xf32, #tpu.memory_space<vmem>>
    %dma_wait3A_720 = tpu.memref_squeeze %dma_wait3A_719 : memref<1x640x32xf32, #tpu.memory_space<vmem>> -> memref<640x32xf32, #tpu.memory_space<vmem>>
    %dma_wait3A_721 = arith.constant 8960 : i32
    %dma_wait3A_722 = tpu.memref_slice %arg5[%dma_wait3A_721] : memref<25600xi32, #tpu.memory_space<vmem>> -> memref<640xi32, #tpu.memory_space<vmem>>
    %dma_wait3A_723 = arith.constant 0 : i32
    %dma_wait3A_724 = arith.constant 0 : i32
    %dma_wait3A_725 = tpu.memref_slice %arg2[%dma_wait3A_723, %dma_wait3A_724] : memref<1000000x32xf32, #tpu.memory_space<hbm>> -> memref<1000000x32xf32, #tpu.memory_space<hbm>>
    tpu.wait_indirect_dma semaphore(%arg9 : memref<!tpu.dma_semaphore, #tpu.memory_space<semaphore_mem>>) src(%dma_wait3A_725 : memref<1000000x32xf32, #tpu.memory_space<hbm>>) dst(%dma_wait3A_720 : memref<640x32xf32, #tpu.memory_space<vmem>>)
    %add3A_726 = arith.constant 8960 : i32
    %add3A_727 = arith.addi %mul3A_2, %add3A_726 : i32
    %dma_start3A_728 = arith.constant 2 : i32
    %dma_start3A_729 = arith.constant 0 : i32
    %dma_start3A_730 = arith.constant 0 : i32
    %dma_start3A_731 = tpu.memref_slice %arg6[%dma_start3A_728, %dma_start3A_729, %dma_start3A_730] : memref<4x640x32xf32, #tpu.memory_space<vmem>> -> memref<1x640x32xf32, #tpu.memory_space<vmem>>
    %dma_start3A_732 = tpu.memref_squeeze %dma_start3A_731 : memref<1x640x32xf32, #tpu.memory_space<vmem>> -> memref<640x32xf32, #tpu.memory_space<vmem>>
    %dma_start3A_733 = arith.constant 0 : i32
    %dma_start3A_734 = tpu.memref_slice %arg4[%add3A_727, %dma_start3A_733] : memref<819200x32xf32, #tpu.memory_space<hbm>> -> memref<640x32xf32, #tpu.memory_space<hbm>>
    %dma_start3A_735 = arith.constant 0 : i32
    %dma_start3A_736 = tpu.memref_slice %arg4[%add3A_727, %dma_start3A_735] : memref<819200x32xf32, #tpu.memory_space<hbm>> -> memref<640x32xf32, #tpu.memory_space<hbm>>
    %dma_start3A_737 = arith.constant 0 : i32
    %dma_start3A_738 = arith.constant 0 : i32
    %dma_start3A_739 = tpu.memref_slice %arg6[%dma_start3A_728, %dma_start3A_737, %dma_start3A_738] : memref<4x640x32xf32, #tpu.memory_space<vmem>> -> memref<1x640x32xf32, #tpu.memory_space<vmem>>
    %dma_start3A_740 = tpu.memref_squeeze %dma_start3A_739 : memref<1x640x32xf32, #tpu.memory_space<vmem>> -> memref<640x32xf32, #tpu.memory_space<vmem>>
    tpu.enqueue_dma source(%dma_start3A_740 : memref<640x32xf32, #tpu.memory_space<vmem>>) target(%dma_start3A_736 : memref<640x32xf32, #tpu.memory_space<hbm>>) target_semaphore(%arg13 : memref<!tpu.dma_semaphore, #tpu.memory_space<semaphore_mem>>)
    %add3A_741 = arith.constant 8320 : i32
    %add3A_742 = arith.addi %mul3A_2, %add3A_741 : i32
    %dma_wait3A_743 = arith.constant 1 : i32
    %dma_wait3A_744 = arith.constant 0 : i32
    %dma_wait3A_745 = arith.constant 0 : i32
    %dma_wait3A_746 = tpu.memref_slice %arg6[%dma_wait3A_743, %dma_wait3A_744, %dma_wait3A_745] : memref<4x640x32xf32, #tpu.memory_space<vmem>> -> memref<1x640x32xf32, #tpu.memory_space<vmem>>
    %dma_wait3A_747 = tpu.memref_squeeze %dma_wait3A_746 : memref<1x640x32xf32, #tpu.memory_space<vmem>> -> memref<640x32xf32, #tpu.memory_space<vmem>>
    %dma_wait3A_748 = arith.constant 0 : i32
    %dma_wait3A_749 = tpu.memref_slice %arg4[%add3A_742, %dma_wait3A_748] : memref<819200x32xf32, #tpu.memory_space<hbm>> -> memref<640x32xf32, #tpu.memory_space<hbm>>
    %dma_wait3A_750 = arith.constant 0 : i32
    %dma_wait3A_751 = tpu.memref_slice %arg4[%add3A_742, %dma_wait3A_750] : memref<819200x32xf32, #tpu.memory_space<hbm>> -> memref<640x32xf32, #tpu.memory_space<hbm>>
    %dma_wait3A_752 = arith.constant 0 : i32
    %dma_wait3A_753 = arith.constant 0 : i32
    %dma_wait3A_754 = tpu.memref_slice %arg6[%dma_wait3A_743, %dma_wait3A_752, %dma_wait3A_753] : memref<4x640x32xf32, #tpu.memory_space<vmem>> -> memref<1x640x32xf32, #tpu.memory_space<vmem>>
    %dma_wait3A_755 = tpu.memref_squeeze %dma_wait3A_754 : memref<1x640x32xf32, #tpu.memory_space<vmem>> -> memref<640x32xf32, #tpu.memory_space<vmem>>
    tpu.wait_dma2 semaphore(%arg12 : memref<!tpu.dma_semaphore, #tpu.memory_space<semaphore_mem>>) src(%dma_wait3A_755 : memref<640x32xf32, #tpu.memory_space<vmem>>) dst(%dma_wait3A_751 : memref<640x32xf32, #tpu.memory_space<hbm>>)
    %dma_start3A_756 = arith.constant 1 : i32
    %dma_start3A_757 = arith.constant 0 : i32
    %dma_start3A_758 = arith.constant 0 : i32
    %dma_start3A_759 = tpu.memref_slice %arg6[%dma_start3A_756, %dma_start3A_757, %dma_start3A_758] : memref<4x640x32xf32, #tpu.memory_space<vmem>> -> memref<1x640x32xf32, #tpu.memory_space<vmem>>
    %dma_start3A_760 = tpu.memref_squeeze %dma_start3A_759 : memref<1x640x32xf32, #tpu.memory_space<vmem>> -> memref<640x32xf32, #tpu.memory_space<vmem>>
    %dma_start3A_761 = arith.constant 10880 : i32
    %dma_start3A_762 = tpu.memref_slice %arg5[%dma_start3A_761] : memref<25600xi32, #tpu.memory_space<vmem>> -> memref<640xi32, #tpu.memory_space<vmem>>
    %dma_start3A_763 = arith.constant 0 : i32
    %dma_start3A_764 = arith.constant 0 : i32
    %dma_start3A_765 = tpu.memref_slice %arg2[%dma_start3A_763, %dma_start3A_764] : memref<1000000x32xf32, #tpu.memory_space<hbm>> -> memref<1000000x32xf32, #tpu.memory_space<hbm>>
    tpu.enqueue_indirect_dma source(%dma_start3A_765 : memref<1000000x32xf32, #tpu.memory_space<hbm>>) target(%dma_start3A_760 : memref<640x32xf32, #tpu.memory_space<vmem>>) offsets(%dma_start3A_762 : memref<640xi32, #tpu.memory_space<vmem>>) semaphore(%arg8 : memref<!tpu.dma_semaphore, #tpu.memory_space<semaphore_mem>>)
    %dma_wait3A_766 = arith.constant 3 : i32
    %dma_wait3A_767 = arith.constant 0 : i32
    %dma_wait3A_768 = arith.constant 0 : i32
    %dma_wait3A_769 = tpu.memref_slice %arg6[%dma_wait3A_766, %dma_wait3A_767, %dma_wait3A_768] : memref<4x640x32xf32, #tpu.memory_space<vmem>> -> memref<1x640x32xf32, #tpu.memory_space<vmem>>
    %dma_wait3A_770 = tpu.memref_squeeze %dma_wait3A_769 : memref<1x640x32xf32, #tpu.memory_space<vmem>> -> memref<640x32xf32, #tpu.memory_space<vmem>>
    %dma_wait3A_771 = arith.constant 9600 : i32
    %dma_wait3A_772 = tpu.memref_slice %arg5[%dma_wait3A_771] : memref<25600xi32, #tpu.memory_space<vmem>> -> memref<640xi32, #tpu.memory_space<vmem>>
    %dma_wait3A_773 = arith.constant 0 : i32
    %dma_wait3A_774 = arith.constant 0 : i32
    %dma_wait3A_775 = tpu.memref_slice %arg2[%dma_wait3A_773, %dma_wait3A_774] : memref<1000000x32xf32, #tpu.memory_space<hbm>> -> memref<1000000x32xf32, #tpu.memory_space<hbm>>
    tpu.wait_indirect_dma semaphore(%arg10 : memref<!tpu.dma_semaphore, #tpu.memory_space<semaphore_mem>>) src(%dma_wait3A_775 : memref<1000000x32xf32, #tpu.memory_space<hbm>>) dst(%dma_wait3A_770 : memref<640x32xf32, #tpu.memory_space<vmem>>)
    %add3A_776 = arith.constant 9600 : i32
    %add3A_777 = arith.addi %mul3A_2, %add3A_776 : i32
    %dma_start3A_778 = arith.constant 3 : i32
    %dma_start3A_779 = arith.constant 0 : i32
    %dma_start3A_780 = arith.constant 0 : i32
    %dma_start3A_781 = tpu.memref_slice %arg6[%dma_start3A_778, %dma_start3A_779, %dma_start3A_780] : memref<4x640x32xf32, #tpu.memory_space<vmem>> -> memref<1x640x32xf32, #tpu.memory_space<vmem>>
    %dma_start3A_782 = tpu.memref_squeeze %dma_start3A_781 : memref<1x640x32xf32, #tpu.memory_space<vmem>> -> memref<640x32xf32, #tpu.memory_space<vmem>>
    %dma_start3A_783 = arith.constant 0 : i32
    %dma_start3A_784 = tpu.memref_slice %arg4[%add3A_777, %dma_start3A_783] : memref<819200x32xf32, #tpu.memory_space<hbm>> -> memref<640x32xf32, #tpu.memory_space<hbm>>
    %dma_start3A_785 = arith.constant 0 : i32
    %dma_start3A_786 = tpu.memref_slice %arg4[%add3A_777, %dma_start3A_785] : memref<819200x32xf32, #tpu.memory_space<hbm>> -> memref<640x32xf32, #tpu.memory_space<hbm>>
    %dma_start3A_787 = arith.constant 0 : i32
    %dma_start3A_788 = arith.constant 0 : i32
    %dma_start3A_789 = tpu.memref_slice %arg6[%dma_start3A_778, %dma_start3A_787, %dma_start3A_788] : memref<4x640x32xf32, #tpu.memory_space<vmem>> -> memref<1x640x32xf32, #tpu.memory_space<vmem>>
    %dma_start3A_790 = tpu.memref_squeeze %dma_start3A_789 : memref<1x640x32xf32, #tpu.memory_space<vmem>> -> memref<640x32xf32, #tpu.memory_space<vmem>>
    tpu.enqueue_dma source(%dma_start3A_790 : memref<640x32xf32, #tpu.memory_space<vmem>>) target(%dma_start3A_786 : memref<640x32xf32, #tpu.memory_space<hbm>>) target_semaphore(%arg14 : memref<!tpu.dma_semaphore, #tpu.memory_space<semaphore_mem>>)
    %add3A_791 = arith.constant 8960 : i32
    %add3A_792 = arith.addi %mul3A_2, %add3A_791 : i32
    %dma_wait3A_793 = arith.constant 2 : i32
    %dma_wait3A_794 = arith.constant 0 : i32
    %dma_wait3A_795 = arith.constant 0 : i32
    %dma_wait3A_796 = tpu.memref_slice %arg6[%dma_wait3A_793, %dma_wait3A_794, %dma_wait3A_795] : memref<4x640x32xf32, #tpu.memory_space<vmem>> -> memref<1x640x32xf32, #tpu.memory_space<vmem>>
    %dma_wait3A_797 = tpu.memref_squeeze %dma_wait3A_796 : memref<1x640x32xf32, #tpu.memory_space<vmem>> -> memref<640x32xf32, #tpu.memory_space<vmem>>
    %dma_wait3A_798 = arith.constant 0 : i32
    %dma_wait3A_799 = tpu.memref_slice %arg4[%add3A_792, %dma_wait3A_798] : memref<819200x32xf32, #tpu.memory_space<hbm>> -> memref<640x32xf32, #tpu.memory_space<hbm>>
    %dma_wait3A_800 = arith.constant 0 : i32
    %dma_wait3A_801 = tpu.memref_slice %arg4[%add3A_792, %dma_wait3A_800] : memref<819200x32xf32, #tpu.memory_space<hbm>> -> memref<640x32xf32, #tpu.memory_space<hbm>>
    %dma_wait3A_802 = arith.constant 0 : i32
    %dma_wait3A_803 = arith.constant 0 : i32
    %dma_wait3A_804 = tpu.memref_slice %arg6[%dma_wait3A_793, %dma_wait3A_802, %dma_wait3A_803] : memref<4x640x32xf32, #tpu.memory_space<vmem>> -> memref<1x640x32xf32, #tpu.memory_space<vmem>>
    %dma_wait3A_805 = tpu.memref_squeeze %dma_wait3A_804 : memref<1x640x32xf32, #tpu.memory_space<vmem>> -> memref<640x32xf32, #tpu.memory_space<vmem>>
    tpu.wait_dma2 semaphore(%arg13 : memref<!tpu.dma_semaphore, #tpu.memory_space<semaphore_mem>>) src(%dma_wait3A_805 : memref<640x32xf32, #tpu.memory_space<vmem>>) dst(%dma_wait3A_801 : memref<640x32xf32, #tpu.memory_space<hbm>>)
    %dma_start3A_806 = arith.constant 2 : i32
    %dma_start3A_807 = arith.constant 0 : i32
    %dma_start3A_808 = arith.constant 0 : i32
    %dma_start3A_809 = tpu.memref_slice %arg6[%dma_start3A_806, %dma_start3A_807, %dma_start3A_808] : memref<4x640x32xf32, #tpu.memory_space<vmem>> -> memref<1x640x32xf32, #tpu.memory_space<vmem>>
    %dma_start3A_810 = tpu.memref_squeeze %dma_start3A_809 : memref<1x640x32xf32, #tpu.memory_space<vmem>> -> memref<640x32xf32, #tpu.memory_space<vmem>>
    %dma_start3A_811 = arith.constant 11520 : i32
    %dma_start3A_812 = tpu.memref_slice %arg5[%dma_start3A_811] : memref<25600xi32, #tpu.memory_space<vmem>> -> memref<640xi32, #tpu.memory_space<vmem>>
    %dma_start3A_813 = arith.constant 0 : i32
    %dma_start3A_814 = arith.constant 0 : i32
    %dma_start3A_815 = tpu.memref_slice %arg2[%dma_start3A_813, %dma_start3A_814] : memref<1000000x32xf32, #tpu.memory_space<hbm>> -> memref<1000000x32xf32, #tpu.memory_space<hbm>>
    tpu.enqueue_indirect_dma source(%dma_start3A_815 : memref<1000000x32xf32, #tpu.memory_space<hbm>>) target(%dma_start3A_810 : memref<640x32xf32, #tpu.memory_space<vmem>>) offsets(%dma_start3A_812 : memref<640xi32, #tpu.memory_space<vmem>>) semaphore(%arg9 : memref<!tpu.dma_semaphore, #tpu.memory_space<semaphore_mem>>)
    %dma_wait3A_816 = arith.constant 0 : i32
    %dma_wait3A_817 = arith.constant 0 : i32
    %dma_wait3A_818 = arith.constant 0 : i32
    %dma_wait3A_819 = tpu.memref_slice %arg6[%dma_wait3A_816, %dma_wait3A_817, %dma_wait3A_818] : memref<4x640x32xf32, #tpu.memory_space<vmem>> -> memref<1x640x32xf32, #tpu.memory_space<vmem>>
    %dma_wait3A_820 = tpu.memref_squeeze %dma_wait3A_819 : memref<1x640x32xf32, #tpu.memory_space<vmem>> -> memref<640x32xf32, #tpu.memory_space<vmem>>
    %dma_wait3A_821 = arith.constant 10240 : i32
    %dma_wait3A_822 = tpu.memref_slice %arg5[%dma_wait3A_821] : memref<25600xi32, #tpu.memory_space<vmem>> -> memref<640xi32, #tpu.memory_space<vmem>>
    %dma_wait3A_823 = arith.constant 0 : i32
    %dma_wait3A_824 = arith.constant 0 : i32
    %dma_wait3A_825 = tpu.memref_slice %arg2[%dma_wait3A_823, %dma_wait3A_824] : memref<1000000x32xf32, #tpu.memory_space<hbm>> -> memref<1000000x32xf32, #tpu.memory_space<hbm>>
    tpu.wait_indirect_dma semaphore(%arg7 : memref<!tpu.dma_semaphore, #tpu.memory_space<semaphore_mem>>) src(%dma_wait3A_825 : memref<1000000x32xf32, #tpu.memory_space<hbm>>) dst(%dma_wait3A_820 : memref<640x32xf32, #tpu.memory_space<vmem>>)
    %add3A_826 = arith.constant 10240 : i32
    %add3A_827 = arith.addi %mul3A_2, %add3A_826 : i32
    %dma_start3A_828 = arith.constant 0 : i32
    %dma_start3A_829 = arith.constant 0 : i32
    %dma_start3A_830 = arith.constant 0 : i32
    %dma_start3A_831 = tpu.memref_slice %arg6[%dma_start3A_828, %dma_start3A_829, %dma_start3A_830] : memref<4x640x32xf32, #tpu.memory_space<vmem>> -> memref<1x640x32xf32, #tpu.memory_space<vmem>>
    %dma_start3A_832 = tpu.memref_squeeze %dma_start3A_831 : memref<1x640x32xf32, #tpu.memory_space<vmem>> -> memref<640x32xf32, #tpu.memory_space<vmem>>
    %dma_start3A_833 = arith.constant 0 : i32
    %dma_start3A_834 = tpu.memref_slice %arg4[%add3A_827, %dma_start3A_833] : memref<819200x32xf32, #tpu.memory_space<hbm>> -> memref<640x32xf32, #tpu.memory_space<hbm>>
    %dma_start3A_835 = arith.constant 0 : i32
    %dma_start3A_836 = tpu.memref_slice %arg4[%add3A_827, %dma_start3A_835] : memref<819200x32xf32, #tpu.memory_space<hbm>> -> memref<640x32xf32, #tpu.memory_space<hbm>>
    %dma_start3A_837 = arith.constant 0 : i32
    %dma_start3A_838 = arith.constant 0 : i32
    %dma_start3A_839 = tpu.memref_slice %arg6[%dma_start3A_828, %dma_start3A_837, %dma_start3A_838] : memref<4x640x32xf32, #tpu.memory_space<vmem>> -> memref<1x640x32xf32, #tpu.memory_space<vmem>>
    %dma_start3A_840 = tpu.memref_squeeze %dma_start3A_839 : memref<1x640x32xf32, #tpu.memory_space<vmem>> -> memref<640x32xf32, #tpu.memory_space<vmem>>
    tpu.enqueue_dma source(%dma_start3A_840 : memref<640x32xf32, #tpu.memory_space<vmem>>) target(%dma_start3A_836 : memref<640x32xf32, #tpu.memory_space<hbm>>) target_semaphore(%arg11 : memref<!tpu.dma_semaphore, #tpu.memory_space<semaphore_mem>>)
    %add3A_841 = arith.constant 9600 : i32
    %add3A_842 = arith.addi %mul3A_2, %add3A_841 : i32
    %dma_wait3A_843 = arith.constant 3 : i32
    %dma_wait3A_844 = arith.constant 0 : i32
    %dma_wait3A_845 = arith.constant 0 : i32
    %dma_wait3A_846 = tpu.memref_slice %arg6[%dma_wait3A_843, %dma_wait3A_844, %dma_wait3A_845] : memref<4x640x32xf32, #tpu.memory_space<vmem>> -> memref<1x640x32xf32, #tpu.memory_space<vmem>>
    %dma_wait3A_847 = tpu.memref_squeeze %dma_wait3A_846 : memref<1x640x32xf32, #tpu.memory_space<vmem>> -> memref<640x32xf32, #tpu.memory_space<vmem>>
    %dma_wait3A_848 = arith.constant 0 : i32
    %dma_wait3A_849 = tpu.memref_slice %arg4[%add3A_842, %dma_wait3A_848] : memref<819200x32xf32, #tpu.memory_space<hbm>> -> memref<640x32xf32, #tpu.memory_space<hbm>>
    %dma_wait3A_850 = arith.constant 0 : i32
    %dma_wait3A_851 = tpu.memref_slice %arg4[%add3A_842, %dma_wait3A_850] : memref<819200x32xf32, #tpu.memory_space<hbm>> -> memref<640x32xf32, #tpu.memory_space<hbm>>
    %dma_wait3A_852 = arith.constant 0 : i32
    %dma_wait3A_853 = arith.constant 0 : i32
    %dma_wait3A_854 = tpu.memref_slice %arg6[%dma_wait3A_843, %dma_wait3A_852, %dma_wait3A_853] : memref<4x640x32xf32, #tpu.memory_space<vmem>> -> memref<1x640x32xf32, #tpu.memory_space<vmem>>
    %dma_wait3A_855 = tpu.memref_squeeze %dma_wait3A_854 : memref<1x640x32xf32, #tpu.memory_space<vmem>> -> memref<640x32xf32, #tpu.memory_space<vmem>>
    tpu.wait_dma2 semaphore(%arg14 : memref<!tpu.dma_semaphore, #tpu.memory_space<semaphore_mem>>) src(%dma_wait3A_855 : memref<640x32xf32, #tpu.memory_space<vmem>>) dst(%dma_wait3A_851 : memref<640x32xf32, #tpu.memory_space<hbm>>)
    %dma_start3A_856 = arith.constant 3 : i32
    %dma_start3A_857 = arith.constant 0 : i32
    %dma_start3A_858 = arith.constant 0 : i32
    %dma_start3A_859 = tpu.memref_slice %arg6[%dma_start3A_856, %dma_start3A_857, %dma_start3A_858] : memref<4x640x32xf32, #tpu.memory_space<vmem>> -> memref<1x640x32xf32, #tpu.memory_space<vmem>>
    %dma_start3A_860 = tpu.memref_squeeze %dma_start3A_859 : memref<1x640x32xf32, #tpu.memory_space<vmem>> -> memref<640x32xf32, #tpu.memory_space<vmem>>
    %dma_start3A_861 = arith.constant 12160 : i32
    %dma_start3A_862 = tpu.memref_slice %arg5[%dma_start3A_861] : memref<25600xi32, #tpu.memory_space<vmem>> -> memref<640xi32, #tpu.memory_space<vmem>>
    %dma_start3A_863 = arith.constant 0 : i32
    %dma_start3A_864 = arith.constant 0 : i32
    %dma_start3A_865 = tpu.memref_slice %arg2[%dma_start3A_863, %dma_start3A_864] : memref<1000000x32xf32, #tpu.memory_space<hbm>> -> memref<1000000x32xf32, #tpu.memory_space<hbm>>
    tpu.enqueue_indirect_dma source(%dma_start3A_865 : memref<1000000x32xf32, #tpu.memory_space<hbm>>) target(%dma_start3A_860 : memref<640x32xf32, #tpu.memory_space<vmem>>) offsets(%dma_start3A_862 : memref<640xi32, #tpu.memory_space<vmem>>) semaphore(%arg10 : memref<!tpu.dma_semaphore, #tpu.memory_space<semaphore_mem>>)
    %dma_wait3A_866 = arith.constant 1 : i32
    %dma_wait3A_867 = arith.constant 0 : i32
    %dma_wait3A_868 = arith.constant 0 : i32
    %dma_wait3A_869 = tpu.memref_slice %arg6[%dma_wait3A_866, %dma_wait3A_867, %dma_wait3A_868] : memref<4x640x32xf32, #tpu.memory_space<vmem>> -> memref<1x640x32xf32, #tpu.memory_space<vmem>>
    %dma_wait3A_870 = tpu.memref_squeeze %dma_wait3A_869 : memref<1x640x32xf32, #tpu.memory_space<vmem>> -> memref<640x32xf32, #tpu.memory_space<vmem>>
    %dma_wait3A_871 = arith.constant 10880 : i32
    %dma_wait3A_872 = tpu.memref_slice %arg5[%dma_wait3A_871] : memref<25600xi32, #tpu.memory_space<vmem>> -> memref<640xi32, #tpu.memory_space<vmem>>
    %dma_wait3A_873 = arith.constant 0 : i32
    %dma_wait3A_874 = arith.constant 0 : i32
    %dma_wait3A_875 = tpu.memref_slice %arg2[%dma_wait3A_873, %dma_wait3A_874] : memref<1000000x32xf32, #tpu.memory_space<hbm>> -> memref<1000000x32xf32, #tpu.memory_space<hbm>>
    tpu.wait_indirect_dma semaphore(%arg8 : memref<!tpu.dma_semaphore, #tpu.memory_space<semaphore_mem>>) src(%dma_wait3A_875 : memref<1000000x32xf32, #tpu.memory_space<hbm>>) dst(%dma_wait3A_870 : memref<640x32xf32, #tpu.memory_space<vmem>>)
    %add3A_876 = arith.constant 10880 : i32
    %add3A_877 = arith.addi %mul3A_2, %add3A_876 : i32
    %dma_start3A_878 = arith.constant 1 : i32
    %dma_start3A_879 = arith.constant 0 : i32
    %dma_start3A_880 = arith.constant 0 : i32
    %dma_start3A_881 = tpu.memref_slice %arg6[%dma_start3A_878, %dma_start3A_879, %dma_start3A_880] : memref<4x640x32xf32, #tpu.memory_space<vmem>> -> memref<1x640x32xf32, #tpu.memory_space<vmem>>
    %dma_start3A_882 = tpu.memref_squeeze %dma_start3A_881 : memref<1x640x32xf32, #tpu.memory_space<vmem>> -> memref<640x32xf32, #tpu.memory_space<vmem>>
    %dma_start3A_883 = arith.constant 0 : i32
    %dma_start3A_884 = tpu.memref_slice %arg4[%add3A_877, %dma_start3A_883] : memref<819200x32xf32, #tpu.memory_space<hbm>> -> memref<640x32xf32, #tpu.memory_space<hbm>>
    %dma_start3A_885 = arith.constant 0 : i32
    %dma_start3A_886 = tpu.memref_slice %arg4[%add3A_877, %dma_start3A_885] : memref<819200x32xf32, #tpu.memory_space<hbm>> -> memref<640x32xf32, #tpu.memory_space<hbm>>
    %dma_start3A_887 = arith.constant 0 : i32
    %dma_start3A_888 = arith.constant 0 : i32
    %dma_start3A_889 = tpu.memref_slice %arg6[%dma_start3A_878, %dma_start3A_887, %dma_start3A_888] : memref<4x640x32xf32, #tpu.memory_space<vmem>> -> memref<1x640x32xf32, #tpu.memory_space<vmem>>
    %dma_start3A_890 = tpu.memref_squeeze %dma_start3A_889 : memref<1x640x32xf32, #tpu.memory_space<vmem>> -> memref<640x32xf32, #tpu.memory_space<vmem>>
    tpu.enqueue_dma source(%dma_start3A_890 : memref<640x32xf32, #tpu.memory_space<vmem>>) target(%dma_start3A_886 : memref<640x32xf32, #tpu.memory_space<hbm>>) target_semaphore(%arg12 : memref<!tpu.dma_semaphore, #tpu.memory_space<semaphore_mem>>)
    %add3A_891 = arith.constant 10240 : i32
    %add3A_892 = arith.addi %mul3A_2, %add3A_891 : i32
    %dma_wait3A_893 = arith.constant 0 : i32
    %dma_wait3A_894 = arith.constant 0 : i32
    %dma_wait3A_895 = arith.constant 0 : i32
    %dma_wait3A_896 = tpu.memref_slice %arg6[%dma_wait3A_893, %dma_wait3A_894, %dma_wait3A_895] : memref<4x640x32xf32, #tpu.memory_space<vmem>> -> memref<1x640x32xf32, #tpu.memory_space<vmem>>
    %dma_wait3A_897 = tpu.memref_squeeze %dma_wait3A_896 : memref<1x640x32xf32, #tpu.memory_space<vmem>> -> memref<640x32xf32, #tpu.memory_space<vmem>>
    %dma_wait3A_898 = arith.constant 0 : i32
    %dma_wait3A_899 = tpu.memref_slice %arg4[%add3A_892, %dma_wait3A_898] : memref<819200x32xf32, #tpu.memory_space<hbm>> -> memref<640x32xf32, #tpu.memory_space<hbm>>
    %dma_wait3A_900 = arith.constant 0 : i32
    %dma_wait3A_901 = tpu.memref_slice %arg4[%add3A_892, %dma_wait3A_900] : memref<819200x32xf32, #tpu.memory_space<hbm>> -> memref<640x32xf32, #tpu.memory_space<hbm>>
    %dma_wait3A_902 = arith.constant 0 : i32
    %dma_wait3A_903 = arith.constant 0 : i32
    %dma_wait3A_904 = tpu.memref_slice %arg6[%dma_wait3A_893, %dma_wait3A_902, %dma_wait3A_903] : memref<4x640x32xf32, #tpu.memory_space<vmem>> -> memref<1x640x32xf32, #tpu.memory_space<vmem>>
    %dma_wait3A_905 = tpu.memref_squeeze %dma_wait3A_904 : memref<1x640x32xf32, #tpu.memory_space<vmem>> -> memref<640x32xf32, #tpu.memory_space<vmem>>
    tpu.wait_dma2 semaphore(%arg11 : memref<!tpu.dma_semaphore, #tpu.memory_space<semaphore_mem>>) src(%dma_wait3A_905 : memref<640x32xf32, #tpu.memory_space<vmem>>) dst(%dma_wait3A_901 : memref<640x32xf32, #tpu.memory_space<hbm>>)
    %dma_start3A_906 = arith.constant 0 : i32
    %dma_start3A_907 = arith.constant 0 : i32
    %dma_start3A_908 = arith.constant 0 : i32
    %dma_start3A_909 = tpu.memref_slice %arg6[%dma_start3A_906, %dma_start3A_907, %dma_start3A_908] : memref<4x640x32xf32, #tpu.memory_space<vmem>> -> memref<1x640x32xf32, #tpu.memory_space<vmem>>
    %dma_start3A_910 = tpu.memref_squeeze %dma_start3A_909 : memref<1x640x32xf32, #tpu.memory_space<vmem>> -> memref<640x32xf32, #tpu.memory_space<vmem>>
    %dma_start3A_911 = arith.constant 12800 : i32
    %dma_start3A_912 = tpu.memref_slice %arg5[%dma_start3A_911] : memref<25600xi32, #tpu.memory_space<vmem>> -> memref<640xi32, #tpu.memory_space<vmem>>
    %dma_start3A_913 = arith.constant 0 : i32
    %dma_start3A_914 = arith.constant 0 : i32
    %dma_start3A_915 = tpu.memref_slice %arg2[%dma_start3A_913, %dma_start3A_914] : memref<1000000x32xf32, #tpu.memory_space<hbm>> -> memref<1000000x32xf32, #tpu.memory_space<hbm>>
    tpu.enqueue_indirect_dma source(%dma_start3A_915 : memref<1000000x32xf32, #tpu.memory_space<hbm>>) target(%dma_start3A_910 : memref<640x32xf32, #tpu.memory_space<vmem>>) offsets(%dma_start3A_912 : memref<640xi32, #tpu.memory_space<vmem>>) semaphore(%arg7 : memref<!tpu.dma_semaphore, #tpu.memory_space<semaphore_mem>>)
    %dma_wait3A_916 = arith.constant 2 : i32
    %dma_wait3A_917 = arith.constant 0 : i32
    %dma_wait3A_918 = arith.constant 0 : i32
    %dma_wait3A_919 = tpu.memref_slice %arg6[%dma_wait3A_916, %dma_wait3A_917, %dma_wait3A_918] : memref<4x640x32xf32, #tpu.memory_space<vmem>> -> memref<1x640x32xf32, #tpu.memory_space<vmem>>
    %dma_wait3A_920 = tpu.memref_squeeze %dma_wait3A_919 : memref<1x640x32xf32, #tpu.memory_space<vmem>> -> memref<640x32xf32, #tpu.memory_space<vmem>>
    %dma_wait3A_921 = arith.constant 11520 : i32
    %dma_wait3A_922 = tpu.memref_slice %arg5[%dma_wait3A_921] : memref<25600xi32, #tpu.memory_space<vmem>> -> memref<640xi32, #tpu.memory_space<vmem>>
    %dma_wait3A_923 = arith.constant 0 : i32
    %dma_wait3A_924 = arith.constant 0 : i32
    %dma_wait3A_925 = tpu.memref_slice %arg2[%dma_wait3A_923, %dma_wait3A_924] : memref<1000000x32xf32, #tpu.memory_space<hbm>> -> memref<1000000x32xf32, #tpu.memory_space<hbm>>
    tpu.wait_indirect_dma semaphore(%arg9 : memref<!tpu.dma_semaphore, #tpu.memory_space<semaphore_mem>>) src(%dma_wait3A_925 : memref<1000000x32xf32, #tpu.memory_space<hbm>>) dst(%dma_wait3A_920 : memref<640x32xf32, #tpu.memory_space<vmem>>)
    %add3A_926 = arith.constant 11520 : i32
    %add3A_927 = arith.addi %mul3A_2, %add3A_926 : i32
    %dma_start3A_928 = arith.constant 2 : i32
    %dma_start3A_929 = arith.constant 0 : i32
    %dma_start3A_930 = arith.constant 0 : i32
    %dma_start3A_931 = tpu.memref_slice %arg6[%dma_start3A_928, %dma_start3A_929, %dma_start3A_930] : memref<4x640x32xf32, #tpu.memory_space<vmem>> -> memref<1x640x32xf32, #tpu.memory_space<vmem>>
    %dma_start3A_932 = tpu.memref_squeeze %dma_start3A_931 : memref<1x640x32xf32, #tpu.memory_space<vmem>> -> memref<640x32xf32, #tpu.memory_space<vmem>>
    %dma_start3A_933 = arith.constant 0 : i32
    %dma_start3A_934 = tpu.memref_slice %arg4[%add3A_927, %dma_start3A_933] : memref<819200x32xf32, #tpu.memory_space<hbm>> -> memref<640x32xf32, #tpu.memory_space<hbm>>
    %dma_start3A_935 = arith.constant 0 : i32
    %dma_start3A_936 = tpu.memref_slice %arg4[%add3A_927, %dma_start3A_935] : memref<819200x32xf32, #tpu.memory_space<hbm>> -> memref<640x32xf32, #tpu.memory_space<hbm>>
    %dma_start3A_937 = arith.constant 0 : i32
    %dma_start3A_938 = arith.constant 0 : i32
    %dma_start3A_939 = tpu.memref_slice %arg6[%dma_start3A_928, %dma_start3A_937, %dma_start3A_938] : memref<4x640x32xf32, #tpu.memory_space<vmem>> -> memref<1x640x32xf32, #tpu.memory_space<vmem>>
    %dma_start3A_940 = tpu.memref_squeeze %dma_start3A_939 : memref<1x640x32xf32, #tpu.memory_space<vmem>> -> memref<640x32xf32, #tpu.memory_space<vmem>>
    tpu.enqueue_dma source(%dma_start3A_940 : memref<640x32xf32, #tpu.memory_space<vmem>>) target(%dma_start3A_936 : memref<640x32xf32, #tpu.memory_space<hbm>>) target_semaphore(%arg13 : memref<!tpu.dma_semaphore, #tpu.memory_space<semaphore_mem>>)
    %add3A_941 = arith.constant 10880 : i32
    %add3A_942 = arith.addi %mul3A_2, %add3A_941 : i32
    %dma_wait3A_943 = arith.constant 1 : i32
    %dma_wait3A_944 = arith.constant 0 : i32
    %dma_wait3A_945 = arith.constant 0 : i32
    %dma_wait3A_946 = tpu.memref_slice %arg6[%dma_wait3A_943, %dma_wait3A_944, %dma_wait3A_945] : memref<4x640x32xf32, #tpu.memory_space<vmem>> -> memref<1x640x32xf32, #tpu.memory_space<vmem>>
    %dma_wait3A_947 = tpu.memref_squeeze %dma_wait3A_946 : memref<1x640x32xf32, #tpu.memory_space<vmem>> -> memref<640x32xf32, #tpu.memory_space<vmem>>
    %dma_wait3A_948 = arith.constant 0 : i32
    %dma_wait3A_949 = tpu.memref_slice %arg4[%add3A_942, %dma_wait3A_948] : memref<819200x32xf32, #tpu.memory_space<hbm>> -> memref<640x32xf32, #tpu.memory_space<hbm>>
    %dma_wait3A_950 = arith.constant 0 : i32
    %dma_wait3A_951 = tpu.memref_slice %arg4[%add3A_942, %dma_wait3A_950] : memref<819200x32xf32, #tpu.memory_space<hbm>> -> memref<640x32xf32, #tpu.memory_space<hbm>>
    %dma_wait3A_952 = arith.constant 0 : i32
    %dma_wait3A_953 = arith.constant 0 : i32
    %dma_wait3A_954 = tpu.memref_slice %arg6[%dma_wait3A_943, %dma_wait3A_952, %dma_wait3A_953] : memref<4x640x32xf32, #tpu.memory_space<vmem>> -> memref<1x640x32xf32, #tpu.memory_space<vmem>>
    %dma_wait3A_955 = tpu.memref_squeeze %dma_wait3A_954 : memref<1x640x32xf32, #tpu.memory_space<vmem>> -> memref<640x32xf32, #tpu.memory_space<vmem>>
    tpu.wait_dma2 semaphore(%arg12 : memref<!tpu.dma_semaphore, #tpu.memory_space<semaphore_mem>>) src(%dma_wait3A_955 : memref<640x32xf32, #tpu.memory_space<vmem>>) dst(%dma_wait3A_951 : memref<640x32xf32, #tpu.memory_space<hbm>>)
    %dma_start3A_956 = arith.constant 1 : i32
    %dma_start3A_957 = arith.constant 0 : i32
    %dma_start3A_958 = arith.constant 0 : i32
    %dma_start3A_959 = tpu.memref_slice %arg6[%dma_start3A_956, %dma_start3A_957, %dma_start3A_958] : memref<4x640x32xf32, #tpu.memory_space<vmem>> -> memref<1x640x32xf32, #tpu.memory_space<vmem>>
    %dma_start3A_960 = tpu.memref_squeeze %dma_start3A_959 : memref<1x640x32xf32, #tpu.memory_space<vmem>> -> memref<640x32xf32, #tpu.memory_space<vmem>>
    %dma_start3A_961 = arith.constant 13440 : i32
    %dma_start3A_962 = tpu.memref_slice %arg5[%dma_start3A_961] : memref<25600xi32, #tpu.memory_space<vmem>> -> memref<640xi32, #tpu.memory_space<vmem>>
    %dma_start3A_963 = arith.constant 0 : i32
    %dma_start3A_964 = arith.constant 0 : i32
    %dma_start3A_965 = tpu.memref_slice %arg2[%dma_start3A_963, %dma_start3A_964] : memref<1000000x32xf32, #tpu.memory_space<hbm>> -> memref<1000000x32xf32, #tpu.memory_space<hbm>>
    tpu.enqueue_indirect_dma source(%dma_start3A_965 : memref<1000000x32xf32, #tpu.memory_space<hbm>>) target(%dma_start3A_960 : memref<640x32xf32, #tpu.memory_space<vmem>>) offsets(%dma_start3A_962 : memref<640xi32, #tpu.memory_space<vmem>>) semaphore(%arg8 : memref<!tpu.dma_semaphore, #tpu.memory_space<semaphore_mem>>)
    %dma_wait3A_966 = arith.constant 3 : i32
    %dma_wait3A_967 = arith.constant 0 : i32
    %dma_wait3A_968 = arith.constant 0 : i32
    %dma_wait3A_969 = tpu.memref_slice %arg6[%dma_wait3A_966, %dma_wait3A_967, %dma_wait3A_968] : memref<4x640x32xf32, #tpu.memory_space<vmem>> -> memref<1x640x32xf32, #tpu.memory_space<vmem>>
    %dma_wait3A_970 = tpu.memref_squeeze %dma_wait3A_969 : memref<1x640x32xf32, #tpu.memory_space<vmem>> -> memref<640x32xf32, #tpu.memory_space<vmem>>
    %dma_wait3A_971 = arith.constant 12160 : i32
    %dma_wait3A_972 = tpu.memref_slice %arg5[%dma_wait3A_971] : memref<25600xi32, #tpu.memory_space<vmem>> -> memref<640xi32, #tpu.memory_space<vmem>>
    %dma_wait3A_973 = arith.constant 0 : i32
    %dma_wait3A_974 = arith.constant 0 : i32
    %dma_wait3A_975 = tpu.memref_slice %arg2[%dma_wait3A_973, %dma_wait3A_974] : memref<1000000x32xf32, #tpu.memory_space<hbm>> -> memref<1000000x32xf32, #tpu.memory_space<hbm>>
    tpu.wait_indirect_dma semaphore(%arg10 : memref<!tpu.dma_semaphore, #tpu.memory_space<semaphore_mem>>) src(%dma_wait3A_975 : memref<1000000x32xf32, #tpu.memory_space<hbm>>) dst(%dma_wait3A_970 : memref<640x32xf32, #tpu.memory_space<vmem>>)
    %add3A_976 = arith.constant 12160 : i32
    %add3A_977 = arith.addi %mul3A_2, %add3A_976 : i32
    %dma_start3A_978 = arith.constant 3 : i32
    %dma_start3A_979 = arith.constant 0 : i32
    %dma_start3A_980 = arith.constant 0 : i32
    %dma_start3A_981 = tpu.memref_slice %arg6[%dma_start3A_978, %dma_start3A_979, %dma_start3A_980] : memref<4x640x32xf32, #tpu.memory_space<vmem>> -> memref<1x640x32xf32, #tpu.memory_space<vmem>>
    %dma_start3A_982 = tpu.memref_squeeze %dma_start3A_981 : memref<1x640x32xf32, #tpu.memory_space<vmem>> -> memref<640x32xf32, #tpu.memory_space<vmem>>
    %dma_start3A_983 = arith.constant 0 : i32
    %dma_start3A_984 = tpu.memref_slice %arg4[%add3A_977, %dma_start3A_983] : memref<819200x32xf32, #tpu.memory_space<hbm>> -> memref<640x32xf32, #tpu.memory_space<hbm>>
    %dma_start3A_985 = arith.constant 0 : i32
    %dma_start3A_986 = tpu.memref_slice %arg4[%add3A_977, %dma_start3A_985] : memref<819200x32xf32, #tpu.memory_space<hbm>> -> memref<640x32xf32, #tpu.memory_space<hbm>>
    %dma_start3A_987 = arith.constant 0 : i32
    %dma_start3A_988 = arith.constant 0 : i32
    %dma_start3A_989 = tpu.memref_slice %arg6[%dma_start3A_978, %dma_start3A_987, %dma_start3A_988] : memref<4x640x32xf32, #tpu.memory_space<vmem>> -> memref<1x640x32xf32, #tpu.memory_space<vmem>>
    %dma_start3A_990 = tpu.memref_squeeze %dma_start3A_989 : memref<1x640x32xf32, #tpu.memory_space<vmem>> -> memref<640x32xf32, #tpu.memory_space<vmem>>
    tpu.enqueue_dma source(%dma_start3A_990 : memref<640x32xf32, #tpu.memory_space<vmem>>) target(%dma_start3A_986 : memref<640x32xf32, #tpu.memory_space<hbm>>) target_semaphore(%arg14 : memref<!tpu.dma_semaphore, #tpu.memory_space<semaphore_mem>>)
    %add3A_991 = arith.constant 11520 : i32
    %add3A_992 = arith.addi %mul3A_2, %add3A_991 : i32
    %dma_wait3A_993 = arith.constant 2 : i32
    %dma_wait3A_994 = arith.constant 0 : i32
    %dma_wait3A_995 = arith.constant 0 : i32
    %dma_wait3A_996 = tpu.memref_slice %arg6[%dma_wait3A_993, %dma_wait3A_994, %dma_wait3A_995] : memref<4x640x32xf32, #tpu.memory_space<vmem>> -> memref<1x640x32xf32, #tpu.memory_space<vmem>>
    %dma_wait3A_997 = tpu.memref_squeeze %dma_wait3A_996 : memref<1x640x32xf32, #tpu.memory_space<vmem>> -> memref<640x32xf32, #tpu.memory_space<vmem>>
    %dma_wait3A_998 = arith.constant 0 : i32
    %dma_wait3A_999 = tpu.memref_slice %arg4[%add3A_992, %dma_wait3A_998] : memref<819200x32xf32, #tpu.memory_space<hbm>> -> memref<640x32xf32, #tpu.memory_space<hbm>>
    %dma_wait3A_1000 = arith.constant 0 : i32
    %dma_wait3A_1001 = tpu.memref_slice %arg4[%add3A_992, %dma_wait3A_1000] : memref<819200x32xf32, #tpu.memory_space<hbm>> -> memref<640x32xf32, #tpu.memory_space<hbm>>
    %dma_wait3A_1002 = arith.constant 0 : i32
    %dma_wait3A_1003 = arith.constant 0 : i32
    %dma_wait3A_1004 = tpu.memref_slice %arg6[%dma_wait3A_993, %dma_wait3A_1002, %dma_wait3A_1003] : memref<4x640x32xf32, #tpu.memory_space<vmem>> -> memref<1x640x32xf32, #tpu.memory_space<vmem>>
    %dma_wait3A_1005 = tpu.memref_squeeze %dma_wait3A_1004 : memref<1x640x32xf32, #tpu.memory_space<vmem>> -> memref<640x32xf32, #tpu.memory_space<vmem>>
    tpu.wait_dma2 semaphore(%arg13 : memref<!tpu.dma_semaphore, #tpu.memory_space<semaphore_mem>>) src(%dma_wait3A_1005 : memref<640x32xf32, #tpu.memory_space<vmem>>) dst(%dma_wait3A_1001 : memref<640x32xf32, #tpu.memory_space<hbm>>)
    %dma_start3A_1006 = arith.constant 2 : i32
    %dma_start3A_1007 = arith.constant 0 : i32
    %dma_start3A_1008 = arith.constant 0 : i32
    %dma_start3A_1009 = tpu.memref_slice %arg6[%dma_start3A_1006, %dma_start3A_1007, %dma_start3A_1008] : memref<4x640x32xf32, #tpu.memory_space<vmem>> -> memref<1x640x32xf32, #tpu.memory_space<vmem>>
    %dma_start3A_1010 = tpu.memref_squeeze %dma_start3A_1009 : memref<1x640x32xf32, #tpu.memory_space<vmem>> -> memref<640x32xf32, #tpu.memory_space<vmem>>
    %dma_start3A_1011 = arith.constant 14080 : i32
    %dma_start3A_1012 = tpu.memref_slice %arg5[%dma_start3A_1011] : memref<25600xi32, #tpu.memory_space<vmem>> -> memref<640xi32, #tpu.memory_space<vmem>>
    %dma_start3A_1013 = arith.constant 0 : i32
    %dma_start3A_1014 = arith.constant 0 : i32
    %dma_start3A_1015 = tpu.memref_slice %arg2[%dma_start3A_1013, %dma_start3A_1014] : memref<1000000x32xf32, #tpu.memory_space<hbm>> -> memref<1000000x32xf32, #tpu.memory_space<hbm>>
    tpu.enqueue_indirect_dma source(%dma_start3A_1015 : memref<1000000x32xf32, #tpu.memory_space<hbm>>) target(%dma_start3A_1010 : memref<640x32xf32, #tpu.memory_space<vmem>>) offsets(%dma_start3A_1012 : memref<640xi32, #tpu.memory_space<vmem>>) semaphore(%arg9 : memref<!tpu.dma_semaphore, #tpu.memory_space<semaphore_mem>>)
    %dma_wait3A_1016 = arith.constant 0 : i32
    %dma_wait3A_1017 = arith.constant 0 : i32
    %dma_wait3A_1018 = arith.constant 0 : i32
    %dma_wait3A_1019 = tpu.memref_slice %arg6[%dma_wait3A_1016, %dma_wait3A_1017, %dma_wait3A_1018] : memref<4x640x32xf32, #tpu.memory_space<vmem>> -> memref<1x640x32xf32, #tpu.memory_space<vmem>>
    %dma_wait3A_1020 = tpu.memref_squeeze %dma_wait3A_1019 : memref<1x640x32xf32, #tpu.memory_space<vmem>> -> memref<640x32xf32, #tpu.memory_space<vmem>>
    %dma_wait3A_1021 = arith.constant 12800 : i32
    %dma_wait3A_1022 = tpu.memref_slice %arg5[%dma_wait3A_1021] : memref<25600xi32, #tpu.memory_space<vmem>> -> memref<640xi32, #tpu.memory_space<vmem>>
    %dma_wait3A_1023 = arith.constant 0 : i32
    %dma_wait3A_1024 = arith.constant 0 : i32
    %dma_wait3A_1025 = tpu.memref_slice %arg2[%dma_wait3A_1023, %dma_wait3A_1024] : memref<1000000x32xf32, #tpu.memory_space<hbm>> -> memref<1000000x32xf32, #tpu.memory_space<hbm>>
    tpu.wait_indirect_dma semaphore(%arg7 : memref<!tpu.dma_semaphore, #tpu.memory_space<semaphore_mem>>) src(%dma_wait3A_1025 : memref<1000000x32xf32, #tpu.memory_space<hbm>>) dst(%dma_wait3A_1020 : memref<640x32xf32, #tpu.memory_space<vmem>>)
    %add3A_1026 = arith.constant 12800 : i32
    %add3A_1027 = arith.addi %mul3A_2, %add3A_1026 : i32
    %dma_start3A_1028 = arith.constant 0 : i32
    %dma_start3A_1029 = arith.constant 0 : i32
    %dma_start3A_1030 = arith.constant 0 : i32
    %dma_start3A_1031 = tpu.memref_slice %arg6[%dma_start3A_1028, %dma_start3A_1029, %dma_start3A_1030] : memref<4x640x32xf32, #tpu.memory_space<vmem>> -> memref<1x640x32xf32, #tpu.memory_space<vmem>>
    %dma_start3A_1032 = tpu.memref_squeeze %dma_start3A_1031 : memref<1x640x32xf32, #tpu.memory_space<vmem>> -> memref<640x32xf32, #tpu.memory_space<vmem>>
    %dma_start3A_1033 = arith.constant 0 : i32
    %dma_start3A_1034 = tpu.memref_slice %arg4[%add3A_1027, %dma_start3A_1033] : memref<819200x32xf32, #tpu.memory_space<hbm>> -> memref<640x32xf32, #tpu.memory_space<hbm>>
    %dma_start3A_1035 = arith.constant 0 : i32
    %dma_start3A_1036 = tpu.memref_slice %arg4[%add3A_1027, %dma_start3A_1035] : memref<819200x32xf32, #tpu.memory_space<hbm>> -> memref<640x32xf32, #tpu.memory_space<hbm>>
    %dma_start3A_1037 = arith.constant 0 : i32
    %dma_start3A_1038 = arith.constant 0 : i32
    %dma_start3A_1039 = tpu.memref_slice %arg6[%dma_start3A_1028, %dma_start3A_1037, %dma_start3A_1038] : memref<4x640x32xf32, #tpu.memory_space<vmem>> -> memref<1x640x32xf32, #tpu.memory_space<vmem>>
    %dma_start3A_1040 = tpu.memref_squeeze %dma_start3A_1039 : memref<1x640x32xf32, #tpu.memory_space<vmem>> -> memref<640x32xf32, #tpu.memory_space<vmem>>
    tpu.enqueue_dma source(%dma_start3A_1040 : memref<640x32xf32, #tpu.memory_space<vmem>>) target(%dma_start3A_1036 : memref<640x32xf32, #tpu.memory_space<hbm>>) target_semaphore(%arg11 : memref<!tpu.dma_semaphore, #tpu.memory_space<semaphore_mem>>)
    %add3A_1041 = arith.constant 12160 : i32
    %add3A_1042 = arith.addi %mul3A_2, %add3A_1041 : i32
    %dma_wait3A_1043 = arith.constant 3 : i32
    %dma_wait3A_1044 = arith.constant 0 : i32
    %dma_wait3A_1045 = arith.constant 0 : i32
    %dma_wait3A_1046 = tpu.memref_slice %arg6[%dma_wait3A_1043, %dma_wait3A_1044, %dma_wait3A_1045] : memref<4x640x32xf32, #tpu.memory_space<vmem>> -> memref<1x640x32xf32, #tpu.memory_space<vmem>>
    %dma_wait3A_1047 = tpu.memref_squeeze %dma_wait3A_1046 : memref<1x640x32xf32, #tpu.memory_space<vmem>> -> memref<640x32xf32, #tpu.memory_space<vmem>>
    %dma_wait3A_1048 = arith.constant 0 : i32
    %dma_wait3A_1049 = tpu.memref_slice %arg4[%add3A_1042, %dma_wait3A_1048] : memref<819200x32xf32, #tpu.memory_space<hbm>> -> memref<640x32xf32, #tpu.memory_space<hbm>>
    %dma_wait3A_1050 = arith.constant 0 : i32
    %dma_wait3A_1051 = tpu.memref_slice %arg4[%add3A_1042, %dma_wait3A_1050] : memref<819200x32xf32, #tpu.memory_space<hbm>> -> memref<640x32xf32, #tpu.memory_space<hbm>>
    %dma_wait3A_1052 = arith.constant 0 : i32
    %dma_wait3A_1053 = arith.constant 0 : i32
    %dma_wait3A_1054 = tpu.memref_slice %arg6[%dma_wait3A_1043, %dma_wait3A_1052, %dma_wait3A_1053] : memref<4x640x32xf32, #tpu.memory_space<vmem>> -> memref<1x640x32xf32, #tpu.memory_space<vmem>>
    %dma_wait3A_1055 = tpu.memref_squeeze %dma_wait3A_1054 : memref<1x640x32xf32, #tpu.memory_space<vmem>> -> memref<640x32xf32, #tpu.memory_space<vmem>>
    tpu.wait_dma2 semaphore(%arg14 : memref<!tpu.dma_semaphore, #tpu.memory_space<semaphore_mem>>) src(%dma_wait3A_1055 : memref<640x32xf32, #tpu.memory_space<vmem>>) dst(%dma_wait3A_1051 : memref<640x32xf32, #tpu.memory_space<hbm>>)
    %dma_start3A_1056 = arith.constant 3 : i32
    %dma_start3A_1057 = arith.constant 0 : i32
    %dma_start3A_1058 = arith.constant 0 : i32
    %dma_start3A_1059 = tpu.memref_slice %arg6[%dma_start3A_1056, %dma_start3A_1057, %dma_start3A_1058] : memref<4x640x32xf32, #tpu.memory_space<vmem>> -> memref<1x640x32xf32, #tpu.memory_space<vmem>>
    %dma_start3A_1060 = tpu.memref_squeeze %dma_start3A_1059 : memref<1x640x32xf32, #tpu.memory_space<vmem>> -> memref<640x32xf32, #tpu.memory_space<vmem>>
    %dma_start3A_1061 = arith.constant 14720 : i32
    %dma_start3A_1062 = tpu.memref_slice %arg5[%dma_start3A_1061] : memref<25600xi32, #tpu.memory_space<vmem>> -> memref<640xi32, #tpu.memory_space<vmem>>
    %dma_start3A_1063 = arith.constant 0 : i32
    %dma_start3A_1064 = arith.constant 0 : i32
    %dma_start3A_1065 = tpu.memref_slice %arg2[%dma_start3A_1063, %dma_start3A_1064] : memref<1000000x32xf32, #tpu.memory_space<hbm>> -> memref<1000000x32xf32, #tpu.memory_space<hbm>>
    tpu.enqueue_indirect_dma source(%dma_start3A_1065 : memref<1000000x32xf32, #tpu.memory_space<hbm>>) target(%dma_start3A_1060 : memref<640x32xf32, #tpu.memory_space<vmem>>) offsets(%dma_start3A_1062 : memref<640xi32, #tpu.memory_space<vmem>>) semaphore(%arg10 : memref<!tpu.dma_semaphore, #tpu.memory_space<semaphore_mem>>)
    %dma_wait3A_1066 = arith.constant 1 : i32
    %dma_wait3A_1067 = arith.constant 0 : i32
    %dma_wait3A_1068 = arith.constant 0 : i32
    %dma_wait3A_1069 = tpu.memref_slice %arg6[%dma_wait3A_1066, %dma_wait3A_1067, %dma_wait3A_1068] : memref<4x640x32xf32, #tpu.memory_space<vmem>> -> memref<1x640x32xf32, #tpu.memory_space<vmem>>
    %dma_wait3A_1070 = tpu.memref_squeeze %dma_wait3A_1069 : memref<1x640x32xf32, #tpu.memory_space<vmem>> -> memref<640x32xf32, #tpu.memory_space<vmem>>
    %dma_wait3A_1071 = arith.constant 13440 : i32
    %dma_wait3A_1072 = tpu.memref_slice %arg5[%dma_wait3A_1071] : memref<25600xi32, #tpu.memory_space<vmem>> -> memref<640xi32, #tpu.memory_space<vmem>>
    %dma_wait3A_1073 = arith.constant 0 : i32
    %dma_wait3A_1074 = arith.constant 0 : i32
    %dma_wait3A_1075 = tpu.memref_slice %arg2[%dma_wait3A_1073, %dma_wait3A_1074] : memref<1000000x32xf32, #tpu.memory_space<hbm>> -> memref<1000000x32xf32, #tpu.memory_space<hbm>>
    tpu.wait_indirect_dma semaphore(%arg8 : memref<!tpu.dma_semaphore, #tpu.memory_space<semaphore_mem>>) src(%dma_wait3A_1075 : memref<1000000x32xf32, #tpu.memory_space<hbm>>) dst(%dma_wait3A_1070 : memref<640x32xf32, #tpu.memory_space<vmem>>)
    %add3A_1076 = arith.constant 13440 : i32
    %add3A_1077 = arith.addi %mul3A_2, %add3A_1076 : i32
    %dma_start3A_1078 = arith.constant 1 : i32
    %dma_start3A_1079 = arith.constant 0 : i32
    %dma_start3A_1080 = arith.constant 0 : i32
    %dma_start3A_1081 = tpu.memref_slice %arg6[%dma_start3A_1078, %dma_start3A_1079, %dma_start3A_1080] : memref<4x640x32xf32, #tpu.memory_space<vmem>> -> memref<1x640x32xf32, #tpu.memory_space<vmem>>
    %dma_start3A_1082 = tpu.memref_squeeze %dma_start3A_1081 : memref<1x640x32xf32, #tpu.memory_space<vmem>> -> memref<640x32xf32, #tpu.memory_space<vmem>>
    %dma_start3A_1083 = arith.constant 0 : i32
    %dma_start3A_1084 = tpu.memref_slice %arg4[%add3A_1077, %dma_start3A_1083] : memref<819200x32xf32, #tpu.memory_space<hbm>> -> memref<640x32xf32, #tpu.memory_space<hbm>>
    %dma_start3A_1085 = arith.constant 0 : i32
    %dma_start3A_1086 = tpu.memref_slice %arg4[%add3A_1077, %dma_start3A_1085] : memref<819200x32xf32, #tpu.memory_space<hbm>> -> memref<640x32xf32, #tpu.memory_space<hbm>>
    %dma_start3A_1087 = arith.constant 0 : i32
    %dma_start3A_1088 = arith.constant 0 : i32
    %dma_start3A_1089 = tpu.memref_slice %arg6[%dma_start3A_1078, %dma_start3A_1087, %dma_start3A_1088] : memref<4x640x32xf32, #tpu.memory_space<vmem>> -> memref<1x640x32xf32, #tpu.memory_space<vmem>>
    %dma_start3A_1090 = tpu.memref_squeeze %dma_start3A_1089 : memref<1x640x32xf32, #tpu.memory_space<vmem>> -> memref<640x32xf32, #tpu.memory_space<vmem>>
    tpu.enqueue_dma source(%dma_start3A_1090 : memref<640x32xf32, #tpu.memory_space<vmem>>) target(%dma_start3A_1086 : memref<640x32xf32, #tpu.memory_space<hbm>>) target_semaphore(%arg12 : memref<!tpu.dma_semaphore, #tpu.memory_space<semaphore_mem>>)
    %add3A_1091 = arith.constant 12800 : i32
    %add3A_1092 = arith.addi %mul3A_2, %add3A_1091 : i32
    %dma_wait3A_1093 = arith.constant 0 : i32
    %dma_wait3A_1094 = arith.constant 0 : i32
    %dma_wait3A_1095 = arith.constant 0 : i32
    %dma_wait3A_1096 = tpu.memref_slice %arg6[%dma_wait3A_1093, %dma_wait3A_1094, %dma_wait3A_1095] : memref<4x640x32xf32, #tpu.memory_space<vmem>> -> memref<1x640x32xf32, #tpu.memory_space<vmem>>
    %dma_wait3A_1097 = tpu.memref_squeeze %dma_wait3A_1096 : memref<1x640x32xf32, #tpu.memory_space<vmem>> -> memref<640x32xf32, #tpu.memory_space<vmem>>
    %dma_wait3A_1098 = arith.constant 0 : i32
    %dma_wait3A_1099 = tpu.memref_slice %arg4[%add3A_1092, %dma_wait3A_1098] : memref<819200x32xf32, #tpu.memory_space<hbm>> -> memref<640x32xf32, #tpu.memory_space<hbm>>
    %dma_wait3A_1100 = arith.constant 0 : i32
    %dma_wait3A_1101 = tpu.memref_slice %arg4[%add3A_1092, %dma_wait3A_1100] : memref<819200x32xf32, #tpu.memory_space<hbm>> -> memref<640x32xf32, #tpu.memory_space<hbm>>
    %dma_wait3A_1102 = arith.constant 0 : i32
    %dma_wait3A_1103 = arith.constant 0 : i32
    %dma_wait3A_1104 = tpu.memref_slice %arg6[%dma_wait3A_1093, %dma_wait3A_1102, %dma_wait3A_1103] : memref<4x640x32xf32, #tpu.memory_space<vmem>> -> memref<1x640x32xf32, #tpu.memory_space<vmem>>
    %dma_wait3A_1105 = tpu.memref_squeeze %dma_wait3A_1104 : memref<1x640x32xf32, #tpu.memory_space<vmem>> -> memref<640x32xf32, #tpu.memory_space<vmem>>
    tpu.wait_dma2 semaphore(%arg11 : memref<!tpu.dma_semaphore, #tpu.memory_space<semaphore_mem>>) src(%dma_wait3A_1105 : memref<640x32xf32, #tpu.memory_space<vmem>>) dst(%dma_wait3A_1101 : memref<640x32xf32, #tpu.memory_space<hbm>>)
    %dma_start3A_1106 = arith.constant 0 : i32
    %dma_start3A_1107 = arith.constant 0 : i32
    %dma_start3A_1108 = arith.constant 0 : i32
    %dma_start3A_1109 = tpu.memref_slice %arg6[%dma_start3A_1106, %dma_start3A_1107, %dma_start3A_1108] : memref<4x640x32xf32, #tpu.memory_space<vmem>> -> memref<1x640x32xf32, #tpu.memory_space<vmem>>
    %dma_start3A_1110 = tpu.memref_squeeze %dma_start3A_1109 : memref<1x640x32xf32, #tpu.memory_space<vmem>> -> memref<640x32xf32, #tpu.memory_space<vmem>>
    %dma_start3A_1111 = arith.constant 15360 : i32
    %dma_start3A_1112 = tpu.memref_slice %arg5[%dma_start3A_1111] : memref<25600xi32, #tpu.memory_space<vmem>> -> memref<640xi32, #tpu.memory_space<vmem>>
    %dma_start3A_1113 = arith.constant 0 : i32
    %dma_start3A_1114 = arith.constant 0 : i32
    %dma_start3A_1115 = tpu.memref_slice %arg2[%dma_start3A_1113, %dma_start3A_1114] : memref<1000000x32xf32, #tpu.memory_space<hbm>> -> memref<1000000x32xf32, #tpu.memory_space<hbm>>
    tpu.enqueue_indirect_dma source(%dma_start3A_1115 : memref<1000000x32xf32, #tpu.memory_space<hbm>>) target(%dma_start3A_1110 : memref<640x32xf32, #tpu.memory_space<vmem>>) offsets(%dma_start3A_1112 : memref<640xi32, #tpu.memory_space<vmem>>) semaphore(%arg7 : memref<!tpu.dma_semaphore, #tpu.memory_space<semaphore_mem>>)
    %dma_wait3A_1116 = arith.constant 2 : i32
    %dma_wait3A_1117 = arith.constant 0 : i32
    %dma_wait3A_1118 = arith.constant 0 : i32
    %dma_wait3A_1119 = tpu.memref_slice %arg6[%dma_wait3A_1116, %dma_wait3A_1117, %dma_wait3A_1118] : memref<4x640x32xf32, #tpu.memory_space<vmem>> -> memref<1x640x32xf32, #tpu.memory_space<vmem>>
    %dma_wait3A_1120 = tpu.memref_squeeze %dma_wait3A_1119 : memref<1x640x32xf32, #tpu.memory_space<vmem>> -> memref<640x32xf32, #tpu.memory_space<vmem>>
    %dma_wait3A_1121 = arith.constant 14080 : i32
    %dma_wait3A_1122 = tpu.memref_slice %arg5[%dma_wait3A_1121] : memref<25600xi32, #tpu.memory_space<vmem>> -> memref<640xi32, #tpu.memory_space<vmem>>
    %dma_wait3A_1123 = arith.constant 0 : i32
    %dma_wait3A_1124 = arith.constant 0 : i32
    %dma_wait3A_1125 = tpu.memref_slice %arg2[%dma_wait3A_1123, %dma_wait3A_1124] : memref<1000000x32xf32, #tpu.memory_space<hbm>> -> memref<1000000x32xf32, #tpu.memory_space<hbm>>
    tpu.wait_indirect_dma semaphore(%arg9 : memref<!tpu.dma_semaphore, #tpu.memory_space<semaphore_mem>>) src(%dma_wait3A_1125 : memref<1000000x32xf32, #tpu.memory_space<hbm>>) dst(%dma_wait3A_1120 : memref<640x32xf32, #tpu.memory_space<vmem>>)
    %add3A_1126 = arith.constant 14080 : i32
    %add3A_1127 = arith.addi %mul3A_2, %add3A_1126 : i32
    %dma_start3A_1128 = arith.constant 2 : i32
    %dma_start3A_1129 = arith.constant 0 : i32
    %dma_start3A_1130 = arith.constant 0 : i32
    %dma_start3A_1131 = tpu.memref_slice %arg6[%dma_start3A_1128, %dma_start3A_1129, %dma_start3A_1130] : memref<4x640x32xf32, #tpu.memory_space<vmem>> -> memref<1x640x32xf32, #tpu.memory_space<vmem>>
    %dma_start3A_1132 = tpu.memref_squeeze %dma_start3A_1131 : memref<1x640x32xf32, #tpu.memory_space<vmem>> -> memref<640x32xf32, #tpu.memory_space<vmem>>
    %dma_start3A_1133 = arith.constant 0 : i32
    %dma_start3A_1134 = tpu.memref_slice %arg4[%add3A_1127, %dma_start3A_1133] : memref<819200x32xf32, #tpu.memory_space<hbm>> -> memref<640x32xf32, #tpu.memory_space<hbm>>
    %dma_start3A_1135 = arith.constant 0 : i32
    %dma_start3A_1136 = tpu.memref_slice %arg4[%add3A_1127, %dma_start3A_1135] : memref<819200x32xf32, #tpu.memory_space<hbm>> -> memref<640x32xf32, #tpu.memory_space<hbm>>
    %dma_start3A_1137 = arith.constant 0 : i32
    %dma_start3A_1138 = arith.constant 0 : i32
    %dma_start3A_1139 = tpu.memref_slice %arg6[%dma_start3A_1128, %dma_start3A_1137, %dma_start3A_1138] : memref<4x640x32xf32, #tpu.memory_space<vmem>> -> memref<1x640x32xf32, #tpu.memory_space<vmem>>
    %dma_start3A_1140 = tpu.memref_squeeze %dma_start3A_1139 : memref<1x640x32xf32, #tpu.memory_space<vmem>> -> memref<640x32xf32, #tpu.memory_space<vmem>>
    tpu.enqueue_dma source(%dma_start3A_1140 : memref<640x32xf32, #tpu.memory_space<vmem>>) target(%dma_start3A_1136 : memref<640x32xf32, #tpu.memory_space<hbm>>) target_semaphore(%arg13 : memref<!tpu.dma_semaphore, #tpu.memory_space<semaphore_mem>>)
    %add3A_1141 = arith.constant 13440 : i32
    %add3A_1142 = arith.addi %mul3A_2, %add3A_1141 : i32
    %dma_wait3A_1143 = arith.constant 1 : i32
    %dma_wait3A_1144 = arith.constant 0 : i32
    %dma_wait3A_1145 = arith.constant 0 : i32
    %dma_wait3A_1146 = tpu.memref_slice %arg6[%dma_wait3A_1143, %dma_wait3A_1144, %dma_wait3A_1145] : memref<4x640x32xf32, #tpu.memory_space<vmem>> -> memref<1x640x32xf32, #tpu.memory_space<vmem>>
    %dma_wait3A_1147 = tpu.memref_squeeze %dma_wait3A_1146 : memref<1x640x32xf32, #tpu.memory_space<vmem>> -> memref<640x32xf32, #tpu.memory_space<vmem>>
    %dma_wait3A_1148 = arith.constant 0 : i32
    %dma_wait3A_1149 = tpu.memref_slice %arg4[%add3A_1142, %dma_wait3A_1148] : memref<819200x32xf32, #tpu.memory_space<hbm>> -> memref<640x32xf32, #tpu.memory_space<hbm>>
    %dma_wait3A_1150 = arith.constant 0 : i32
    %dma_wait3A_1151 = tpu.memref_slice %arg4[%add3A_1142, %dma_wait3A_1150] : memref<819200x32xf32, #tpu.memory_space<hbm>> -> memref<640x32xf32, #tpu.memory_space<hbm>>
    %dma_wait3A_1152 = arith.constant 0 : i32
    %dma_wait3A_1153 = arith.constant 0 : i32
    %dma_wait3A_1154 = tpu.memref_slice %arg6[%dma_wait3A_1143, %dma_wait3A_1152, %dma_wait3A_1153] : memref<4x640x32xf32, #tpu.memory_space<vmem>> -> memref<1x640x32xf32, #tpu.memory_space<vmem>>
    %dma_wait3A_1155 = tpu.memref_squeeze %dma_wait3A_1154 : memref<1x640x32xf32, #tpu.memory_space<vmem>> -> memref<640x32xf32, #tpu.memory_space<vmem>>
    tpu.wait_dma2 semaphore(%arg12 : memref<!tpu.dma_semaphore, #tpu.memory_space<semaphore_mem>>) src(%dma_wait3A_1155 : memref<640x32xf32, #tpu.memory_space<vmem>>) dst(%dma_wait3A_1151 : memref<640x32xf32, #tpu.memory_space<hbm>>)
    %dma_start3A_1156 = arith.constant 1 : i32
    %dma_start3A_1157 = arith.constant 0 : i32
    %dma_start3A_1158 = arith.constant 0 : i32
    %dma_start3A_1159 = tpu.memref_slice %arg6[%dma_start3A_1156, %dma_start3A_1157, %dma_start3A_1158] : memref<4x640x32xf32, #tpu.memory_space<vmem>> -> memref<1x640x32xf32, #tpu.memory_space<vmem>>
    %dma_start3A_1160 = tpu.memref_squeeze %dma_start3A_1159 : memref<1x640x32xf32, #tpu.memory_space<vmem>> -> memref<640x32xf32, #tpu.memory_space<vmem>>
    %dma_start3A_1161 = arith.constant 16000 : i32
    %dma_start3A_1162 = tpu.memref_slice %arg5[%dma_start3A_1161] : memref<25600xi32, #tpu.memory_space<vmem>> -> memref<640xi32, #tpu.memory_space<vmem>>
    %dma_start3A_1163 = arith.constant 0 : i32
    %dma_start3A_1164 = arith.constant 0 : i32
    %dma_start3A_1165 = tpu.memref_slice %arg2[%dma_start3A_1163, %dma_start3A_1164] : memref<1000000x32xf32, #tpu.memory_space<hbm>> -> memref<1000000x32xf32, #tpu.memory_space<hbm>>
    tpu.enqueue_indirect_dma source(%dma_start3A_1165 : memref<1000000x32xf32, #tpu.memory_space<hbm>>) target(%dma_start3A_1160 : memref<640x32xf32, #tpu.memory_space<vmem>>) offsets(%dma_start3A_1162 : memref<640xi32, #tpu.memory_space<vmem>>) semaphore(%arg8 : memref<!tpu.dma_semaphore, #tpu.memory_space<semaphore_mem>>)
    %dma_wait3A_1166 = arith.constant 3 : i32
    %dma_wait3A_1167 = arith.constant 0 : i32
    %dma_wait3A_1168 = arith.constant 0 : i32
    %dma_wait3A_1169 = tpu.memref_slice %arg6[%dma_wait3A_1166, %dma_wait3A_1167, %dma_wait3A_1168] : memref<4x640x32xf32, #tpu.memory_space<vmem>> -> memref<1x640x32xf32, #tpu.memory_space<vmem>>
    %dma_wait3A_1170 = tpu.memref_squeeze %dma_wait3A_1169 : memref<1x640x32xf32, #tpu.memory_space<vmem>> -> memref<640x32xf32, #tpu.memory_space<vmem>>
    %dma_wait3A_1171 = arith.constant 14720 : i32
    %dma_wait3A_1172 = tpu.memref_slice %arg5[%dma_wait3A_1171] : memref<25600xi32, #tpu.memory_space<vmem>> -> memref<640xi32, #tpu.memory_space<vmem>>
    %dma_wait3A_1173 = arith.constant 0 : i32
    %dma_wait3A_1174 = arith.constant 0 : i32
    %dma_wait3A_1175 = tpu.memref_slice %arg2[%dma_wait3A_1173, %dma_wait3A_1174] : memref<1000000x32xf32, #tpu.memory_space<hbm>> -> memref<1000000x32xf32, #tpu.memory_space<hbm>>
    tpu.wait_indirect_dma semaphore(%arg10 : memref<!tpu.dma_semaphore, #tpu.memory_space<semaphore_mem>>) src(%dma_wait3A_1175 : memref<1000000x32xf32, #tpu.memory_space<hbm>>) dst(%dma_wait3A_1170 : memref<640x32xf32, #tpu.memory_space<vmem>>)
    %add3A_1176 = arith.constant 14720 : i32
    %add3A_1177 = arith.addi %mul3A_2, %add3A_1176 : i32
    %dma_start3A_1178 = arith.constant 3 : i32
    %dma_start3A_1179 = arith.constant 0 : i32
    %dma_start3A_1180 = arith.constant 0 : i32
    %dma_start3A_1181 = tpu.memref_slice %arg6[%dma_start3A_1178, %dma_start3A_1179, %dma_start3A_1180] : memref<4x640x32xf32, #tpu.memory_space<vmem>> -> memref<1x640x32xf32, #tpu.memory_space<vmem>>
    %dma_start3A_1182 = tpu.memref_squeeze %dma_start3A_1181 : memref<1x640x32xf32, #tpu.memory_space<vmem>> -> memref<640x32xf32, #tpu.memory_space<vmem>>
    %dma_start3A_1183 = arith.constant 0 : i32
    %dma_start3A_1184 = tpu.memref_slice %arg4[%add3A_1177, %dma_start3A_1183] : memref<819200x32xf32, #tpu.memory_space<hbm>> -> memref<640x32xf32, #tpu.memory_space<hbm>>
    %dma_start3A_1185 = arith.constant 0 : i32
    %dma_start3A_1186 = tpu.memref_slice %arg4[%add3A_1177, %dma_start3A_1185] : memref<819200x32xf32, #tpu.memory_space<hbm>> -> memref<640x32xf32, #tpu.memory_space<hbm>>
    %dma_start3A_1187 = arith.constant 0 : i32
    %dma_start3A_1188 = arith.constant 0 : i32
    %dma_start3A_1189 = tpu.memref_slice %arg6[%dma_start3A_1178, %dma_start3A_1187, %dma_start3A_1188] : memref<4x640x32xf32, #tpu.memory_space<vmem>> -> memref<1x640x32xf32, #tpu.memory_space<vmem>>
    %dma_start3A_1190 = tpu.memref_squeeze %dma_start3A_1189 : memref<1x640x32xf32, #tpu.memory_space<vmem>> -> memref<640x32xf32, #tpu.memory_space<vmem>>
    tpu.enqueue_dma source(%dma_start3A_1190 : memref<640x32xf32, #tpu.memory_space<vmem>>) target(%dma_start3A_1186 : memref<640x32xf32, #tpu.memory_space<hbm>>) target_semaphore(%arg14 : memref<!tpu.dma_semaphore, #tpu.memory_space<semaphore_mem>>)
    %add3A_1191 = arith.constant 14080 : i32
    %add3A_1192 = arith.addi %mul3A_2, %add3A_1191 : i32
    %dma_wait3A_1193 = arith.constant 2 : i32
    %dma_wait3A_1194 = arith.constant 0 : i32
    %dma_wait3A_1195 = arith.constant 0 : i32
    %dma_wait3A_1196 = tpu.memref_slice %arg6[%dma_wait3A_1193, %dma_wait3A_1194, %dma_wait3A_1195] : memref<4x640x32xf32, #tpu.memory_space<vmem>> -> memref<1x640x32xf32, #tpu.memory_space<vmem>>
    %dma_wait3A_1197 = tpu.memref_squeeze %dma_wait3A_1196 : memref<1x640x32xf32, #tpu.memory_space<vmem>> -> memref<640x32xf32, #tpu.memory_space<vmem>>
    %dma_wait3A_1198 = arith.constant 0 : i32
    %dma_wait3A_1199 = tpu.memref_slice %arg4[%add3A_1192, %dma_wait3A_1198] : memref<819200x32xf32, #tpu.memory_space<hbm>> -> memref<640x32xf32, #tpu.memory_space<hbm>>
    %dma_wait3A_1200 = arith.constant 0 : i32
    %dma_wait3A_1201 = tpu.memref_slice %arg4[%add3A_1192, %dma_wait3A_1200] : memref<819200x32xf32, #tpu.memory_space<hbm>> -> memref<640x32xf32, #tpu.memory_space<hbm>>
    %dma_wait3A_1202 = arith.constant 0 : i32
    %dma_wait3A_1203 = arith.constant 0 : i32
    %dma_wait3A_1204 = tpu.memref_slice %arg6[%dma_wait3A_1193, %dma_wait3A_1202, %dma_wait3A_1203] : memref<4x640x32xf32, #tpu.memory_space<vmem>> -> memref<1x640x32xf32, #tpu.memory_space<vmem>>
    %dma_wait3A_1205 = tpu.memref_squeeze %dma_wait3A_1204 : memref<1x640x32xf32, #tpu.memory_space<vmem>> -> memref<640x32xf32, #tpu.memory_space<vmem>>
    tpu.wait_dma2 semaphore(%arg13 : memref<!tpu.dma_semaphore, #tpu.memory_space<semaphore_mem>>) src(%dma_wait3A_1205 : memref<640x32xf32, #tpu.memory_space<vmem>>) dst(%dma_wait3A_1201 : memref<640x32xf32, #tpu.memory_space<hbm>>)
    %dma_start3A_1206 = arith.constant 2 : i32
    %dma_start3A_1207 = arith.constant 0 : i32
    %dma_start3A_1208 = arith.constant 0 : i32
    %dma_start3A_1209 = tpu.memref_slice %arg6[%dma_start3A_1206, %dma_start3A_1207, %dma_start3A_1208] : memref<4x640x32xf32, #tpu.memory_space<vmem>> -> memref<1x640x32xf32, #tpu.memory_space<vmem>>
    %dma_start3A_1210 = tpu.memref_squeeze %dma_start3A_1209 : memref<1x640x32xf32, #tpu.memory_space<vmem>> -> memref<640x32xf32, #tpu.memory_space<vmem>>
    %dma_start3A_1211 = arith.constant 16640 : i32
    %dma_start3A_1212 = tpu.memref_slice %arg5[%dma_start3A_1211] : memref<25600xi32, #tpu.memory_space<vmem>> -> memref<640xi32, #tpu.memory_space<vmem>>
    %dma_start3A_1213 = arith.constant 0 : i32
    %dma_start3A_1214 = arith.constant 0 : i32
    %dma_start3A_1215 = tpu.memref_slice %arg2[%dma_start3A_1213, %dma_start3A_1214] : memref<1000000x32xf32, #tpu.memory_space<hbm>> -> memref<1000000x32xf32, #tpu.memory_space<hbm>>
    tpu.enqueue_indirect_dma source(%dma_start3A_1215 : memref<1000000x32xf32, #tpu.memory_space<hbm>>) target(%dma_start3A_1210 : memref<640x32xf32, #tpu.memory_space<vmem>>) offsets(%dma_start3A_1212 : memref<640xi32, #tpu.memory_space<vmem>>) semaphore(%arg9 : memref<!tpu.dma_semaphore, #tpu.memory_space<semaphore_mem>>)
    %dma_wait3A_1216 = arith.constant 0 : i32
    %dma_wait3A_1217 = arith.constant 0 : i32
    %dma_wait3A_1218 = arith.constant 0 : i32
    %dma_wait3A_1219 = tpu.memref_slice %arg6[%dma_wait3A_1216, %dma_wait3A_1217, %dma_wait3A_1218] : memref<4x640x32xf32, #tpu.memory_space<vmem>> -> memref<1x640x32xf32, #tpu.memory_space<vmem>>
    %dma_wait3A_1220 = tpu.memref_squeeze %dma_wait3A_1219 : memref<1x640x32xf32, #tpu.memory_space<vmem>> -> memref<640x32xf32, #tpu.memory_space<vmem>>
    %dma_wait3A_1221 = arith.constant 15360 : i32
    %dma_wait3A_1222 = tpu.memref_slice %arg5[%dma_wait3A_1221] : memref<25600xi32, #tpu.memory_space<vmem>> -> memref<640xi32, #tpu.memory_space<vmem>>
    %dma_wait3A_1223 = arith.constant 0 : i32
    %dma_wait3A_1224 = arith.constant 0 : i32
    %dma_wait3A_1225 = tpu.memref_slice %arg2[%dma_wait3A_1223, %dma_wait3A_1224] : memref<1000000x32xf32, #tpu.memory_space<hbm>> -> memref<1000000x32xf32, #tpu.memory_space<hbm>>
    tpu.wait_indirect_dma semaphore(%arg7 : memref<!tpu.dma_semaphore, #tpu.memory_space<semaphore_mem>>) src(%dma_wait3A_1225 : memref<1000000x32xf32, #tpu.memory_space<hbm>>) dst(%dma_wait3A_1220 : memref<640x32xf32, #tpu.memory_space<vmem>>)
    %add3A_1226 = arith.constant 15360 : i32
    %add3A_1227 = arith.addi %mul3A_2, %add3A_1226 : i32
    %dma_start3A_1228 = arith.constant 0 : i32
    %dma_start3A_1229 = arith.constant 0 : i32
    %dma_start3A_1230 = arith.constant 0 : i32
    %dma_start3A_1231 = tpu.memref_slice %arg6[%dma_start3A_1228, %dma_start3A_1229, %dma_start3A_1230] : memref<4x640x32xf32, #tpu.memory_space<vmem>> -> memref<1x640x32xf32, #tpu.memory_space<vmem>>
    %dma_start3A_1232 = tpu.memref_squeeze %dma_start3A_1231 : memref<1x640x32xf32, #tpu.memory_space<vmem>> -> memref<640x32xf32, #tpu.memory_space<vmem>>
    %dma_start3A_1233 = arith.constant 0 : i32
    %dma_start3A_1234 = tpu.memref_slice %arg4[%add3A_1227, %dma_start3A_1233] : memref<819200x32xf32, #tpu.memory_space<hbm>> -> memref<640x32xf32, #tpu.memory_space<hbm>>
    %dma_start3A_1235 = arith.constant 0 : i32
    %dma_start3A_1236 = tpu.memref_slice %arg4[%add3A_1227, %dma_start3A_1235] : memref<819200x32xf32, #tpu.memory_space<hbm>> -> memref<640x32xf32, #tpu.memory_space<hbm>>
    %dma_start3A_1237 = arith.constant 0 : i32
    %dma_start3A_1238 = arith.constant 0 : i32
    %dma_start3A_1239 = tpu.memref_slice %arg6[%dma_start3A_1228, %dma_start3A_1237, %dma_start3A_1238] : memref<4x640x32xf32, #tpu.memory_space<vmem>> -> memref<1x640x32xf32, #tpu.memory_space<vmem>>
    %dma_start3A_1240 = tpu.memref_squeeze %dma_start3A_1239 : memref<1x640x32xf32, #tpu.memory_space<vmem>> -> memref<640x32xf32, #tpu.memory_space<vmem>>
    tpu.enqueue_dma source(%dma_start3A_1240 : memref<640x32xf32, #tpu.memory_space<vmem>>) target(%dma_start3A_1236 : memref<640x32xf32, #tpu.memory_space<hbm>>) target_semaphore(%arg11 : memref<!tpu.dma_semaphore, #tpu.memory_space<semaphore_mem>>)
    %add3A_1241 = arith.constant 14720 : i32
    %add3A_1242 = arith.addi %mul3A_2, %add3A_1241 : i32
    %dma_wait3A_1243 = arith.constant 3 : i32
    %dma_wait3A_1244 = arith.constant 0 : i32
    %dma_wait3A_1245 = arith.constant 0 : i32
    %dma_wait3A_1246 = tpu.memref_slice %arg6[%dma_wait3A_1243, %dma_wait3A_1244, %dma_wait3A_1245] : memref<4x640x32xf32, #tpu.memory_space<vmem>> -> memref<1x640x32xf32, #tpu.memory_space<vmem>>
    %dma_wait3A_1247 = tpu.memref_squeeze %dma_wait3A_1246 : memref<1x640x32xf32, #tpu.memory_space<vmem>> -> memref<640x32xf32, #tpu.memory_space<vmem>>
    %dma_wait3A_1248 = arith.constant 0 : i32
    %dma_wait3A_1249 = tpu.memref_slice %arg4[%add3A_1242, %dma_wait3A_1248] : memref<819200x32xf32, #tpu.memory_space<hbm>> -> memref<640x32xf32, #tpu.memory_space<hbm>>
    %dma_wait3A_1250 = arith.constant 0 : i32
    %dma_wait3A_1251 = tpu.memref_slice %arg4[%add3A_1242, %dma_wait3A_1250] : memref<819200x32xf32, #tpu.memory_space<hbm>> -> memref<640x32xf32, #tpu.memory_space<hbm>>
    %dma_wait3A_1252 = arith.constant 0 : i32
    %dma_wait3A_1253 = arith.constant 0 : i32
    %dma_wait3A_1254 = tpu.memref_slice %arg6[%dma_wait3A_1243, %dma_wait3A_1252, %dma_wait3A_1253] : memref<4x640x32xf32, #tpu.memory_space<vmem>> -> memref<1x640x32xf32, #tpu.memory_space<vmem>>
    %dma_wait3A_1255 = tpu.memref_squeeze %dma_wait3A_1254 : memref<1x640x32xf32, #tpu.memory_space<vmem>> -> memref<640x32xf32, #tpu.memory_space<vmem>>
    tpu.wait_dma2 semaphore(%arg14 : memref<!tpu.dma_semaphore, #tpu.memory_space<semaphore_mem>>) src(%dma_wait3A_1255 : memref<640x32xf32, #tpu.memory_space<vmem>>) dst(%dma_wait3A_1251 : memref<640x32xf32, #tpu.memory_space<hbm>>)
    %dma_start3A_1256 = arith.constant 3 : i32
    %dma_start3A_1257 = arith.constant 0 : i32
    %dma_start3A_1258 = arith.constant 0 : i32
    %dma_start3A_1259 = tpu.memref_slice %arg6[%dma_start3A_1256, %dma_start3A_1257, %dma_start3A_1258] : memref<4x640x32xf32, #tpu.memory_space<vmem>> -> memref<1x640x32xf32, #tpu.memory_space<vmem>>
    %dma_start3A_1260 = tpu.memref_squeeze %dma_start3A_1259 : memref<1x640x32xf32, #tpu.memory_space<vmem>> -> memref<640x32xf32, #tpu.memory_space<vmem>>
    %dma_start3A_1261 = arith.constant 17280 : i32
    %dma_start3A_1262 = tpu.memref_slice %arg5[%dma_start3A_1261] : memref<25600xi32, #tpu.memory_space<vmem>> -> memref<640xi32, #tpu.memory_space<vmem>>
    %dma_start3A_1263 = arith.constant 0 : i32
    %dma_start3A_1264 = arith.constant 0 : i32
    %dma_start3A_1265 = tpu.memref_slice %arg2[%dma_start3A_1263, %dma_start3A_1264] : memref<1000000x32xf32, #tpu.memory_space<hbm>> -> memref<1000000x32xf32, #tpu.memory_space<hbm>>
    tpu.enqueue_indirect_dma source(%dma_start3A_1265 : memref<1000000x32xf32, #tpu.memory_space<hbm>>) target(%dma_start3A_1260 : memref<640x32xf32, #tpu.memory_space<vmem>>) offsets(%dma_start3A_1262 : memref<640xi32, #tpu.memory_space<vmem>>) semaphore(%arg10 : memref<!tpu.dma_semaphore, #tpu.memory_space<semaphore_mem>>)
    %dma_wait3A_1266 = arith.constant 1 : i32
    %dma_wait3A_1267 = arith.constant 0 : i32
    %dma_wait3A_1268 = arith.constant 0 : i32
    %dma_wait3A_1269 = tpu.memref_slice %arg6[%dma_wait3A_1266, %dma_wait3A_1267, %dma_wait3A_1268] : memref<4x640x32xf32, #tpu.memory_space<vmem>> -> memref<1x640x32xf32, #tpu.memory_space<vmem>>
    %dma_wait3A_1270 = tpu.memref_squeeze %dma_wait3A_1269 : memref<1x640x32xf32, #tpu.memory_space<vmem>> -> memref<640x32xf32, #tpu.memory_space<vmem>>
    %dma_wait3A_1271 = arith.constant 16000 : i32
    %dma_wait3A_1272 = tpu.memref_slice %arg5[%dma_wait3A_1271] : memref<25600xi32, #tpu.memory_space<vmem>> -> memref<640xi32, #tpu.memory_space<vmem>>
    %dma_wait3A_1273 = arith.constant 0 : i32
    %dma_wait3A_1274 = arith.constant 0 : i32
    %dma_wait3A_1275 = tpu.memref_slice %arg2[%dma_wait3A_1273, %dma_wait3A_1274] : memref<1000000x32xf32, #tpu.memory_space<hbm>> -> memref<1000000x32xf32, #tpu.memory_space<hbm>>
    tpu.wait_indirect_dma semaphore(%arg8 : memref<!tpu.dma_semaphore, #tpu.memory_space<semaphore_mem>>) src(%dma_wait3A_1275 : memref<1000000x32xf32, #tpu.memory_space<hbm>>) dst(%dma_wait3A_1270 : memref<640x32xf32, #tpu.memory_space<vmem>>)
    %add3A_1276 = arith.constant 16000 : i32
    %add3A_1277 = arith.addi %mul3A_2, %add3A_1276 : i32
    %dma_start3A_1278 = arith.constant 1 : i32
    %dma_start3A_1279 = arith.constant 0 : i32
    %dma_start3A_1280 = arith.constant 0 : i32
    %dma_start3A_1281 = tpu.memref_slice %arg6[%dma_start3A_1278, %dma_start3A_1279, %dma_start3A_1280] : memref<4x640x32xf32, #tpu.memory_space<vmem>> -> memref<1x640x32xf32, #tpu.memory_space<vmem>>
    %dma_start3A_1282 = tpu.memref_squeeze %dma_start3A_1281 : memref<1x640x32xf32, #tpu.memory_space<vmem>> -> memref<640x32xf32, #tpu.memory_space<vmem>>
    %dma_start3A_1283 = arith.constant 0 : i32
    %dma_start3A_1284 = tpu.memref_slice %arg4[%add3A_1277, %dma_start3A_1283] : memref<819200x32xf32, #tpu.memory_space<hbm>> -> memref<640x32xf32, #tpu.memory_space<hbm>>
    %dma_start3A_1285 = arith.constant 0 : i32
    %dma_start3A_1286 = tpu.memref_slice %arg4[%add3A_1277, %dma_start3A_1285] : memref<819200x32xf32, #tpu.memory_space<hbm>> -> memref<640x32xf32, #tpu.memory_space<hbm>>
    %dma_start3A_1287 = arith.constant 0 : i32
    %dma_start3A_1288 = arith.constant 0 : i32
    %dma_start3A_1289 = tpu.memref_slice %arg6[%dma_start3A_1278, %dma_start3A_1287, %dma_start3A_1288] : memref<4x640x32xf32, #tpu.memory_space<vmem>> -> memref<1x640x32xf32, #tpu.memory_space<vmem>>
    %dma_start3A_1290 = tpu.memref_squeeze %dma_start3A_1289 : memref<1x640x32xf32, #tpu.memory_space<vmem>> -> memref<640x32xf32, #tpu.memory_space<vmem>>
    tpu.enqueue_dma source(%dma_start3A_1290 : memref<640x32xf32, #tpu.memory_space<vmem>>) target(%dma_start3A_1286 : memref<640x32xf32, #tpu.memory_space<hbm>>) target_semaphore(%arg12 : memref<!tpu.dma_semaphore, #tpu.memory_space<semaphore_mem>>)
    %add3A_1291 = arith.constant 15360 : i32
    %add3A_1292 = arith.addi %mul3A_2, %add3A_1291 : i32
    %dma_wait3A_1293 = arith.constant 0 : i32
    %dma_wait3A_1294 = arith.constant 0 : i32
    %dma_wait3A_1295 = arith.constant 0 : i32
    %dma_wait3A_1296 = tpu.memref_slice %arg6[%dma_wait3A_1293, %dma_wait3A_1294, %dma_wait3A_1295] : memref<4x640x32xf32, #tpu.memory_space<vmem>> -> memref<1x640x32xf32, #tpu.memory_space<vmem>>
    %dma_wait3A_1297 = tpu.memref_squeeze %dma_wait3A_1296 : memref<1x640x32xf32, #tpu.memory_space<vmem>> -> memref<640x32xf32, #tpu.memory_space<vmem>>
    %dma_wait3A_1298 = arith.constant 0 : i32
    %dma_wait3A_1299 = tpu.memref_slice %arg4[%add3A_1292, %dma_wait3A_1298] : memref<819200x32xf32, #tpu.memory_space<hbm>> -> memref<640x32xf32, #tpu.memory_space<hbm>>
    %dma_wait3A_1300 = arith.constant 0 : i32
    %dma_wait3A_1301 = tpu.memref_slice %arg4[%add3A_1292, %dma_wait3A_1300] : memref<819200x32xf32, #tpu.memory_space<hbm>> -> memref<640x32xf32, #tpu.memory_space<hbm>>
    %dma_wait3A_1302 = arith.constant 0 : i32
    %dma_wait3A_1303 = arith.constant 0 : i32
    %dma_wait3A_1304 = tpu.memref_slice %arg6[%dma_wait3A_1293, %dma_wait3A_1302, %dma_wait3A_1303] : memref<4x640x32xf32, #tpu.memory_space<vmem>> -> memref<1x640x32xf32, #tpu.memory_space<vmem>>
    %dma_wait3A_1305 = tpu.memref_squeeze %dma_wait3A_1304 : memref<1x640x32xf32, #tpu.memory_space<vmem>> -> memref<640x32xf32, #tpu.memory_space<vmem>>
    tpu.wait_dma2 semaphore(%arg11 : memref<!tpu.dma_semaphore, #tpu.memory_space<semaphore_mem>>) src(%dma_wait3A_1305 : memref<640x32xf32, #tpu.memory_space<vmem>>) dst(%dma_wait3A_1301 : memref<640x32xf32, #tpu.memory_space<hbm>>)
    %dma_start3A_1306 = arith.constant 0 : i32
    %dma_start3A_1307 = arith.constant 0 : i32
    %dma_start3A_1308 = arith.constant 0 : i32
    %dma_start3A_1309 = tpu.memref_slice %arg6[%dma_start3A_1306, %dma_start3A_1307, %dma_start3A_1308] : memref<4x640x32xf32, #tpu.memory_space<vmem>> -> memref<1x640x32xf32, #tpu.memory_space<vmem>>
    %dma_start3A_1310 = tpu.memref_squeeze %dma_start3A_1309 : memref<1x640x32xf32, #tpu.memory_space<vmem>> -> memref<640x32xf32, #tpu.memory_space<vmem>>
    %dma_start3A_1311 = arith.constant 17920 : i32
    %dma_start3A_1312 = tpu.memref_slice %arg5[%dma_start3A_1311] : memref<25600xi32, #tpu.memory_space<vmem>> -> memref<640xi32, #tpu.memory_space<vmem>>
    %dma_start3A_1313 = arith.constant 0 : i32
    %dma_start3A_1314 = arith.constant 0 : i32
    %dma_start3A_1315 = tpu.memref_slice %arg2[%dma_start3A_1313, %dma_start3A_1314] : memref<1000000x32xf32, #tpu.memory_space<hbm>> -> memref<1000000x32xf32, #tpu.memory_space<hbm>>
    tpu.enqueue_indirect_dma source(%dma_start3A_1315 : memref<1000000x32xf32, #tpu.memory_space<hbm>>) target(%dma_start3A_1310 : memref<640x32xf32, #tpu.memory_space<vmem>>) offsets(%dma_start3A_1312 : memref<640xi32, #tpu.memory_space<vmem>>) semaphore(%arg7 : memref<!tpu.dma_semaphore, #tpu.memory_space<semaphore_mem>>)
    %dma_wait3A_1316 = arith.constant 2 : i32
    %dma_wait3A_1317 = arith.constant 0 : i32
    %dma_wait3A_1318 = arith.constant 0 : i32
    %dma_wait3A_1319 = tpu.memref_slice %arg6[%dma_wait3A_1316, %dma_wait3A_1317, %dma_wait3A_1318] : memref<4x640x32xf32, #tpu.memory_space<vmem>> -> memref<1x640x32xf32, #tpu.memory_space<vmem>>
    %dma_wait3A_1320 = tpu.memref_squeeze %dma_wait3A_1319 : memref<1x640x32xf32, #tpu.memory_space<vmem>> -> memref<640x32xf32, #tpu.memory_space<vmem>>
    %dma_wait3A_1321 = arith.constant 16640 : i32
    %dma_wait3A_1322 = tpu.memref_slice %arg5[%dma_wait3A_1321] : memref<25600xi32, #tpu.memory_space<vmem>> -> memref<640xi32, #tpu.memory_space<vmem>>
    %dma_wait3A_1323 = arith.constant 0 : i32
    %dma_wait3A_1324 = arith.constant 0 : i32
    %dma_wait3A_1325 = tpu.memref_slice %arg2[%dma_wait3A_1323, %dma_wait3A_1324] : memref<1000000x32xf32, #tpu.memory_space<hbm>> -> memref<1000000x32xf32, #tpu.memory_space<hbm>>
    tpu.wait_indirect_dma semaphore(%arg9 : memref<!tpu.dma_semaphore, #tpu.memory_space<semaphore_mem>>) src(%dma_wait3A_1325 : memref<1000000x32xf32, #tpu.memory_space<hbm>>) dst(%dma_wait3A_1320 : memref<640x32xf32, #tpu.memory_space<vmem>>)
    %add3A_1326 = arith.constant 16640 : i32
    %add3A_1327 = arith.addi %mul3A_2, %add3A_1326 : i32
    %dma_start3A_1328 = arith.constant 2 : i32
    %dma_start3A_1329 = arith.constant 0 : i32
    %dma_start3A_1330 = arith.constant 0 : i32
    %dma_start3A_1331 = tpu.memref_slice %arg6[%dma_start3A_1328, %dma_start3A_1329, %dma_start3A_1330] : memref<4x640x32xf32, #tpu.memory_space<vmem>> -> memref<1x640x32xf32, #tpu.memory_space<vmem>>
    %dma_start3A_1332 = tpu.memref_squeeze %dma_start3A_1331 : memref<1x640x32xf32, #tpu.memory_space<vmem>> -> memref<640x32xf32, #tpu.memory_space<vmem>>
    %dma_start3A_1333 = arith.constant 0 : i32
    %dma_start3A_1334 = tpu.memref_slice %arg4[%add3A_1327, %dma_start3A_1333] : memref<819200x32xf32, #tpu.memory_space<hbm>> -> memref<640x32xf32, #tpu.memory_space<hbm>>
    %dma_start3A_1335 = arith.constant 0 : i32
    %dma_start3A_1336 = tpu.memref_slice %arg4[%add3A_1327, %dma_start3A_1335] : memref<819200x32xf32, #tpu.memory_space<hbm>> -> memref<640x32xf32, #tpu.memory_space<hbm>>
    %dma_start3A_1337 = arith.constant 0 : i32
    %dma_start3A_1338 = arith.constant 0 : i32
    %dma_start3A_1339 = tpu.memref_slice %arg6[%dma_start3A_1328, %dma_start3A_1337, %dma_start3A_1338] : memref<4x640x32xf32, #tpu.memory_space<vmem>> -> memref<1x640x32xf32, #tpu.memory_space<vmem>>
    %dma_start3A_1340 = tpu.memref_squeeze %dma_start3A_1339 : memref<1x640x32xf32, #tpu.memory_space<vmem>> -> memref<640x32xf32, #tpu.memory_space<vmem>>
    tpu.enqueue_dma source(%dma_start3A_1340 : memref<640x32xf32, #tpu.memory_space<vmem>>) target(%dma_start3A_1336 : memref<640x32xf32, #tpu.memory_space<hbm>>) target_semaphore(%arg13 : memref<!tpu.dma_semaphore, #tpu.memory_space<semaphore_mem>>)
    %add3A_1341 = arith.constant 16000 : i32
    %add3A_1342 = arith.addi %mul3A_2, %add3A_1341 : i32
    %dma_wait3A_1343 = arith.constant 1 : i32
    %dma_wait3A_1344 = arith.constant 0 : i32
    %dma_wait3A_1345 = arith.constant 0 : i32
    %dma_wait3A_1346 = tpu.memref_slice %arg6[%dma_wait3A_1343, %dma_wait3A_1344, %dma_wait3A_1345] : memref<4x640x32xf32, #tpu.memory_space<vmem>> -> memref<1x640x32xf32, #tpu.memory_space<vmem>>
    %dma_wait3A_1347 = tpu.memref_squeeze %dma_wait3A_1346 : memref<1x640x32xf32, #tpu.memory_space<vmem>> -> memref<640x32xf32, #tpu.memory_space<vmem>>
    %dma_wait3A_1348 = arith.constant 0 : i32
    %dma_wait3A_1349 = tpu.memref_slice %arg4[%add3A_1342, %dma_wait3A_1348] : memref<819200x32xf32, #tpu.memory_space<hbm>> -> memref<640x32xf32, #tpu.memory_space<hbm>>
    %dma_wait3A_1350 = arith.constant 0 : i32
    %dma_wait3A_1351 = tpu.memref_slice %arg4[%add3A_1342, %dma_wait3A_1350] : memref<819200x32xf32, #tpu.memory_space<hbm>> -> memref<640x32xf32, #tpu.memory_space<hbm>>
    %dma_wait3A_1352 = arith.constant 0 : i32
    %dma_wait3A_1353 = arith.constant 0 : i32
    %dma_wait3A_1354 = tpu.memref_slice %arg6[%dma_wait3A_1343, %dma_wait3A_1352, %dma_wait3A_1353] : memref<4x640x32xf32, #tpu.memory_space<vmem>> -> memref<1x640x32xf32, #tpu.memory_space<vmem>>
    %dma_wait3A_1355 = tpu.memref_squeeze %dma_wait3A_1354 : memref<1x640x32xf32, #tpu.memory_space<vmem>> -> memref<640x32xf32, #tpu.memory_space<vmem>>
    tpu.wait_dma2 semaphore(%arg12 : memref<!tpu.dma_semaphore, #tpu.memory_space<semaphore_mem>>) src(%dma_wait3A_1355 : memref<640x32xf32, #tpu.memory_space<vmem>>) dst(%dma_wait3A_1351 : memref<640x32xf32, #tpu.memory_space<hbm>>)
    %dma_start3A_1356 = arith.constant 1 : i32
    %dma_start3A_1357 = arith.constant 0 : i32
    %dma_start3A_1358 = arith.constant 0 : i32
    %dma_start3A_1359 = tpu.memref_slice %arg6[%dma_start3A_1356, %dma_start3A_1357, %dma_start3A_1358] : memref<4x640x32xf32, #tpu.memory_space<vmem>> -> memref<1x640x32xf32, #tpu.memory_space<vmem>>
    %dma_start3A_1360 = tpu.memref_squeeze %dma_start3A_1359 : memref<1x640x32xf32, #tpu.memory_space<vmem>> -> memref<640x32xf32, #tpu.memory_space<vmem>>
    %dma_start3A_1361 = arith.constant 18560 : i32
    %dma_start3A_1362 = tpu.memref_slice %arg5[%dma_start3A_1361] : memref<25600xi32, #tpu.memory_space<vmem>> -> memref<640xi32, #tpu.memory_space<vmem>>
    %dma_start3A_1363 = arith.constant 0 : i32
    %dma_start3A_1364 = arith.constant 0 : i32
    %dma_start3A_1365 = tpu.memref_slice %arg2[%dma_start3A_1363, %dma_start3A_1364] : memref<1000000x32xf32, #tpu.memory_space<hbm>> -> memref<1000000x32xf32, #tpu.memory_space<hbm>>
    tpu.enqueue_indirect_dma source(%dma_start3A_1365 : memref<1000000x32xf32, #tpu.memory_space<hbm>>) target(%dma_start3A_1360 : memref<640x32xf32, #tpu.memory_space<vmem>>) offsets(%dma_start3A_1362 : memref<640xi32, #tpu.memory_space<vmem>>) semaphore(%arg8 : memref<!tpu.dma_semaphore, #tpu.memory_space<semaphore_mem>>)
    %dma_wait3A_1366 = arith.constant 3 : i32
    %dma_wait3A_1367 = arith.constant 0 : i32
    %dma_wait3A_1368 = arith.constant 0 : i32
    %dma_wait3A_1369 = tpu.memref_slice %arg6[%dma_wait3A_1366, %dma_wait3A_1367, %dma_wait3A_1368] : memref<4x640x32xf32, #tpu.memory_space<vmem>> -> memref<1x640x32xf32, #tpu.memory_space<vmem>>
    %dma_wait3A_1370 = tpu.memref_squeeze %dma_wait3A_1369 : memref<1x640x32xf32, #tpu.memory_space<vmem>> -> memref<640x32xf32, #tpu.memory_space<vmem>>
    %dma_wait3A_1371 = arith.constant 17280 : i32
    %dma_wait3A_1372 = tpu.memref_slice %arg5[%dma_wait3A_1371] : memref<25600xi32, #tpu.memory_space<vmem>> -> memref<640xi32, #tpu.memory_space<vmem>>
    %dma_wait3A_1373 = arith.constant 0 : i32
    %dma_wait3A_1374 = arith.constant 0 : i32
    %dma_wait3A_1375 = tpu.memref_slice %arg2[%dma_wait3A_1373, %dma_wait3A_1374] : memref<1000000x32xf32, #tpu.memory_space<hbm>> -> memref<1000000x32xf32, #tpu.memory_space<hbm>>
    tpu.wait_indirect_dma semaphore(%arg10 : memref<!tpu.dma_semaphore, #tpu.memory_space<semaphore_mem>>) src(%dma_wait3A_1375 : memref<1000000x32xf32, #tpu.memory_space<hbm>>) dst(%dma_wait3A_1370 : memref<640x32xf32, #tpu.memory_space<vmem>>)
    %add3A_1376 = arith.constant 17280 : i32
    %add3A_1377 = arith.addi %mul3A_2, %add3A_1376 : i32
    %dma_start3A_1378 = arith.constant 3 : i32
    %dma_start3A_1379 = arith.constant 0 : i32
    %dma_start3A_1380 = arith.constant 0 : i32
    %dma_start3A_1381 = tpu.memref_slice %arg6[%dma_start3A_1378, %dma_start3A_1379, %dma_start3A_1380] : memref<4x640x32xf32, #tpu.memory_space<vmem>> -> memref<1x640x32xf32, #tpu.memory_space<vmem>>
    %dma_start3A_1382 = tpu.memref_squeeze %dma_start3A_1381 : memref<1x640x32xf32, #tpu.memory_space<vmem>> -> memref<640x32xf32, #tpu.memory_space<vmem>>
    %dma_start3A_1383 = arith.constant 0 : i32
    %dma_start3A_1384 = tpu.memref_slice %arg4[%add3A_1377, %dma_start3A_1383] : memref<819200x32xf32, #tpu.memory_space<hbm>> -> memref<640x32xf32, #tpu.memory_space<hbm>>
    %dma_start3A_1385 = arith.constant 0 : i32
    %dma_start3A_1386 = tpu.memref_slice %arg4[%add3A_1377, %dma_start3A_1385] : memref<819200x32xf32, #tpu.memory_space<hbm>> -> memref<640x32xf32, #tpu.memory_space<hbm>>
    %dma_start3A_1387 = arith.constant 0 : i32
    %dma_start3A_1388 = arith.constant 0 : i32
    %dma_start3A_1389 = tpu.memref_slice %arg6[%dma_start3A_1378, %dma_start3A_1387, %dma_start3A_1388] : memref<4x640x32xf32, #tpu.memory_space<vmem>> -> memref<1x640x32xf32, #tpu.memory_space<vmem>>
    %dma_start3A_1390 = tpu.memref_squeeze %dma_start3A_1389 : memref<1x640x32xf32, #tpu.memory_space<vmem>> -> memref<640x32xf32, #tpu.memory_space<vmem>>
    tpu.enqueue_dma source(%dma_start3A_1390 : memref<640x32xf32, #tpu.memory_space<vmem>>) target(%dma_start3A_1386 : memref<640x32xf32, #tpu.memory_space<hbm>>) target_semaphore(%arg14 : memref<!tpu.dma_semaphore, #tpu.memory_space<semaphore_mem>>)
    %add3A_1391 = arith.constant 16640 : i32
    %add3A_1392 = arith.addi %mul3A_2, %add3A_1391 : i32
    %dma_wait3A_1393 = arith.constant 2 : i32
    %dma_wait3A_1394 = arith.constant 0 : i32
    %dma_wait3A_1395 = arith.constant 0 : i32
    %dma_wait3A_1396 = tpu.memref_slice %arg6[%dma_wait3A_1393, %dma_wait3A_1394, %dma_wait3A_1395] : memref<4x640x32xf32, #tpu.memory_space<vmem>> -> memref<1x640x32xf32, #tpu.memory_space<vmem>>
    %dma_wait3A_1397 = tpu.memref_squeeze %dma_wait3A_1396 : memref<1x640x32xf32, #tpu.memory_space<vmem>> -> memref<640x32xf32, #tpu.memory_space<vmem>>
    %dma_wait3A_1398 = arith.constant 0 : i32
    %dma_wait3A_1399 = tpu.memref_slice %arg4[%add3A_1392, %dma_wait3A_1398] : memref<819200x32xf32, #tpu.memory_space<hbm>> -> memref<640x32xf32, #tpu.memory_space<hbm>>
    %dma_wait3A_1400 = arith.constant 0 : i32
    %dma_wait3A_1401 = tpu.memref_slice %arg4[%add3A_1392, %dma_wait3A_1400] : memref<819200x32xf32, #tpu.memory_space<hbm>> -> memref<640x32xf32, #tpu.memory_space<hbm>>
    %dma_wait3A_1402 = arith.constant 0 : i32
    %dma_wait3A_1403 = arith.constant 0 : i32
    %dma_wait3A_1404 = tpu.memref_slice %arg6[%dma_wait3A_1393, %dma_wait3A_1402, %dma_wait3A_1403] : memref<4x640x32xf32, #tpu.memory_space<vmem>> -> memref<1x640x32xf32, #tpu.memory_space<vmem>>
    %dma_wait3A_1405 = tpu.memref_squeeze %dma_wait3A_1404 : memref<1x640x32xf32, #tpu.memory_space<vmem>> -> memref<640x32xf32, #tpu.memory_space<vmem>>
    tpu.wait_dma2 semaphore(%arg13 : memref<!tpu.dma_semaphore, #tpu.memory_space<semaphore_mem>>) src(%dma_wait3A_1405 : memref<640x32xf32, #tpu.memory_space<vmem>>) dst(%dma_wait3A_1401 : memref<640x32xf32, #tpu.memory_space<hbm>>)
    %dma_start3A_1406 = arith.constant 2 : i32
    %dma_start3A_1407 = arith.constant 0 : i32
    %dma_start3A_1408 = arith.constant 0 : i32
    %dma_start3A_1409 = tpu.memref_slice %arg6[%dma_start3A_1406, %dma_start3A_1407, %dma_start3A_1408] : memref<4x640x32xf32, #tpu.memory_space<vmem>> -> memref<1x640x32xf32, #tpu.memory_space<vmem>>
    %dma_start3A_1410 = tpu.memref_squeeze %dma_start3A_1409 : memref<1x640x32xf32, #tpu.memory_space<vmem>> -> memref<640x32xf32, #tpu.memory_space<vmem>>
    %dma_start3A_1411 = arith.constant 19200 : i32
    %dma_start3A_1412 = tpu.memref_slice %arg5[%dma_start3A_1411] : memref<25600xi32, #tpu.memory_space<vmem>> -> memref<640xi32, #tpu.memory_space<vmem>>
    %dma_start3A_1413 = arith.constant 0 : i32
    %dma_start3A_1414 = arith.constant 0 : i32
    %dma_start3A_1415 = tpu.memref_slice %arg2[%dma_start3A_1413, %dma_start3A_1414] : memref<1000000x32xf32, #tpu.memory_space<hbm>> -> memref<1000000x32xf32, #tpu.memory_space<hbm>>
    tpu.enqueue_indirect_dma source(%dma_start3A_1415 : memref<1000000x32xf32, #tpu.memory_space<hbm>>) target(%dma_start3A_1410 : memref<640x32xf32, #tpu.memory_space<vmem>>) offsets(%dma_start3A_1412 : memref<640xi32, #tpu.memory_space<vmem>>) semaphore(%arg9 : memref<!tpu.dma_semaphore, #tpu.memory_space<semaphore_mem>>)
    %dma_wait3A_1416 = arith.constant 0 : i32
    %dma_wait3A_1417 = arith.constant 0 : i32
    %dma_wait3A_1418 = arith.constant 0 : i32
    %dma_wait3A_1419 = tpu.memref_slice %arg6[%dma_wait3A_1416, %dma_wait3A_1417, %dma_wait3A_1418] : memref<4x640x32xf32, #tpu.memory_space<vmem>> -> memref<1x640x32xf32, #tpu.memory_space<vmem>>
    %dma_wait3A_1420 = tpu.memref_squeeze %dma_wait3A_1419 : memref<1x640x32xf32, #tpu.memory_space<vmem>> -> memref<640x32xf32, #tpu.memory_space<vmem>>
    %dma_wait3A_1421 = arith.constant 17920 : i32
    %dma_wait3A_1422 = tpu.memref_slice %arg5[%dma_wait3A_1421] : memref<25600xi32, #tpu.memory_space<vmem>> -> memref<640xi32, #tpu.memory_space<vmem>>
    %dma_wait3A_1423 = arith.constant 0 : i32
    %dma_wait3A_1424 = arith.constant 0 : i32
    %dma_wait3A_1425 = tpu.memref_slice %arg2[%dma_wait3A_1423, %dma_wait3A_1424] : memref<1000000x32xf32, #tpu.memory_space<hbm>> -> memref<1000000x32xf32, #tpu.memory_space<hbm>>
    tpu.wait_indirect_dma semaphore(%arg7 : memref<!tpu.dma_semaphore, #tpu.memory_space<semaphore_mem>>) src(%dma_wait3A_1425 : memref<1000000x32xf32, #tpu.memory_space<hbm>>) dst(%dma_wait3A_1420 : memref<640x32xf32, #tpu.memory_space<vmem>>)
    %add3A_1426 = arith.constant 17920 : i32
    %add3A_1427 = arith.addi %mul3A_2, %add3A_1426 : i32
    %dma_start3A_1428 = arith.constant 0 : i32
    %dma_start3A_1429 = arith.constant 0 : i32
    %dma_start3A_1430 = arith.constant 0 : i32
    %dma_start3A_1431 = tpu.memref_slice %arg6[%dma_start3A_1428, %dma_start3A_1429, %dma_start3A_1430] : memref<4x640x32xf32, #tpu.memory_space<vmem>> -> memref<1x640x32xf32, #tpu.memory_space<vmem>>
    %dma_start3A_1432 = tpu.memref_squeeze %dma_start3A_1431 : memref<1x640x32xf32, #tpu.memory_space<vmem>> -> memref<640x32xf32, #tpu.memory_space<vmem>>
    %dma_start3A_1433 = arith.constant 0 : i32
    %dma_start3A_1434 = tpu.memref_slice %arg4[%add3A_1427, %dma_start3A_1433] : memref<819200x32xf32, #tpu.memory_space<hbm>> -> memref<640x32xf32, #tpu.memory_space<hbm>>
    %dma_start3A_1435 = arith.constant 0 : i32
    %dma_start3A_1436 = tpu.memref_slice %arg4[%add3A_1427, %dma_start3A_1435] : memref<819200x32xf32, #tpu.memory_space<hbm>> -> memref<640x32xf32, #tpu.memory_space<hbm>>
    %dma_start3A_1437 = arith.constant 0 : i32
    %dma_start3A_1438 = arith.constant 0 : i32
    %dma_start3A_1439 = tpu.memref_slice %arg6[%dma_start3A_1428, %dma_start3A_1437, %dma_start3A_1438] : memref<4x640x32xf32, #tpu.memory_space<vmem>> -> memref<1x640x32xf32, #tpu.memory_space<vmem>>
    %dma_start3A_1440 = tpu.memref_squeeze %dma_start3A_1439 : memref<1x640x32xf32, #tpu.memory_space<vmem>> -> memref<640x32xf32, #tpu.memory_space<vmem>>
    tpu.enqueue_dma source(%dma_start3A_1440 : memref<640x32xf32, #tpu.memory_space<vmem>>) target(%dma_start3A_1436 : memref<640x32xf32, #tpu.memory_space<hbm>>) target_semaphore(%arg11 : memref<!tpu.dma_semaphore, #tpu.memory_space<semaphore_mem>>)
    %add3A_1441 = arith.constant 17280 : i32
    %add3A_1442 = arith.addi %mul3A_2, %add3A_1441 : i32
    %dma_wait3A_1443 = arith.constant 3 : i32
    %dma_wait3A_1444 = arith.constant 0 : i32
    %dma_wait3A_1445 = arith.constant 0 : i32
    %dma_wait3A_1446 = tpu.memref_slice %arg6[%dma_wait3A_1443, %dma_wait3A_1444, %dma_wait3A_1445] : memref<4x640x32xf32, #tpu.memory_space<vmem>> -> memref<1x640x32xf32, #tpu.memory_space<vmem>>
    %dma_wait3A_1447 = tpu.memref_squeeze %dma_wait3A_1446 : memref<1x640x32xf32, #tpu.memory_space<vmem>> -> memref<640x32xf32, #tpu.memory_space<vmem>>
    %dma_wait3A_1448 = arith.constant 0 : i32
    %dma_wait3A_1449 = tpu.memref_slice %arg4[%add3A_1442, %dma_wait3A_1448] : memref<819200x32xf32, #tpu.memory_space<hbm>> -> memref<640x32xf32, #tpu.memory_space<hbm>>
    %dma_wait3A_1450 = arith.constant 0 : i32
    %dma_wait3A_1451 = tpu.memref_slice %arg4[%add3A_1442, %dma_wait3A_1450] : memref<819200x32xf32, #tpu.memory_space<hbm>> -> memref<640x32xf32, #tpu.memory_space<hbm>>
    %dma_wait3A_1452 = arith.constant 0 : i32
    %dma_wait3A_1453 = arith.constant 0 : i32
    %dma_wait3A_1454 = tpu.memref_slice %arg6[%dma_wait3A_1443, %dma_wait3A_1452, %dma_wait3A_1453] : memref<4x640x32xf32, #tpu.memory_space<vmem>> -> memref<1x640x32xf32, #tpu.memory_space<vmem>>
    %dma_wait3A_1455 = tpu.memref_squeeze %dma_wait3A_1454 : memref<1x640x32xf32, #tpu.memory_space<vmem>> -> memref<640x32xf32, #tpu.memory_space<vmem>>
    tpu.wait_dma2 semaphore(%arg14 : memref<!tpu.dma_semaphore, #tpu.memory_space<semaphore_mem>>) src(%dma_wait3A_1455 : memref<640x32xf32, #tpu.memory_space<vmem>>) dst(%dma_wait3A_1451 : memref<640x32xf32, #tpu.memory_space<hbm>>)
    %dma_start3A_1456 = arith.constant 3 : i32
    %dma_start3A_1457 = arith.constant 0 : i32
    %dma_start3A_1458 = arith.constant 0 : i32
    %dma_start3A_1459 = tpu.memref_slice %arg6[%dma_start3A_1456, %dma_start3A_1457, %dma_start3A_1458] : memref<4x640x32xf32, #tpu.memory_space<vmem>> -> memref<1x640x32xf32, #tpu.memory_space<vmem>>
    %dma_start3A_1460 = tpu.memref_squeeze %dma_start3A_1459 : memref<1x640x32xf32, #tpu.memory_space<vmem>> -> memref<640x32xf32, #tpu.memory_space<vmem>>
    %dma_start3A_1461 = arith.constant 19840 : i32
    %dma_start3A_1462 = tpu.memref_slice %arg5[%dma_start3A_1461] : memref<25600xi32, #tpu.memory_space<vmem>> -> memref<640xi32, #tpu.memory_space<vmem>>
    %dma_start3A_1463 = arith.constant 0 : i32
    %dma_start3A_1464 = arith.constant 0 : i32
    %dma_start3A_1465 = tpu.memref_slice %arg2[%dma_start3A_1463, %dma_start3A_1464] : memref<1000000x32xf32, #tpu.memory_space<hbm>> -> memref<1000000x32xf32, #tpu.memory_space<hbm>>
    tpu.enqueue_indirect_dma source(%dma_start3A_1465 : memref<1000000x32xf32, #tpu.memory_space<hbm>>) target(%dma_start3A_1460 : memref<640x32xf32, #tpu.memory_space<vmem>>) offsets(%dma_start3A_1462 : memref<640xi32, #tpu.memory_space<vmem>>) semaphore(%arg10 : memref<!tpu.dma_semaphore, #tpu.memory_space<semaphore_mem>>)
    %dma_wait3A_1466 = arith.constant 1 : i32
    %dma_wait3A_1467 = arith.constant 0 : i32
    %dma_wait3A_1468 = arith.constant 0 : i32
    %dma_wait3A_1469 = tpu.memref_slice %arg6[%dma_wait3A_1466, %dma_wait3A_1467, %dma_wait3A_1468] : memref<4x640x32xf32, #tpu.memory_space<vmem>> -> memref<1x640x32xf32, #tpu.memory_space<vmem>>
    %dma_wait3A_1470 = tpu.memref_squeeze %dma_wait3A_1469 : memref<1x640x32xf32, #tpu.memory_space<vmem>> -> memref<640x32xf32, #tpu.memory_space<vmem>>
    %dma_wait3A_1471 = arith.constant 18560 : i32
    %dma_wait3A_1472 = tpu.memref_slice %arg5[%dma_wait3A_1471] : memref<25600xi32, #tpu.memory_space<vmem>> -> memref<640xi32, #tpu.memory_space<vmem>>
    %dma_wait3A_1473 = arith.constant 0 : i32
    %dma_wait3A_1474 = arith.constant 0 : i32
    %dma_wait3A_1475 = tpu.memref_slice %arg2[%dma_wait3A_1473, %dma_wait3A_1474] : memref<1000000x32xf32, #tpu.memory_space<hbm>> -> memref<1000000x32xf32, #tpu.memory_space<hbm>>
    tpu.wait_indirect_dma semaphore(%arg8 : memref<!tpu.dma_semaphore, #tpu.memory_space<semaphore_mem>>) src(%dma_wait3A_1475 : memref<1000000x32xf32, #tpu.memory_space<hbm>>) dst(%dma_wait3A_1470 : memref<640x32xf32, #tpu.memory_space<vmem>>)
    %add3A_1476 = arith.constant 18560 : i32
    %add3A_1477 = arith.addi %mul3A_2, %add3A_1476 : i32
    %dma_start3A_1478 = arith.constant 1 : i32
    %dma_start3A_1479 = arith.constant 0 : i32
    %dma_start3A_1480 = arith.constant 0 : i32
    %dma_start3A_1481 = tpu.memref_slice %arg6[%dma_start3A_1478, %dma_start3A_1479, %dma_start3A_1480] : memref<4x640x32xf32, #tpu.memory_space<vmem>> -> memref<1x640x32xf32, #tpu.memory_space<vmem>>
    %dma_start3A_1482 = tpu.memref_squeeze %dma_start3A_1481 : memref<1x640x32xf32, #tpu.memory_space<vmem>> -> memref<640x32xf32, #tpu.memory_space<vmem>>
    %dma_start3A_1483 = arith.constant 0 : i32
    %dma_start3A_1484 = tpu.memref_slice %arg4[%add3A_1477, %dma_start3A_1483] : memref<819200x32xf32, #tpu.memory_space<hbm>> -> memref<640x32xf32, #tpu.memory_space<hbm>>
    %dma_start3A_1485 = arith.constant 0 : i32
    %dma_start3A_1486 = tpu.memref_slice %arg4[%add3A_1477, %dma_start3A_1485] : memref<819200x32xf32, #tpu.memory_space<hbm>> -> memref<640x32xf32, #tpu.memory_space<hbm>>
    %dma_start3A_1487 = arith.constant 0 : i32
    %dma_start3A_1488 = arith.constant 0 : i32
    %dma_start3A_1489 = tpu.memref_slice %arg6[%dma_start3A_1478, %dma_start3A_1487, %dma_start3A_1488] : memref<4x640x32xf32, #tpu.memory_space<vmem>> -> memref<1x640x32xf32, #tpu.memory_space<vmem>>
    %dma_start3A_1490 = tpu.memref_squeeze %dma_start3A_1489 : memref<1x640x32xf32, #tpu.memory_space<vmem>> -> memref<640x32xf32, #tpu.memory_space<vmem>>
    tpu.enqueue_dma source(%dma_start3A_1490 : memref<640x32xf32, #tpu.memory_space<vmem>>) target(%dma_start3A_1486 : memref<640x32xf32, #tpu.memory_space<hbm>>) target_semaphore(%arg12 : memref<!tpu.dma_semaphore, #tpu.memory_space<semaphore_mem>>)
    %add3A_1491 = arith.constant 17920 : i32
    %add3A_1492 = arith.addi %mul3A_2, %add3A_1491 : i32
    %dma_wait3A_1493 = arith.constant 0 : i32
    %dma_wait3A_1494 = arith.constant 0 : i32
    %dma_wait3A_1495 = arith.constant 0 : i32
    %dma_wait3A_1496 = tpu.memref_slice %arg6[%dma_wait3A_1493, %dma_wait3A_1494, %dma_wait3A_1495] : memref<4x640x32xf32, #tpu.memory_space<vmem>> -> memref<1x640x32xf32, #tpu.memory_space<vmem>>
    %dma_wait3A_1497 = tpu.memref_squeeze %dma_wait3A_1496 : memref<1x640x32xf32, #tpu.memory_space<vmem>> -> memref<640x32xf32, #tpu.memory_space<vmem>>
    %dma_wait3A_1498 = arith.constant 0 : i32
    %dma_wait3A_1499 = tpu.memref_slice %arg4[%add3A_1492, %dma_wait3A_1498] : memref<819200x32xf32, #tpu.memory_space<hbm>> -> memref<640x32xf32, #tpu.memory_space<hbm>>
    %dma_wait3A_1500 = arith.constant 0 : i32
    %dma_wait3A_1501 = tpu.memref_slice %arg4[%add3A_1492, %dma_wait3A_1500] : memref<819200x32xf32, #tpu.memory_space<hbm>> -> memref<640x32xf32, #tpu.memory_space<hbm>>
    %dma_wait3A_1502 = arith.constant 0 : i32
    %dma_wait3A_1503 = arith.constant 0 : i32
    %dma_wait3A_1504 = tpu.memref_slice %arg6[%dma_wait3A_1493, %dma_wait3A_1502, %dma_wait3A_1503] : memref<4x640x32xf32, #tpu.memory_space<vmem>> -> memref<1x640x32xf32, #tpu.memory_space<vmem>>
    %dma_wait3A_1505 = tpu.memref_squeeze %dma_wait3A_1504 : memref<1x640x32xf32, #tpu.memory_space<vmem>> -> memref<640x32xf32, #tpu.memory_space<vmem>>
    tpu.wait_dma2 semaphore(%arg11 : memref<!tpu.dma_semaphore, #tpu.memory_space<semaphore_mem>>) src(%dma_wait3A_1505 : memref<640x32xf32, #tpu.memory_space<vmem>>) dst(%dma_wait3A_1501 : memref<640x32xf32, #tpu.memory_space<hbm>>)
    %dma_start3A_1506 = arith.constant 0 : i32
    %dma_start3A_1507 = arith.constant 0 : i32
    %dma_start3A_1508 = arith.constant 0 : i32
    %dma_start3A_1509 = tpu.memref_slice %arg6[%dma_start3A_1506, %dma_start3A_1507, %dma_start3A_1508] : memref<4x640x32xf32, #tpu.memory_space<vmem>> -> memref<1x640x32xf32, #tpu.memory_space<vmem>>
    %dma_start3A_1510 = tpu.memref_squeeze %dma_start3A_1509 : memref<1x640x32xf32, #tpu.memory_space<vmem>> -> memref<640x32xf32, #tpu.memory_space<vmem>>
    %dma_start3A_1511 = arith.constant 20480 : i32
    %dma_start3A_1512 = tpu.memref_slice %arg5[%dma_start3A_1511] : memref<25600xi32, #tpu.memory_space<vmem>> -> memref<640xi32, #tpu.memory_space<vmem>>
    %dma_start3A_1513 = arith.constant 0 : i32
    %dma_start3A_1514 = arith.constant 0 : i32
    %dma_start3A_1515 = tpu.memref_slice %arg2[%dma_start3A_1513, %dma_start3A_1514] : memref<1000000x32xf32, #tpu.memory_space<hbm>> -> memref<1000000x32xf32, #tpu.memory_space<hbm>>
    tpu.enqueue_indirect_dma source(%dma_start3A_1515 : memref<1000000x32xf32, #tpu.memory_space<hbm>>) target(%dma_start3A_1510 : memref<640x32xf32, #tpu.memory_space<vmem>>) offsets(%dma_start3A_1512 : memref<640xi32, #tpu.memory_space<vmem>>) semaphore(%arg7 : memref<!tpu.dma_semaphore, #tpu.memory_space<semaphore_mem>>)
    %dma_wait3A_1516 = arith.constant 2 : i32
    %dma_wait3A_1517 = arith.constant 0 : i32
    %dma_wait3A_1518 = arith.constant 0 : i32
    %dma_wait3A_1519 = tpu.memref_slice %arg6[%dma_wait3A_1516, %dma_wait3A_1517, %dma_wait3A_1518] : memref<4x640x32xf32, #tpu.memory_space<vmem>> -> memref<1x640x32xf32, #tpu.memory_space<vmem>>
    %dma_wait3A_1520 = tpu.memref_squeeze %dma_wait3A_1519 : memref<1x640x32xf32, #tpu.memory_space<vmem>> -> memref<640x32xf32, #tpu.memory_space<vmem>>
    %dma_wait3A_1521 = arith.constant 19200 : i32
    %dma_wait3A_1522 = tpu.memref_slice %arg5[%dma_wait3A_1521] : memref<25600xi32, #tpu.memory_space<vmem>> -> memref<640xi32, #tpu.memory_space<vmem>>
    %dma_wait3A_1523 = arith.constant 0 : i32
    %dma_wait3A_1524 = arith.constant 0 : i32
    %dma_wait3A_1525 = tpu.memref_slice %arg2[%dma_wait3A_1523, %dma_wait3A_1524] : memref<1000000x32xf32, #tpu.memory_space<hbm>> -> memref<1000000x32xf32, #tpu.memory_space<hbm>>
    tpu.wait_indirect_dma semaphore(%arg9 : memref<!tpu.dma_semaphore, #tpu.memory_space<semaphore_mem>>) src(%dma_wait3A_1525 : memref<1000000x32xf32, #tpu.memory_space<hbm>>) dst(%dma_wait3A_1520 : memref<640x32xf32, #tpu.memory_space<vmem>>)
    %add3A_1526 = arith.constant 19200 : i32
    %add3A_1527 = arith.addi %mul3A_2, %add3A_1526 : i32
    %dma_start3A_1528 = arith.constant 2 : i32
    %dma_start3A_1529 = arith.constant 0 : i32
    %dma_start3A_1530 = arith.constant 0 : i32
    %dma_start3A_1531 = tpu.memref_slice %arg6[%dma_start3A_1528, %dma_start3A_1529, %dma_start3A_1530] : memref<4x640x32xf32, #tpu.memory_space<vmem>> -> memref<1x640x32xf32, #tpu.memory_space<vmem>>
    %dma_start3A_1532 = tpu.memref_squeeze %dma_start3A_1531 : memref<1x640x32xf32, #tpu.memory_space<vmem>> -> memref<640x32xf32, #tpu.memory_space<vmem>>
    %dma_start3A_1533 = arith.constant 0 : i32
    %dma_start3A_1534 = tpu.memref_slice %arg4[%add3A_1527, %dma_start3A_1533] : memref<819200x32xf32, #tpu.memory_space<hbm>> -> memref<640x32xf32, #tpu.memory_space<hbm>>
    %dma_start3A_1535 = arith.constant 0 : i32
    %dma_start3A_1536 = tpu.memref_slice %arg4[%add3A_1527, %dma_start3A_1535] : memref<819200x32xf32, #tpu.memory_space<hbm>> -> memref<640x32xf32, #tpu.memory_space<hbm>>
    %dma_start3A_1537 = arith.constant 0 : i32
    %dma_start3A_1538 = arith.constant 0 : i32
    %dma_start3A_1539 = tpu.memref_slice %arg6[%dma_start3A_1528, %dma_start3A_1537, %dma_start3A_1538] : memref<4x640x32xf32, #tpu.memory_space<vmem>> -> memref<1x640x32xf32, #tpu.memory_space<vmem>>
    %dma_start3A_1540 = tpu.memref_squeeze %dma_start3A_1539 : memref<1x640x32xf32, #tpu.memory_space<vmem>> -> memref<640x32xf32, #tpu.memory_space<vmem>>
    tpu.enqueue_dma source(%dma_start3A_1540 : memref<640x32xf32, #tpu.memory_space<vmem>>) target(%dma_start3A_1536 : memref<640x32xf32, #tpu.memory_space<hbm>>) target_semaphore(%arg13 : memref<!tpu.dma_semaphore, #tpu.memory_space<semaphore_mem>>)
    %add3A_1541 = arith.constant 18560 : i32
    %add3A_1542 = arith.addi %mul3A_2, %add3A_1541 : i32
    %dma_wait3A_1543 = arith.constant 1 : i32
    %dma_wait3A_1544 = arith.constant 0 : i32
    %dma_wait3A_1545 = arith.constant 0 : i32
    %dma_wait3A_1546 = tpu.memref_slice %arg6[%dma_wait3A_1543, %dma_wait3A_1544, %dma_wait3A_1545] : memref<4x640x32xf32, #tpu.memory_space<vmem>> -> memref<1x640x32xf32, #tpu.memory_space<vmem>>
    %dma_wait3A_1547 = tpu.memref_squeeze %dma_wait3A_1546 : memref<1x640x32xf32, #tpu.memory_space<vmem>> -> memref<640x32xf32, #tpu.memory_space<vmem>>
    %dma_wait3A_1548 = arith.constant 0 : i32
    %dma_wait3A_1549 = tpu.memref_slice %arg4[%add3A_1542, %dma_wait3A_1548] : memref<819200x32xf32, #tpu.memory_space<hbm>> -> memref<640x32xf32, #tpu.memory_space<hbm>>
    %dma_wait3A_1550 = arith.constant 0 : i32
    %dma_wait3A_1551 = tpu.memref_slice %arg4[%add3A_1542, %dma_wait3A_1550] : memref<819200x32xf32, #tpu.memory_space<hbm>> -> memref<640x32xf32, #tpu.memory_space<hbm>>
    %dma_wait3A_1552 = arith.constant 0 : i32
    %dma_wait3A_1553 = arith.constant 0 : i32
    %dma_wait3A_1554 = tpu.memref_slice %arg6[%dma_wait3A_1543, %dma_wait3A_1552, %dma_wait3A_1553] : memref<4x640x32xf32, #tpu.memory_space<vmem>> -> memref<1x640x32xf32, #tpu.memory_space<vmem>>
    %dma_wait3A_1555 = tpu.memref_squeeze %dma_wait3A_1554 : memref<1x640x32xf32, #tpu.memory_space<vmem>> -> memref<640x32xf32, #tpu.memory_space<vmem>>
    tpu.wait_dma2 semaphore(%arg12 : memref<!tpu.dma_semaphore, #tpu.memory_space<semaphore_mem>>) src(%dma_wait3A_1555 : memref<640x32xf32, #tpu.memory_space<vmem>>) dst(%dma_wait3A_1551 : memref<640x32xf32, #tpu.memory_space<hbm>>)
    %dma_start3A_1556 = arith.constant 1 : i32
    %dma_start3A_1557 = arith.constant 0 : i32
    %dma_start3A_1558 = arith.constant 0 : i32
    %dma_start3A_1559 = tpu.memref_slice %arg6[%dma_start3A_1556, %dma_start3A_1557, %dma_start3A_1558] : memref<4x640x32xf32, #tpu.memory_space<vmem>> -> memref<1x640x32xf32, #tpu.memory_space<vmem>>
    %dma_start3A_1560 = tpu.memref_squeeze %dma_start3A_1559 : memref<1x640x32xf32, #tpu.memory_space<vmem>> -> memref<640x32xf32, #tpu.memory_space<vmem>>
    %dma_start3A_1561 = arith.constant 21120 : i32
    %dma_start3A_1562 = tpu.memref_slice %arg5[%dma_start3A_1561] : memref<25600xi32, #tpu.memory_space<vmem>> -> memref<640xi32, #tpu.memory_space<vmem>>
    %dma_start3A_1563 = arith.constant 0 : i32
    %dma_start3A_1564 = arith.constant 0 : i32
    %dma_start3A_1565 = tpu.memref_slice %arg2[%dma_start3A_1563, %dma_start3A_1564] : memref<1000000x32xf32, #tpu.memory_space<hbm>> -> memref<1000000x32xf32, #tpu.memory_space<hbm>>
    tpu.enqueue_indirect_dma source(%dma_start3A_1565 : memref<1000000x32xf32, #tpu.memory_space<hbm>>) target(%dma_start3A_1560 : memref<640x32xf32, #tpu.memory_space<vmem>>) offsets(%dma_start3A_1562 : memref<640xi32, #tpu.memory_space<vmem>>) semaphore(%arg8 : memref<!tpu.dma_semaphore, #tpu.memory_space<semaphore_mem>>)
    %dma_wait3A_1566 = arith.constant 3 : i32
    %dma_wait3A_1567 = arith.constant 0 : i32
    %dma_wait3A_1568 = arith.constant 0 : i32
    %dma_wait3A_1569 = tpu.memref_slice %arg6[%dma_wait3A_1566, %dma_wait3A_1567, %dma_wait3A_1568] : memref<4x640x32xf32, #tpu.memory_space<vmem>> -> memref<1x640x32xf32, #tpu.memory_space<vmem>>
    %dma_wait3A_1570 = tpu.memref_squeeze %dma_wait3A_1569 : memref<1x640x32xf32, #tpu.memory_space<vmem>> -> memref<640x32xf32, #tpu.memory_space<vmem>>
    %dma_wait3A_1571 = arith.constant 19840 : i32
    %dma_wait3A_1572 = tpu.memref_slice %arg5[%dma_wait3A_1571] : memref<25600xi32, #tpu.memory_space<vmem>> -> memref<640xi32, #tpu.memory_space<vmem>>
    %dma_wait3A_1573 = arith.constant 0 : i32
    %dma_wait3A_1574 = arith.constant 0 : i32
    %dma_wait3A_1575 = tpu.memref_slice %arg2[%dma_wait3A_1573, %dma_wait3A_1574] : memref<1000000x32xf32, #tpu.memory_space<hbm>> -> memref<1000000x32xf32, #tpu.memory_space<hbm>>
    tpu.wait_indirect_dma semaphore(%arg10 : memref<!tpu.dma_semaphore, #tpu.memory_space<semaphore_mem>>) src(%dma_wait3A_1575 : memref<1000000x32xf32, #tpu.memory_space<hbm>>) dst(%dma_wait3A_1570 : memref<640x32xf32, #tpu.memory_space<vmem>>)
    %add3A_1576 = arith.constant 19840 : i32
    %add3A_1577 = arith.addi %mul3A_2, %add3A_1576 : i32
    %dma_start3A_1578 = arith.constant 3 : i32
    %dma_start3A_1579 = arith.constant 0 : i32
    %dma_start3A_1580 = arith.constant 0 : i32
    %dma_start3A_1581 = tpu.memref_slice %arg6[%dma_start3A_1578, %dma_start3A_1579, %dma_start3A_1580] : memref<4x640x32xf32, #tpu.memory_space<vmem>> -> memref<1x640x32xf32, #tpu.memory_space<vmem>>
    %dma_start3A_1582 = tpu.memref_squeeze %dma_start3A_1581 : memref<1x640x32xf32, #tpu.memory_space<vmem>> -> memref<640x32xf32, #tpu.memory_space<vmem>>
    %dma_start3A_1583 = arith.constant 0 : i32
    %dma_start3A_1584 = tpu.memref_slice %arg4[%add3A_1577, %dma_start3A_1583] : memref<819200x32xf32, #tpu.memory_space<hbm>> -> memref<640x32xf32, #tpu.memory_space<hbm>>
    %dma_start3A_1585 = arith.constant 0 : i32
    %dma_start3A_1586 = tpu.memref_slice %arg4[%add3A_1577, %dma_start3A_1585] : memref<819200x32xf32, #tpu.memory_space<hbm>> -> memref<640x32xf32, #tpu.memory_space<hbm>>
    %dma_start3A_1587 = arith.constant 0 : i32
    %dma_start3A_1588 = arith.constant 0 : i32
    %dma_start3A_1589 = tpu.memref_slice %arg6[%dma_start3A_1578, %dma_start3A_1587, %dma_start3A_1588] : memref<4x640x32xf32, #tpu.memory_space<vmem>> -> memref<1x640x32xf32, #tpu.memory_space<vmem>>
    %dma_start3A_1590 = tpu.memref_squeeze %dma_start3A_1589 : memref<1x640x32xf32, #tpu.memory_space<vmem>> -> memref<640x32xf32, #tpu.memory_space<vmem>>
    tpu.enqueue_dma source(%dma_start3A_1590 : memref<640x32xf32, #tpu.memory_space<vmem>>) target(%dma_start3A_1586 : memref<640x32xf32, #tpu.memory_space<hbm>>) target_semaphore(%arg14 : memref<!tpu.dma_semaphore, #tpu.memory_space<semaphore_mem>>)
    %add3A_1591 = arith.constant 19200 : i32
    %add3A_1592 = arith.addi %mul3A_2, %add3A_1591 : i32
    %dma_wait3A_1593 = arith.constant 2 : i32
    %dma_wait3A_1594 = arith.constant 0 : i32
    %dma_wait3A_1595 = arith.constant 0 : i32
    %dma_wait3A_1596 = tpu.memref_slice %arg6[%dma_wait3A_1593, %dma_wait3A_1594, %dma_wait3A_1595] : memref<4x640x32xf32, #tpu.memory_space<vmem>> -> memref<1x640x32xf32, #tpu.memory_space<vmem>>
    %dma_wait3A_1597 = tpu.memref_squeeze %dma_wait3A_1596 : memref<1x640x32xf32, #tpu.memory_space<vmem>> -> memref<640x32xf32, #tpu.memory_space<vmem>>
    %dma_wait3A_1598 = arith.constant 0 : i32
    %dma_wait3A_1599 = tpu.memref_slice %arg4[%add3A_1592, %dma_wait3A_1598] : memref<819200x32xf32, #tpu.memory_space<hbm>> -> memref<640x32xf32, #tpu.memory_space<hbm>>
    %dma_wait3A_1600 = arith.constant 0 : i32
    %dma_wait3A_1601 = tpu.memref_slice %arg4[%add3A_1592, %dma_wait3A_1600] : memref<819200x32xf32, #tpu.memory_space<hbm>> -> memref<640x32xf32, #tpu.memory_space<hbm>>
    %dma_wait3A_1602 = arith.constant 0 : i32
    %dma_wait3A_1603 = arith.constant 0 : i32
    %dma_wait3A_1604 = tpu.memref_slice %arg6[%dma_wait3A_1593, %dma_wait3A_1602, %dma_wait3A_1603] : memref<4x640x32xf32, #tpu.memory_space<vmem>> -> memref<1x640x32xf32, #tpu.memory_space<vmem>>
    %dma_wait3A_1605 = tpu.memref_squeeze %dma_wait3A_1604 : memref<1x640x32xf32, #tpu.memory_space<vmem>> -> memref<640x32xf32, #tpu.memory_space<vmem>>
    tpu.wait_dma2 semaphore(%arg13 : memref<!tpu.dma_semaphore, #tpu.memory_space<semaphore_mem>>) src(%dma_wait3A_1605 : memref<640x32xf32, #tpu.memory_space<vmem>>) dst(%dma_wait3A_1601 : memref<640x32xf32, #tpu.memory_space<hbm>>)
    %dma_start3A_1606 = arith.constant 2 : i32
    %dma_start3A_1607 = arith.constant 0 : i32
    %dma_start3A_1608 = arith.constant 0 : i32
    %dma_start3A_1609 = tpu.memref_slice %arg6[%dma_start3A_1606, %dma_start3A_1607, %dma_start3A_1608] : memref<4x640x32xf32, #tpu.memory_space<vmem>> -> memref<1x640x32xf32, #tpu.memory_space<vmem>>
    %dma_start3A_1610 = tpu.memref_squeeze %dma_start3A_1609 : memref<1x640x32xf32, #tpu.memory_space<vmem>> -> memref<640x32xf32, #tpu.memory_space<vmem>>
    %dma_start3A_1611 = arith.constant 21760 : i32
    %dma_start3A_1612 = tpu.memref_slice %arg5[%dma_start3A_1611] : memref<25600xi32, #tpu.memory_space<vmem>> -> memref<640xi32, #tpu.memory_space<vmem>>
    %dma_start3A_1613 = arith.constant 0 : i32
    %dma_start3A_1614 = arith.constant 0 : i32
    %dma_start3A_1615 = tpu.memref_slice %arg2[%dma_start3A_1613, %dma_start3A_1614] : memref<1000000x32xf32, #tpu.memory_space<hbm>> -> memref<1000000x32xf32, #tpu.memory_space<hbm>>
    tpu.enqueue_indirect_dma source(%dma_start3A_1615 : memref<1000000x32xf32, #tpu.memory_space<hbm>>) target(%dma_start3A_1610 : memref<640x32xf32, #tpu.memory_space<vmem>>) offsets(%dma_start3A_1612 : memref<640xi32, #tpu.memory_space<vmem>>) semaphore(%arg9 : memref<!tpu.dma_semaphore, #tpu.memory_space<semaphore_mem>>)
    %dma_wait3A_1616 = arith.constant 0 : i32
    %dma_wait3A_1617 = arith.constant 0 : i32
    %dma_wait3A_1618 = arith.constant 0 : i32
    %dma_wait3A_1619 = tpu.memref_slice %arg6[%dma_wait3A_1616, %dma_wait3A_1617, %dma_wait3A_1618] : memref<4x640x32xf32, #tpu.memory_space<vmem>> -> memref<1x640x32xf32, #tpu.memory_space<vmem>>
    %dma_wait3A_1620 = tpu.memref_squeeze %dma_wait3A_1619 : memref<1x640x32xf32, #tpu.memory_space<vmem>> -> memref<640x32xf32, #tpu.memory_space<vmem>>
    %dma_wait3A_1621 = arith.constant 20480 : i32
    %dma_wait3A_1622 = tpu.memref_slice %arg5[%dma_wait3A_1621] : memref<25600xi32, #tpu.memory_space<vmem>> -> memref<640xi32, #tpu.memory_space<vmem>>
    %dma_wait3A_1623 = arith.constant 0 : i32
    %dma_wait3A_1624 = arith.constant 0 : i32
    %dma_wait3A_1625 = tpu.memref_slice %arg2[%dma_wait3A_1623, %dma_wait3A_1624] : memref<1000000x32xf32, #tpu.memory_space<hbm>> -> memref<1000000x32xf32, #tpu.memory_space<hbm>>
    tpu.wait_indirect_dma semaphore(%arg7 : memref<!tpu.dma_semaphore, #tpu.memory_space<semaphore_mem>>) src(%dma_wait3A_1625 : memref<1000000x32xf32, #tpu.memory_space<hbm>>) dst(%dma_wait3A_1620 : memref<640x32xf32, #tpu.memory_space<vmem>>)
    %add3A_1626 = arith.constant 20480 : i32
    %add3A_1627 = arith.addi %mul3A_2, %add3A_1626 : i32
    %dma_start3A_1628 = arith.constant 0 : i32
    %dma_start3A_1629 = arith.constant 0 : i32
    %dma_start3A_1630 = arith.constant 0 : i32
    %dma_start3A_1631 = tpu.memref_slice %arg6[%dma_start3A_1628, %dma_start3A_1629, %dma_start3A_1630] : memref<4x640x32xf32, #tpu.memory_space<vmem>> -> memref<1x640x32xf32, #tpu.memory_space<vmem>>
    %dma_start3A_1632 = tpu.memref_squeeze %dma_start3A_1631 : memref<1x640x32xf32, #tpu.memory_space<vmem>> -> memref<640x32xf32, #tpu.memory_space<vmem>>
    %dma_start3A_1633 = arith.constant 0 : i32
    %dma_start3A_1634 = tpu.memref_slice %arg4[%add3A_1627, %dma_start3A_1633] : memref<819200x32xf32, #tpu.memory_space<hbm>> -> memref<640x32xf32, #tpu.memory_space<hbm>>
    %dma_start3A_1635 = arith.constant 0 : i32
    %dma_start3A_1636 = tpu.memref_slice %arg4[%add3A_1627, %dma_start3A_1635] : memref<819200x32xf32, #tpu.memory_space<hbm>> -> memref<640x32xf32, #tpu.memory_space<hbm>>
    %dma_start3A_1637 = arith.constant 0 : i32
    %dma_start3A_1638 = arith.constant 0 : i32
    %dma_start3A_1639 = tpu.memref_slice %arg6[%dma_start3A_1628, %dma_start3A_1637, %dma_start3A_1638] : memref<4x640x32xf32, #tpu.memory_space<vmem>> -> memref<1x640x32xf32, #tpu.memory_space<vmem>>
    %dma_start3A_1640 = tpu.memref_squeeze %dma_start3A_1639 : memref<1x640x32xf32, #tpu.memory_space<vmem>> -> memref<640x32xf32, #tpu.memory_space<vmem>>
    tpu.enqueue_dma source(%dma_start3A_1640 : memref<640x32xf32, #tpu.memory_space<vmem>>) target(%dma_start3A_1636 : memref<640x32xf32, #tpu.memory_space<hbm>>) target_semaphore(%arg11 : memref<!tpu.dma_semaphore, #tpu.memory_space<semaphore_mem>>)
    %add3A_1641 = arith.constant 19840 : i32
    %add3A_1642 = arith.addi %mul3A_2, %add3A_1641 : i32
    %dma_wait3A_1643 = arith.constant 3 : i32
    %dma_wait3A_1644 = arith.constant 0 : i32
    %dma_wait3A_1645 = arith.constant 0 : i32
    %dma_wait3A_1646 = tpu.memref_slice %arg6[%dma_wait3A_1643, %dma_wait3A_1644, %dma_wait3A_1645] : memref<4x640x32xf32, #tpu.memory_space<vmem>> -> memref<1x640x32xf32, #tpu.memory_space<vmem>>
    %dma_wait3A_1647 = tpu.memref_squeeze %dma_wait3A_1646 : memref<1x640x32xf32, #tpu.memory_space<vmem>> -> memref<640x32xf32, #tpu.memory_space<vmem>>
    %dma_wait3A_1648 = arith.constant 0 : i32
    %dma_wait3A_1649 = tpu.memref_slice %arg4[%add3A_1642, %dma_wait3A_1648] : memref<819200x32xf32, #tpu.memory_space<hbm>> -> memref<640x32xf32, #tpu.memory_space<hbm>>
    %dma_wait3A_1650 = arith.constant 0 : i32
    %dma_wait3A_1651 = tpu.memref_slice %arg4[%add3A_1642, %dma_wait3A_1650] : memref<819200x32xf32, #tpu.memory_space<hbm>> -> memref<640x32xf32, #tpu.memory_space<hbm>>
    %dma_wait3A_1652 = arith.constant 0 : i32
    %dma_wait3A_1653 = arith.constant 0 : i32
    %dma_wait3A_1654 = tpu.memref_slice %arg6[%dma_wait3A_1643, %dma_wait3A_1652, %dma_wait3A_1653] : memref<4x640x32xf32, #tpu.memory_space<vmem>> -> memref<1x640x32xf32, #tpu.memory_space<vmem>>
    %dma_wait3A_1655 = tpu.memref_squeeze %dma_wait3A_1654 : memref<1x640x32xf32, #tpu.memory_space<vmem>> -> memref<640x32xf32, #tpu.memory_space<vmem>>
    tpu.wait_dma2 semaphore(%arg14 : memref<!tpu.dma_semaphore, #tpu.memory_space<semaphore_mem>>) src(%dma_wait3A_1655 : memref<640x32xf32, #tpu.memory_space<vmem>>) dst(%dma_wait3A_1651 : memref<640x32xf32, #tpu.memory_space<hbm>>)
    %dma_start3A_1656 = arith.constant 3 : i32
    %dma_start3A_1657 = arith.constant 0 : i32
    %dma_start3A_1658 = arith.constant 0 : i32
    %dma_start3A_1659 = tpu.memref_slice %arg6[%dma_start3A_1656, %dma_start3A_1657, %dma_start3A_1658] : memref<4x640x32xf32, #tpu.memory_space<vmem>> -> memref<1x640x32xf32, #tpu.memory_space<vmem>>
    %dma_start3A_1660 = tpu.memref_squeeze %dma_start3A_1659 : memref<1x640x32xf32, #tpu.memory_space<vmem>> -> memref<640x32xf32, #tpu.memory_space<vmem>>
    %dma_start3A_1661 = arith.constant 22400 : i32
    %dma_start3A_1662 = tpu.memref_slice %arg5[%dma_start3A_1661] : memref<25600xi32, #tpu.memory_space<vmem>> -> memref<640xi32, #tpu.memory_space<vmem>>
    %dma_start3A_1663 = arith.constant 0 : i32
    %dma_start3A_1664 = arith.constant 0 : i32
    %dma_start3A_1665 = tpu.memref_slice %arg2[%dma_start3A_1663, %dma_start3A_1664] : memref<1000000x32xf32, #tpu.memory_space<hbm>> -> memref<1000000x32xf32, #tpu.memory_space<hbm>>
    tpu.enqueue_indirect_dma source(%dma_start3A_1665 : memref<1000000x32xf32, #tpu.memory_space<hbm>>) target(%dma_start3A_1660 : memref<640x32xf32, #tpu.memory_space<vmem>>) offsets(%dma_start3A_1662 : memref<640xi32, #tpu.memory_space<vmem>>) semaphore(%arg10 : memref<!tpu.dma_semaphore, #tpu.memory_space<semaphore_mem>>)
    %dma_wait3A_1666 = arith.constant 1 : i32
    %dma_wait3A_1667 = arith.constant 0 : i32
    %dma_wait3A_1668 = arith.constant 0 : i32
    %dma_wait3A_1669 = tpu.memref_slice %arg6[%dma_wait3A_1666, %dma_wait3A_1667, %dma_wait3A_1668] : memref<4x640x32xf32, #tpu.memory_space<vmem>> -> memref<1x640x32xf32, #tpu.memory_space<vmem>>
    %dma_wait3A_1670 = tpu.memref_squeeze %dma_wait3A_1669 : memref<1x640x32xf32, #tpu.memory_space<vmem>> -> memref<640x32xf32, #tpu.memory_space<vmem>>
    %dma_wait3A_1671 = arith.constant 21120 : i32
    %dma_wait3A_1672 = tpu.memref_slice %arg5[%dma_wait3A_1671] : memref<25600xi32, #tpu.memory_space<vmem>> -> memref<640xi32, #tpu.memory_space<vmem>>
    %dma_wait3A_1673 = arith.constant 0 : i32
    %dma_wait3A_1674 = arith.constant 0 : i32
    %dma_wait3A_1675 = tpu.memref_slice %arg2[%dma_wait3A_1673, %dma_wait3A_1674] : memref<1000000x32xf32, #tpu.memory_space<hbm>> -> memref<1000000x32xf32, #tpu.memory_space<hbm>>
    tpu.wait_indirect_dma semaphore(%arg8 : memref<!tpu.dma_semaphore, #tpu.memory_space<semaphore_mem>>) src(%dma_wait3A_1675 : memref<1000000x32xf32, #tpu.memory_space<hbm>>) dst(%dma_wait3A_1670 : memref<640x32xf32, #tpu.memory_space<vmem>>)
    %add3A_1676 = arith.constant 21120 : i32
    %add3A_1677 = arith.addi %mul3A_2, %add3A_1676 : i32
    %dma_start3A_1678 = arith.constant 1 : i32
    %dma_start3A_1679 = arith.constant 0 : i32
    %dma_start3A_1680 = arith.constant 0 : i32
    %dma_start3A_1681 = tpu.memref_slice %arg6[%dma_start3A_1678, %dma_start3A_1679, %dma_start3A_1680] : memref<4x640x32xf32, #tpu.memory_space<vmem>> -> memref<1x640x32xf32, #tpu.memory_space<vmem>>
    %dma_start3A_1682 = tpu.memref_squeeze %dma_start3A_1681 : memref<1x640x32xf32, #tpu.memory_space<vmem>> -> memref<640x32xf32, #tpu.memory_space<vmem>>
    %dma_start3A_1683 = arith.constant 0 : i32
    %dma_start3A_1684 = tpu.memref_slice %arg4[%add3A_1677, %dma_start3A_1683] : memref<819200x32xf32, #tpu.memory_space<hbm>> -> memref<640x32xf32, #tpu.memory_space<hbm>>
    %dma_start3A_1685 = arith.constant 0 : i32
    %dma_start3A_1686 = tpu.memref_slice %arg4[%add3A_1677, %dma_start3A_1685] : memref<819200x32xf32, #tpu.memory_space<hbm>> -> memref<640x32xf32, #tpu.memory_space<hbm>>
    %dma_start3A_1687 = arith.constant 0 : i32
    %dma_start3A_1688 = arith.constant 0 : i32
    %dma_start3A_1689 = tpu.memref_slice %arg6[%dma_start3A_1678, %dma_start3A_1687, %dma_start3A_1688] : memref<4x640x32xf32, #tpu.memory_space<vmem>> -> memref<1x640x32xf32, #tpu.memory_space<vmem>>
    %dma_start3A_1690 = tpu.memref_squeeze %dma_start3A_1689 : memref<1x640x32xf32, #tpu.memory_space<vmem>> -> memref<640x32xf32, #tpu.memory_space<vmem>>
    tpu.enqueue_dma source(%dma_start3A_1690 : memref<640x32xf32, #tpu.memory_space<vmem>>) target(%dma_start3A_1686 : memref<640x32xf32, #tpu.memory_space<hbm>>) target_semaphore(%arg12 : memref<!tpu.dma_semaphore, #tpu.memory_space<semaphore_mem>>)
    %add3A_1691 = arith.constant 20480 : i32
    %add3A_1692 = arith.addi %mul3A_2, %add3A_1691 : i32
    %dma_wait3A_1693 = arith.constant 0 : i32
    %dma_wait3A_1694 = arith.constant 0 : i32
    %dma_wait3A_1695 = arith.constant 0 : i32
    %dma_wait3A_1696 = tpu.memref_slice %arg6[%dma_wait3A_1693, %dma_wait3A_1694, %dma_wait3A_1695] : memref<4x640x32xf32, #tpu.memory_space<vmem>> -> memref<1x640x32xf32, #tpu.memory_space<vmem>>
    %dma_wait3A_1697 = tpu.memref_squeeze %dma_wait3A_1696 : memref<1x640x32xf32, #tpu.memory_space<vmem>> -> memref<640x32xf32, #tpu.memory_space<vmem>>
    %dma_wait3A_1698 = arith.constant 0 : i32
    %dma_wait3A_1699 = tpu.memref_slice %arg4[%add3A_1692, %dma_wait3A_1698] : memref<819200x32xf32, #tpu.memory_space<hbm>> -> memref<640x32xf32, #tpu.memory_space<hbm>>
    %dma_wait3A_1700 = arith.constant 0 : i32
    %dma_wait3A_1701 = tpu.memref_slice %arg4[%add3A_1692, %dma_wait3A_1700] : memref<819200x32xf32, #tpu.memory_space<hbm>> -> memref<640x32xf32, #tpu.memory_space<hbm>>
    %dma_wait3A_1702 = arith.constant 0 : i32
    %dma_wait3A_1703 = arith.constant 0 : i32
    %dma_wait3A_1704 = tpu.memref_slice %arg6[%dma_wait3A_1693, %dma_wait3A_1702, %dma_wait3A_1703] : memref<4x640x32xf32, #tpu.memory_space<vmem>> -> memref<1x640x32xf32, #tpu.memory_space<vmem>>
    %dma_wait3A_1705 = tpu.memref_squeeze %dma_wait3A_1704 : memref<1x640x32xf32, #tpu.memory_space<vmem>> -> memref<640x32xf32, #tpu.memory_space<vmem>>
    tpu.wait_dma2 semaphore(%arg11 : memref<!tpu.dma_semaphore, #tpu.memory_space<semaphore_mem>>) src(%dma_wait3A_1705 : memref<640x32xf32, #tpu.memory_space<vmem>>) dst(%dma_wait3A_1701 : memref<640x32xf32, #tpu.memory_space<hbm>>)
    %dma_start3A_1706 = arith.constant 0 : i32
    %dma_start3A_1707 = arith.constant 0 : i32
    %dma_start3A_1708 = arith.constant 0 : i32
    %dma_start3A_1709 = tpu.memref_slice %arg6[%dma_start3A_1706, %dma_start3A_1707, %dma_start3A_1708] : memref<4x640x32xf32, #tpu.memory_space<vmem>> -> memref<1x640x32xf32, #tpu.memory_space<vmem>>
    %dma_start3A_1710 = tpu.memref_squeeze %dma_start3A_1709 : memref<1x640x32xf32, #tpu.memory_space<vmem>> -> memref<640x32xf32, #tpu.memory_space<vmem>>
    %dma_start3A_1711 = arith.constant 23040 : i32
    %dma_start3A_1712 = tpu.memref_slice %arg5[%dma_start3A_1711] : memref<25600xi32, #tpu.memory_space<vmem>> -> memref<640xi32, #tpu.memory_space<vmem>>
    %dma_start3A_1713 = arith.constant 0 : i32
    %dma_start3A_1714 = arith.constant 0 : i32
    %dma_start3A_1715 = tpu.memref_slice %arg2[%dma_start3A_1713, %dma_start3A_1714] : memref<1000000x32xf32, #tpu.memory_space<hbm>> -> memref<1000000x32xf32, #tpu.memory_space<hbm>>
    tpu.enqueue_indirect_dma source(%dma_start3A_1715 : memref<1000000x32xf32, #tpu.memory_space<hbm>>) target(%dma_start3A_1710 : memref<640x32xf32, #tpu.memory_space<vmem>>) offsets(%dma_start3A_1712 : memref<640xi32, #tpu.memory_space<vmem>>) semaphore(%arg7 : memref<!tpu.dma_semaphore, #tpu.memory_space<semaphore_mem>>)
    %dma_wait3A_1716 = arith.constant 2 : i32
    %dma_wait3A_1717 = arith.constant 0 : i32
    %dma_wait3A_1718 = arith.constant 0 : i32
    %dma_wait3A_1719 = tpu.memref_slice %arg6[%dma_wait3A_1716, %dma_wait3A_1717, %dma_wait3A_1718] : memref<4x640x32xf32, #tpu.memory_space<vmem>> -> memref<1x640x32xf32, #tpu.memory_space<vmem>>
    %dma_wait3A_1720 = tpu.memref_squeeze %dma_wait3A_1719 : memref<1x640x32xf32, #tpu.memory_space<vmem>> -> memref<640x32xf32, #tpu.memory_space<vmem>>
    %dma_wait3A_1721 = arith.constant 21760 : i32
    %dma_wait3A_1722 = tpu.memref_slice %arg5[%dma_wait3A_1721] : memref<25600xi32, #tpu.memory_space<vmem>> -> memref<640xi32, #tpu.memory_space<vmem>>
    %dma_wait3A_1723 = arith.constant 0 : i32
    %dma_wait3A_1724 = arith.constant 0 : i32
    %dma_wait3A_1725 = tpu.memref_slice %arg2[%dma_wait3A_1723, %dma_wait3A_1724] : memref<1000000x32xf32, #tpu.memory_space<hbm>> -> memref<1000000x32xf32, #tpu.memory_space<hbm>>
    tpu.wait_indirect_dma semaphore(%arg9 : memref<!tpu.dma_semaphore, #tpu.memory_space<semaphore_mem>>) src(%dma_wait3A_1725 : memref<1000000x32xf32, #tpu.memory_space<hbm>>) dst(%dma_wait3A_1720 : memref<640x32xf32, #tpu.memory_space<vmem>>)
    %add3A_1726 = arith.constant 21760 : i32
    %add3A_1727 = arith.addi %mul3A_2, %add3A_1726 : i32
    %dma_start3A_1728 = arith.constant 2 : i32
    %dma_start3A_1729 = arith.constant 0 : i32
    %dma_start3A_1730 = arith.constant 0 : i32
    %dma_start3A_1731 = tpu.memref_slice %arg6[%dma_start3A_1728, %dma_start3A_1729, %dma_start3A_1730] : memref<4x640x32xf32, #tpu.memory_space<vmem>> -> memref<1x640x32xf32, #tpu.memory_space<vmem>>
    %dma_start3A_1732 = tpu.memref_squeeze %dma_start3A_1731 : memref<1x640x32xf32, #tpu.memory_space<vmem>> -> memref<640x32xf32, #tpu.memory_space<vmem>>
    %dma_start3A_1733 = arith.constant 0 : i32
    %dma_start3A_1734 = tpu.memref_slice %arg4[%add3A_1727, %dma_start3A_1733] : memref<819200x32xf32, #tpu.memory_space<hbm>> -> memref<640x32xf32, #tpu.memory_space<hbm>>
    %dma_start3A_1735 = arith.constant 0 : i32
    %dma_start3A_1736 = tpu.memref_slice %arg4[%add3A_1727, %dma_start3A_1735] : memref<819200x32xf32, #tpu.memory_space<hbm>> -> memref<640x32xf32, #tpu.memory_space<hbm>>
    %dma_start3A_1737 = arith.constant 0 : i32
    %dma_start3A_1738 = arith.constant 0 : i32
    %dma_start3A_1739 = tpu.memref_slice %arg6[%dma_start3A_1728, %dma_start3A_1737, %dma_start3A_1738] : memref<4x640x32xf32, #tpu.memory_space<vmem>> -> memref<1x640x32xf32, #tpu.memory_space<vmem>>
    %dma_start3A_1740 = tpu.memref_squeeze %dma_start3A_1739 : memref<1x640x32xf32, #tpu.memory_space<vmem>> -> memref<640x32xf32, #tpu.memory_space<vmem>>
    tpu.enqueue_dma source(%dma_start3A_1740 : memref<640x32xf32, #tpu.memory_space<vmem>>) target(%dma_start3A_1736 : memref<640x32xf32, #tpu.memory_space<hbm>>) target_semaphore(%arg13 : memref<!tpu.dma_semaphore, #tpu.memory_space<semaphore_mem>>)
    %add3A_1741 = arith.constant 21120 : i32
    %add3A_1742 = arith.addi %mul3A_2, %add3A_1741 : i32
    %dma_wait3A_1743 = arith.constant 1 : i32
    %dma_wait3A_1744 = arith.constant 0 : i32
    %dma_wait3A_1745 = arith.constant 0 : i32
    %dma_wait3A_1746 = tpu.memref_slice %arg6[%dma_wait3A_1743, %dma_wait3A_1744, %dma_wait3A_1745] : memref<4x640x32xf32, #tpu.memory_space<vmem>> -> memref<1x640x32xf32, #tpu.memory_space<vmem>>
    %dma_wait3A_1747 = tpu.memref_squeeze %dma_wait3A_1746 : memref<1x640x32xf32, #tpu.memory_space<vmem>> -> memref<640x32xf32, #tpu.memory_space<vmem>>
    %dma_wait3A_1748 = arith.constant 0 : i32
    %dma_wait3A_1749 = tpu.memref_slice %arg4[%add3A_1742, %dma_wait3A_1748] : memref<819200x32xf32, #tpu.memory_space<hbm>> -> memref<640x32xf32, #tpu.memory_space<hbm>>
    %dma_wait3A_1750 = arith.constant 0 : i32
    %dma_wait3A_1751 = tpu.memref_slice %arg4[%add3A_1742, %dma_wait3A_1750] : memref<819200x32xf32, #tpu.memory_space<hbm>> -> memref<640x32xf32, #tpu.memory_space<hbm>>
    %dma_wait3A_1752 = arith.constant 0 : i32
    %dma_wait3A_1753 = arith.constant 0 : i32
    %dma_wait3A_1754 = tpu.memref_slice %arg6[%dma_wait3A_1743, %dma_wait3A_1752, %dma_wait3A_1753] : memref<4x640x32xf32, #tpu.memory_space<vmem>> -> memref<1x640x32xf32, #tpu.memory_space<vmem>>
    %dma_wait3A_1755 = tpu.memref_squeeze %dma_wait3A_1754 : memref<1x640x32xf32, #tpu.memory_space<vmem>> -> memref<640x32xf32, #tpu.memory_space<vmem>>
    tpu.wait_dma2 semaphore(%arg12 : memref<!tpu.dma_semaphore, #tpu.memory_space<semaphore_mem>>) src(%dma_wait3A_1755 : memref<640x32xf32, #tpu.memory_space<vmem>>) dst(%dma_wait3A_1751 : memref<640x32xf32, #tpu.memory_space<hbm>>)
    %dma_start3A_1756 = arith.constant 1 : i32
    %dma_start3A_1757 = arith.constant 0 : i32
    %dma_start3A_1758 = arith.constant 0 : i32
    %dma_start3A_1759 = tpu.memref_slice %arg6[%dma_start3A_1756, %dma_start3A_1757, %dma_start3A_1758] : memref<4x640x32xf32, #tpu.memory_space<vmem>> -> memref<1x640x32xf32, #tpu.memory_space<vmem>>
    %dma_start3A_1760 = tpu.memref_squeeze %dma_start3A_1759 : memref<1x640x32xf32, #tpu.memory_space<vmem>> -> memref<640x32xf32, #tpu.memory_space<vmem>>
    %dma_start3A_1761 = arith.constant 23680 : i32
    %dma_start3A_1762 = tpu.memref_slice %arg5[%dma_start3A_1761] : memref<25600xi32, #tpu.memory_space<vmem>> -> memref<640xi32, #tpu.memory_space<vmem>>
    %dma_start3A_1763 = arith.constant 0 : i32
    %dma_start3A_1764 = arith.constant 0 : i32
    %dma_start3A_1765 = tpu.memref_slice %arg2[%dma_start3A_1763, %dma_start3A_1764] : memref<1000000x32xf32, #tpu.memory_space<hbm>> -> memref<1000000x32xf32, #tpu.memory_space<hbm>>
    tpu.enqueue_indirect_dma source(%dma_start3A_1765 : memref<1000000x32xf32, #tpu.memory_space<hbm>>) target(%dma_start3A_1760 : memref<640x32xf32, #tpu.memory_space<vmem>>) offsets(%dma_start3A_1762 : memref<640xi32, #tpu.memory_space<vmem>>) semaphore(%arg8 : memref<!tpu.dma_semaphore, #tpu.memory_space<semaphore_mem>>)
    %dma_wait3A_1766 = arith.constant 3 : i32
    %dma_wait3A_1767 = arith.constant 0 : i32
    %dma_wait3A_1768 = arith.constant 0 : i32
    %dma_wait3A_1769 = tpu.memref_slice %arg6[%dma_wait3A_1766, %dma_wait3A_1767, %dma_wait3A_1768] : memref<4x640x32xf32, #tpu.memory_space<vmem>> -> memref<1x640x32xf32, #tpu.memory_space<vmem>>
    %dma_wait3A_1770 = tpu.memref_squeeze %dma_wait3A_1769 : memref<1x640x32xf32, #tpu.memory_space<vmem>> -> memref<640x32xf32, #tpu.memory_space<vmem>>
    %dma_wait3A_1771 = arith.constant 22400 : i32
    %dma_wait3A_1772 = tpu.memref_slice %arg5[%dma_wait3A_1771] : memref<25600xi32, #tpu.memory_space<vmem>> -> memref<640xi32, #tpu.memory_space<vmem>>
    %dma_wait3A_1773 = arith.constant 0 : i32
    %dma_wait3A_1774 = arith.constant 0 : i32
    %dma_wait3A_1775 = tpu.memref_slice %arg2[%dma_wait3A_1773, %dma_wait3A_1774] : memref<1000000x32xf32, #tpu.memory_space<hbm>> -> memref<1000000x32xf32, #tpu.memory_space<hbm>>
    tpu.wait_indirect_dma semaphore(%arg10 : memref<!tpu.dma_semaphore, #tpu.memory_space<semaphore_mem>>) src(%dma_wait3A_1775 : memref<1000000x32xf32, #tpu.memory_space<hbm>>) dst(%dma_wait3A_1770 : memref<640x32xf32, #tpu.memory_space<vmem>>)
    %add3A_1776 = arith.constant 22400 : i32
    %add3A_1777 = arith.addi %mul3A_2, %add3A_1776 : i32
    %dma_start3A_1778 = arith.constant 3 : i32
    %dma_start3A_1779 = arith.constant 0 : i32
    %dma_start3A_1780 = arith.constant 0 : i32
    %dma_start3A_1781 = tpu.memref_slice %arg6[%dma_start3A_1778, %dma_start3A_1779, %dma_start3A_1780] : memref<4x640x32xf32, #tpu.memory_space<vmem>> -> memref<1x640x32xf32, #tpu.memory_space<vmem>>
    %dma_start3A_1782 = tpu.memref_squeeze %dma_start3A_1781 : memref<1x640x32xf32, #tpu.memory_space<vmem>> -> memref<640x32xf32, #tpu.memory_space<vmem>>
    %dma_start3A_1783 = arith.constant 0 : i32
    %dma_start3A_1784 = tpu.memref_slice %arg4[%add3A_1777, %dma_start3A_1783] : memref<819200x32xf32, #tpu.memory_space<hbm>> -> memref<640x32xf32, #tpu.memory_space<hbm>>
    %dma_start3A_1785 = arith.constant 0 : i32
    %dma_start3A_1786 = tpu.memref_slice %arg4[%add3A_1777, %dma_start3A_1785] : memref<819200x32xf32, #tpu.memory_space<hbm>> -> memref<640x32xf32, #tpu.memory_space<hbm>>
    %dma_start3A_1787 = arith.constant 0 : i32
    %dma_start3A_1788 = arith.constant 0 : i32
    %dma_start3A_1789 = tpu.memref_slice %arg6[%dma_start3A_1778, %dma_start3A_1787, %dma_start3A_1788] : memref<4x640x32xf32, #tpu.memory_space<vmem>> -> memref<1x640x32xf32, #tpu.memory_space<vmem>>
    %dma_start3A_1790 = tpu.memref_squeeze %dma_start3A_1789 : memref<1x640x32xf32, #tpu.memory_space<vmem>> -> memref<640x32xf32, #tpu.memory_space<vmem>>
    tpu.enqueue_dma source(%dma_start3A_1790 : memref<640x32xf32, #tpu.memory_space<vmem>>) target(%dma_start3A_1786 : memref<640x32xf32, #tpu.memory_space<hbm>>) target_semaphore(%arg14 : memref<!tpu.dma_semaphore, #tpu.memory_space<semaphore_mem>>)
    %add3A_1791 = arith.constant 21760 : i32
    %add3A_1792 = arith.addi %mul3A_2, %add3A_1791 : i32
    %dma_wait3A_1793 = arith.constant 2 : i32
    %dma_wait3A_1794 = arith.constant 0 : i32
    %dma_wait3A_1795 = arith.constant 0 : i32
    %dma_wait3A_1796 = tpu.memref_slice %arg6[%dma_wait3A_1793, %dma_wait3A_1794, %dma_wait3A_1795] : memref<4x640x32xf32, #tpu.memory_space<vmem>> -> memref<1x640x32xf32, #tpu.memory_space<vmem>>
    %dma_wait3A_1797 = tpu.memref_squeeze %dma_wait3A_1796 : memref<1x640x32xf32, #tpu.memory_space<vmem>> -> memref<640x32xf32, #tpu.memory_space<vmem>>
    %dma_wait3A_1798 = arith.constant 0 : i32
    %dma_wait3A_1799 = tpu.memref_slice %arg4[%add3A_1792, %dma_wait3A_1798] : memref<819200x32xf32, #tpu.memory_space<hbm>> -> memref<640x32xf32, #tpu.memory_space<hbm>>
    %dma_wait3A_1800 = arith.constant 0 : i32
    %dma_wait3A_1801 = tpu.memref_slice %arg4[%add3A_1792, %dma_wait3A_1800] : memref<819200x32xf32, #tpu.memory_space<hbm>> -> memref<640x32xf32, #tpu.memory_space<hbm>>
    %dma_wait3A_1802 = arith.constant 0 : i32
    %dma_wait3A_1803 = arith.constant 0 : i32
    %dma_wait3A_1804 = tpu.memref_slice %arg6[%dma_wait3A_1793, %dma_wait3A_1802, %dma_wait3A_1803] : memref<4x640x32xf32, #tpu.memory_space<vmem>> -> memref<1x640x32xf32, #tpu.memory_space<vmem>>
    %dma_wait3A_1805 = tpu.memref_squeeze %dma_wait3A_1804 : memref<1x640x32xf32, #tpu.memory_space<vmem>> -> memref<640x32xf32, #tpu.memory_space<vmem>>
    tpu.wait_dma2 semaphore(%arg13 : memref<!tpu.dma_semaphore, #tpu.memory_space<semaphore_mem>>) src(%dma_wait3A_1805 : memref<640x32xf32, #tpu.memory_space<vmem>>) dst(%dma_wait3A_1801 : memref<640x32xf32, #tpu.memory_space<hbm>>)
    %dma_start3A_1806 = arith.constant 2 : i32
    %dma_start3A_1807 = arith.constant 0 : i32
    %dma_start3A_1808 = arith.constant 0 : i32
    %dma_start3A_1809 = tpu.memref_slice %arg6[%dma_start3A_1806, %dma_start3A_1807, %dma_start3A_1808] : memref<4x640x32xf32, #tpu.memory_space<vmem>> -> memref<1x640x32xf32, #tpu.memory_space<vmem>>
    %dma_start3A_1810 = tpu.memref_squeeze %dma_start3A_1809 : memref<1x640x32xf32, #tpu.memory_space<vmem>> -> memref<640x32xf32, #tpu.memory_space<vmem>>
    %dma_start3A_1811 = arith.constant 24320 : i32
    %dma_start3A_1812 = tpu.memref_slice %arg5[%dma_start3A_1811] : memref<25600xi32, #tpu.memory_space<vmem>> -> memref<640xi32, #tpu.memory_space<vmem>>
    %dma_start3A_1813 = arith.constant 0 : i32
    %dma_start3A_1814 = arith.constant 0 : i32
    %dma_start3A_1815 = tpu.memref_slice %arg2[%dma_start3A_1813, %dma_start3A_1814] : memref<1000000x32xf32, #tpu.memory_space<hbm>> -> memref<1000000x32xf32, #tpu.memory_space<hbm>>
    tpu.enqueue_indirect_dma source(%dma_start3A_1815 : memref<1000000x32xf32, #tpu.memory_space<hbm>>) target(%dma_start3A_1810 : memref<640x32xf32, #tpu.memory_space<vmem>>) offsets(%dma_start3A_1812 : memref<640xi32, #tpu.memory_space<vmem>>) semaphore(%arg9 : memref<!tpu.dma_semaphore, #tpu.memory_space<semaphore_mem>>)
    %dma_wait3A_1816 = arith.constant 0 : i32
    %dma_wait3A_1817 = arith.constant 0 : i32
    %dma_wait3A_1818 = arith.constant 0 : i32
    %dma_wait3A_1819 = tpu.memref_slice %arg6[%dma_wait3A_1816, %dma_wait3A_1817, %dma_wait3A_1818] : memref<4x640x32xf32, #tpu.memory_space<vmem>> -> memref<1x640x32xf32, #tpu.memory_space<vmem>>
    %dma_wait3A_1820 = tpu.memref_squeeze %dma_wait3A_1819 : memref<1x640x32xf32, #tpu.memory_space<vmem>> -> memref<640x32xf32, #tpu.memory_space<vmem>>
    %dma_wait3A_1821 = arith.constant 23040 : i32
    %dma_wait3A_1822 = tpu.memref_slice %arg5[%dma_wait3A_1821] : memref<25600xi32, #tpu.memory_space<vmem>> -> memref<640xi32, #tpu.memory_space<vmem>>
    %dma_wait3A_1823 = arith.constant 0 : i32
    %dma_wait3A_1824 = arith.constant 0 : i32
    %dma_wait3A_1825 = tpu.memref_slice %arg2[%dma_wait3A_1823, %dma_wait3A_1824] : memref<1000000x32xf32, #tpu.memory_space<hbm>> -> memref<1000000x32xf32, #tpu.memory_space<hbm>>
    tpu.wait_indirect_dma semaphore(%arg7 : memref<!tpu.dma_semaphore, #tpu.memory_space<semaphore_mem>>) src(%dma_wait3A_1825 : memref<1000000x32xf32, #tpu.memory_space<hbm>>) dst(%dma_wait3A_1820 : memref<640x32xf32, #tpu.memory_space<vmem>>)
    %add3A_1826 = arith.constant 23040 : i32
    %add3A_1827 = arith.addi %mul3A_2, %add3A_1826 : i32
    %dma_start3A_1828 = arith.constant 0 : i32
    %dma_start3A_1829 = arith.constant 0 : i32
    %dma_start3A_1830 = arith.constant 0 : i32
    %dma_start3A_1831 = tpu.memref_slice %arg6[%dma_start3A_1828, %dma_start3A_1829, %dma_start3A_1830] : memref<4x640x32xf32, #tpu.memory_space<vmem>> -> memref<1x640x32xf32, #tpu.memory_space<vmem>>
    %dma_start3A_1832 = tpu.memref_squeeze %dma_start3A_1831 : memref<1x640x32xf32, #tpu.memory_space<vmem>> -> memref<640x32xf32, #tpu.memory_space<vmem>>
    %dma_start3A_1833 = arith.constant 0 : i32
    %dma_start3A_1834 = tpu.memref_slice %arg4[%add3A_1827, %dma_start3A_1833] : memref<819200x32xf32, #tpu.memory_space<hbm>> -> memref<640x32xf32, #tpu.memory_space<hbm>>
    %dma_start3A_1835 = arith.constant 0 : i32
    %dma_start3A_1836 = tpu.memref_slice %arg4[%add3A_1827, %dma_start3A_1835] : memref<819200x32xf32, #tpu.memory_space<hbm>> -> memref<640x32xf32, #tpu.memory_space<hbm>>
    %dma_start3A_1837 = arith.constant 0 : i32
    %dma_start3A_1838 = arith.constant 0 : i32
    %dma_start3A_1839 = tpu.memref_slice %arg6[%dma_start3A_1828, %dma_start3A_1837, %dma_start3A_1838] : memref<4x640x32xf32, #tpu.memory_space<vmem>> -> memref<1x640x32xf32, #tpu.memory_space<vmem>>
    %dma_start3A_1840 = tpu.memref_squeeze %dma_start3A_1839 : memref<1x640x32xf32, #tpu.memory_space<vmem>> -> memref<640x32xf32, #tpu.memory_space<vmem>>
    tpu.enqueue_dma source(%dma_start3A_1840 : memref<640x32xf32, #tpu.memory_space<vmem>>) target(%dma_start3A_1836 : memref<640x32xf32, #tpu.memory_space<hbm>>) target_semaphore(%arg11 : memref<!tpu.dma_semaphore, #tpu.memory_space<semaphore_mem>>)
    %add3A_1841 = arith.constant 22400 : i32
    %add3A_1842 = arith.addi %mul3A_2, %add3A_1841 : i32
    %dma_wait3A_1843 = arith.constant 3 : i32
    %dma_wait3A_1844 = arith.constant 0 : i32
    %dma_wait3A_1845 = arith.constant 0 : i32
    %dma_wait3A_1846 = tpu.memref_slice %arg6[%dma_wait3A_1843, %dma_wait3A_1844, %dma_wait3A_1845] : memref<4x640x32xf32, #tpu.memory_space<vmem>> -> memref<1x640x32xf32, #tpu.memory_space<vmem>>
    %dma_wait3A_1847 = tpu.memref_squeeze %dma_wait3A_1846 : memref<1x640x32xf32, #tpu.memory_space<vmem>> -> memref<640x32xf32, #tpu.memory_space<vmem>>
    %dma_wait3A_1848 = arith.constant 0 : i32
    %dma_wait3A_1849 = tpu.memref_slice %arg4[%add3A_1842, %dma_wait3A_1848] : memref<819200x32xf32, #tpu.memory_space<hbm>> -> memref<640x32xf32, #tpu.memory_space<hbm>>
    %dma_wait3A_1850 = arith.constant 0 : i32
    %dma_wait3A_1851 = tpu.memref_slice %arg4[%add3A_1842, %dma_wait3A_1850] : memref<819200x32xf32, #tpu.memory_space<hbm>> -> memref<640x32xf32, #tpu.memory_space<hbm>>
    %dma_wait3A_1852 = arith.constant 0 : i32
    %dma_wait3A_1853 = arith.constant 0 : i32
    %dma_wait3A_1854 = tpu.memref_slice %arg6[%dma_wait3A_1843, %dma_wait3A_1852, %dma_wait3A_1853] : memref<4x640x32xf32, #tpu.memory_space<vmem>> -> memref<1x640x32xf32, #tpu.memory_space<vmem>>
    %dma_wait3A_1855 = tpu.memref_squeeze %dma_wait3A_1854 : memref<1x640x32xf32, #tpu.memory_space<vmem>> -> memref<640x32xf32, #tpu.memory_space<vmem>>
    tpu.wait_dma2 semaphore(%arg14 : memref<!tpu.dma_semaphore, #tpu.memory_space<semaphore_mem>>) src(%dma_wait3A_1855 : memref<640x32xf32, #tpu.memory_space<vmem>>) dst(%dma_wait3A_1851 : memref<640x32xf32, #tpu.memory_space<hbm>>)
    %dma_start3A_1856 = arith.constant 3 : i32
    %dma_start3A_1857 = arith.constant 0 : i32
    %dma_start3A_1858 = arith.constant 0 : i32
    %dma_start3A_1859 = tpu.memref_slice %arg6[%dma_start3A_1856, %dma_start3A_1857, %dma_start3A_1858] : memref<4x640x32xf32, #tpu.memory_space<vmem>> -> memref<1x640x32xf32, #tpu.memory_space<vmem>>
    %dma_start3A_1860 = tpu.memref_squeeze %dma_start3A_1859 : memref<1x640x32xf32, #tpu.memory_space<vmem>> -> memref<640x32xf32, #tpu.memory_space<vmem>>
    %dma_start3A_1861 = arith.constant 24960 : i32
    %dma_start3A_1862 = tpu.memref_slice %arg5[%dma_start3A_1861] : memref<25600xi32, #tpu.memory_space<vmem>> -> memref<640xi32, #tpu.memory_space<vmem>>
    %dma_start3A_1863 = arith.constant 0 : i32
    %dma_start3A_1864 = arith.constant 0 : i32
    %dma_start3A_1865 = tpu.memref_slice %arg2[%dma_start3A_1863, %dma_start3A_1864] : memref<1000000x32xf32, #tpu.memory_space<hbm>> -> memref<1000000x32xf32, #tpu.memory_space<hbm>>
    tpu.enqueue_indirect_dma source(%dma_start3A_1865 : memref<1000000x32xf32, #tpu.memory_space<hbm>>) target(%dma_start3A_1860 : memref<640x32xf32, #tpu.memory_space<vmem>>) offsets(%dma_start3A_1862 : memref<640xi32, #tpu.memory_space<vmem>>) semaphore(%arg10 : memref<!tpu.dma_semaphore, #tpu.memory_space<semaphore_mem>>)
    %dma_wait3A_1866 = arith.constant 1 : i32
    %dma_wait3A_1867 = arith.constant 0 : i32
    %dma_wait3A_1868 = arith.constant 0 : i32
    %dma_wait3A_1869 = tpu.memref_slice %arg6[%dma_wait3A_1866, %dma_wait3A_1867, %dma_wait3A_1868] : memref<4x640x32xf32, #tpu.memory_space<vmem>> -> memref<1x640x32xf32, #tpu.memory_space<vmem>>
    %dma_wait3A_1870 = tpu.memref_squeeze %dma_wait3A_1869 : memref<1x640x32xf32, #tpu.memory_space<vmem>> -> memref<640x32xf32, #tpu.memory_space<vmem>>
    %dma_wait3A_1871 = arith.constant 23680 : i32
    %dma_wait3A_1872 = tpu.memref_slice %arg5[%dma_wait3A_1871] : memref<25600xi32, #tpu.memory_space<vmem>> -> memref<640xi32, #tpu.memory_space<vmem>>
    %dma_wait3A_1873 = arith.constant 0 : i32
    %dma_wait3A_1874 = arith.constant 0 : i32
    %dma_wait3A_1875 = tpu.memref_slice %arg2[%dma_wait3A_1873, %dma_wait3A_1874] : memref<1000000x32xf32, #tpu.memory_space<hbm>> -> memref<1000000x32xf32, #tpu.memory_space<hbm>>
    tpu.wait_indirect_dma semaphore(%arg8 : memref<!tpu.dma_semaphore, #tpu.memory_space<semaphore_mem>>) src(%dma_wait3A_1875 : memref<1000000x32xf32, #tpu.memory_space<hbm>>) dst(%dma_wait3A_1870 : memref<640x32xf32, #tpu.memory_space<vmem>>)
    %add3A_1876 = arith.constant 23680 : i32
    %add3A_1877 = arith.addi %mul3A_2, %add3A_1876 : i32
    %dma_start3A_1878 = arith.constant 1 : i32
    %dma_start3A_1879 = arith.constant 0 : i32
    %dma_start3A_1880 = arith.constant 0 : i32
    %dma_start3A_1881 = tpu.memref_slice %arg6[%dma_start3A_1878, %dma_start3A_1879, %dma_start3A_1880] : memref<4x640x32xf32, #tpu.memory_space<vmem>> -> memref<1x640x32xf32, #tpu.memory_space<vmem>>
    %dma_start3A_1882 = tpu.memref_squeeze %dma_start3A_1881 : memref<1x640x32xf32, #tpu.memory_space<vmem>> -> memref<640x32xf32, #tpu.memory_space<vmem>>
    %dma_start3A_1883 = arith.constant 0 : i32
    %dma_start3A_1884 = tpu.memref_slice %arg4[%add3A_1877, %dma_start3A_1883] : memref<819200x32xf32, #tpu.memory_space<hbm>> -> memref<640x32xf32, #tpu.memory_space<hbm>>
    %dma_start3A_1885 = arith.constant 0 : i32
    %dma_start3A_1886 = tpu.memref_slice %arg4[%add3A_1877, %dma_start3A_1885] : memref<819200x32xf32, #tpu.memory_space<hbm>> -> memref<640x32xf32, #tpu.memory_space<hbm>>
    %dma_start3A_1887 = arith.constant 0 : i32
    %dma_start3A_1888 = arith.constant 0 : i32
    %dma_start3A_1889 = tpu.memref_slice %arg6[%dma_start3A_1878, %dma_start3A_1887, %dma_start3A_1888] : memref<4x640x32xf32, #tpu.memory_space<vmem>> -> memref<1x640x32xf32, #tpu.memory_space<vmem>>
    %dma_start3A_1890 = tpu.memref_squeeze %dma_start3A_1889 : memref<1x640x32xf32, #tpu.memory_space<vmem>> -> memref<640x32xf32, #tpu.memory_space<vmem>>
    tpu.enqueue_dma source(%dma_start3A_1890 : memref<640x32xf32, #tpu.memory_space<vmem>>) target(%dma_start3A_1886 : memref<640x32xf32, #tpu.memory_space<hbm>>) target_semaphore(%arg12 : memref<!tpu.dma_semaphore, #tpu.memory_space<semaphore_mem>>)
    %dma_wait3A_1891 = arith.constant 2 : i32
    %dma_wait3A_1892 = arith.constant 0 : i32
    %dma_wait3A_1893 = arith.constant 0 : i32
    %dma_wait3A_1894 = tpu.memref_slice %arg6[%dma_wait3A_1891, %dma_wait3A_1892, %dma_wait3A_1893] : memref<4x640x32xf32, #tpu.memory_space<vmem>> -> memref<1x640x32xf32, #tpu.memory_space<vmem>>
    %dma_wait3A_1895 = tpu.memref_squeeze %dma_wait3A_1894 : memref<1x640x32xf32, #tpu.memory_space<vmem>> -> memref<640x32xf32, #tpu.memory_space<vmem>>
    %dma_wait3A_1896 = arith.constant 24320 : i32
    %dma_wait3A_1897 = tpu.memref_slice %arg5[%dma_wait3A_1896] : memref<25600xi32, #tpu.memory_space<vmem>> -> memref<640xi32, #tpu.memory_space<vmem>>
    %dma_wait3A_1898 = arith.constant 0 : i32
    %dma_wait3A_1899 = arith.constant 0 : i32
    %dma_wait3A_1900 = tpu.memref_slice %arg2[%dma_wait3A_1898, %dma_wait3A_1899] : memref<1000000x32xf32, #tpu.memory_space<hbm>> -> memref<1000000x32xf32, #tpu.memory_space<hbm>>
    tpu.wait_indirect_dma semaphore(%arg9 : memref<!tpu.dma_semaphore, #tpu.memory_space<semaphore_mem>>) src(%dma_wait3A_1900 : memref<1000000x32xf32, #tpu.memory_space<hbm>>) dst(%dma_wait3A_1895 : memref<640x32xf32, #tpu.memory_space<vmem>>)
    %add3A_1901 = arith.constant 24320 : i32
    %add3A_1902 = arith.addi %mul3A_2, %add3A_1901 : i32
    %dma_start3A_1903 = arith.constant 2 : i32
    %dma_start3A_1904 = arith.constant 0 : i32
    %dma_start3A_1905 = arith.constant 0 : i32
    %dma_start3A_1906 = tpu.memref_slice %arg6[%dma_start3A_1903, %dma_start3A_1904, %dma_start3A_1905] : memref<4x640x32xf32, #tpu.memory_space<vmem>> -> memref<1x640x32xf32, #tpu.memory_space<vmem>>
    %dma_start3A_1907 = tpu.memref_squeeze %dma_start3A_1906 : memref<1x640x32xf32, #tpu.memory_space<vmem>> -> memref<640x32xf32, #tpu.memory_space<vmem>>
    %dma_start3A_1908 = arith.constant 0 : i32
    %dma_start3A_1909 = tpu.memref_slice %arg4[%add3A_1902, %dma_start3A_1908] : memref<819200x32xf32, #tpu.memory_space<hbm>> -> memref<640x32xf32, #tpu.memory_space<hbm>>
    %dma_start3A_1910 = arith.constant 0 : i32
    %dma_start3A_1911 = tpu.memref_slice %arg4[%add3A_1902, %dma_start3A_1910] : memref<819200x32xf32, #tpu.memory_space<hbm>> -> memref<640x32xf32, #tpu.memory_space<hbm>>
    %dma_start3A_1912 = arith.constant 0 : i32
    %dma_start3A_1913 = arith.constant 0 : i32
    %dma_start3A_1914 = tpu.memref_slice %arg6[%dma_start3A_1903, %dma_start3A_1912, %dma_start3A_1913] : memref<4x640x32xf32, #tpu.memory_space<vmem>> -> memref<1x640x32xf32, #tpu.memory_space<vmem>>
    %dma_start3A_1915 = tpu.memref_squeeze %dma_start3A_1914 : memref<1x640x32xf32, #tpu.memory_space<vmem>> -> memref<640x32xf32, #tpu.memory_space<vmem>>
    tpu.enqueue_dma source(%dma_start3A_1915 : memref<640x32xf32, #tpu.memory_space<vmem>>) target(%dma_start3A_1911 : memref<640x32xf32, #tpu.memory_space<hbm>>) target_semaphore(%arg13 : memref<!tpu.dma_semaphore, #tpu.memory_space<semaphore_mem>>)
    %dma_wait3A_1916 = arith.constant 3 : i32
    %dma_wait3A_1917 = arith.constant 0 : i32
    %dma_wait3A_1918 = arith.constant 0 : i32
    %dma_wait3A_1919 = tpu.memref_slice %arg6[%dma_wait3A_1916, %dma_wait3A_1917, %dma_wait3A_1918] : memref<4x640x32xf32, #tpu.memory_space<vmem>> -> memref<1x640x32xf32, #tpu.memory_space<vmem>>
    %dma_wait3A_1920 = tpu.memref_squeeze %dma_wait3A_1919 : memref<1x640x32xf32, #tpu.memory_space<vmem>> -> memref<640x32xf32, #tpu.memory_space<vmem>>
    %dma_wait3A_1921 = arith.constant 24960 : i32
    %dma_wait3A_1922 = tpu.memref_slice %arg5[%dma_wait3A_1921] : memref<25600xi32, #tpu.memory_space<vmem>> -> memref<640xi32, #tpu.memory_space<vmem>>
    %dma_wait3A_1923 = arith.constant 0 : i32
    %dma_wait3A_1924 = arith.constant 0 : i32
    %dma_wait3A_1925 = tpu.memref_slice %arg2[%dma_wait3A_1923, %dma_wait3A_1924] : memref<1000000x32xf32, #tpu.memory_space<hbm>> -> memref<1000000x32xf32, #tpu.memory_space<hbm>>
    tpu.wait_indirect_dma semaphore(%arg10 : memref<!tpu.dma_semaphore, #tpu.memory_space<semaphore_mem>>) src(%dma_wait3A_1925 : memref<1000000x32xf32, #tpu.memory_space<hbm>>) dst(%dma_wait3A_1920 : memref<640x32xf32, #tpu.memory_space<vmem>>)
    %add3A_1926 = arith.constant 24960 : i32
    %add3A_1927 = arith.addi %mul3A_2, %add3A_1926 : i32
    %dma_start3A_1928 = arith.constant 3 : i32
    %dma_start3A_1929 = arith.constant 0 : i32
    %dma_start3A_1930 = arith.constant 0 : i32
    %dma_start3A_1931 = tpu.memref_slice %arg6[%dma_start3A_1928, %dma_start3A_1929, %dma_start3A_1930] : memref<4x640x32xf32, #tpu.memory_space<vmem>> -> memref<1x640x32xf32, #tpu.memory_space<vmem>>
    %dma_start3A_1932 = tpu.memref_squeeze %dma_start3A_1931 : memref<1x640x32xf32, #tpu.memory_space<vmem>> -> memref<640x32xf32, #tpu.memory_space<vmem>>
    %dma_start3A_1933 = arith.constant 0 : i32
    %dma_start3A_1934 = tpu.memref_slice %arg4[%add3A_1927, %dma_start3A_1933] : memref<819200x32xf32, #tpu.memory_space<hbm>> -> memref<640x32xf32, #tpu.memory_space<hbm>>
    %dma_start3A_1935 = arith.constant 0 : i32
    %dma_start3A_1936 = tpu.memref_slice %arg4[%add3A_1927, %dma_start3A_1935] : memref<819200x32xf32, #tpu.memory_space<hbm>> -> memref<640x32xf32, #tpu.memory_space<hbm>>
    %dma_start3A_1937 = arith.constant 0 : i32
    %dma_start3A_1938 = arith.constant 0 : i32
    %dma_start3A_1939 = tpu.memref_slice %arg6[%dma_start3A_1928, %dma_start3A_1937, %dma_start3A_1938] : memref<4x640x32xf32, #tpu.memory_space<vmem>> -> memref<1x640x32xf32, #tpu.memory_space<vmem>>
    %dma_start3A_1940 = tpu.memref_squeeze %dma_start3A_1939 : memref<1x640x32xf32, #tpu.memory_space<vmem>> -> memref<640x32xf32, #tpu.memory_space<vmem>>
    tpu.enqueue_dma source(%dma_start3A_1940 : memref<640x32xf32, #tpu.memory_space<vmem>>) target(%dma_start3A_1936 : memref<640x32xf32, #tpu.memory_space<hbm>>) target_semaphore(%arg14 : memref<!tpu.dma_semaphore, #tpu.memory_space<semaphore_mem>>)
    %add3A_1941 = arith.constant 23040 : i32
    %add3A_1942 = arith.addi %mul3A_2, %add3A_1941 : i32
    %dma_wait3A_1943 = arith.constant 0 : i32
    %dma_wait3A_1944 = arith.constant 0 : i32
    %dma_wait3A_1945 = arith.constant 0 : i32
    %dma_wait3A_1946 = tpu.memref_slice %arg6[%dma_wait3A_1943, %dma_wait3A_1944, %dma_wait3A_1945] : memref<4x640x32xf32, #tpu.memory_space<vmem>> -> memref<1x640x32xf32, #tpu.memory_space<vmem>>
    %dma_wait3A_1947 = tpu.memref_squeeze %dma_wait3A_1946 : memref<1x640x32xf32, #tpu.memory_space<vmem>> -> memref<640x32xf32, #tpu.memory_space<vmem>>
    %dma_wait3A_1948 = arith.constant 0 : i32
    %dma_wait3A_1949 = tpu.memref_slice %arg4[%add3A_1942, %dma_wait3A_1948] : memref<819200x32xf32, #tpu.memory_space<hbm>> -> memref<640x32xf32, #tpu.memory_space<hbm>>
    %dma_wait3A_1950 = arith.constant 0 : i32
    %dma_wait3A_1951 = tpu.memref_slice %arg4[%add3A_1942, %dma_wait3A_1950] : memref<819200x32xf32, #tpu.memory_space<hbm>> -> memref<640x32xf32, #tpu.memory_space<hbm>>
    %dma_wait3A_1952 = arith.constant 0 : i32
    %dma_wait3A_1953 = arith.constant 0 : i32
    %dma_wait3A_1954 = tpu.memref_slice %arg6[%dma_wait3A_1943, %dma_wait3A_1952, %dma_wait3A_1953] : memref<4x640x32xf32, #tpu.memory_space<vmem>> -> memref<1x640x32xf32, #tpu.memory_space<vmem>>
    %dma_wait3A_1955 = tpu.memref_squeeze %dma_wait3A_1954 : memref<1x640x32xf32, #tpu.memory_space<vmem>> -> memref<640x32xf32, #tpu.memory_space<vmem>>
    tpu.wait_dma2 semaphore(%arg11 : memref<!tpu.dma_semaphore, #tpu.memory_space<semaphore_mem>>) src(%dma_wait3A_1955 : memref<640x32xf32, #tpu.memory_space<vmem>>) dst(%dma_wait3A_1951 : memref<640x32xf32, #tpu.memory_space<hbm>>)
    %add3A_1956 = arith.constant 23680 : i32
    %add3A_1957 = arith.addi %mul3A_2, %add3A_1956 : i32
    %dma_wait3A_1958 = arith.constant 1 : i32
    %dma_wait3A_1959 = arith.constant 0 : i32
    %dma_wait3A_1960 = arith.constant 0 : i32
    %dma_wait3A_1961 = tpu.memref_slice %arg6[%dma_wait3A_1958, %dma_wait3A_1959, %dma_wait3A_1960] : memref<4x640x32xf32, #tpu.memory_space<vmem>> -> memref<1x640x32xf32, #tpu.memory_space<vmem>>
    %dma_wait3A_1962 = tpu.memref_squeeze %dma_wait3A_1961 : memref<1x640x32xf32, #tpu.memory_space<vmem>> -> memref<640x32xf32, #tpu.memory_space<vmem>>
    %dma_wait3A_1963 = arith.constant 0 : i32
    %dma_wait3A_1964 = tpu.memref_slice %arg4[%add3A_1957, %dma_wait3A_1963] : memref<819200x32xf32, #tpu.memory_space<hbm>> -> memref<640x32xf32, #tpu.memory_space<hbm>>
    %dma_wait3A_1965 = arith.constant 0 : i32
    %dma_wait3A_1966 = tpu.memref_slice %arg4[%add3A_1957, %dma_wait3A_1965] : memref<819200x32xf32, #tpu.memory_space<hbm>> -> memref<640x32xf32, #tpu.memory_space<hbm>>
    %dma_wait3A_1967 = arith.constant 0 : i32
    %dma_wait3A_1968 = arith.constant 0 : i32
    %dma_wait3A_1969 = tpu.memref_slice %arg6[%dma_wait3A_1958, %dma_wait3A_1967, %dma_wait3A_1968] : memref<4x640x32xf32, #tpu.memory_space<vmem>> -> memref<1x640x32xf32, #tpu.memory_space<vmem>>
    %dma_wait3A_1970 = tpu.memref_squeeze %dma_wait3A_1969 : memref<1x640x32xf32, #tpu.memory_space<vmem>> -> memref<640x32xf32, #tpu.memory_space<vmem>>
    tpu.wait_dma2 semaphore(%arg12 : memref<!tpu.dma_semaphore, #tpu.memory_space<semaphore_mem>>) src(%dma_wait3A_1970 : memref<640x32xf32, #tpu.memory_space<vmem>>) dst(%dma_wait3A_1966 : memref<640x32xf32, #tpu.memory_space<hbm>>)
    %add3A_1971 = arith.constant 24320 : i32
    %add3A_1972 = arith.addi %mul3A_2, %add3A_1971 : i32
    %dma_wait3A_1973 = arith.constant 2 : i32
    %dma_wait3A_1974 = arith.constant 0 : i32
    %dma_wait3A_1975 = arith.constant 0 : i32
    %dma_wait3A_1976 = tpu.memref_slice %arg6[%dma_wait3A_1973, %dma_wait3A_1974, %dma_wait3A_1975] : memref<4x640x32xf32, #tpu.memory_space<vmem>> -> memref<1x640x32xf32, #tpu.memory_space<vmem>>
    %dma_wait3A_1977 = tpu.memref_squeeze %dma_wait3A_1976 : memref<1x640x32xf32, #tpu.memory_space<vmem>> -> memref<640x32xf32, #tpu.memory_space<vmem>>
    %dma_wait3A_1978 = arith.constant 0 : i32
    %dma_wait3A_1979 = tpu.memref_slice %arg4[%add3A_1972, %dma_wait3A_1978] : memref<819200x32xf32, #tpu.memory_space<hbm>> -> memref<640x32xf32, #tpu.memory_space<hbm>>
    %dma_wait3A_1980 = arith.constant 0 : i32
    %dma_wait3A_1981 = tpu.memref_slice %arg4[%add3A_1972, %dma_wait3A_1980] : memref<819200x32xf32, #tpu.memory_space<hbm>> -> memref<640x32xf32, #tpu.memory_space<hbm>>
    %dma_wait3A_1982 = arith.constant 0 : i32
    %dma_wait3A_1983 = arith.constant 0 : i32
    %dma_wait3A_1984 = tpu.memref_slice %arg6[%dma_wait3A_1973, %dma_wait3A_1982, %dma_wait3A_1983] : memref<4x640x32xf32, #tpu.memory_space<vmem>> -> memref<1x640x32xf32, #tpu.memory_space<vmem>>
    %dma_wait3A_1985 = tpu.memref_squeeze %dma_wait3A_1984 : memref<1x640x32xf32, #tpu.memory_space<vmem>> -> memref<640x32xf32, #tpu.memory_space<vmem>>
    tpu.wait_dma2 semaphore(%arg13 : memref<!tpu.dma_semaphore, #tpu.memory_space<semaphore_mem>>) src(%dma_wait3A_1985 : memref<640x32xf32, #tpu.memory_space<vmem>>) dst(%dma_wait3A_1981 : memref<640x32xf32, #tpu.memory_space<hbm>>)
    %add3A_1986 = arith.constant 24960 : i32
    %add3A_1987 = arith.addi %mul3A_2, %add3A_1986 : i32
    %dma_wait3A_1988 = arith.constant 3 : i32
    %dma_wait3A_1989 = arith.constant 0 : i32
    %dma_wait3A_1990 = arith.constant 0 : i32
    %dma_wait3A_1991 = tpu.memref_slice %arg6[%dma_wait3A_1988, %dma_wait3A_1989, %dma_wait3A_1990] : memref<4x640x32xf32, #tpu.memory_space<vmem>> -> memref<1x640x32xf32, #tpu.memory_space<vmem>>
    %dma_wait3A_1992 = tpu.memref_squeeze %dma_wait3A_1991 : memref<1x640x32xf32, #tpu.memory_space<vmem>> -> memref<640x32xf32, #tpu.memory_space<vmem>>
    %dma_wait3A_1993 = arith.constant 0 : i32
    %dma_wait3A_1994 = tpu.memref_slice %arg4[%add3A_1987, %dma_wait3A_1993] : memref<819200x32xf32, #tpu.memory_space<hbm>> -> memref<640x32xf32, #tpu.memory_space<hbm>>
    %dma_wait3A_1995 = arith.constant 0 : i32
    %dma_wait3A_1996 = tpu.memref_slice %arg4[%add3A_1987, %dma_wait3A_1995] : memref<819200x32xf32, #tpu.memory_space<hbm>> -> memref<640x32xf32, #tpu.memory_space<hbm>>
    %dma_wait3A_1997 = arith.constant 0 : i32
    %dma_wait3A_1998 = arith.constant 0 : i32
    %dma_wait3A_1999 = tpu.memref_slice %arg6[%dma_wait3A_1988, %dma_wait3A_1997, %dma_wait3A_1998] : memref<4x640x32xf32, #tpu.memory_space<vmem>> -> memref<1x640x32xf32, #tpu.memory_space<vmem>>
    %dma_wait3A_2000 = tpu.memref_squeeze %dma_wait3A_1999 : memref<1x640x32xf32, #tpu.memory_space<vmem>> -> memref<640x32xf32, #tpu.memory_space<vmem>>
    tpu.wait_dma2 semaphore(%arg14 : memref<!tpu.dma_semaphore, #tpu.memory_space<semaphore_mem>>) src(%dma_wait3A_2000 : memref<640x32xf32, #tpu.memory_space<vmem>>) dst(%dma_wait3A_1996 : memref<640x32xf32, #tpu.memory_space<hbm>>)
    return
  }
}

</mosaic_0001>

<sc_bundles>
// kernel: kernel.3.cloned.1.call-start
scs
__scs_entry_jumppad:
0x0: {  	(pc) =	sbr.rel $0x88, $3  }
0x1: {  	(tag) =	ssettag $0x0;
	lr =	simm.s32 $0x1  }
0x2: {  	[smem:$0x3F9F] =	sst lr;
	_ =	strace $0xD0000000  }
0x3: {  	_ = 	snop  }
0x4: {  	_ = 	snop  }
0x5: {  	_ = 	snop  }
0x6: {  	_ = 	snop  }
0x7: {  	_ = 	snop  }
__scs_overlays_trampoline_lowered:
0x8: {  	[smem:$0x3FAE] =	sst s0  }
0x9: {  	[smem:$0x3FAF] =	sst s1  }
0xa: {  	[smem:$0x3FB0] =	sst s2  }
0xb: {  	[smem:$0x3FB1] =	sst s3  }
0xc: {  	[smem:$0x3FB2] =	sst s4  }
0xd: {  	[smem:$0x3FB3] =	sst s5  }
0xe: {  	[smem:$0x3FB4] =	sst s6  }
0xf: {  	[smem:$0x3FB5] =	sst s7  }
0x10: {  	[smem:$0x3FB6] =	sst s8  }
0x11: {  	[smem:$0x3FB7] =	sst s9;
	s0 =	simm.s32 @!p0 $0x0  }
0x12: {  	s1 =	sld [smem:$0x3F9D];
	s0 =	simm.s32 @p0 $0x1  }
0x13: {  	[smem:$0x3FB8] =	sst s0;
	s0 =	simm.s32 @!p1 $0x0  }
0x14: {  	s2 =	sld [smem:$0x3F9C];
	s0 =	simm.s32 @p1 $0x1  }
0x15: {  	[smem:$0x3FB9] =	sst s0;
	s0 =	simm.s32 @!p2 $0x0  }
0x16: {  	s3 =	sld [smem:$0x3FDB];
	s0 =	simm.s32 @p2 $0x1  }
0x17: {  	s4 =	simm.s32 $0x1BF5;
	[smem:$0x3FBB] =	sst s0  }
0x18: {  	s0 =	sld [smem:$0x3F9E];
	_ =	swait.ge [sflag:s4], $0x0  }
0x19: {  	s7 =	sld [smem:$0x3F9F]  }
0x1a: {  	s8 =	sadd.s32 $0xFFFFE003, lr  }
0x1b: {  	s9 =	sadd.s32 $0xFFFFFEF7, lr;
	s5 =	simm.s32 $0xFFFFFFFF;
	p2 =	slt.u32 s8, $0xFFFFF086  }
0x1c: {  	p1 =	slt.u32 s9, $0xF7A;
	s5 =	simm.s32 @!p2 $0x0  }
0x1d: {  	s5 =	simm.s32 @p1 $0x1;
	p0 =	seq.s32 s7, s2  }
0x1e: {  	s7 =	smul.u32 @!p0 $0xF7A, s2;
	p2 =	seq.s32 @!p0 s5, $0x0  }
0x1f: {  	s9 =	smul.u32 $0xF7A, s1;
	s8 =	simm.s32 @!p0 $0x1BF5;
	p2 =	por !p2, p0  }
0x20: {  	[sflag:s8] =	ssyncset.s32 @!p0 $0xFFFFF086;
	s6 =	sadd.s32 @!p0 s3, s7;
	s7 =	simm.s32 @!p0 $0x108  }
0x21: {  	s3 =	sadd.s32 s3, s9;
	s6 =	sadd.s32 @!p0 $0x88, s6;
	s7 =	simm.s32 @p2 $0x1082  }
0x22: {  	[simem:s7], [sflag:s8] =	dma.local @!p0 [hbm:s6], $0xF7A  }
0x23: {  	s9 =	sor.u32 $0xD0000000, s2;
	s6 =	simm.s32 $0x108;
	_ =	swait.ge @!p0 [sflag:s8], $0x0  }
0x24: {  	s3 =	sadd.s32 $0x88, s3;
	s6 =	simm.s32 @!p1 $0x1082;
	[sflag:s4] =	ssyncset.s32 $0xFFFFF086  }
0x25: {  	[simem:s6], [sflag:s4] =	dma.local [hbm:s3], $0xF7A  }
0x26: {  	[smem:$0x3F9F] =	sst s1;
	(tag) =	ssettag s2;
	_ =	strace s9  }
0x27: {  	s1 =	sld [smem:$0x3FAF]  }
0x28: {  	s2 =	sld [smem:$0x3FB0]  }
0x29: {  	s4 =	sld [smem:$0x3FB2]  }
0x2a: {  	p0 =	seq.s32 s5, $0x0;
	s5 =	sld [smem:$0x3FB3]  }
0x2b: {  	s6 =	sld [smem:$0x3FB4]  }
0x2c: {  	s7 =	sld [smem:$0x3FB5]  }
0x2d: {  	s3 =	simm.s32 $0x108;
	s8 =	sld [smem:$0x3FB6]  }
0x2e: {  	s3 =	simm.s32 @!p0 $0x1082;
	s9 =	sld [smem:$0x3FB7]  }
0x2f: {  	lr =	sadd.s32 s0, s3;
	s0 =	sld [smem:$0x3FAE]  }
0x30: {  	s3 =	sld [smem:$0x3FB1]  }
0x31: {  	[smem:$0x3FBA] =	sst s10  }
0x32: {  	s10 =	sld [smem:$0x3FB8];
	_ =	sdelay $0x3  }
0x33: {  	p0 =	seq.s32 s10, $0x1;
	s10 =	sld [smem:$0x3FBA];
	_ =	sdelay $0x3  }
0x34: {  	[smem:$0x3FBA] =	sst s10  }
0x35: {  	s10 =	sld [smem:$0x3FB9];
	_ =	sdelay $0x3  }
0x36: {  	p1 =	seq.s32 s10, $0x1;
	s10 =	sld [smem:$0x3FBA];
	_ =	sdelay $0x3  }
0x37: {  	[smem:$0x3FBA] =	sst s10  }
0x38: {  	s10 =	sld [smem:$0x3FBB]  }
0x39: {  	_ = 	snop;
	(pc) =	sbr.ind lr, $3  }
0x3a: {  	_ = 	snop  }
0x3b: {  	_ = 	snop  }
0x3c: {  	p2 =	seq.s32 s10, $0x1;
	s10 =	sld [smem:$0x3FBA]  }
0x3d: {  	_ =	shalt  }
0x3e: {  	_ =	shalt  }
0x3f: {  	_ =	shalt  }
0x40: {  	_ =	shalt  }
0x41: {  	_ =	shalt  }
0x42: {  	_ =	shalt  }
0x43: {  	_ =	shalt  }
0x44: {  	_ =	shalt  }
0x45: {  	_ =	shalt  }
0x46: {  	_ =	shalt  }
0x47: {  	_ =	shalt  }
0x48: {  	_ =	shalt  }
0x49: {  	_ =	shalt  }
0x4a: {  	_ =	shalt  }
0x4b: {  	_ =	shalt  }
0x4c: {  	_ =	shalt  }
0x4d: {  	_ =	shalt  }
0x4e: {  	_ =	shalt  }
0x4f: {  	_ =	shalt  }
0x50: {  	_ =	shalt  }
0x51: {  	_ =	shalt  }
0x52: {  	_ =	shalt  }
0x53: {  	_ =	shalt  }
0x54: {  	_ =	shalt  }
0x55: {  	_ =	shalt  }
0x56: {  	_ =	shalt  }
0x57: {  	_ =	shalt  }
0x58: {  	_ =	shalt  }
0x59: {  	_ =	shalt  }
0x5a: {  	_ =	shalt  }
0x5b: {  	_ =	shalt  }
0x5c: {  	_ =	shalt  }
0x5d: {  	_ =	shalt  }
0x5e: {  	_ =	shalt  }
0x5f: {  	_ =	shalt  }
0x60: {  	_ =	shalt  }
0x61: {  	_ =	shalt  }
0x62: {  	_ =	shalt  }
0x63: {  	_ =	shalt  }
0x64: {  	_ =	shalt  }
0x65: {  	_ =	shalt  }
0x66: {  	_ =	shalt  }
0x67: {  	_ =	shalt  }
0x68: {  	_ =	shalt  }
0x69: {  	_ =	shalt  }
0x6a: {  	_ =	shalt  }
0x6b: {  	_ =	shalt  }
0x6c: {  	_ =	shalt  }
0x6d: {  	_ =	shalt  }
0x6e: {  	_ =	shalt  }
0x6f: {  	_ =	shalt  }
0x70: {  	_ =	shalt  }
0x71: {  	_ =	shalt  }
0x72: {  	_ =	shalt  }
0x73: {  	_ =	shalt  }
0x74: {  	_ =	shalt  }
0x75: {  	_ =	shalt  }
0x76: {  	_ =	shalt  }
0x77: {  	_ =	shalt  }
0x78: {  	_ =	shalt  }
0x79: {  	_ =	shalt  }
0x7a: {  	_ =	shalt  }
0x7b: {  	_ =	shalt  }
0x7c: {  	_ =	shalt  }
0x7d: {  	_ =	shalt  }
0x7e: {  	_ =	shalt  }
0x7f: {  	_ =	shalt  }
0x80: {  	_ =	shalt  }
0x81: {  	_ =	shalt  }
0x82: {  	_ =	shalt  }
0x83: {  	_ =	shalt  }
0x84: {  	_ =	shalt  }
0x85: {  	_ =	shalt  }
0x86: {  	_ =	shalt  }
0x87: {  	_ =	shalt  }
.Lfunc_end0:
.L_simem_size_0:
called_computation.1_lowered:
.L_overlay_start_0:
0x88: {  	s2 =	sld [smem:$0x3FD9]  }
0x89: {  	s3 =	sld [smem:$0x3FFE];
	_ =	sdelay $0x1  }
0x8a: {  	s1 =	srdreg.scid  }
0x8b: {  	s0 =	sand.u32 $0x1, s1  }
0x8c: {  	s17 =	sshll.u32 s0, $0xA;
	s2 =	sadd.s32 s3, s2  }
0x8d: {  	s2 =	sadd.s32 s2, s17  }
0x8e: {  	[smem:$0x3FC6] =	sst s2  }
0x8f: {  	_ = 	snop  }
0x90: {  	s2 =	sld [smem:$0x3FD0];
	(tm) =	ssettm $0x1  }
0x91: {  	s18 =	sld [smem:$0x3FFB];
	_ =	sdelay $0x3  }
0x92: {  	_ =	strace s18  }
0x93: {  	s3 =	sld [smem:$0x3FFC];
	_ =	sdelay $0x3  }
0x94: {  	_ =	strace s3  }
0x95: {  	s3 =	sld [smem:$0x3FFD];
	_ =	sdelay $0x3  }
0x96: {  	_ =	strace s3  }
0x97: {  	_ =	strace $0x8FFFFFFF  }
0x98: {  	s19 =	sld [smem:$0x3FDB];
	_ =	sdelay $0x1  }
0x99: {  	s4 =	simm.s32 $_scs_section_size  }
0x9a: {  	s5 =	simm.s32 $_size__tile_overlayer_lowered;
	s6 =	simm.s32 $_tile_overlayer_lowered  }
0x9b: {  	s22 =	simm.s32 $0x1BFF;
	s21 =	sshll.u32 s6, $0x1;
	s3 =	sadd.s32 s4, s19  }
0x9c: {  	s7 =	simm.s32 $0x0;
	s20 =	sshll.u32 s5, $0x1;
	s5 =	sadd.s32 s21, s3  }
0x9d: {  	[timem:s7], [sflag:s22] =	dma.local [hbm:s5], s20  }
0x9e: {  	_ =	swait.ge [sflag:s22], s20  }
0x9f: {  	s4 =	ssub.s32 $0x0, s20;
	[sflag:s22] =	ssyncset.done $0x0  }
0xa0: {  	[sflag:s22] =	ssyncadd.s32 s4;
	_ =	sdelay $0x1  }
0xa1: {  	s23 =	simm.s32 $0x1B8B  }
0xa2: {  	_ =	swait.ge [sflag:s23], $0x1  }
0xa3: {  	[sflag:s23] =	ssyncset.done $0x0  }
0xa4: {  	s25 =	simm.s32 $0x1B8E;
	s24 =	sld [smem:$0x3FFE];
	[sflag:s23] =	ssyncadd.s32 $0xFFFFFFFF  }
0xa5: {  	s26 =	simm.s32 $execute0_lowered;
	[smem:$0x3FD2] =	sst s25  }
0xa6: {  	s5 =	sshll.u32 s26, $0x1;
	_ =	strace $0x80000046;
	[dreg:$0x1] =	wrdreg $0xFFFFFFFF  }
0xa7: {  	s28 =	simm.s32 $_size_execute0_lowered;
	s3 =	sadd.s32 s3, s5;
	[dreg:$0x0] =	wrdreg $0x0  }
0xa8: {  	s5 =	sshll.u32 s28, $0x1;
	[dreg:$0x2] =	wrdreg s3  }
0xa9: {  	[dreg:$0x3] =	wrdreg s5  }
0xaa: {  	[dreg:$0x4] =	wrdreg $0xC0  }
0xab: {  	_ =	task [dreg:s7], $0x5FFFF  }
0xac: {  	[dreg:$0x1] =	wrdreg $0xFFFFFFFF  }
0xad: {  	[dreg:$0x0] =	wrdreg $0x60  }
0xae: {  	[dreg:$0x2] =	wrdreg s24  }
0xaf: {  	[dreg:$0x3] =	wrdreg s2  }
0xb0: {  	[dreg:$0x4] =	wrdreg $0x9  }
0xb1: {  	_ =	task.clear_ibuf [dreg:s7], $0x5FFFF;
	_ =	strace $0x90000046  }
0xb2: {  	s29 =	simm.s32 $0x9;
	_ =	strace $0x80000048  }
0xb3: {  	_ =	swait.ge [sflag:s29], $0x1  }
0xb4: {  	[sflag:s29] =	ssyncadd.s32 $0xFFFFFFFF  }
0xb5: {  	_ =	strace $0x90000048  }
0xb6: {  	_ =	sfence  }
0xb7: {  	s30 =	sld [smem:$0x0];
	_ =	sdelay $0x2  }
0xb8: {  	s31 =	sshll.u32 s1, $0xD;
	s1 =	sshrl.u32 s1, $0x2  }
0xb9: {  	s3 =	sand.u32 $0x4000, s31;
	s1 =	sadd.s32 s1, s30  }
0xba: {  	s0 =	sor.u32 s3, s0;
	s1 =	sshll.u32 s1, $0x11  }
0xbb: {  	s0 =	sor.u32 s1, s0  }
0xbc: {  	s0 =	sadd.s32 $0x8F2B, s0  }
0xbd: {  	[sflag:s0] =	ssyncadd.remote.s32 $0x1  }
0xbe: {  	_ =	sfence.sel $0xFFFF  }
0xbf: {  	[dreg:$0x0] =	wrdreg $0xFFFFFFFF;
	(pc) =	sbr.abs _section_cstart, $3  }
0xc0: {  	[dreg:$0x1] =	wrdreg $0xFFFFFFFF  }
0xc1: {  	_ =	task.clear_ibuf [dreg:s7], $0x2FFFF;
	_ =	strace $0x9FFFFFFF  }
0xc2: {  	(tm) =	ssettm $0x7FFFFFFF  }
0xc3: {  	_ =	shalt  }
tec
execute0_lowered:
.L_overlay_start_1:
0x0: {  	(tag) =	ssettag $0x1  }
0x1: {  	s0 =	srdreg.scid;
	s2 =	stileid.u32  }
0x2: {  	s1 =	sand.u32 $0x1, s0;
	s6 =	sshll.u32 s2, $0x1  }
0x3: {  	s0 =	sor.u32 s1, s6  }
0x4: {  	s5 =	smul.u32 $0xC80, s0  }
0x5: {  	s3 =	rddreg [dreg:$0x0];
	s2 =	simm.s32 $0x0;
	s6 =	smul.u32 $0x19000, s0  }
0x6: {  	[smem:$0x7FF] =	sst s2;
	s0 =	smul.u32 $0xC8000, s0  }
0x7: {  	s4 =	rddreg [dreg:$0x1];
	_ =	strace $0x80000047;
	s5 =	sadd.s32 s5, s3  }
0x8: {  	s30 =	sadd.s32 s4, s6;
	s0 =	sshrl.u32 s0, $0x3;
	s5 =	sadd.s32 $0xA00, s5  }
0x9: {  	s7 =	sadd.s32 $0xA00, s30;
	s4 =	sadd.s32 s4, s0;
	[dreg:$0x3] =	wrdreg s5  }
0xa: {  	[dreg:$0x4] =	wrdreg s7;
	s0 =	sadd.s32 $0x1400, s4  }
0xb: {  	s8 =	sadd.s32 $0x1E00, s4;
	[dreg:$0x5] =	wrdreg s0  }
0xc: {  	s9 =	sadd.s32 $0x2800, s4;
	[dreg:$0x6] =	wrdreg s8  }
0xd: {  	s10 =	sadd.s32 $0x3200, s4;
	[dreg:$0x7] =	wrdreg s9  }
0xe: {  	s11 =	sadd.s32 $0x3C00, s4;
	[dreg:$0x8] =	wrdreg s10  }
0xf: {  	s12 =	sadd.s32 $0x4600, s4;
	[dreg:$0x9] =	wrdreg s11  }
0x10: {  	s13 =	sadd.s32 $0x5000, s4;
	[dreg:$0xa] =	wrdreg s12  }
0x11: {  	s14 =	sadd.s32 $0x5A00, s4;
	[dreg:$0xb] =	wrdreg s13  }
0x12: {  	s15 =	sadd.s32 $0x6400, s4;
	[dreg:$0xc] =	wrdreg s14  }
0x13: {  	s16 =	sadd.s32 $0x6E00, s4;
	[dreg:$0xd] =	wrdreg s15  }
0x14: {  	s17 =	sadd.s32 $0x7800, s4;
	[dreg:$0xe] =	wrdreg s16  }
0x15: {  	s18 =	sadd.s32 $0x8200, s4;
	[dreg:$0xf] =	wrdreg s17  }
0x16: {  	s19 =	sadd.s32 $0x8C00, s4;
	[dreg:$0x10] =	wrdreg s18  }
0x17: {  	s20 =	sadd.s32 $0x9600, s4;
	[dreg:$0x11] =	wrdreg s19  }
0x18: {  	s21 =	sadd.s32 $0xA000, s4;
	[dreg:$0x12] =	wrdreg s20  }
0x19: {  	s22 =	sadd.s32 $0xAA00, s4;
	[dreg:$0x13] =	wrdreg s21  }
0x1a: {  	s23 =	sadd.s32 $0xB400, s4;
	[dreg:$0x14] =	wrdreg s22  }
0x1b: {  	s24 =	sadd.s32 $0xBE00, s4;
	[dreg:$0x15] =	wrdreg s23  }
0x1c: {  	s25 =	sadd.s32 $0xC800, s4;
	[dreg:$0x16] =	wrdreg s24  }
0x1d: {  	s26 =	sadd.s32 $0xD200, s4;
	[dreg:$0x17] =	wrdreg s25  }
0x1e: {  	s5 =	sadd.s32 $0xDC00, s4;
	[dreg:$0x18] =	wrdreg s26  }
0x1f: {  	s6 =	sadd.s32 $0xE600, s4;
	[dreg:$0x19] =	wrdreg s5  }
0x20: {  	s7 =	sadd.s32 $0xF000, s4;
	[dreg:$0x1a] =	wrdreg s6  }
0x21: {  	[dreg:$0x1b] =	wrdreg s7  }
0x22: {  	s8 =	sadd.s32 $0xFA00, s4;
	s0 =	rddreg [dreg:$0x3]  }
0x23: {  	s9 =	sadd.s32 $0x10400, s4;
	[dreg:$0x1c] =	wrdreg s8  }
0x24: {  	s10 =	sadd.s32 $0x10E00, s4;
	[dreg:$0x1d] =	wrdreg s9  }
0x25: {  	s11 =	sadd.s32 $0x11800, s4;
	[dreg:$0x1e] =	wrdreg s10  }
0x26: {  	s12 =	sadd.s32 $0x12200, s4;
	[dreg:$0x1f] =	wrdreg s11  }
0x27: {  	s13 =	sadd.s32 $0x12C00, s4;
	[smem:$0x7D9] =	sst s12  }
0x28: {  	s14 =	sadd.s32 $0x13600, s4;
	[smem:$0x7DA] =	sst s13  }
0x29: {  	s15 =	sadd.s32 $0x14000, s4;
	[smem:$0x7DB] =	sst s14  }
0x2a: {  	s16 =	sadd.s32 $0x14A00, s4;
	[smem:$0x7DC] =	sst s15  }
0x2b: {  	s17 =	sadd.s32 $0x15400, s4;
	[smem:$0x7DD] =	sst s16  }
0x2c: {  	s18 =	sadd.s32 $0x15E00, s4;
	[smem:$0x7DE] =	sst s17  }
0x2d: {  	s19 =	sadd.s32 $0x16800, s4;
	[smem:$0x7DF] =	sst s18  }
0x2e: {  	s20 =	sadd.s32 $0x17200, s4;
	[smem:$0x7E0] =	sst s19  }
0x2f: {  	s21 =	sadd.s32 $0x17C00, s4;
	[smem:$0x7E1] =	sst s20  }
0x30: {  	s22 =	sadd.s32 $0x18600, s4;
	[smem:$0x7E2] =	sst s21  }
0x31: {  	s23 =	simm.s32 $0x500;
	[smem:$0x7E3] =	sst s22  }
0x32: {  	s24 =	simm.s32 $0x780;
	[smem:$0x7E4] =	sst s23  }
0x33: {  	s31 =	simm.s32 $0x9;
	s25 =	simm.s32 $0xA00;
	[smem:$0x7E5] =	sst s24  }
0x34: {  	s29 =	simm.s32 $0x4600;
	s26 =	simm.s32 $0xC80;
	[smem:$0x7E6] =	sst s25  }
0x35: {  	s28 =	simm.s32 $0x4880;
	s4 =	simm.s32 $0xF00;
	[smem:$0x7E7] =	sst s26  }
0x36: {  	p0 =	por $0x0, $0x0;
	s5 =	simm.s32 $0x1180;
	[smem:$0x7E8] =	sst s4  }
0x37: {  	s1 =	ssub.s32 $0x2, s1;
	s6 =	simm.s32 $0x1400;
	[smem:$0x7E9] =	sst s5  }
0x38: {  	s3 =	sadd.s32 $0xF42E00, s3;
	s7 =	simm.s32 $0x1680;
	[smem:$0x7EA] =	sst s6  }
0x39: {  	[smem:$0x7EB] =	sst s7;
	s8 =	simm.s32 $0x1900;
	s9 =	simm.s32 $0x1B80  }
0x3a: {  	s10 =	sshrl.u32 s1, $0x1;
	s11 =	simm.s32 $0x1E00;
	[smem:$0x7EC] =	sst s8  }
0x3b: {  	s12 =	simm.s32 $0x2080;
	s13 =	simm.s32 $0x2300;
	[smem:$0x7ED] =	sst s9  }
0x3c: {  	s14 =	simm.s32 $0x2580;
	s5 =	simm.s32 $0x280;
	[smem:$0x7EE] =	sst s11  }
0x3d: {  	s15 =	simm.s32 $0x2800;
	s16 =	simm.s32 $0x2A80;
	[smem:$0x7EF] =	sst s12  }
0x3e: {  	s7 =	simm.s32 $0xB400;
	s17 =	simm.s32 $0x2D00;
	[smem:$0x7F0] =	sst s13  }
0x3f: {  	s4 =	simm.s32 $0x10400;
	s18 =	simm.s32 $0x2F80;
	[smem:$0x7F1] =	sst s14  }
0x40: {  	s19 =	simm.s32 $0x3200;
	s6 =	simm.s32 $0x15400;
	[smem:$0x7F2] =	sst s15  }
0x41: {  	s20 =	simm.s32 $0x3480;
	s21 =	simm.s32 $0x3700;
	[smem:$0x7F3] =	sst s16  }
0x42: {  	s22 =	simm.s32 $0x3980;
	s23 =	simm.s32 $0x3C00;
	[smem:$0x7F4] =	sst s17  }
0x43: {  	s24 =	simm.s32 $0x3E80;
	s25 =	simm.s32 $0x4100;
	[smem:$0x7F5] =	sst s18  }
0x44: {  	s26 =	simm.s32 $0x4380;
	s1 =	ssub.s32 s1, s10;
	[smem:$0x7F6] =	sst s19  }
0x45: {  	s10 =	simm.s32 $0x6400;
	s16 =	simm.s32 $0x1;
	[smem:$0x7F7] =	sst s20  }
0x46: {  	s13 =	simm.s32 $0x2;
	s8 =	simm.s32 $0x5;
	[smem:$0x7F8] =	sst s21  }
0x47: {  	s14 =	simm.s32 $0x3;
	[smem:$0x7F9] =	sst s22;
	s9 =	simm.s32 $0x6  }
0x48: {  	[smem:$0x7FA] =	sst s23;
	s15 =	simm.s32 $0x4;
	s1 =	smax.u32 s1, $0x1  }
0x49: {  	[smem:$0x7FB] =	sst s24;
	s11 =	simm.s32 $0x7;
	p1 =	sne.s32 s1, $0x1  }
.Ltmp0:
0x4a: {  	[smem:$0x7FC] =	sst s25;
	s12 =	simm.s32 $0x8;
	(pc) =	sbr.rel @!p1 .LBB2_3-.Ltmp0, $4  }
0x4b: {  	[smem:$0x7FD] =	sst s26;
	s26 =	simm.s32 $0x4B00;
	s25 =	simm.s32 $0x4D80  }
0x4c: {  	s24 =	simm.s32 $0x5000;
	s23 =	simm.s32 $0x5280;
	s22 =	simm.s32 $0x5500  }
0x4d: {  	s21 =	simm.s32 $0x5780;
	s20 =	simm.s32 $0x5A00;
	s19 =	simm.s32 $0x5C80  }
0x4e: {  	s18 =	simm.s32 $0x5F00;
	s17 =	simm.s32 $0x6180;
	s1 =	sadd.s32 $0xFFFFFFFF, s1  }
0x4f: {  	[tilespmem:s2], [sflag:$0x9] =	stream.linear.gather [hbm4b:s0+s2], $0x6400, $0x38;
	[tilespmem:$0x1A400] =	vst v63  }
0x50: {  	_ =	swait.ge [sflag:s31], $0x6400  }
0x51: {  	[sflag:s31] =	ssyncset.done $0x0  }
0x52: {  	[sflag:s31] =	ssyncadd.s32 $0xFFFF9C00  }
0x53: {  	[tilespmem:s10], [sflag:$0x1] =	stream.indirect.gather [hbm4b:s3+s5], $0x20, s2, s5, $0xb8;
	[tilespmem:$0x1A400] =	vst v63  }
0x54: {  	s0 =	sld [smem:$0x7E4]  }
0x55: {  	[tilespmem:s7], [sflag:$0x2] =	stream.indirect.gather [hbm4b:s3+s5], $0x20, s5, s5, $0xb8;
	[tilespmem:$0x1A400] =	vst v63  }
0x56: {  	_ = 	snop  }
0x57: {  	[tilespmem:s4], [sflag:$0x3] =	stream.indirect.gather [hbm4b:s3+s5], $0x20, s0, s5, $0xb8;
	[tilespmem:$0x1A400] =	vst v63  }
0x58: {  	_ =	swait.ge [sflag:s16], $0x5000  }
0x59: {  	[sflag:s16] =	ssyncset.done $0x0  }
0x5a: {  	s0 =	sld [smem:$0x7E5];
	[sflag:s16] =	ssyncadd.s32 $0xFFFFB000  }
0x5b: {  	[hbm4b:s30+s2] =	stream.linear.scatter [tilespmem:s10], [sflag:$0x5], $0x5000, $0x38;
	[tilespmem:$0x1A400] =	vst v63  }
0x5c: {  	_ = 	snop  }
0x5d: {  	[tilespmem:s6], [sflag:$0x4] =	stream.indirect.gather [hbm4b:s3+s5], $0x20, s0, s5, $0xb8;
	[tilespmem:$0x1A400] =	vst v63  }
0x5e: {  	_ =	swait.ge [sflag:s13], $0x5000  }
0x5f: {  	[sflag:s13] =	ssyncset.done $0x0  }
0x60: {  	s0 =	rddreg [dreg:$0x4];
	[sflag:s13] =	ssyncadd.s32 $0xFFFFB000  }
0x61: {  	[hbm4b:s0+s2] =	stream.linear.scatter [tilespmem:s7], [sflag:$0x6], $0x5000, $0x38;
	[tilespmem:$0x1A400] =	vst v63  }
0x62: {  	_ =	swait.ge [sflag:s8], $0x5000  }
0x63: {  	s0 =	sld [smem:$0x7E6]  }
0x64: {  	[sflag:s8] =	ssyncset.done $0x0  }
0x65: {  	[sflag:s8] =	ssyncadd.s32 $0xFFFFB000  }
0x66: {  	[tilespmem:s10], [sflag:$0x1] =	stream.indirect.gather [hbm4b:s3+s5], $0x20, s0, s5, $0xb8;
	[tilespmem:$0x1A400] =	vst v63  }
0x67: {  	_ =	swait.ge [sflag:s14], $0x5000  }
0x68: {  	[sflag:s14] =	ssyncset.done $0x0  }
0x69: {  	s0 =	rddreg [dreg:$0x5];
	[sflag:s14] =	ssyncadd.s32 $0xFFFFB000  }
0x6a: {  	[hbm4b:s0+s2] =	stream.linear.scatter [tilespmem:s4], [sflag:$0x7], $0x5000, $0x38;
	[tilespmem:$0x1A400] =	vst v63  }
0x6b: {  	_ =	swait.ge [sflag:s9], $0x5000  }
0x6c: {  	s0 =	sld [smem:$0x7E7]  }
0x6d: {  	[sflag:s9] =	ssyncset.done $0x0  }
0x6e: {  	[sflag:s9] =	ssyncadd.s32 $0xFFFFB000  }
0x6f: {  	[tilespmem:s7], [sflag:$0x2] =	stream.indirect.gather [hbm4b:s3+s5], $0x20, s0, s5, $0xb8;
	[tilespmem:$0x1A400] =	vst v63  }
0x70: {  	_ =	swait.ge [sflag:s15], $0x5000  }
0x71: {  	[sflag:s15] =	ssyncset.done $0x0  }
0x72: {  	s0 =	rddreg [dreg:$0x6];
	[sflag:s15] =	ssyncadd.s32 $0xFFFFB000  }
0x73: {  	[hbm4b:s0+s2] =	stream.linear.scatter [tilespmem:s6], [sflag:$0x8], $0x5000, $0x38;
	[tilespmem:$0x1A400] =	vst v63  }
0x74: {  	_ =	swait.ge [sflag:s11], $0x5000  }
0x75: {  	s0 =	sld [smem:$0x7E8]  }
0x76: {  	[sflag:s11] =	ssyncset.done $0x0  }
0x77: {  	[sflag:s11] =	ssyncadd.s32 $0xFFFFB000  }
0x78: {  	[tilespmem:s4], [sflag:$0x3] =	stream.indirect.gather [hbm4b:s3+s5], $0x20, s0, s5, $0xb8;
	[tilespmem:$0x1A400] =	vst v63  }
0x79: {  	_ =	swait.ge [sflag:s16], $0x5000  }
0x7a: {  	[sflag:s16] =	ssyncset.done $0x0  }
0x7b: {  	s0 =	rddreg [dreg:$0x7];
	[sflag:s16] =	ssyncadd.s32 $0xFFFFB000  }
0x7c: {  	[hbm4b:s0+s2] =	stream.linear.scatter [tilespmem:s10], [sflag:$0x5], $0x5000, $0x38;
	[tilespmem:$0x1A400] =	vst v63  }
0x7d: {  	_ =	swait.ge [sflag:s12], $0x5000  }
0x7e: {  	s0 =	sld [smem:$0x7E9]  }
0x7f: {  	[sflag:s12] =	ssyncset.done $0x0  }
0x80: {  	[sflag:s12] =	ssyncadd.s32 $0xFFFFB000  }
0x81: {  	[tilespmem:s6], [sflag:$0x4] =	stream.indirect.gather [hbm4b:s3+s5], $0x20, s0, s5, $0xb8;
	[tilespmem:$0x1A400] =	vst v63  }
0x82: {  	_ =	swait.ge [sflag:s13], $0x5000  }
0x83: {  	[sflag:s13] =	ssyncset.done $0x0  }
0x84: {  	s0 =	rddreg [dreg:$0x8];
	[sflag:s13] =	ssyncadd.s32 $0xFFFFB000  }
0x85: {  	[hbm4b:s0+s2] =	stream.linear.scatter [tilespmem:s7], [sflag:$0x6], $0x5000, $0x38;
	[tilespmem:$0x1A400] =	vst v63  }
0x86: {  	_ =	swait.ge [sflag:s8], $0x5000  }
0x87: {  	s0 =	sld [smem:$0x7EA]  }
0x88: {  	[sflag:s8] =	ssyncset.done $0x0  }
0x89: {  	[sflag:s8] =	ssyncadd.s32 $0xFFFFB000  }
0x8a: {  	[tilespmem:s10], [sflag:$0x1] =	stream.indirect.gather [hbm4b:s3+s5], $0x20, s0, s5, $0xb8;
	[tilespmem:$0x1A400] =	vst v63  }
0x8b: {  	_ =	swait.ge [sflag:s14], $0x5000  }
0x8c: {  	[sflag:s14] =	ssyncset.done $0x0  }
0x8d: {  	s0 =	rddreg [dreg:$0x9];
	[sflag:s14] =	ssyncadd.s32 $0xFFFFB000  }
0x8e: {  	[hbm4b:s0+s2] =	stream.linear.scatter [tilespmem:s4], [sflag:$0x7], $0x5000, $0x38;
	[tilespmem:$0x1A400] =	vst v63  }
0x8f: {  	_ =	swait.ge [sflag:s9], $0x5000  }
0x90: {  	s0 =	sld [smem:$0x7EB]  }
0x91: {  	[sflag:s9] =	ssyncset.done $0x0  }
0x92: {  	[sflag:s9] =	ssyncadd.s32 $0xFFFFB000  }
0x93: {  	[tilespmem:s7], [sflag:$0x2] =	stream.indirect.gather [hbm4b:s3+s5], $0x20, s0, s5, $0xb8;
	[tilespmem:$0x1A400] =	vst v63  }
0x94: {  	_ =	swait.ge [sflag:s15], $0x5000  }
0x95: {  	[sflag:s15] =	ssyncset.done $0x0  }
0x96: {  	s0 =	rddreg [dreg:$0xa];
	[sflag:s15] =	ssyncadd.s32 $0xFFFFB000  }
0x97: {  	[hbm4b:s0+s2] =	stream.linear.scatter [tilespmem:s6], [sflag:$0x8], $0x5000, $0x38;
	[tilespmem:$0x1A400] =	vst v63  }
0x98: {  	_ =	swait.ge [sflag:s11], $0x5000  }
0x99: {  	s0 =	sld [smem:$0x7EC]  }
0x9a: {  	[sflag:s11] =	ssyncset.done $0x0  }
0x9b: {  	[sflag:s11] =	ssyncadd.s32 $0xFFFFB000  }
0x9c: {  	[tilespmem:s4], [sflag:$0x3] =	stream.indirect.gather [hbm4b:s3+s5], $0x20, s0, s5, $0xb8;
	[tilespmem:$0x1A400] =	vst v63  }
0x9d: {  	_ =	swait.ge [sflag:s16], $0x5000  }
0x9e: {  	[sflag:s16] =	ssyncset.done $0x0  }
0x9f: {  	s0 =	rddreg [dreg:$0xb];
	[sflag:s16] =	ssyncadd.s32 $0xFFFFB000  }
0xa0: {  	[hbm4b:s0+s2] =	stream.linear.scatter [tilespmem:s10], [sflag:$0x5], $0x5000, $0x38;
	[tilespmem:$0x1A400] =	vst v63  }
0xa1: {  	_ =	swait.ge [sflag:s12], $0x5000  }
0xa2: {  	s0 =	sld [smem:$0x7ED]  }
0xa3: {  	[sflag:s12] =	ssyncset.done $0x0  }
0xa4: {  	[sflag:s12] =	ssyncadd.s32 $0xFFFFB000  }
0xa5: {  	[tilespmem:s6], [sflag:$0x4] =	stream.indirect.gather [hbm4b:s3+s5], $0x20, s0, s5, $0xb8;
	[tilespmem:$0x1A400] =	vst v63  }
0xa6: {  	_ =	swait.ge [sflag:s13], $0x5000  }
0xa7: {  	[sflag:s13] =	ssyncset.done $0x0  }
0xa8: {  	s0 =	rddreg [dreg:$0xc];
	[sflag:s13] =	ssyncadd.s32 $0xFFFFB000  }
0xa9: {  	[hbm4b:s0+s2] =	stream.linear.scatter [tilespmem:s7], [sflag:$0x6], $0x5000, $0x38;
	[tilespmem:$0x1A400] =	vst v63  }
0xaa: {  	_ =	swait.ge [sflag:s8], $0x5000  }
0xab: {  	s0 =	sld [smem:$0x7EE]  }
0xac: {  	[sflag:s8] =	ssyncset.done $0x0  }
0xad: {  	[sflag:s8] =	ssyncadd.s32 $0xFFFFB000  }
0xae: {  	[tilespmem:s10], [sflag:$0x1] =	stream.indirect.gather [hbm4b:s3+s5], $0x20, s0, s5, $0xb8;
	[tilespmem:$0x1A400] =	vst v63  }
0xaf: {  	_ =	swait.ge [sflag:s14], $0x5000  }
0xb0: {  	[sflag:s14] =	ssyncset.done $0x0  }
0xb1: {  	s0 =	rddreg [dreg:$0xd];
	[sflag:s14] =	ssyncadd.s32 $0xFFFFB000  }
0xb2: {  	[hbm4b:s0+s2] =	stream.linear.scatter [tilespmem:s4], [sflag:$0x7], $0x5000, $0x38;
	[tilespmem:$0x1A400] =	vst v63  }
0xb3: {  	_ =	swait.ge [sflag:s9], $0x5000  }
0xb4: {  	s0 =	sld [smem:$0x7EF]  }
0xb5: {  	[sflag:s9] =	ssyncset.done $0x0  }
0xb6: {  	[sflag:s9] =	ssyncadd.s32 $0xFFFFB000  }
0xb7: {  	[tilespmem:s7], [sflag:$0x2] =	stream.indirect.gather [hbm4b:s3+s5], $0x20, s0, s5, $0xb8;
	[tilespmem:$0x1A400] =	vst v63  }
0xb8: {  	_ =	swait.ge [sflag:s15], $0x5000  }
0xb9: {  	[sflag:s15] =	ssyncset.done $0x0  }
0xba: {  	s0 =	rddreg [dreg:$0xe];
	[sflag:s15] =	ssyncadd.s32 $0xFFFFB000  }
0xbb: {  	[hbm4b:s0+s2] =	stream.linear.scatter [tilespmem:s6], [sflag:$0x8], $0x5000, $0x38;
	[tilespmem:$0x1A400] =	vst v63  }
0xbc: {  	_ =	swait.ge [sflag:s11], $0x5000  }
0xbd: {  	s0 =	sld [smem:$0x7F0]  }
0xbe: {  	[sflag:s11] =	ssyncset.done $0x0  }
0xbf: {  	[sflag:s11] =	ssyncadd.s32 $0xFFFFB000  }
0xc0: {  	[tilespmem:s4], [sflag:$0x3] =	stream.indirect.gather [hbm4b:s3+s5], $0x20, s0, s5, $0xb8;
	[tilespmem:$0x1A400] =	vst v63  }
0xc1: {  	_ =	swait.ge [sflag:s16], $0x5000  }
0xc2: {  	[sflag:s16] =	ssyncset.done $0x0  }
0xc3: {  	s0 =	rddreg [dreg:$0xf];
	[sflag:s16] =	ssyncadd.s32 $0xFFFFB000  }
0xc4: {  	[hbm4b:s0+s2] =	stream.linear.scatter [tilespmem:s10], [sflag:$0x5], $0x5000, $0x38;
	[tilespmem:$0x1A400] =	vst v63  }
0xc5: {  	_ =	swait.ge [sflag:s12], $0x5000  }
0xc6: {  	s0 =	sld [smem:$0x7F1]  }
0xc7: {  	[sflag:s12] =	ssyncset.done $0x0  }
0xc8: {  	[sflag:s12] =	ssyncadd.s32 $0xFFFFB000  }
0xc9: {  	[tilespmem:s6], [sflag:$0x4] =	stream.indirect.gather [hbm4b:s3+s5], $0x20, s0, s5, $0xb8;
	[tilespmem:$0x1A400] =	vst v63  }
0xca: {  	_ =	swait.ge [sflag:s13], $0x5000  }
0xcb: {  	[sflag:s13] =	ssyncset.done $0x0  }
0xcc: {  	s0 =	rddreg [dreg:$0x10];
	[sflag:s13] =	ssyncadd.s32 $0xFFFFB000  }
0xcd: {  	[hbm4b:s0+s2] =	stream.linear.scatter [tilespmem:s7], [sflag:$0x6], $0x5000, $0x38;
	[tilespmem:$0x1A400] =	vst v63  }
0xce: {  	_ =	swait.ge [sflag:s8], $0x5000  }
0xcf: {  	s0 =	sld [smem:$0x7F2]  }
0xd0: {  	[sflag:s8] =	ssyncset.done $0x0  }
0xd1: {  	[sflag:s8] =	ssyncadd.s32 $0xFFFFB000  }
0xd2: {  	[tilespmem:s10], [sflag:$0x1] =	stream.indirect.gather [hbm4b:s3+s5], $0x20, s0, s5, $0xb8;
	[tilespmem:$0x1A400] =	vst v63  }
0xd3: {  	_ =	swait.ge [sflag:s14], $0x5000  }
0xd4: {  	[sflag:s14] =	ssyncset.done $0x0  }
0xd5: {  	s0 =	rddreg [dreg:$0x11];
	[sflag:s14] =	ssyncadd.s32 $0xFFFFB000  }
0xd6: {  	[hbm4b:s0+s2] =	stream.linear.scatter [tilespmem:s4], [sflag:$0x7], $0x5000, $0x38;
	[tilespmem:$0x1A400] =	vst v63  }
0xd7: {  	_ =	swait.ge [sflag:s9], $0x5000  }
0xd8: {  	s0 =	sld [smem:$0x7F3]  }
0xd9: {  	[sflag:s9] =	ssyncset.done $0x0  }
0xda: {  	[sflag:s9] =	ssyncadd.s32 $0xFFFFB000  }
0xdb: {  	[tilespmem:s7], [sflag:$0x2] =	stream.indirect.gather [hbm4b:s3+s5], $0x20, s0, s5, $0xb8;
	[tilespmem:$0x1A400] =	vst v63  }
0xdc: {  	_ =	swait.ge [sflag:s15], $0x5000  }
0xdd: {  	[sflag:s15] =	ssyncset.done $0x0  }
0xde: {  	s0 =	rddreg [dreg:$0x12];
	[sflag:s15] =	ssyncadd.s32 $0xFFFFB000  }
0xdf: {  	[hbm4b:s0+s2] =	stream.linear.scatter [tilespmem:s6], [sflag:$0x8], $0x5000, $0x38;
	[tilespmem:$0x1A400] =	vst v63  }
0xe0: {  	_ =	swait.ge [sflag:s11], $0x5000  }
0xe1: {  	s0 =	sld [smem:$0x7F4]  }
0xe2: {  	[sflag:s11] =	ssyncset.done $0x0  }
0xe3: {  	[sflag:s11] =	ssyncadd.s32 $0xFFFFB000  }
0xe4: {  	[tilespmem:s4], [sflag:$0x3] =	stream.indirect.gather [hbm4b:s3+s5], $0x20, s0, s5, $0xb8;
	[tilespmem:$0x1A400] =	vst v63  }
0xe5: {  	_ =	swait.ge [sflag:s16], $0x5000  }
0xe6: {  	[sflag:s16] =	ssyncset.done $0x0  }
0xe7: {  	s0 =	rddreg [dreg:$0x13];
	[sflag:s16] =	ssyncadd.s32 $0xFFFFB000  }
0xe8: {  	[hbm4b:s0+s2] =	stream.linear.scatter [tilespmem:s10], [sflag:$0x5], $0x5000, $0x38;
	[tilespmem:$0x1A400] =	vst v63  }
0xe9: {  	_ =	swait.ge [sflag:s12], $0x5000  }
0xea: {  	s0 =	sld [smem:$0x7F5]  }
0xeb: {  	[sflag:s12] =	ssyncset.done $0x0  }
0xec: {  	[sflag:s12] =	ssyncadd.s32 $0xFFFFB000  }
0xed: {  	[tilespmem:s6], [sflag:$0x4] =	stream.indirect.gather [hbm4b:s3+s5], $0x20, s0, s5, $0xb8;
	[tilespmem:$0x1A400] =	vst v63  }
0xee: {  	_ =	swait.ge [sflag:s13], $0x5000  }
0xef: {  	[sflag:s13] =	ssyncset.done $0x0  }
0xf0: {  	s0 =	rddreg [dreg:$0x14];
	[sflag:s13] =	ssyncadd.s32 $0xFFFFB000  }
0xf1: {  	[hbm4b:s0+s2] =	stream.linear.scatter [tilespmem:s7], [sflag:$0x6], $0x5000, $0x38;
	[tilespmem:$0x1A400] =	vst v63  }
0xf2: {  	_ =	swait.ge [sflag:s8], $0x5000  }
0xf3: {  	s0 =	sld [smem:$0x7F6]  }
0xf4: {  	[sflag:s8] =	ssyncset.done $0x0  }
0xf5: {  	[sflag:s8] =	ssyncadd.s32 $0xFFFFB000  }
0xf6: {  	[tilespmem:s10], [sflag:$0x1] =	stream.indirect.gather [hbm4b:s3+s5], $0x20, s0, s5, $0xb8;
	[tilespmem:$0x1A400] =	vst v63  }
0xf7: {  	_ =	swait.ge [sflag:s14], $0x5000  }
0xf8: {  	[sflag:s14] =	ssyncset.done $0x0  }
0xf9: {  	s0 =	rddreg [dreg:$0x15];
	[sflag:s14] =	ssyncadd.s32 $0xFFFFB000  }
0xfa: {  	[hbm4b:s0+s2] =	stream.linear.scatter [tilespmem:s4], [sflag:$0x7], $0x5000, $0x38;
	[tilespmem:$0x1A400] =	vst v63  }
0xfb: {  	_ =	swait.ge [sflag:s9], $0x5000  }
0xfc: {  	s0 =	sld [smem:$0x7F7]  }
0xfd: {  	[sflag:s9] =	ssyncset.done $0x0  }
0xfe: {  	[sflag:s9] =	ssyncadd.s32 $0xFFFFB000  }
0xff: {  	[tilespmem:s7], [sflag:$0x2] =	stream.indirect.gather [hbm4b:s3+s5], $0x20, s0, s5, $0xb8;
	[tilespmem:$0x1A400] =	vst v63  }
0x100: {  	_ =	swait.ge [sflag:s15], $0x5000  }
0x101: {  	[sflag:s15] =	ssyncset.done $0x0  }
0x102: {  	s0 =	rddreg [dreg:$0x16];
	[sflag:s15] =	ssyncadd.s32 $0xFFFFB000  }
0x103: {  	[hbm4b:s0+s2] =	stream.linear.scatter [tilespmem:s6], [sflag:$0x8], $0x5000, $0x38;
	[tilespmem:$0x1A400] =	vst v63  }
0x104: {  	_ =	swait.ge [sflag:s11], $0x5000  }
0x105: {  	s0 =	sld [smem:$0x7F8]  }
0x106: {  	[sflag:s11] =	ssyncset.done $0x0  }
0x107: {  	[sflag:s11] =	ssyncadd.s32 $0xFFFFB000  }
0x108: {  	[tilespmem:s4], [sflag:$0x3] =	stream.indirect.gather [hbm4b:s3+s5], $0x20, s0, s5, $0xb8;
	[tilespmem:$0x1A400] =	vst v63  }
0x109: {  	_ =	swait.ge [sflag:s16], $0x5000  }
0x10a: {  	[sflag:s16] =	ssyncset.done $0x0  }
0x10b: {  	s0 =	rddreg [dreg:$0x17];
	[sflag:s16] =	ssyncadd.s32 $0xFFFFB000  }
0x10c: {  	[hbm4b:s0+s2] =	stream.linear.scatter [tilespmem:s10], [sflag:$0x5], $0x5000, $0x38;
	[tilespmem:$0x1A400] =	vst v63  }
0x10d: {  	_ =	swait.ge [sflag:s12], $0x5000  }
0x10e: {  	s0 =	sld [smem:$0x7F9]  }
0x10f: {  	[sflag:s12] =	ssyncset.done $0x0  }
0x110: {  	[sflag:s12] =	ssyncadd.s32 $0xFFFFB000  }
0x111: {  	[tilespmem:s6], [sflag:$0x4] =	stream.indirect.gather [hbm4b:s3+s5], $0x20, s0, s5, $0xb8;
	[tilespmem:$0x1A400] =	vst v63  }
0x112: {  	_ =	swait.ge [sflag:s13], $0x5000  }
0x113: {  	[sflag:s13] =	ssyncset.done $0x0  }
0x114: {  	s0 =	rddreg [dreg:$0x18];
	[sflag:s13] =	ssyncadd.s32 $0xFFFFB000  }
0x115: {  	[hbm4b:s0+s2] =	stream.linear.scatter [tilespmem:s7], [sflag:$0x6], $0x5000, $0x38;
	[tilespmem:$0x1A400] =	vst v63  }
0x116: {  	_ =	swait.ge [sflag:s8], $0x5000  }
0x117: {  	s0 =	sld [smem:$0x7FA]  }
0x118: {  	[sflag:s8] =	ssyncset.done $0x0  }
0x119: {  	[sflag:s8] =	ssyncadd.s32 $0xFFFFB000  }
0x11a: {  	[tilespmem:s10], [sflag:$0x1] =	stream.indirect.gather [hbm4b:s3+s5], $0x20, s0, s5, $0xb8;
	[tilespmem:$0x1A400] =	vst v63  }
0x11b: {  	_ =	swait.ge [sflag:s14], $0x5000  }
0x11c: {  	[sflag:s14] =	ssyncset.done $0x0  }
0x11d: {  	s0 =	rddreg [dreg:$0x19];
	[sflag:s14] =	ssyncadd.s32 $0xFFFFB000  }
0x11e: {  	[hbm4b:s0+s2] =	stream.linear.scatter [tilespmem:s4], [sflag:$0x7], $0x5000, $0x38;
	[tilespmem:$0x1A400] =	vst v63  }
0x11f: {  	_ =	swait.ge [sflag:s9], $0x5000  }
0x120: {  	s0 =	sld [smem:$0x7FB]  }
0x121: {  	[sflag:s9] =	ssyncset.done $0x0  }
0x122: {  	[sflag:s9] =	ssyncadd.s32 $0xFFFFB000  }
0x123: {  	[tilespmem:s7], [sflag:$0x2] =	stream.indirect.gather [hbm4b:s3+s5], $0x20, s0, s5, $0xb8;
	[tilespmem:$0x1A400] =	vst v63  }
0x124: {  	_ =	swait.ge [sflag:s15], $0x5000  }
0x125: {  	[sflag:s15] =	ssyncset.done $0x0  }
0x126: {  	s0 =	rddreg [dreg:$0x1a];
	[sflag:s15] =	ssyncadd.s32 $0xFFFFB000  }
0x127: {  	[hbm4b:s0+s2] =	stream.linear.scatter [tilespmem:s6], [sflag:$0x8], $0x5000, $0x38;
	[tilespmem:$0x1A400] =	vst v63  }
0x128: {  	_ =	swait.ge [sflag:s11], $0x5000  }
0x129: {  	s0 =	sld [smem:$0x7FC]  }
0x12a: {  	[sflag:s11] =	ssyncset.done $0x0  }
0x12b: {  	[sflag:s11] =	ssyncadd.s32 $0xFFFFB000  }
0x12c: {  	[tilespmem:s4], [sflag:$0x3] =	stream.indirect.gather [hbm4b:s3+s5], $0x20, s0, s5, $0xb8;
	[tilespmem:$0x1A400] =	vst v63  }
0x12d: {  	_ =	swait.ge [sflag:s16], $0x5000  }
0x12e: {  	[sflag:s16] =	ssyncset.done $0x0  }
0x12f: {  	s0 =	rddreg [dreg:$0x1b];
	[sflag:s16] =	ssyncadd.s32 $0xFFFFB000  }
0x130: {  	[hbm4b:s0+s2] =	stream.linear.scatter [tilespmem:s10], [sflag:$0x5], $0x5000, $0x38;
	[tilespmem:$0x1A400] =	vst v63  }
0x131: {  	_ =	swait.ge [sflag:s12], $0x5000  }
0x132: {  	s0 =	sld [smem:$0x7FD]  }
0x133: {  	[sflag:s12] =	ssyncset.done $0x0  }
0x134: {  	[sflag:s12] =	ssyncadd.s32 $0xFFFFB000  }
0x135: {  	[tilespmem:s6], [sflag:$0x4] =	stream.indirect.gather [hbm4b:s3+s5], $0x20, s0, s5, $0xb8;
	[tilespmem:$0x1A400] =	vst v63  }
0x136: {  	_ =	swait.ge [sflag:s13], $0x5000  }
0x137: {  	[sflag:s13] =	ssyncset.done $0x0  }
0x138: {  	s0 =	rddreg [dreg:$0x1c];
	[sflag:s13] =	ssyncadd.s32 $0xFFFFB000  }
0x139: {  	[hbm4b:s0+s2] =	stream.linear.scatter [tilespmem:s7], [sflag:$0x6], $0x5000, $0x38;
	[tilespmem:$0x1A400] =	vst v63  }
0x13a: {  	_ =	swait.ge [sflag:s8], $0x5000  }
0x13b: {  	[sflag:s8] =	ssyncset.done $0x0  }
0x13c: {  	[sflag:s8] =	ssyncadd.s32 $0xFFFFB000  }
0x13d: {  	[tilespmem:s10], [sflag:$0x1] =	stream.indirect.gather [hbm4b:s3+s5], $0x20, s29, s5, $0xb8;
	[tilespmem:$0x1A400] =	vst v63  }
0x13e: {  	_ =	swait.ge [sflag:s14], $0x5000  }
0x13f: {  	[sflag:s14] =	ssyncset.done $0x0  }
0x140: {  	s0 =	rddreg [dreg:$0x1d];
	[sflag:s14] =	ssyncadd.s32 $0xFFFFB000  }
0x141: {  	[hbm4b:s0+s2] =	stream.linear.scatter [tilespmem:s4], [sflag:$0x7], $0x5000, $0x38;
	[tilespmem:$0x1A400] =	vst v63  }
0x142: {  	_ =	swait.ge [sflag:s9], $0x5000  }
0x143: {  	[sflag:s9] =	ssyncset.done $0x0  }
0x144: {  	[sflag:s9] =	ssyncadd.s32 $0xFFFFB000  }
0x145: {  	[tilespmem:s7], [sflag:$0x2] =	stream.indirect.gather [hbm4b:s3+s5], $0x20, s28, s5, $0xb8;
	[tilespmem:$0x1A400] =	vst v63  }
0x146: {  	_ =	swait.ge [sflag:s15], $0x5000  }
0x147: {  	[sflag:s15] =	ssyncset.done $0x0  }
0x148: {  	s0 =	rddreg [dreg:$0x1e];
	[sflag:s15] =	ssyncadd.s32 $0xFFFFB000  }
0x149: {  	[hbm4b:s0+s2] =	stream.linear.scatter [tilespmem:s6], [sflag:$0x8], $0x5000, $0x38;
	[tilespmem:$0x1A400] =	vst v63  }
0x14a: {  	_ =	swait.ge [sflag:s11], $0x5000  }
0x14b: {  	[sflag:s11] =	ssyncset.done $0x0  }
0x14c: {  	[sflag:s11] =	ssyncadd.s32 $0xFFFFB000  }
0x14d: {  	[tilespmem:s4], [sflag:$0x3] =	stream.indirect.gather [hbm4b:s3+s5], $0x20, s26, s5, $0xb8;
	[tilespmem:$0x1A400] =	vst v63  }
0x14e: {  	_ =	swait.ge [sflag:s16], $0x5000  }
0x14f: {  	[sflag:s16] =	ssyncset.done $0x0  }
0x150: {  	s0 =	rddreg [dreg:$0x1f];
	[sflag:s16] =	ssyncadd.s32 $0xFFFFB000  }
0x151: {  	[hbm4b:s0+s2] =	stream.linear.scatter [tilespmem:s10], [sflag:$0x5], $0x5000, $0x38;
	[tilespmem:$0x1A400] =	vst v63  }
0x152: {  	_ =	swait.ge [sflag:s12], $0x5000  }
0x153: {  	[sflag:s12] =	ssyncset.done $0x0  }
0x154: {  	[sflag:s12] =	ssyncadd.s32 $0xFFFFB000  }
0x155: {  	[tilespmem:s6], [sflag:$0x4] =	stream.indirect.gather [hbm4b:s3+s5], $0x20, s25, s5, $0xb8;
	[tilespmem:$0x1A400] =	vst v63  }
0x156: {  	_ =	swait.ge [sflag:s13], $0x5000  }
0x157: {  	s0 =	sld [smem:$0x7D9]  }
0x158: {  	[sflag:s13] =	ssyncset.done $0x0  }
0x159: {  	[sflag:s13] =	ssyncadd.s32 $0xFFFFB000  }
0x15a: {  	[hbm4b:s0+s2] =	stream.linear.scatter [tilespmem:s7], [sflag:$0x6], $0x5000, $0x38;
	[tilespmem:$0x1A400] =	vst v63  }
0x15b: {  	_ =	swait.ge [sflag:s8], $0x5000  }
0x15c: {  	[sflag:s8] =	ssyncset.done $0x0  }
0x15d: {  	[sflag:s8] =	ssyncadd.s32 $0xFFFFB000  }
0x15e: {  	[tilespmem:s10], [sflag:$0x1] =	stream.indirect.gather [hbm4b:s3+s5], $0x20, s24, s5, $0xb8;
	[tilespmem:$0x1A400] =	vst v63  }
0x15f: {  	_ =	swait.ge [sflag:s14], $0x5000  }
0x160: {  	s0 =	sld [smem:$0x7DA]  }
0x161: {  	[sflag:s14] =	ssyncset.done $0x0  }
0x162: {  	[sflag:s14] =	ssyncadd.s32 $0xFFFFB000  }
0x163: {  	[hbm4b:s0+s2] =	stream.linear.scatter [tilespmem:s4], [sflag:$0x7], $0x5000, $0x38;
	[tilespmem:$0x1A400] =	vst v63  }
0x164: {  	_ =	swait.ge [sflag:s9], $0x5000  }
0x165: {  	[sflag:s9] =	ssyncset.done $0x0  }
0x166: {  	[sflag:s9] =	ssyncadd.s32 $0xFFFFB000  }
0x167: {  	[tilespmem:s7], [sflag:$0x2] =	stream.indirect.gather [hbm4b:s3+s5], $0x20, s23, s5, $0xb8;
	[tilespmem:$0x1A400] =	vst v63  }
0x168: {  	_ =	swait.ge [sflag:s15], $0x5000  }
0x169: {  	s0 =	sld [smem:$0x7DB]  }
0x16a: {  	[sflag:s15] =	ssyncset.done $0x0  }
0x16b: {  	[sflag:s15] =	ssyncadd.s32 $0xFFFFB000  }
0x16c: {  	[hbm4b:s0+s2] =	stream.linear.scatter [tilespmem:s6], [sflag:$0x8], $0x5000, $0x38;
	[tilespmem:$0x1A400] =	vst v63  }
0x16d: {  	_ =	swait.ge [sflag:s11], $0x5000  }
0x16e: {  	[sflag:s11] =	ssyncset.done $0x0  }
0x16f: {  	[sflag:s11] =	ssyncadd.s32 $0xFFFFB000  }
0x170: {  	[tilespmem:s4], [sflag:$0x3] =	stream.indirect.gather [hbm4b:s3+s5], $0x20, s22, s5, $0xb8;
	[tilespmem:$0x1A400] =	vst v63  }
0x171: {  	_ =	swait.ge [sflag:s16], $0x5000  }
0x172: {  	s0 =	sld [smem:$0x7DC]  }
0x173: {  	[sflag:s16] =	ssyncset.done $0x0  }
0x174: {  	[sflag:s16] =	ssyncadd.s32 $0xFFFFB000  }
0x175: {  	[hbm4b:s0+s2] =	stream.linear.scatter [tilespmem:s10], [sflag:$0x5], $0x5000, $0x38;
	[tilespmem:$0x1A400] =	vst v63  }
0x176: {  	_ =	swait.ge [sflag:s12], $0x5000  }
0x177: {  	[sflag:s12] =	ssyncset.done $0x0  }
0x178: {  	[sflag:s12] =	ssyncadd.s32 $0xFFFFB000  }
0x179: {  	[tilespmem:s6], [sflag:$0x4] =	stream.indirect.gather [hbm4b:s3+s5], $0x20, s21, s5, $0xb8;
	[tilespmem:$0x1A400] =	vst v63  }
0x17a: {  	_ =	swait.ge [sflag:s13], $0x5000  }
0x17b: {  	s0 =	sld [smem:$0x7DD]  }
0x17c: {  	[sflag:s13] =	ssyncset.done $0x0  }
0x17d: {  	[sflag:s13] =	ssyncadd.s32 $0xFFFFB000  }
0x17e: {  	[hbm4b:s0+s2] =	stream.linear.scatter [tilespmem:s7], [sflag:$0x6], $0x5000, $0x38;
	[tilespmem:$0x1A400] =	vst v63  }
0x17f: {  	_ =	swait.ge [sflag:s8], $0x5000  }
0x180: {  	[sflag:s8] =	ssyncset.done $0x0  }
0x181: {  	[sflag:s8] =	ssyncadd.s32 $0xFFFFB000  }
0x182: {  	[tilespmem:s10], [sflag:$0x1] =	stream.indirect.gather [hbm4b:s3+s5], $0x20, s20, s5, $0xb8;
	[tilespmem:$0x1A400] =	vst v63  }
0x183: {  	_ =	swait.ge [sflag:s14], $0x5000  }
0x184: {  	s0 =	sld [smem:$0x7DE]  }
0x185: {  	[sflag:s14] =	ssyncset.done $0x0  }
0x186: {  	[sflag:s14] =	ssyncadd.s32 $0xFFFFB000  }
0x187: {  	[hbm4b:s0+s2] =	stream.linear.scatter [tilespmem:s4], [sflag:$0x7], $0x5000, $0x38;
	[tilespmem:$0x1A400] =	vst v63  }
0x188: {  	_ =	swait.ge [sflag:s9], $0x5000  }
0x189: {  	[sflag:s9] =	ssyncset.done $0x0  }
0x18a: {  	[sflag:s9] =	ssyncadd.s32 $0xFFFFB000  }
0x18b: {  	[tilespmem:s7], [sflag:$0x2] =	stream.indirect.gather [hbm4b:s3+s5], $0x20, s19, s5, $0xb8;
	[tilespmem:$0x1A400] =	vst v63  }
0x18c: {  	_ =	swait.ge [sflag:s15], $0x5000  }
0x18d: {  	s0 =	sld [smem:$0x7DF]  }
0x18e: {  	[sflag:s15] =	ssyncset.done $0x0  }
0x18f: {  	[sflag:s15] =	ssyncadd.s32 $0xFFFFB000  }
0x190: {  	[hbm4b:s0+s2] =	stream.linear.scatter [tilespmem:s6], [sflag:$0x8], $0x5000, $0x38;
	[tilespmem:$0x1A400] =	vst v63  }
0x191: {  	_ =	swait.ge [sflag:s11], $0x5000  }
0x192: {  	[sflag:s11] =	ssyncset.done $0x0  }
0x193: {  	[sflag:s11] =	ssyncadd.s32 $0xFFFFB000  }
0x194: {  	[tilespmem:s4], [sflag:$0x3] =	stream.indirect.gather [hbm4b:s3+s5], $0x20, s18, s5, $0xb8;
	[tilespmem:$0x1A400] =	vst v63  }
0x195: {  	_ =	swait.ge [sflag:s16], $0x5000  }
0x196: {  	s0 =	sld [smem:$0x7E0]  }
0x197: {  	[sflag:s16] =	ssyncset.done $0x0  }
0x198: {  	[sflag:s16] =	ssyncadd.s32 $0xFFFFB000  }
0x199: {  	[hbm4b:s0+s2] =	stream.linear.scatter [tilespmem:s10], [sflag:$0x5], $0x5000, $0x38;
	[tilespmem:$0x1A400] =	vst v63  }
0x19a: {  	_ =	swait.ge [sflag:s12], $0x5000  }
0x19b: {  	[sflag:s12] =	ssyncset.done $0x0  }
0x19c: {  	[sflag:s12] =	ssyncadd.s32 $0xFFFFB000  }
0x19d: {  	[tilespmem:s6], [sflag:$0x4] =	stream.indirect.gather [hbm4b:s3+s5], $0x20, s17, s5, $0xb8;
	[tilespmem:$0x1A400] =	vst v63  }
0x19e: {  	_ =	swait.ge [sflag:s13], $0x5000  }
0x19f: {  	s0 =	sld [smem:$0x7E1]  }
0x1a0: {  	[sflag:s13] =	ssyncset.done $0x0  }
0x1a1: {  	[sflag:s13] =	ssyncadd.s32 $0xFFFFB000  }
0x1a2: {  	[hbm4b:s0+s2] =	stream.linear.scatter [tilespmem:s7], [sflag:$0x6], $0x5000, $0x38;
	[tilespmem:$0x1A400] =	vst v63  }
0x1a3: {  	_ =	swait.ge [sflag:s14], $0x5000  }
0x1a4: {  	s0 =	sld [smem:$0x7E2]  }
0x1a5: {  	[sflag:s14] =	ssyncset.done $0x0  }
0x1a6: {  	[sflag:s14] =	ssyncadd.s32 $0xFFFFB000  }
0x1a7: {  	[hbm4b:s0+s2] =	stream.linear.scatter [tilespmem:s4], [sflag:$0x7], $0x5000, $0x38;
	[tilespmem:$0x1A400] =	vst v63  }
0x1a8: {  	_ =	swait.ge [sflag:s15], $0x5000  }
0x1a9: {  	s0 =	sld [smem:$0x7E3]  }
0x1aa: {  	[sflag:s15] =	ssyncset.done $0x0  }
0x1ab: {  	[sflag:s15] =	ssyncadd.s32 $0xFFFFB000  }
0x1ac: {  	[hbm4b:s0+s2] =	stream.linear.scatter [tilespmem:s6], [sflag:$0x8], $0x5000, $0x38;
	[tilespmem:$0x1A400] =	vst v63  }
0x1ad: {  	_ =	swait.ge [sflag:s8], $0x5000  }
0x1ae: {  	[sflag:s8] =	ssyncset.done $0x0  }
0x1af: {  	[sflag:s8] =	ssyncadd.s32 $0xFFFFB000  }
0x1b0: {  	_ =	swait.ge [sflag:s9], $0x5000  }
0x1b1: {  	[sflag:s9] =	ssyncset.done $0x0  }
0x1b2: {  	p1 =	sne.s32 s1, $0x1;
	[sflag:s9] =	ssyncadd.s32 $0xFFFFB000  }
.Ltmp1:
0x1b3: {  	_ =	swait.ge [sflag:s11], $0x5000;
	(pc) =	sbr.rel @!p1 .LBB2_3-.Ltmp1, $4  }
0x1b4: {  	[sflag:s11] =	ssyncset.done $0x0  }
0x1b5: {  	[sflag:s11] =	ssyncadd.s32 $0xFFFFB000  }
0x1b6: {  	s1 =	sadd.s32 $0xFFFFFFFF, s1;
	_ =	swait.ge [sflag:s12], $0x5000  }
0x1b7: {  	p0 =	por $0x1, $0x1;
	s0 =	rddreg [dreg:$0x3];
	[sflag:s12] =	ssyncset.done $0x0  }
.LBB2_2:
0x1b8: {  	[sflag:s12] =	ssyncadd.s32 $0xFFFFB000  }
0x1b9: {  	[tilespmem:s2], [sflag:$0x9] =	stream.linear.gather [hbm4b:s0+s2], $0x6400, $0x38;
	[tilespmem:$0x1A400] =	vst v63  }
0x1ba: {  	_ =	swait.ge [sflag:s31], $0x6400  }
0x1bb: {  	[sflag:s31] =	ssyncset.done $0x0  }
0x1bc: {  	[sflag:s31] =	ssyncadd.s32 $0xFFFF9C00  }
0x1bd: {  	[tilespmem:s10], [sflag:$0x1] =	stream.indirect.gather [hbm4b:s3+s5], $0x20, s2, s5, $0xb8;
	[tilespmem:$0x1A400] =	vst v63  }
0x1be: {  	s0 =	sld [smem:$0x7E4]  }
0x1bf: {  	[tilespmem:s7], [sflag:$0x2] =	stream.indirect.gather [hbm4b:s3+s5], $0x20, s5, s5, $0xb8;
	[tilespmem:$0x1A400] =	vst v63  }
0x1c0: {  	_ = 	snop  }
0x1c1: {  	[tilespmem:s4], [sflag:$0x3] =	stream.indirect.gather [hbm4b:s3+s5], $0x20, s0, s5, $0xb8;
	[tilespmem:$0x1A400] =	vst v63  }
0x1c2: {  	_ =	swait.ge [sflag:s16], $0x5000  }
0x1c3: {  	[sflag:s16] =	ssyncset.done $0x0  }
0x1c4: {  	s0 =	sld [smem:$0x7E5];
	[sflag:s16] =	ssyncadd.s32 $0xFFFFB000  }
0x1c5: {  	[hbm4b:s30+s2] =	stream.linear.scatter [tilespmem:s10], [sflag:$0x5], $0x5000, $0x38;
	[tilespmem:$0x1A400] =	vst v63  }
0x1c6: {  	_ = 	snop  }
0x1c7: {  	[tilespmem:s6], [sflag:$0x4] =	stream.indirect.gather [hbm4b:s3+s5], $0x20, s0, s5, $0xb8;
	[tilespmem:$0x1A400] =	vst v63  }
0x1c8: {  	_ =	swait.ge [sflag:s13], $0x5000  }
0x1c9: {  	[sflag:s13] =	ssyncset.done $0x0  }
0x1ca: {  	s0 =	rddreg [dreg:$0x4];
	[sflag:s13] =	ssyncadd.s32 $0xFFFFB000  }
0x1cb: {  	[hbm4b:s0+s2] =	stream.linear.scatter [tilespmem:s7], [sflag:$0x6], $0x5000, $0x38;
	[tilespmem:$0x1A400] =	vst v63  }
0x1cc: {  	_ =	swait.ge [sflag:s8], $0x5000  }
0x1cd: {  	s0 =	sld [smem:$0x7E6]  }
0x1ce: {  	[sflag:s8] =	ssyncset.done $0x0  }
0x1cf: {  	[sflag:s8] =	ssyncadd.s32 $0xFFFFB000  }
0x1d0: {  	[tilespmem:s10], [sflag:$0x1] =	stream.indirect.gather [hbm4b:s3+s5], $0x20, s0, s5, $0xb8;
	[tilespmem:$0x1A400] =	vst v63  }
0x1d1: {  	_ =	swait.ge [sflag:s14], $0x5000  }
0x1d2: {  	[sflag:s14] =	ssyncset.done $0x0  }
0x1d3: {  	s0 =	rddreg [dreg:$0x5];
	[sflag:s14] =	ssyncadd.s32 $0xFFFFB000  }
0x1d4: {  	[hbm4b:s0+s2] =	stream.linear.scatter [tilespmem:s4], [sflag:$0x7], $0x5000, $0x38;
	[tilespmem:$0x1A400] =	vst v63  }
0x1d5: {  	_ =	swait.ge [sflag:s9], $0x5000  }
0x1d6: {  	s0 =	sld [smem:$0x7E7]  }
0x1d7: {  	[sflag:s9] =	ssyncset.done $0x0  }
0x1d8: {  	[sflag:s9] =	ssyncadd.s32 $0xFFFFB000  }
0x1d9: {  	[tilespmem:s7], [sflag:$0x2] =	stream.indirect.gather [hbm4b:s3+s5], $0x20, s0, s5, $0xb8;
	[tilespmem:$0x1A400] =	vst v63  }
0x1da: {  	_ =	swait.ge [sflag:s15], $0x5000  }
0x1db: {  	[sflag:s15] =	ssyncset.done $0x0  }
0x1dc: {  	s0 =	rddreg [dreg:$0x6];
	[sflag:s15] =	ssyncadd.s32 $0xFFFFB000  }
0x1dd: {  	[hbm4b:s0+s2] =	stream.linear.scatter [tilespmem:s6], [sflag:$0x8], $0x5000, $0x38;
	[tilespmem:$0x1A400] =	vst v63  }
0x1de: {  	_ =	swait.ge [sflag:s11], $0x5000  }
0x1df: {  	s0 =	sld [smem:$0x7E8]  }
0x1e0: {  	[sflag:s11] =	ssyncset.done $0x0  }
0x1e1: {  	[sflag:s11] =	ssyncadd.s32 $0xFFFFB000  }
0x1e2: {  	[tilespmem:s4], [sflag:$0x3] =	stream.indirect.gather [hbm4b:s3+s5], $0x20, s0, s5, $0xb8;
	[tilespmem:$0x1A400] =	vst v63  }
0x1e3: {  	_ =	swait.ge [sflag:s16], $0x5000  }
0x1e4: {  	[sflag:s16] =	ssyncset.done $0x0  }
0x1e5: {  	s0 =	rddreg [dreg:$0x7];
	[sflag:s16] =	ssyncadd.s32 $0xFFFFB000  }
0x1e6: {  	[hbm4b:s0+s2] =	stream.linear.scatter [tilespmem:s10], [sflag:$0x5], $0x5000, $0x38;
	[tilespmem:$0x1A400] =	vst v63  }
0x1e7: {  	_ =	swait.ge [sflag:s12], $0x5000  }
0x1e8: {  	s0 =	sld [smem:$0x7E9]  }
0x1e9: {  	[sflag:s12] =	ssyncset.done $0x0  }
0x1ea: {  	[sflag:s12] =	ssyncadd.s32 $0xFFFFB000  }
0x1eb: {  	[tilespmem:s6], [sflag:$0x4] =	stream.indirect.gather [hbm4b:s3+s5], $0x20, s0, s5, $0xb8;
	[tilespmem:$0x1A400] =	vst v63  }
0x1ec: {  	_ =	swait.ge [sflag:s13], $0x5000  }
0x1ed: {  	[sflag:s13] =	ssyncset.done $0x0  }
0x1ee: {  	s0 =	rddreg [dreg:$0x8];
	[sflag:s13] =	ssyncadd.s32 $0xFFFFB000  }
0x1ef: {  	[hbm4b:s0+s2] =	stream.linear.scatter [tilespmem:s7], [sflag:$0x6], $0x5000, $0x38;
	[tilespmem:$0x1A400] =	vst v63  }
0x1f0: {  	_ =	swait.ge [sflag:s8], $0x5000  }
0x1f1: {  	s0 =	sld [smem:$0x7EA]  }
0x1f2: {  	[sflag:s8] =	ssyncset.done $0x0  }
0x1f3: {  	[sflag:s8] =	ssyncadd.s32 $0xFFFFB000  }
0x1f4: {  	[tilespmem:s10], [sflag:$0x1] =	stream.indirect.gather [hbm4b:s3+s5], $0x20, s0, s5, $0xb8;
	[tilespmem:$0x1A400] =	vst v63  }
0x1f5: {  	_ =	swait.ge [sflag:s14], $0x5000  }
0x1f6: {  	[sflag:s14] =	ssyncset.done $0x0  }
0x1f7: {  	s0 =	rddreg [dreg:$0x9];
	[sflag:s14] =	ssyncadd.s32 $0xFFFFB000  }
0x1f8: {  	[hbm4b:s0+s2] =	stream.linear.scatter [tilespmem:s4], [sflag:$0x7], $0x5000, $0x38;
	[tilespmem:$0x1A400] =	vst v63  }
0x1f9: {  	_ =	swait.ge [sflag:s9], $0x5000  }
0x1fa: {  	s0 =	sld [smem:$0x7EB]  }
0x1fb: {  	[sflag:s9] =	ssyncset.done $0x0  }
0x1fc: {  	[sflag:s9] =	ssyncadd.s32 $0xFFFFB000  }
0x1fd: {  	[tilespmem:s7], [sflag:$0x2] =	stream.indirect.gather [hbm4b:s3+s5], $0x20, s0, s5, $0xb8;
	[tilespmem:$0x1A400] =	vst v63  }
0x1fe: {  	_ =	swait.ge [sflag:s15], $0x5000  }
0x1ff: {  	[sflag:s15] =	ssyncset.done $0x0  }
0x200: {  	s0 =	rddreg [dreg:$0xa];
	[sflag:s15] =	ssyncadd.s32 $0xFFFFB000  }
0x201: {  	[hbm4b:s0+s2] =	stream.linear.scatter [tilespmem:s6], [sflag:$0x8], $0x5000, $0x38;
	[tilespmem:$0x1A400] =	vst v63  }
0x202: {  	_ =	swait.ge [sflag:s11], $0x5000  }
0x203: {  	s0 =	sld [smem:$0x7EC]  }
0x204: {  	[sflag:s11] =	ssyncset.done $0x0  }
0x205: {  	[sflag:s11] =	ssyncadd.s32 $0xFFFFB000  }
0x206: {  	[tilespmem:s4], [sflag:$0x3] =	stream.indirect.gather [hbm4b:s3+s5], $0x20, s0, s5, $0xb8;
	[tilespmem:$0x1A400] =	vst v63  }
0x207: {  	_ =	swait.ge [sflag:s16], $0x5000  }
0x208: {  	[sflag:s16] =	ssyncset.done $0x0  }
0x209: {  	s0 =	rddreg [dreg:$0xb];
	[sflag:s16] =	ssyncadd.s32 $0xFFFFB000  }
0x20a: {  	[hbm4b:s0+s2] =	stream.linear.scatter [tilespmem:s10], [sflag:$0x5], $0x5000, $0x38;
	[tilespmem:$0x1A400] =	vst v63  }
0x20b: {  	_ =	swait.ge [sflag:s12], $0x5000  }
0x20c: {  	s0 =	sld [smem:$0x7ED]  }
0x20d: {  	[sflag:s12] =	ssyncset.done $0x0  }
0x20e: {  	[sflag:s12] =	ssyncadd.s32 $0xFFFFB000  }
0x20f: {  	[tilespmem:s6], [sflag:$0x4] =	stream.indirect.gather [hbm4b:s3+s5], $0x20, s0, s5, $0xb8;
	[tilespmem:$0x1A400] =	vst v63  }
0x210: {  	_ =	swait.ge [sflag:s13], $0x5000  }
0x211: {  	[sflag:s13] =	ssyncset.done $0x0  }
0x212: {  	s0 =	rddreg [dreg:$0xc];
	[sflag:s13] =	ssyncadd.s32 $0xFFFFB000  }
0x213: {  	[hbm4b:s0+s2] =	stream.linear.scatter [tilespmem:s7], [sflag:$0x6], $0x5000, $0x38;
	[tilespmem:$0x1A400] =	vst v63  }
0x214: {  	_ =	swait.ge [sflag:s8], $0x5000  }
0x215: {  	s0 =	sld [smem:$0x7EE]  }
0x216: {  	[sflag:s8] =	ssyncset.done $0x0  }
0x217: {  	[sflag:s8] =	ssyncadd.s32 $0xFFFFB000  }
0x218: {  	[tilespmem:s10], [sflag:$0x1] =	stream.indirect.gather [hbm4b:s3+s5], $0x20, s0, s5, $0xb8;
	[tilespmem:$0x1A400] =	vst v63  }
0x219: {  	_ =	swait.ge [sflag:s14], $0x5000  }
0x21a: {  	[sflag:s14] =	ssyncset.done $0x0  }
0x21b: {  	s0 =	rddreg [dreg:$0xd];
	[sflag:s14] =	ssyncadd.s32 $0xFFFFB000  }
0x21c: {  	[hbm4b:s0+s2] =	stream.linear.scatter [tilespmem:s4], [sflag:$0x7], $0x5000, $0x38;
	[tilespmem:$0x1A400] =	vst v63  }
0x21d: {  	_ =	swait.ge [sflag:s9], $0x5000  }
0x21e: {  	s0 =	sld [smem:$0x7EF]  }
0x21f: {  	[sflag:s9] =	ssyncset.done $0x0  }
0x220: {  	[sflag:s9] =	ssyncadd.s32 $0xFFFFB000  }
0x221: {  	[tilespmem:s7], [sflag:$0x2] =	stream.indirect.gather [hbm4b:s3+s5], $0x20, s0, s5, $0xb8;
	[tilespmem:$0x1A400] =	vst v63  }
0x222: {  	_ =	swait.ge [sflag:s15], $0x5000  }
0x223: {  	[sflag:s15] =	ssyncset.done $0x0  }
0x224: {  	s0 =	rddreg [dreg:$0xe];
	[sflag:s15] =	ssyncadd.s32 $0xFFFFB000  }
0x225: {  	[hbm4b:s0+s2] =	stream.linear.scatter [tilespmem:s6], [sflag:$0x8], $0x5000, $0x38;
	[tilespmem:$0x1A400] =	vst v63  }
0x226: {  	_ =	swait.ge [sflag:s11], $0x5000  }
0x227: {  	s0 =	sld [smem:$0x7F0]  }
0x228: {  	[sflag:s11] =	ssyncset.done $0x0  }
0x229: {  	[sflag:s11] =	ssyncadd.s32 $0xFFFFB000  }
0x22a: {  	[tilespmem:s4], [sflag:$0x3] =	stream.indirect.gather [hbm4b:s3+s5], $0x20, s0, s5, $0xb8;
	[tilespmem:$0x1A400] =	vst v63  }
0x22b: {  	_ =	swait.ge [sflag:s16], $0x5000  }
0x22c: {  	[sflag:s16] =	ssyncset.done $0x0  }
0x22d: {  	s0 =	rddreg [dreg:$0xf];
	[sflag:s16] =	ssyncadd.s32 $0xFFFFB000  }
0x22e: {  	[hbm4b:s0+s2] =	stream.linear.scatter [tilespmem:s10], [sflag:$0x5], $0x5000, $0x38;
	[tilespmem:$0x1A400] =	vst v63  }
0x22f: {  	_ =	swait.ge [sflag:s12], $0x5000  }
0x230: {  	s0 =	sld [smem:$0x7F1]  }
0x231: {  	[sflag:s12] =	ssyncset.done $0x0  }
0x232: {  	[sflag:s12] =	ssyncadd.s32 $0xFFFFB000  }
0x233: {  	[tilespmem:s6], [sflag:$0x4] =	stream.indirect.gather [hbm4b:s3+s5], $0x20, s0, s5, $0xb8;
	[tilespmem:$0x1A400] =	vst v63  }
0x234: {  	_ =	swait.ge [sflag:s13], $0x5000  }
0x235: {  	[sflag:s13] =	ssyncset.done $0x0  }
0x236: {  	s0 =	rddreg [dreg:$0x10];
	[sflag:s13] =	ssyncadd.s32 $0xFFFFB000  }
0x237: {  	[hbm4b:s0+s2] =	stream.linear.scatter [tilespmem:s7], [sflag:$0x6], $0x5000, $0x38;
	[tilespmem:$0x1A400] =	vst v63  }
0x238: {  	_ =	swait.ge [sflag:s8], $0x5000  }
0x239: {  	s0 =	sld [smem:$0x7F2]  }
0x23a: {  	[sflag:s8] =	ssyncset.done $0x0  }
0x23b: {  	[sflag:s8] =	ssyncadd.s32 $0xFFFFB000  }
0x23c: {  	[tilespmem:s10], [sflag:$0x1] =	stream.indirect.gather [hbm4b:s3+s5], $0x20, s0, s5, $0xb8;
	[tilespmem:$0x1A400] =	vst v63  }
0x23d: {  	_ =	swait.ge [sflag:s14], $0x5000  }
0x23e: {  	[sflag:s14] =	ssyncset.done $0x0  }
0x23f: {  	s0 =	rddreg [dreg:$0x11];
	[sflag:s14] =	ssyncadd.s32 $0xFFFFB000  }
0x240: {  	[hbm4b:s0+s2] =	stream.linear.scatter [tilespmem:s4], [sflag:$0x7], $0x5000, $0x38;
	[tilespmem:$0x1A400] =	vst v63  }
0x241: {  	_ =	swait.ge [sflag:s9], $0x5000  }
0x242: {  	s0 =	sld [smem:$0x7F3]  }
0x243: {  	[sflag:s9] =	ssyncset.done $0x0  }
0x244: {  	[sflag:s9] =	ssyncadd.s32 $0xFFFFB000  }
0x245: {  	[tilespmem:s7], [sflag:$0x2] =	stream.indirect.gather [hbm4b:s3+s5], $0x20, s0, s5, $0xb8;
	[tilespmem:$0x1A400] =	vst v63  }
0x246: {  	_ =	swait.ge [sflag:s15], $0x5000  }
0x247: {  	[sflag:s15] =	ssyncset.done $0x0  }
0x248: {  	s0 =	rddreg [dreg:$0x12];
	[sflag:s15] =	ssyncadd.s32 $0xFFFFB000  }
0x249: {  	[hbm4b:s0+s2] =	stream.linear.scatter [tilespmem:s6], [sflag:$0x8], $0x5000, $0x38;
	[tilespmem:$0x1A400] =	vst v63  }
0x24a: {  	_ =	swait.ge [sflag:s11], $0x5000  }
0x24b: {  	s0 =	sld [smem:$0x7F4]  }
0x24c: {  	[sflag:s11] =	ssyncset.done $0x0  }
0x24d: {  	[sflag:s11] =	ssyncadd.s32 $0xFFFFB000  }
0x24e: {  	[tilespmem:s4], [sflag:$0x3] =	stream.indirect.gather [hbm4b:s3+s5], $0x20, s0, s5, $0xb8;
	[tilespmem:$0x1A400] =	vst v63  }
0x24f: {  	_ =	swait.ge [sflag:s16], $0x5000  }
0x250: {  	[sflag:s16] =	ssyncset.done $0x0  }
0x251: {  	s0 =	rddreg [dreg:$0x13];
	[sflag:s16] =	ssyncadd.s32 $0xFFFFB000  }
0x252: {  	[hbm4b:s0+s2] =	stream.linear.scatter [tilespmem:s10], [sflag:$0x5], $0x5000, $0x38;
	[tilespmem:$0x1A400] =	vst v63  }
0x253: {  	_ =	swait.ge [sflag:s12], $0x5000  }
0x254: {  	s0 =	sld [smem:$0x7F5]  }
0x255: {  	[sflag:s12] =	ssyncset.done $0x0  }
0x256: {  	[sflag:s12] =	ssyncadd.s32 $0xFFFFB000  }
0x257: {  	[tilespmem:s6], [sflag:$0x4] =	stream.indirect.gather [hbm4b:s3+s5], $0x20, s0, s5, $0xb8;
	[tilespmem:$0x1A400] =	vst v63  }
0x258: {  	_ =	swait.ge [sflag:s13], $0x5000  }
0x259: {  	[sflag:s13] =	ssyncset.done $0x0  }
0x25a: {  	s0 =	rddreg [dreg:$0x14];
	[sflag:s13] =	ssyncadd.s32 $0xFFFFB000  }
0x25b: {  	[hbm4b:s0+s2] =	stream.linear.scatter [tilespmem:s7], [sflag:$0x6], $0x5000, $0x38;
	[tilespmem:$0x1A400] =	vst v63  }
0x25c: {  	_ =	swait.ge [sflag:s8], $0x5000  }
0x25d: {  	s0 =	sld [smem:$0x7F6]  }
0x25e: {  	[sflag:s8] =	ssyncset.done $0x0  }
0x25f: {  	[sflag:s8] =	ssyncadd.s32 $0xFFFFB000  }
0x260: {  	[tilespmem:s10], [sflag:$0x1] =	stream.indirect.gather [hbm4b:s3+s5], $0x20, s0, s5, $0xb8;
	[tilespmem:$0x1A400] =	vst v63  }
0x261: {  	_ =	swait.ge [sflag:s14], $0x5000  }
0x262: {  	[sflag:s14] =	ssyncset.done $0x0  }
0x263: {  	s0 =	rddreg [dreg:$0x15];
	[sflag:s14] =	ssyncadd.s32 $0xFFFFB000  }
0x264: {  	[hbm4b:s0+s2] =	stream.linear.scatter [tilespmem:s4], [sflag:$0x7], $0x5000, $0x38;
	[tilespmem:$0x1A400] =	vst v63  }
0x265: {  	_ =	swait.ge [sflag:s9], $0x5000  }
0x266: {  	s0 =	sld [smem:$0x7F7]  }
0x267: {  	[sflag:s9] =	ssyncset.done $0x0  }
0x268: {  	[sflag:s9] =	ssyncadd.s32 $0xFFFFB000  }
0x269: {  	[tilespmem:s7], [sflag:$0x2] =	stream.indirect.gather [hbm4b:s3+s5], $0x20, s0, s5, $0xb8;
	[tilespmem:$0x1A400] =	vst v63  }
0x26a: {  	_ =	swait.ge [sflag:s15], $0x5000  }
0x26b: {  	[sflag:s15] =	ssyncset.done $0x0  }
0x26c: {  	s0 =	rddreg [dreg:$0x16];
	[sflag:s15] =	ssyncadd.s32 $0xFFFFB000  }
0x26d: {  	[hbm4b:s0+s2] =	stream.linear.scatter [tilespmem:s6], [sflag:$0x8], $0x5000, $0x38;
	[tilespmem:$0x1A400] =	vst v63  }
0x26e: {  	_ =	swait.ge [sflag:s11], $0x5000  }
0x26f: {  	s0 =	sld [smem:$0x7F8]  }
0x270: {  	[sflag:s11] =	ssyncset.done $0x0  }
0x271: {  	[sflag:s11] =	ssyncadd.s32 $0xFFFFB000  }
0x272: {  	[tilespmem:s4], [sflag:$0x3] =	stream.indirect.gather [hbm4b:s3+s5], $0x20, s0, s5, $0xb8;
	[tilespmem:$0x1A400] =	vst v63  }
0x273: {  	_ =	swait.ge [sflag:s16], $0x5000  }
0x274: {  	[sflag:s16] =	ssyncset.done $0x0  }
0x275: {  	s0 =	rddreg [dreg:$0x17];
	[sflag:s16] =	ssyncadd.s32 $0xFFFFB000  }
0x276: {  	[hbm4b:s0+s2] =	stream.linear.scatter [tilespmem:s10], [sflag:$0x5], $0x5000, $0x38;
	[tilespmem:$0x1A400] =	vst v63  }
0x277: {  	_ =	swait.ge [sflag:s12], $0x5000  }
0x278: {  	s0 =	sld [smem:$0x7F9]  }
0x279: {  	[sflag:s12] =	ssyncset.done $0x0  }
0x27a: {  	[sflag:s12] =	ssyncadd.s32 $0xFFFFB000  }
0x27b: {  	[tilespmem:s6], [sflag:$0x4] =	stream.indirect.gather [hbm4b:s3+s5], $0x20, s0, s5, $0xb8;
	[tilespmem:$0x1A400] =	vst v63  }
0x27c: {  	_ =	swait.ge [sflag:s13], $0x5000  }
0x27d: {  	[sflag:s13] =	ssyncset.done $0x0  }
0x27e: {  	s0 =	rddreg [dreg:$0x18];
	[sflag:s13] =	ssyncadd.s32 $0xFFFFB000  }
0x27f: {  	[hbm4b:s0+s2] =	stream.linear.scatter [tilespmem:s7], [sflag:$0x6], $0x5000, $0x38;
	[tilespmem:$0x1A400] =	vst v63  }
0x280: {  	_ =	swait.ge [sflag:s8], $0x5000  }
0x281: {  	s0 =	sld [smem:$0x7FA]  }
0x282: {  	[sflag:s8] =	ssyncset.done $0x0  }
0x283: {  	[sflag:s8] =	ssyncadd.s32 $0xFFFFB000  }
0x284: {  	[tilespmem:s10], [sflag:$0x1] =	stream.indirect.gather [hbm4b:s3+s5], $0x20, s0, s5, $0xb8;
	[tilespmem:$0x1A400] =	vst v63  }
0x285: {  	_ =	swait.ge [sflag:s14], $0x5000  }
0x286: {  	[sflag:s14] =	ssyncset.done $0x0  }
0x287: {  	s0 =	rddreg [dreg:$0x19];
	[sflag:s14] =	ssyncadd.s32 $0xFFFFB000  }
0x288: {  	[hbm4b:s0+s2] =	stream.linear.scatter [tilespmem:s4], [sflag:$0x7], $0x5000, $0x38;
	[tilespmem:$0x1A400] =	vst v63  }
0x289: {  	_ =	swait.ge [sflag:s9], $0x5000  }
0x28a: {  	s0 =	sld [smem:$0x7FB]  }
0x28b: {  	[sflag:s9] =	ssyncset.done $0x0  }
0x28c: {  	[sflag:s9] =	ssyncadd.s32 $0xFFFFB000  }
0x28d: {  	[tilespmem:s7], [sflag:$0x2] =	stream.indirect.gather [hbm4b:s3+s5], $0x20, s0, s5, $0xb8;
	[tilespmem:$0x1A400] =	vst v63  }
0x28e: {  	_ =	swait.ge [sflag:s15], $0x5000  }
0x28f: {  	[sflag:s15] =	ssyncset.done $0x0  }
0x290: {  	s0 =	rddreg [dreg:$0x1a];
	[sflag:s15] =	ssyncadd.s32 $0xFFFFB000  }
0x291: {  	[hbm4b:s0+s2] =	stream.linear.scatter [tilespmem:s6], [sflag:$0x8], $0x5000, $0x38;
	[tilespmem:$0x1A400] =	vst v63  }
0x292: {  	_ =	swait.ge [sflag:s11], $0x5000  }
0x293: {  	s0 =	sld [smem:$0x7FC]  }
0x294: {  	[sflag:s11] =	ssyncset.done $0x0  }
0x295: {  	[sflag:s11] =	ssyncadd.s32 $0xFFFFB000  }
0x296: {  	[tilespmem:s4], [sflag:$0x3] =	stream.indirect.gather [hbm4b:s3+s5], $0x20, s0, s5, $0xb8;
	[tilespmem:$0x1A400] =	vst v63  }
0x297: {  	_ =	swait.ge [sflag:s16], $0x5000  }
0x298: {  	[sflag:s16] =	ssyncset.done $0x0  }
0x299: {  	s0 =	rddreg [dreg:$0x1b];
	[sflag:s16] =	ssyncadd.s32 $0xFFFFB000  }
0x29a: {  	[hbm4b:s0+s2] =	stream.linear.scatter [tilespmem:s10], [sflag:$0x5], $0x5000, $0x38;
	[tilespmem:$0x1A400] =	vst v63  }
0x29b: {  	_ =	swait.ge [sflag:s12], $0x5000  }
0x29c: {  	s0 =	sld [smem:$0x7FD]  }
0x29d: {  	[sflag:s12] =	ssyncset.done $0x0  }
0x29e: {  	[sflag:s12] =	ssyncadd.s32 $0xFFFFB000  }
0x29f: {  	[tilespmem:s6], [sflag:$0x4] =	stream.indirect.gather [hbm4b:s3+s5], $0x20, s0, s5, $0xb8;
	[tilespmem:$0x1A400] =	vst v63  }
0x2a0: {  	_ =	swait.ge [sflag:s13], $0x5000  }
0x2a1: {  	[sflag:s13] =	ssyncset.done $0x0  }
0x2a2: {  	s0 =	rddreg [dreg:$0x1c];
	[sflag:s13] =	ssyncadd.s32 $0xFFFFB000  }
0x2a3: {  	[hbm4b:s0+s2] =	stream.linear.scatter [tilespmem:s7], [sflag:$0x6], $0x5000, $0x38;
	[tilespmem:$0x1A400] =	vst v63  }
0x2a4: {  	_ =	swait.ge [sflag:s8], $0x5000  }
0x2a5: {  	[sflag:s8] =	ssyncset.done $0x0  }
0x2a6: {  	[sflag:s8] =	ssyncadd.s32 $0xFFFFB000  }
0x2a7: {  	[tilespmem:s10], [sflag:$0x1] =	stream.indirect.gather [hbm4b:s3+s5], $0x20, s29, s5, $0xb8;
	[tilespmem:$0x1A400] =	vst v63  }
0x2a8: {  	_ =	swait.ge [sflag:s14], $0x5000  }
0x2a9: {  	[sflag:s14] =	ssyncset.done $0x0  }
0x2aa: {  	s0 =	rddreg [dreg:$0x1d];
	[sflag:s14] =	ssyncadd.s32 $0xFFFFB000  }
0x2ab: {  	[hbm4b:s0+s2] =	stream.linear.scatter [tilespmem:s4], [sflag:$0x7], $0x5000, $0x38;
	[tilespmem:$0x1A400] =	vst v63  }
0x2ac: {  	_ =	swait.ge [sflag:s9], $0x5000  }
0x2ad: {  	[sflag:s9] =	ssyncset.done $0x0  }
0x2ae: {  	[sflag:s9] =	ssyncadd.s32 $0xFFFFB000  }
0x2af: {  	[tilespmem:s7], [sflag:$0x2] =	stream.indirect.gather [hbm4b:s3+s5], $0x20, s28, s5, $0xb8;
	[tilespmem:$0x1A400] =	vst v63  }
0x2b0: {  	_ =	swait.ge [sflag:s15], $0x5000  }
0x2b1: {  	[sflag:s15] =	ssyncset.done $0x0  }
0x2b2: {  	s0 =	rddreg [dreg:$0x1e];
	[sflag:s15] =	ssyncadd.s32 $0xFFFFB000  }
0x2b3: {  	[hbm4b:s0+s2] =	stream.linear.scatter [tilespmem:s6], [sflag:$0x8], $0x5000, $0x38;
	[tilespmem:$0x1A400] =	vst v63  }
0x2b4: {  	_ =	swait.ge [sflag:s11], $0x5000  }
0x2b5: {  	[sflag:s11] =	ssyncset.done $0x0  }
0x2b6: {  	[sflag:s11] =	ssyncadd.s32 $0xFFFFB000  }
0x2b7: {  	[tilespmem:s4], [sflag:$0x3] =	stream.indirect.gather [hbm4b:s3+s5], $0x20, s26, s5, $0xb8;
	[tilespmem:$0x1A400] =	vst v63  }
0x2b8: {  	_ =	swait.ge [sflag:s16], $0x5000  }
0x2b9: {  	[sflag:s16] =	ssyncset.done $0x0  }
0x2ba: {  	s0 =	rddreg [dreg:$0x1f];
	[sflag:s16] =	ssyncadd.s32 $0xFFFFB000  }
0x2bb: {  	[hbm4b:s0+s2] =	stream.linear.scatter [tilespmem:s10], [sflag:$0x5], $0x5000, $0x38;
	[tilespmem:$0x1A400] =	vst v63  }
0x2bc: {  	_ =	swait.ge [sflag:s12], $0x5000  }
0x2bd: {  	[sflag:s12] =	ssyncset.done $0x0  }
0x2be: {  	[sflag:s12] =	ssyncadd.s32 $0xFFFFB000  }
0x2bf: {  	[tilespmem:s6], [sflag:$0x4] =	stream.indirect.gather [hbm4b:s3+s5], $0x20, s25, s5, $0xb8;
	[tilespmem:$0x1A400] =	vst v63  }
0x2c0: {  	_ =	swait.ge [sflag:s13], $0x5000  }
0x2c1: {  	s0 =	sld [smem:$0x7D9]  }
0x2c2: {  	[sflag:s13] =	ssyncset.done $0x0  }
0x2c3: {  	[sflag:s13] =	ssyncadd.s32 $0xFFFFB000  }
0x2c4: {  	[hbm4b:s0+s2] =	stream.linear.scatter [tilespmem:s7], [sflag:$0x6], $0x5000, $0x38;
	[tilespmem:$0x1A400] =	vst v63  }
0x2c5: {  	_ =	swait.ge [sflag:s8], $0x5000  }
0x2c6: {  	[sflag:s8] =	ssyncset.done $0x0  }
0x2c7: {  	[sflag:s8] =	ssyncadd.s32 $0xFFFFB000  }
0x2c8: {  	[tilespmem:s10], [sflag:$0x1] =	stream.indirect.gather [hbm4b:s3+s5], $0x20, s24, s5, $0xb8;
	[tilespmem:$0x1A400] =	vst v63  }
0x2c9: {  	_ =	swait.ge [sflag:s14], $0x5000  }
0x2ca: {  	s0 =	sld [smem:$0x7DA]  }
0x2cb: {  	[sflag:s14] =	ssyncset.done $0x0  }
0x2cc: {  	[sflag:s14] =	ssyncadd.s32 $0xFFFFB000  }
0x2cd: {  	[hbm4b:s0+s2] =	stream.linear.scatter [tilespmem:s4], [sflag:$0x7], $0x5000, $0x38;
	[tilespmem:$0x1A400] =	vst v63  }
0x2ce: {  	_ =	swait.ge [sflag:s9], $0x5000  }
0x2cf: {  	[sflag:s9] =	ssyncset.done $0x0  }
0x2d0: {  	[sflag:s9] =	ssyncadd.s32 $0xFFFFB000  }
0x2d1: {  	[tilespmem:s7], [sflag:$0x2] =	stream.indirect.gather [hbm4b:s3+s5], $0x20, s23, s5, $0xb8;
	[tilespmem:$0x1A400] =	vst v63  }
0x2d2: {  	_ =	swait.ge [sflag:s15], $0x5000  }
0x2d3: {  	s0 =	sld [smem:$0x7DB]  }
0x2d4: {  	[sflag:s15] =	ssyncset.done $0x0  }
0x2d5: {  	[sflag:s15] =	ssyncadd.s32 $0xFFFFB000  }
0x2d6: {  	[hbm4b:s0+s2] =	stream.linear.scatter [tilespmem:s6], [sflag:$0x8], $0x5000, $0x38;
	[tilespmem:$0x1A400] =	vst v63  }
0x2d7: {  	_ =	swait.ge [sflag:s11], $0x5000  }
0x2d8: {  	[sflag:s11] =	ssyncset.done $0x0  }
0x2d9: {  	[sflag:s11] =	ssyncadd.s32 $0xFFFFB000  }
0x2da: {  	[tilespmem:s4], [sflag:$0x3] =	stream.indirect.gather [hbm4b:s3+s5], $0x20, s22, s5, $0xb8;
	[tilespmem:$0x1A400] =	vst v63  }
0x2db: {  	_ =	swait.ge [sflag:s16], $0x5000  }
0x2dc: {  	s0 =	sld [smem:$0x7DC]  }
0x2dd: {  	[sflag:s16] =	ssyncset.done $0x0  }
0x2de: {  	[sflag:s16] =	ssyncadd.s32 $0xFFFFB000  }
0x2df: {  	[hbm4b:s0+s2] =	stream.linear.scatter [tilespmem:s10], [sflag:$0x5], $0x5000, $0x38;
	[tilespmem:$0x1A400] =	vst v63  }
0x2e0: {  	_ =	swait.ge [sflag:s12], $0x5000  }
0x2e1: {  	[sflag:s12] =	ssyncset.done $0x0  }
0x2e2: {  	[sflag:s12] =	ssyncadd.s32 $0xFFFFB000  }
0x2e3: {  	[tilespmem:s6], [sflag:$0x4] =	stream.indirect.gather [hbm4b:s3+s5], $0x20, s21, s5, $0xb8;
	[tilespmem:$0x1A400] =	vst v63  }
0x2e4: {  	_ =	swait.ge [sflag:s13], $0x5000  }
0x2e5: {  	s0 =	sld [smem:$0x7DD]  }
0x2e6: {  	[sflag:s13] =	ssyncset.done $0x0  }
0x2e7: {  	[sflag:s13] =	ssyncadd.s32 $0xFFFFB000  }
0x2e8: {  	[hbm4b:s0+s2] =	stream.linear.scatter [tilespmem:s7], [sflag:$0x6], $0x5000, $0x38;
	[tilespmem:$0x1A400] =	vst v63  }
0x2e9: {  	_ =	swait.ge [sflag:s8], $0x5000  }
0x2ea: {  	[sflag:s8] =	ssyncset.done $0x0  }
0x2eb: {  	[sflag:s8] =	ssyncadd.s32 $0xFFFFB000  }
0x2ec: {  	[tilespmem:s10], [sflag:$0x1] =	stream.indirect.gather [hbm4b:s3+s5], $0x20, s20, s5, $0xb8;
	[tilespmem:$0x1A400] =	vst v63  }
0x2ed: {  	_ =	swait.ge [sflag:s14], $0x5000  }
0x2ee: {  	s0 =	sld [smem:$0x7DE]  }
0x2ef: {  	[sflag:s14] =	ssyncset.done $0x0  }
0x2f0: {  	[sflag:s14] =	ssyncadd.s32 $0xFFFFB000  }
0x2f1: {  	[hbm4b:s0+s2] =	stream.linear.scatter [tilespmem:s4], [sflag:$0x7], $0x5000, $0x38;
	[tilespmem:$0x1A400] =	vst v63  }
0x2f2: {  	_ =	swait.ge [sflag:s9], $0x5000  }
0x2f3: {  	[sflag:s9] =	ssyncset.done $0x0  }
0x2f4: {  	[sflag:s9] =	ssyncadd.s32 $0xFFFFB000  }
0x2f5: {  	[tilespmem:s7], [sflag:$0x2] =	stream.indirect.gather [hbm4b:s3+s5], $0x20, s19, s5, $0xb8;
	[tilespmem:$0x1A400] =	vst v63  }
0x2f6: {  	_ =	swait.ge [sflag:s15], $0x5000  }
0x2f7: {  	s0 =	sld [smem:$0x7DF]  }
0x2f8: {  	[sflag:s15] =	ssyncset.done $0x0  }
0x2f9: {  	[sflag:s15] =	ssyncadd.s32 $0xFFFFB000  }
0x2fa: {  	[hbm4b:s0+s2] =	stream.linear.scatter [tilespmem:s6], [sflag:$0x8], $0x5000, $0x38;
	[tilespmem:$0x1A400] =	vst v63  }
0x2fb: {  	_ =	swait.ge [sflag:s11], $0x5000  }
0x2fc: {  	[sflag:s11] =	ssyncset.done $0x0  }
0x2fd: {  	[sflag:s11] =	ssyncadd.s32 $0xFFFFB000  }
0x2fe: {  	[tilespmem:s4], [sflag:$0x3] =	stream.indirect.gather [hbm4b:s3+s5], $0x20, s18, s5, $0xb8;
	[tilespmem:$0x1A400] =	vst v63  }
0x2ff: {  	_ =	swait.ge [sflag:s16], $0x5000  }
0x300: {  	s0 =	sld [smem:$0x7E0]  }
0x301: {  	[sflag:s16] =	ssyncset.done $0x0  }
0x302: {  	[sflag:s16] =	ssyncadd.s32 $0xFFFFB000  }
0x303: {  	[hbm4b:s0+s2] =	stream.linear.scatter [tilespmem:s10], [sflag:$0x5], $0x5000, $0x38;
	[tilespmem:$0x1A400] =	vst v63  }
0x304: {  	_ =	swait.ge [sflag:s12], $0x5000  }
0x305: {  	[sflag:s12] =	ssyncset.done $0x0  }
0x306: {  	[sflag:s12] =	ssyncadd.s32 $0xFFFFB000  }
0x307: {  	[tilespmem:s6], [sflag:$0x4] =	stream.indirect.gather [hbm4b:s3+s5], $0x20, s17, s5, $0xb8;
	[tilespmem:$0x1A400] =	vst v63  }
0x308: {  	_ =	swait.ge [sflag:s13], $0x5000  }
0x309: {  	s0 =	sld [smem:$0x7E1]  }
0x30a: {  	[sflag:s13] =	ssyncset.done $0x0  }
0x30b: {  	[sflag:s13] =	ssyncadd.s32 $0xFFFFB000  }
0x30c: {  	[hbm4b:s0+s2] =	stream.linear.scatter [tilespmem:s7], [sflag:$0x6], $0x5000, $0x38;
	[tilespmem:$0x1A400] =	vst v63  }
0x30d: {  	_ =	swait.ge [sflag:s14], $0x5000  }
0x30e: {  	s0 =	sld [smem:$0x7E2]  }
0x30f: {  	[sflag:s14] =	ssyncset.done $0x0  }
0x310: {  	[sflag:s14] =	ssyncadd.s32 $0xFFFFB000  }
0x311: {  	[hbm4b:s0+s2] =	stream.linear.scatter [tilespmem:s4], [sflag:$0x7], $0x5000, $0x38;
	[tilespmem:$0x1A400] =	vst v63  }
0x312: {  	_ =	swait.ge [sflag:s15], $0x5000  }
0x313: {  	s0 =	sld [smem:$0x7E3]  }
0x314: {  	[sflag:s15] =	ssyncset.done $0x0  }
0x315: {  	[sflag:s15] =	ssyncadd.s32 $0xFFFFB000  }
0x316: {  	[hbm4b:s0+s2] =	stream.linear.scatter [tilespmem:s6], [sflag:$0x8], $0x5000, $0x38;
	[tilespmem:$0x1A400] =	vst v63  }
0x317: {  	_ =	swait.ge [sflag:s8], $0x5000  }
0x318: {  	[sflag:s8] =	ssyncset.done $0x0  }
0x319: {  	[sflag:s8] =	ssyncadd.s32 $0xFFFFB000  }
0x31a: {  	_ =	swait.ge [sflag:s9], $0x5000  }
0x31b: {  	[sflag:s9] =	ssyncset.done $0x0  }
0x31c: {  	p1 =	sne.s32 s1, $0x1;
	[sflag:s9] =	ssyncadd.s32 $0xFFFFB000  }
.Ltmp2:
0x31d: {  	_ =	swait.ge [sflag:s11], $0x5000;
	(pc) =	sbr.rel @p1 .LBB2_2-.Ltmp2, $4  }
0x31e: {  	[sflag:s11] =	ssyncset.done $0x0  }
0x31f: {  	[sflag:s11] =	ssyncadd.s32 $0xFFFFB000  }
0x320: {  	_ =	swait.ge [sflag:s12], $0x5000  }
0x321: {  	s1 =	sadd.s32 $0xFFFFFFFF, s1;
	s0 =	rddreg [dreg:$0x3];
	[sflag:s12] =	ssyncset.done $0x0  }
.LBB2_3:
0x322: {  	[sflag:s12] =	ssyncadd.s32 @p0 $0xFFFFB000  }
0x323: {  	[tilespmem:s2], [sflag:$0x9] =	stream.linear.gather [hbm4b:s0+s2], $0x6400, $0x38;
	[tilespmem:$0x1A400] =	vst v63  }
0x324: {  	_ =	swait.ge [sflag:s31], $0x6400  }
0x325: {  	[sflag:s31] =	ssyncset.done $0x0  }
0x326: {  	[sflag:s31] =	ssyncadd.s32 $0xFFFF9C00  }
0x327: {  	[tilespmem:s10], [sflag:$0x1] =	stream.indirect.gather [hbm4b:s3+s5], $0x20, s2, s5, $0xb8;
	[tilespmem:$0x1A400] =	vst v63  }
0x328: {  	s31 =	sld [smem:$0x7E4]  }
0x329: {  	[tilespmem:s7], [sflag:$0x2] =	stream.indirect.gather [hbm4b:s3+s5], $0x20, s5, s5, $0xb8;
	[tilespmem:$0x1A400] =	vst v63  }
0x32a: {  	_ = 	snop  }
0x32b: {  	[tilespmem:s4], [sflag:$0x3] =	stream.indirect.gather [hbm4b:s3+s5], $0x20, s31, s5, $0xb8;
	[tilespmem:$0x1A400] =	vst v63  }
0x32c: {  	_ =	swait.ge [sflag:s16], $0x5000  }
0x32d: {  	[sflag:s16] =	ssyncset.done $0x0  }
0x32e: {  	s1 =	sld [smem:$0x7E5];
	[sflag:s16] =	ssyncadd.s32 $0xFFFFB000  }
0x32f: {  	[hbm4b:s30+s2] =	stream.linear.scatter [tilespmem:s10], [sflag:$0x5], $0x5000, $0x38;
	[tilespmem:$0x1A400] =	vst v63  }
0x330: {  	_ = 	snop  }
0x331: {  	[tilespmem:s6], [sflag:$0x4] =	stream.indirect.gather [hbm4b:s3+s5], $0x20, s1, s5, $0xb8;
	[tilespmem:$0x1A400] =	vst v63  }
0x332: {  	_ =	swait.ge [sflag:s13], $0x5000  }
0x333: {  	[sflag:s13] =	ssyncset.done $0x0  }
0x334: {  	s31 =	rddreg [dreg:$0x4];
	[sflag:s13] =	ssyncadd.s32 $0xFFFFB000  }
0x335: {  	[hbm4b:s31+s2] =	stream.linear.scatter [tilespmem:s7], [sflag:$0x6], $0x5000, $0x38;
	[tilespmem:$0x1A400] =	vst v63  }
0x336: {  	_ =	swait.ge [sflag:s8], $0x5000  }
0x337: {  	s1 =	sld [smem:$0x7E6]  }
0x338: {  	[sflag:s8] =	ssyncset.done $0x0  }
0x339: {  	[sflag:s8] =	ssyncadd.s32 $0xFFFFB000  }
0x33a: {  	[tilespmem:s10], [sflag:$0x1] =	stream.indirect.gather [hbm4b:s3+s5], $0x20, s1, s5, $0xb8;
	[tilespmem:$0x1A400] =	vst v63  }
0x33b: {  	_ =	swait.ge [sflag:s14], $0x5000  }
0x33c: {  	[sflag:s14] =	ssyncset.done $0x0  }
0x33d: {  	s30 =	rddreg [dreg:$0x5];
	[sflag:s14] =	ssyncadd.s32 $0xFFFFB000  }
0x33e: {  	[hbm4b:s30+s2] =	stream.linear.scatter [tilespmem:s4], [sflag:$0x7], $0x5000, $0x38;
	[tilespmem:$0x1A400] =	vst v63  }
0x33f: {  	_ =	swait.ge [sflag:s9], $0x5000  }
0x340: {  	s31 =	sld [smem:$0x7E7]  }
0x341: {  	[sflag:s9] =	ssyncset.done $0x0  }
0x342: {  	[sflag:s9] =	ssyncadd.s32 $0xFFFFB000  }
0x343: {  	[tilespmem:s7], [sflag:$0x2] =	stream.indirect.gather [hbm4b:s3+s5], $0x20, s31, s5, $0xb8;
	[tilespmem:$0x1A400] =	vst v63  }
0x344: {  	_ =	swait.ge [sflag:s15], $0x5000  }
0x345: {  	[sflag:s15] =	ssyncset.done $0x0  }
0x346: {  	s1 =	rddreg [dreg:$0x6];
	[sflag:s15] =	ssyncadd.s32 $0xFFFFB000  }
0x347: {  	[hbm4b:s1+s2] =	stream.linear.scatter [tilespmem:s6], [sflag:$0x8], $0x5000, $0x38;
	[tilespmem:$0x1A400] =	vst v63  }
0x348: {  	_ =	swait.ge [sflag:s11], $0x5000  }
0x349: {  	s30 =	sld [smem:$0x7E8]  }
0x34a: {  	[sflag:s11] =	ssyncset.done $0x0  }
0x34b: {  	[sflag:s11] =	ssyncadd.s32 $0xFFFFB000  }
0x34c: {  	[tilespmem:s4], [sflag:$0x3] =	stream.indirect.gather [hbm4b:s3+s5], $0x20, s30, s5, $0xb8;
	[tilespmem:$0x1A400] =	vst v63  }
0x34d: {  	_ =	swait.ge [sflag:s16], $0x5000  }
0x34e: {  	[sflag:s16] =	ssyncset.done $0x0  }
0x34f: {  	s31 =	rddreg [dreg:$0x7];
	[sflag:s16] =	ssyncadd.s32 $0xFFFFB000  }
0x350: {  	[hbm4b:s31+s2] =	stream.linear.scatter [tilespmem:s10], [sflag:$0x5], $0x5000, $0x38;
	[tilespmem:$0x1A400] =	vst v63  }
0x351: {  	_ =	swait.ge [sflag:s12], $0x5000  }
0x352: {  	s1 =	sld [smem:$0x7E9]  }
0x353: {  	[sflag:s12] =	ssyncset.done $0x0  }
0x354: {  	[sflag:s12] =	ssyncadd.s32 $0xFFFFB000  }
0x355: {  	[tilespmem:s6], [sflag:$0x4] =	stream.indirect.gather [hbm4b:s3+s5], $0x20, s1, s5, $0xb8;
	[tilespmem:$0x1A400] =	vst v63  }
0x356: {  	_ =	swait.ge [sflag:s13], $0x5000  }
0x357: {  	[sflag:s13] =	ssyncset.done $0x0  }
0x358: {  	s30 =	rddreg [dreg:$0x8];
	[sflag:s13] =	ssyncadd.s32 $0xFFFFB000  }
0x359: {  	[hbm4b:s30+s2] =	stream.linear.scatter [tilespmem:s7], [sflag:$0x6], $0x5000, $0x38;
	[tilespmem:$0x1A400] =	vst v63  }
0x35a: {  	_ =	swait.ge [sflag:s8], $0x5000  }
0x35b: {  	s31 =	sld [smem:$0x7EA]  }
0x35c: {  	[sflag:s8] =	ssyncset.done $0x0  }
0x35d: {  	[sflag:s8] =	ssyncadd.s32 $0xFFFFB000  }
0x35e: {  	[tilespmem:s10], [sflag:$0x1] =	stream.indirect.gather [hbm4b:s3+s5], $0x20, s31, s5, $0xb8;
	[tilespmem:$0x1A400] =	vst v63  }
0x35f: {  	_ =	swait.ge [sflag:s14], $0x5000  }
0x360: {  	[sflag:s14] =	ssyncset.done $0x0  }
0x361: {  	s1 =	rddreg [dreg:$0x9];
	[sflag:s14] =	ssyncadd.s32 $0xFFFFB000  }
0x362: {  	[hbm4b:s1+s2] =	stream.linear.scatter [tilespmem:s4], [sflag:$0x7], $0x5000, $0x38;
	[tilespmem:$0x1A400] =	vst v63  }
0x363: {  	_ =	swait.ge [sflag:s9], $0x5000  }
0x364: {  	s30 =	sld [smem:$0x7EB]  }
0x365: {  	[sflag:s9] =	ssyncset.done $0x0  }
0x366: {  	[sflag:s9] =	ssyncadd.s32 $0xFFFFB000  }
0x367: {  	[tilespmem:s7], [sflag:$0x2] =	stream.indirect.gather [hbm4b:s3+s5], $0x20, s30, s5, $0xb8;
	[tilespmem:$0x1A400] =	vst v63  }
0x368: {  	_ =	swait.ge [sflag:s15], $0x5000  }
0x369: {  	[sflag:s15] =	ssyncset.done $0x0  }
0x36a: {  	s31 =	rddreg [dreg:$0xa];
	[sflag:s15] =	ssyncadd.s32 $0xFFFFB000  }
0x36b: {  	[hbm4b:s31+s2] =	stream.linear.scatter [tilespmem:s6], [sflag:$0x8], $0x5000, $0x38;
	[tilespmem:$0x1A400] =	vst v63  }
0x36c: {  	_ =	swait.ge [sflag:s11], $0x5000  }
0x36d: {  	s1 =	sld [smem:$0x7EC]  }
0x36e: {  	[sflag:s11] =	ssyncset.done $0x0  }
0x36f: {  	[sflag:s11] =	ssyncadd.s32 $0xFFFFB000  }
0x370: {  	[tilespmem:s4], [sflag:$0x3] =	stream.indirect.gather [hbm4b:s3+s5], $0x20, s1, s5, $0xb8;
	[tilespmem:$0x1A400] =	vst v63  }
0x371: {  	_ =	swait.ge [sflag:s16], $0x5000  }
0x372: {  	[sflag:s16] =	ssyncset.done $0x0  }
0x373: {  	s30 =	rddreg [dreg:$0xb];
	[sflag:s16] =	ssyncadd.s32 $0xFFFFB000  }
0x374: {  	[hbm4b:s30+s2] =	stream.linear.scatter [tilespmem:s10], [sflag:$0x5], $0x5000, $0x38;
	[tilespmem:$0x1A400] =	vst v63  }
0x375: {  	_ =	swait.ge [sflag:s12], $0x5000  }
0x376: {  	s31 =	sld [smem:$0x7ED]  }
0x377: {  	[sflag:s12] =	ssyncset.done $0x0  }
0x378: {  	[sflag:s12] =	ssyncadd.s32 $0xFFFFB000  }
0x379: {  	[tilespmem:s6], [sflag:$0x4] =	stream.indirect.gather [hbm4b:s3+s5], $0x20, s31, s5, $0xb8;
	[tilespmem:$0x1A400] =	vst v63  }
0x37a: {  	_ =	swait.ge [sflag:s13], $0x5000  }
0x37b: {  	[sflag:s13] =	ssyncset.done $0x0  }
0x37c: {  	s1 =	rddreg [dreg:$0xc];
	[sflag:s13] =	ssyncadd.s32 $0xFFFFB000  }
0x37d: {  	[hbm4b:s1+s2] =	stream.linear.scatter [tilespmem:s7], [sflag:$0x6], $0x5000, $0x38;
	[tilespmem:$0x1A400] =	vst v63  }
0x37e: {  	_ =	swait.ge [sflag:s8], $0x5000  }
0x37f: {  	s30 =	sld [smem:$0x7EE]  }
0x380: {  	[sflag:s8] =	ssyncset.done $0x0  }
0x381: {  	[sflag:s8] =	ssyncadd.s32 $0xFFFFB000  }
0x382: {  	[tilespmem:s10], [sflag:$0x1] =	stream.indirect.gather [hbm4b:s3+s5], $0x20, s30, s5, $0xb8;
	[tilespmem:$0x1A400] =	vst v63  }
0x383: {  	_ =	swait.ge [sflag:s14], $0x5000  }
0x384: {  	[sflag:s14] =	ssyncset.done $0x0  }
0x385: {  	s31 =	rddreg [dreg:$0xd];
	[sflag:s14] =	ssyncadd.s32 $0xFFFFB000  }
0x386: {  	[hbm4b:s31+s2] =	stream.linear.scatter [tilespmem:s4], [sflag:$0x7], $0x5000, $0x38;
	[tilespmem:$0x1A400] =	vst v63  }
0x387: {  	_ =	swait.ge [sflag:s9], $0x5000  }
0x388: {  	s1 =	sld [smem:$0x7EF]  }
0x389: {  	[sflag:s9] =	ssyncset.done $0x0  }
0x38a: {  	[sflag:s9] =	ssyncadd.s32 $0xFFFFB000  }
0x38b: {  	[tilespmem:s7], [sflag:$0x2] =	stream.indirect.gather [hbm4b:s3+s5], $0x20, s1, s5, $0xb8;
	[tilespmem:$0x1A400] =	vst v63  }
0x38c: {  	_ =	swait.ge [sflag:s15], $0x5000  }
0x38d: {  	[sflag:s15] =	ssyncset.done $0x0  }
0x38e: {  	s30 =	rddreg [dreg:$0xe];
	[sflag:s15] =	ssyncadd.s32 $0xFFFFB000  }
0x38f: {  	[hbm4b:s30+s2] =	stream.linear.scatter [tilespmem:s6], [sflag:$0x8], $0x5000, $0x38;
	[tilespmem:$0x1A400] =	vst v63  }
0x390: {  	_ =	swait.ge [sflag:s11], $0x5000  }
0x391: {  	s31 =	sld [smem:$0x7F0]  }
0x392: {  	[sflag:s11] =	ssyncset.done $0x0  }
0x393: {  	[sflag:s11] =	ssyncadd.s32 $0xFFFFB000  }
0x394: {  	[tilespmem:s4], [sflag:$0x3] =	stream.indirect.gather [hbm4b:s3+s5], $0x20, s31, s5, $0xb8;
	[tilespmem:$0x1A400] =	vst v63  }
0x395: {  	_ =	swait.ge [sflag:s16], $0x5000  }
0x396: {  	[sflag:s16] =	ssyncset.done $0x0  }
0x397: {  	s1 =	rddreg [dreg:$0xf];
	[sflag:s16] =	ssyncadd.s32 $0xFFFFB000  }
0x398: {  	[hbm4b:s1+s2] =	stream.linear.scatter [tilespmem:s10], [sflag:$0x5], $0x5000, $0x38;
	[tilespmem:$0x1A400] =	vst v63  }
0x399: {  	_ =	swait.ge [sflag:s12], $0x5000  }
0x39a: {  	s30 =	sld [smem:$0x7F1]  }
0x39b: {  	[sflag:s12] =	ssyncset.done $0x0  }
0x39c: {  	[sflag:s12] =	ssyncadd.s32 $0xFFFFB000  }
0x39d: {  	[tilespmem:s6], [sflag:$0x4] =	stream.indirect.gather [hbm4b:s3+s5], $0x20, s30, s5, $0xb8;
	[tilespmem:$0x1A400] =	vst v63  }
0x39e: {  	_ =	swait.ge [sflag:s13], $0x5000  }
0x39f: {  	[sflag:s13] =	ssyncset.done $0x0  }
0x3a0: {  	s31 =	rddreg [dreg:$0x10];
	[sflag:s13] =	ssyncadd.s32 $0xFFFFB000  }
0x3a1: {  	[hbm4b:s31+s2] =	stream.linear.scatter [tilespmem:s7], [sflag:$0x6], $0x5000, $0x38;
	[tilespmem:$0x1A400] =	vst v63  }
0x3a2: {  	_ =	swait.ge [sflag:s8], $0x5000  }
0x3a3: {  	s1 =	sld [smem:$0x7F2]  }
0x3a4: {  	[sflag:s8] =	ssyncset.done $0x0  }
0x3a5: {  	[sflag:s8] =	ssyncadd.s32 $0xFFFFB000  }
0x3a6: {  	[tilespmem:s10], [sflag:$0x1] =	stream.indirect.gather [hbm4b:s3+s5], $0x20, s1, s5, $0xb8;
	[tilespmem:$0x1A400] =	vst v63  }
0x3a7: {  	_ =	swait.ge [sflag:s14], $0x5000  }
0x3a8: {  	[sflag:s14] =	ssyncset.done $0x0  }
0x3a9: {  	s30 =	rddreg [dreg:$0x11];
	[sflag:s14] =	ssyncadd.s32 $0xFFFFB000  }
0x3aa: {  	[hbm4b:s30+s2] =	stream.linear.scatter [tilespmem:s4], [sflag:$0x7], $0x5000, $0x38;
	[tilespmem:$0x1A400] =	vst v63  }
0x3ab: {  	_ =	swait.ge [sflag:s9], $0x5000  }
0x3ac: {  	s31 =	sld [smem:$0x7F3]  }
0x3ad: {  	[sflag:s9] =	ssyncset.done $0x0  }
0x3ae: {  	[sflag:s9] =	ssyncadd.s32 $0xFFFFB000  }
0x3af: {  	[tilespmem:s7], [sflag:$0x2] =	stream.indirect.gather [hbm4b:s3+s5], $0x20, s31, s5, $0xb8;
	[tilespmem:$0x1A400] =	vst v63  }
0x3b0: {  	_ =	swait.ge [sflag:s15], $0x5000  }
0x3b1: {  	[sflag:s15] =	ssyncset.done $0x0  }
0x3b2: {  	s1 =	rddreg [dreg:$0x12];
	[sflag:s15] =	ssyncadd.s32 $0xFFFFB000  }
0x3b3: {  	[hbm4b:s1+s2] =	stream.linear.scatter [tilespmem:s6], [sflag:$0x8], $0x5000, $0x38;
	[tilespmem:$0x1A400] =	vst v63  }
0x3b4: {  	_ =	swait.ge [sflag:s11], $0x5000  }
0x3b5: {  	s30 =	sld [smem:$0x7F4]  }
0x3b6: {  	[sflag:s11] =	ssyncset.done $0x0  }
0x3b7: {  	[sflag:s11] =	ssyncadd.s32 $0xFFFFB000  }
0x3b8: {  	[tilespmem:s4], [sflag:$0x3] =	stream.indirect.gather [hbm4b:s3+s5], $0x20, s30, s5, $0xb8;
	[tilespmem:$0x1A400] =	vst v63  }
0x3b9: {  	_ =	swait.ge [sflag:s16], $0x5000  }
0x3ba: {  	[sflag:s16] =	ssyncset.done $0x0  }
0x3bb: {  	s31 =	rddreg [dreg:$0x13];
	[sflag:s16] =	ssyncadd.s32 $0xFFFFB000  }
0x3bc: {  	[hbm4b:s31+s2] =	stream.linear.scatter [tilespmem:s10], [sflag:$0x5], $0x5000, $0x38;
	[tilespmem:$0x1A400] =	vst v63  }
0x3bd: {  	_ =	swait.ge [sflag:s12], $0x5000  }
0x3be: {  	s1 =	sld [smem:$0x7F5]  }
0x3bf: {  	[sflag:s12] =	ssyncset.done $0x0  }
0x3c0: {  	[sflag:s12] =	ssyncadd.s32 $0xFFFFB000  }
0x3c1: {  	[tilespmem:s6], [sflag:$0x4] =	stream.indirect.gather [hbm4b:s3+s5], $0x20, s1, s5, $0xb8;
	[tilespmem:$0x1A400] =	vst v63  }
0x3c2: {  	_ =	swait.ge [sflag:s13], $0x5000  }
0x3c3: {  	[sflag:s13] =	ssyncset.done $0x0  }
0x3c4: {  	s30 =	rddreg [dreg:$0x14];
	[sflag:s13] =	ssyncadd.s32 $0xFFFFB000  }
0x3c5: {  	[hbm4b:s30+s2] =	stream.linear.scatter [tilespmem:s7], [sflag:$0x6], $0x5000, $0x38;
	[tilespmem:$0x1A400] =	vst v63  }
0x3c6: {  	_ =	swait.ge [sflag:s8], $0x5000  }
0x3c7: {  	s31 =	sld [smem:$0x7F6]  }
0x3c8: {  	[sflag:s8] =	ssyncset.done $0x0  }
0x3c9: {  	[sflag:s8] =	ssyncadd.s32 $0xFFFFB000  }
0x3ca: {  	[tilespmem:s10], [sflag:$0x1] =	stream.indirect.gather [hbm4b:s3+s5], $0x20, s31, s5, $0xb8;
	[tilespmem:$0x1A400] =	vst v63  }
0x3cb: {  	_ =	swait.ge [sflag:s14], $0x5000  }
0x3cc: {  	[sflag:s14] =	ssyncset.done $0x0  }
0x3cd: {  	s1 =	rddreg [dreg:$0x15];
	[sflag:s14] =	ssyncadd.s32 $0xFFFFB000  }
0x3ce: {  	[hbm4b:s1+s2] =	stream.linear.scatter [tilespmem:s4], [sflag:$0x7], $0x5000, $0x38;
	[tilespmem:$0x1A400] =	vst v63  }
0x3cf: {  	_ =	swait.ge [sflag:s9], $0x5000  }
0x3d0: {  	s30 =	sld [smem:$0x7F7]  }
0x3d1: {  	[sflag:s9] =	ssyncset.done $0x0  }
0x3d2: {  	[sflag:s9] =	ssyncadd.s32 $0xFFFFB000  }
0x3d3: {  	[tilespmem:s7], [sflag:$0x2] =	stream.indirect.gather [hbm4b:s3+s5], $0x20, s30, s5, $0xb8;
	[tilespmem:$0x1A400] =	vst v63  }
0x3d4: {  	_ =	swait.ge [sflag:s15], $0x5000  }
0x3d5: {  	[sflag:s15] =	ssyncset.done $0x0  }
0x3d6: {  	s31 =	rddreg [dreg:$0x16];
	[sflag:s15] =	ssyncadd.s32 $0xFFFFB000  }
0x3d7: {  	[hbm4b:s31+s2] =	stream.linear.scatter [tilespmem:s6], [sflag:$0x8], $0x5000, $0x38;
	[tilespmem:$0x1A400] =	vst v63  }
0x3d8: {  	_ =	swait.ge [sflag:s11], $0x5000  }
0x3d9: {  	s1 =	sld [smem:$0x7F8]  }
0x3da: {  	[sflag:s11] =	ssyncset.done $0x0  }
0x3db: {  	[sflag:s11] =	ssyncadd.s32 $0xFFFFB000  }
0x3dc: {  	[tilespmem:s4], [sflag:$0x3] =	stream.indirect.gather [hbm4b:s3+s5], $0x20, s1, s5, $0xb8;
	[tilespmem:$0x1A400] =	vst v63  }
0x3dd: {  	_ =	swait.ge [sflag:s16], $0x5000  }
0x3de: {  	[sflag:s16] =	ssyncset.done $0x0  }
0x3df: {  	s30 =	rddreg [dreg:$0x17];
	[sflag:s16] =	ssyncadd.s32 $0xFFFFB000  }
0x3e0: {  	[hbm4b:s30+s2] =	stream.linear.scatter [tilespmem:s10], [sflag:$0x5], $0x5000, $0x38;
	[tilespmem:$0x1A400] =	vst v63  }
0x3e1: {  	_ =	swait.ge [sflag:s12], $0x5000  }
0x3e2: {  	s31 =	sld [smem:$0x7F9]  }
0x3e3: {  	[sflag:s12] =	ssyncset.done $0x0  }
0x3e4: {  	[sflag:s12] =	ssyncadd.s32 $0xFFFFB000  }
0x3e5: {  	[tilespmem:s6], [sflag:$0x4] =	stream.indirect.gather [hbm4b:s3+s5], $0x20, s31, s5, $0xb8;
	[tilespmem:$0x1A400] =	vst v63  }
0x3e6: {  	_ =	swait.ge [sflag:s13], $0x5000  }
0x3e7: {  	[sflag:s13] =	ssyncset.done $0x0  }
0x3e8: {  	s1 =	rddreg [dreg:$0x18];
	[sflag:s13] =	ssyncadd.s32 $0xFFFFB000  }
0x3e9: {  	[hbm4b:s1+s2] =	stream.linear.scatter [tilespmem:s7], [sflag:$0x6], $0x5000, $0x38;
	[tilespmem:$0x1A400] =	vst v63  }
0x3ea: {  	_ =	swait.ge [sflag:s8], $0x5000  }
0x3eb: {  	s30 =	sld [smem:$0x7FA]  }
0x3ec: {  	[sflag:s8] =	ssyncset.done $0x0  }
0x3ed: {  	[sflag:s8] =	ssyncadd.s32 $0xFFFFB000  }
0x3ee: {  	[tilespmem:s10], [sflag:$0x1] =	stream.indirect.gather [hbm4b:s3+s5], $0x20, s30, s5, $0xb8;
	[tilespmem:$0x1A400] =	vst v63  }
0x3ef: {  	_ =	swait.ge [sflag:s14], $0x5000  }
0x3f0: {  	[sflag:s14] =	ssyncset.done $0x0  }
0x3f1: {  	s31 =	rddreg [dreg:$0x19];
	[sflag:s14] =	ssyncadd.s32 $0xFFFFB000  }
0x3f2: {  	[hbm4b:s31+s2] =	stream.linear.scatter [tilespmem:s4], [sflag:$0x7], $0x5000, $0x38;
	[tilespmem:$0x1A400] =	vst v63  }
0x3f3: {  	_ =	swait.ge [sflag:s9], $0x5000  }
0x3f4: {  	s1 =	sld [smem:$0x7FB]  }
0x3f5: {  	[sflag:s9] =	ssyncset.done $0x0  }
0x3f6: {  	[sflag:s9] =	ssyncadd.s32 $0xFFFFB000  }
0x3f7: {  	[tilespmem:s7], [sflag:$0x2] =	stream.indirect.gather [hbm4b:s3+s5], $0x20, s1, s5, $0xb8;
	[tilespmem:$0x1A400] =	vst v63  }
0x3f8: {  	_ =	swait.ge [sflag:s15], $0x5000  }
0x3f9: {  	[sflag:s15] =	ssyncset.done $0x0  }
0x3fa: {  	s30 =	rddreg [dreg:$0x1a];
	[sflag:s15] =	ssyncadd.s32 $0xFFFFB000  }
0x3fb: {  	[hbm4b:s30+s2] =	stream.linear.scatter [tilespmem:s6], [sflag:$0x8], $0x5000, $0x38;
	[tilespmem:$0x1A400] =	vst v63  }
0x3fc: {  	_ =	swait.ge [sflag:s11], $0x5000  }
0x3fd: {  	s31 =	sld [smem:$0x7FC]  }
0x3fe: {  	[sflag:s11] =	ssyncset.done $0x0  }
0x3ff: {  	[sflag:s11] =	ssyncadd.s32 $0xFFFFB000  }
0x400: {  	[tilespmem:s4], [sflag:$0x3] =	stream.indirect.gather [hbm4b:s3+s5], $0x20, s31, s5, $0xb8;
	[tilespmem:$0x1A400] =	vst v63  }
0x401: {  	_ =	swait.ge [sflag:s16], $0x5000  }
0x402: {  	[sflag:s16] =	ssyncset.done $0x0  }
0x403: {  	s1 =	rddreg [dreg:$0x1b];
	[sflag:s16] =	ssyncadd.s32 $0xFFFFB000  }
0x404: {  	[hbm4b:s1+s2] =	stream.linear.scatter [tilespmem:s10], [sflag:$0x5], $0x5000, $0x38;
	[tilespmem:$0x1A400] =	vst v63  }
0x405: {  	_ =	swait.ge [sflag:s12], $0x5000  }
0x406: {  	s30 =	sld [smem:$0x7FD]  }
0x407: {  	[sflag:s12] =	ssyncset.done $0x0  }
0x408: {  	[sflag:s12] =	ssyncadd.s32 $0xFFFFB000  }
0x409: {  	[tilespmem:s6], [sflag:$0x4] =	stream.indirect.gather [hbm4b:s3+s5], $0x20, s30, s5, $0xb8;
	[tilespmem:$0x1A400] =	vst v63  }
0x40a: {  	_ =	swait.ge [sflag:s13], $0x5000  }
0x40b: {  	[sflag:s13] =	ssyncset.done $0x0  }
0x40c: {  	s31 =	rddreg [dreg:$0x1c];
	[sflag:s13] =	ssyncadd.s32 $0xFFFFB000  }
0x40d: {  	[hbm4b:s31+s2] =	stream.linear.scatter [tilespmem:s7], [sflag:$0x6], $0x5000, $0x38;
	[tilespmem:$0x1A400] =	vst v63  }
0x40e: {  	_ =	swait.ge [sflag:s8], $0x5000  }
0x40f: {  	[sflag:s8] =	ssyncset.done $0x0  }
0x410: {  	[sflag:s8] =	ssyncadd.s32 $0xFFFFB000  }
0x411: {  	[tilespmem:s10], [sflag:$0x1] =	stream.indirect.gather [hbm4b:s3+s5], $0x20, s29, s5, $0xb8;
	[tilespmem:$0x1A400] =	vst v63  }
0x412: {  	_ =	swait.ge [sflag:s14], $0x5000  }
0x413: {  	[sflag:s14] =	ssyncset.done $0x0  }
0x414: {  	s1 =	rddreg [dreg:$0x1d];
	[sflag:s14] =	ssyncadd.s32 $0xFFFFB000  }
0x415: {  	[hbm4b:s1+s2] =	stream.linear.scatter [tilespmem:s4], [sflag:$0x7], $0x5000, $0x38;
	[tilespmem:$0x1A400] =	vst v63  }
0x416: {  	_ =	swait.ge [sflag:s9], $0x5000  }
0x417: {  	[sflag:s9] =	ssyncset.done $0x0  }
0x418: {  	[sflag:s9] =	ssyncadd.s32 $0xFFFFB000  }
0x419: {  	[tilespmem:s7], [sflag:$0x2] =	stream.indirect.gather [hbm4b:s3+s5], $0x20, s28, s5, $0xb8;
	[tilespmem:$0x1A400] =	vst v63  }
0x41a: {  	_ =	swait.ge [sflag:s15], $0x5000  }
0x41b: {  	[sflag:s15] =	ssyncset.done $0x0  }
0x41c: {  	s28 =	rddreg [dreg:$0x1e];
	[sflag:s15] =	ssyncadd.s32 $0xFFFFB000  }
0x41d: {  	[hbm4b:s28+s2] =	stream.linear.scatter [tilespmem:s6], [sflag:$0x8], $0x5000, $0x38;
	[tilespmem:$0x1A400] =	vst v63  }
0x41e: {  	_ =	swait.ge [sflag:s11], $0x5000  }
0x41f: {  	[sflag:s11] =	ssyncset.done $0x0  }
0x420: {  	[sflag:s11] =	ssyncadd.s32 $0xFFFFB000  }
0x421: {  	[tilespmem:s4], [sflag:$0x3] =	stream.indirect.gather [hbm4b:s3+s5], $0x20, s26, s5, $0xb8;
	[tilespmem:$0x1A400] =	vst v63  }
0x422: {  	_ =	swait.ge [sflag:s16], $0x5000  }
0x423: {  	[sflag:s16] =	ssyncset.done $0x0  }
0x424: {  	s29 =	rddreg [dreg:$0x1f];
	[sflag:s16] =	ssyncadd.s32 $0xFFFFB000  }
0x425: {  	[hbm4b:s29+s2] =	stream.linear.scatter [tilespmem:s10], [sflag:$0x5], $0x5000, $0x38;
	[tilespmem:$0x1A400] =	vst v63  }
0x426: {  	_ =	swait.ge [sflag:s12], $0x5000  }
0x427: {  	[sflag:s12] =	ssyncset.done $0x0  }
0x428: {  	[sflag:s12] =	ssyncadd.s32 $0xFFFFB000  }
0x429: {  	[tilespmem:s6], [sflag:$0x4] =	stream.indirect.gather [hbm4b:s3+s5], $0x20, s25, s5, $0xb8;
	[tilespmem:$0x1A400] =	vst v63  }
0x42a: {  	_ =	swait.ge [sflag:s13], $0x5000  }
0x42b: {  	s30 =	sld [smem:$0x7D9]  }
0x42c: {  	[sflag:s13] =	ssyncset.done $0x0  }
0x42d: {  	[sflag:s13] =	ssyncadd.s32 $0xFFFFB000  }
0x42e: {  	[hbm4b:s30+s2] =	stream.linear.scatter [tilespmem:s7], [sflag:$0x6], $0x5000, $0x38;
	[tilespmem:$0x1A400] =	vst v63  }
0x42f: {  	_ =	swait.ge [sflag:s8], $0x5000  }
0x430: {  	[sflag:s8] =	ssyncset.done $0x0  }
0x431: {  	[sflag:s8] =	ssyncadd.s32 $0xFFFFB000  }
0x432: {  	[tilespmem:s10], [sflag:$0x1] =	stream.indirect.gather [hbm4b:s3+s5], $0x20, s24, s5, $0xb8;
	[tilespmem:$0x1A400] =	vst v63  }
0x433: {  	_ =	swait.ge [sflag:s14], $0x5000  }
0x434: {  	s31 =	sld [smem:$0x7DA]  }
0x435: {  	[sflag:s14] =	ssyncset.done $0x0  }
0x436: {  	[sflag:s14] =	ssyncadd.s32 $0xFFFFB000  }
0x437: {  	[hbm4b:s31+s2] =	stream.linear.scatter [tilespmem:s4], [sflag:$0x7], $0x5000, $0x38;
	[tilespmem:$0x1A400] =	vst v63  }
0x438: {  	_ =	swait.ge [sflag:s9], $0x5000  }
0x439: {  	[sflag:s9] =	ssyncset.done $0x0  }
0x43a: {  	[sflag:s9] =	ssyncadd.s32 $0xFFFFB000  }
0x43b: {  	[tilespmem:s7], [sflag:$0x2] =	stream.indirect.gather [hbm4b:s3+s5], $0x20, s23, s5, $0xb8;
	[tilespmem:$0x1A400] =	vst v63  }
0x43c: {  	_ =	swait.ge [sflag:s15], $0x5000  }
0x43d: {  	s1 =	sld [smem:$0x7DB]  }
0x43e: {  	[sflag:s15] =	ssyncset.done $0x0  }
0x43f: {  	[sflag:s15] =	ssyncadd.s32 $0xFFFFB000  }
0x440: {  	[hbm4b:s1+s2] =	stream.linear.scatter [tilespmem:s6], [sflag:$0x8], $0x5000, $0x38;
	[tilespmem:$0x1A400] =	vst v63  }
0x441: {  	_ =	swait.ge [sflag:s11], $0x5000  }
0x442: {  	[sflag:s11] =	ssyncset.done $0x0  }
0x443: {  	[sflag:s11] =	ssyncadd.s32 $0xFFFFB000  }
0x444: {  	[tilespmem:s4], [sflag:$0x3] =	stream.indirect.gather [hbm4b:s3+s5], $0x20, s22, s5, $0xb8;
	[tilespmem:$0x1A400] =	vst v63  }
0x445: {  	_ =	swait.ge [sflag:s16], $0x5000  }
0x446: {  	s22 =	sld [smem:$0x7DC]  }
0x447: {  	[sflag:s16] =	ssyncset.done $0x0  }
0x448: {  	[sflag:s16] =	ssyncadd.s32 $0xFFFFB000  }
0x449: {  	[hbm4b:s22+s2] =	stream.linear.scatter [tilespmem:s10], [sflag:$0x5], $0x5000, $0x38;
	[tilespmem:$0x1A400] =	vst v63  }
0x44a: {  	_ =	swait.ge [sflag:s12], $0x5000  }
0x44b: {  	[sflag:s12] =	ssyncset.done $0x0  }
0x44c: {  	[sflag:s12] =	ssyncadd.s32 $0xFFFFB000  }
0x44d: {  	[tilespmem:s6], [sflag:$0x4] =	stream.indirect.gather [hbm4b:s3+s5], $0x20, s21, s5, $0xb8;
	[tilespmem:$0x1A400] =	vst v63  }
0x44e: {  	_ =	swait.ge [sflag:s13], $0x5000  }
0x44f: {  	s23 =	sld [smem:$0x7DD]  }
0x450: {  	[sflag:s13] =	ssyncset.done $0x0  }
0x451: {  	[sflag:s13] =	ssyncadd.s32 $0xFFFFB000  }
0x452: {  	[hbm4b:s23+s2] =	stream.linear.scatter [tilespmem:s7], [sflag:$0x6], $0x5000, $0x38;
	[tilespmem:$0x1A400] =	vst v63  }
0x453: {  	_ =	swait.ge [sflag:s8], $0x5000  }
0x454: {  	[sflag:s8] =	ssyncset.done $0x0  }
0x455: {  	[sflag:s8] =	ssyncadd.s32 $0xFFFFB000  }
0x456: {  	[tilespmem:s10], [sflag:$0x1] =	stream.indirect.gather [hbm4b:s3+s5], $0x20, s20, s5, $0xb8;
	[tilespmem:$0x1A400] =	vst v63  }
0x457: {  	_ =	swait.ge [sflag:s14], $0x5000  }
0x458: {  	s24 =	sld [smem:$0x7DE]  }
0x459: {  	[sflag:s14] =	ssyncset.done $0x0  }
0x45a: {  	[sflag:s14] =	ssyncadd.s32 $0xFFFFB000  }
0x45b: {  	[hbm4b:s24+s2] =	stream.linear.scatter [tilespmem:s4], [sflag:$0x7], $0x5000, $0x38;
	[tilespmem:$0x1A400] =	vst v63  }
0x45c: {  	_ =	swait.ge [sflag:s9], $0x5000  }
0x45d: {  	[sflag:s9] =	ssyncset.done $0x0  }
0x45e: {  	[sflag:s9] =	ssyncadd.s32 $0xFFFFB000  }
0x45f: {  	[tilespmem:s7], [sflag:$0x2] =	stream.indirect.gather [hbm4b:s3+s5], $0x20, s19, s5, $0xb8;
	[tilespmem:$0x1A400] =	vst v63  }
0x460: {  	_ =	swait.ge [sflag:s15], $0x5000  }
0x461: {  	s25 =	sld [smem:$0x7DF]  }
0x462: {  	[sflag:s15] =	ssyncset.done $0x0  }
0x463: {  	[sflag:s15] =	ssyncadd.s32 $0xFFFFB000  }
0x464: {  	[hbm4b:s25+s2] =	stream.linear.scatter [tilespmem:s6], [sflag:$0x8], $0x5000, $0x38;
	[tilespmem:$0x1A400] =	vst v63  }
0x465: {  	_ =	swait.ge [sflag:s11], $0x5000  }
0x466: {  	[sflag:s11] =	ssyncset.done $0x0  }
0x467: {  	[sflag:s11] =	ssyncadd.s32 $0xFFFFB000  }
0x468: {  	[tilespmem:s4], [sflag:$0x3] =	stream.indirect.gather [hbm4b:s3+s5], $0x20, s18, s5, $0xb8;
	[tilespmem:$0x1A400] =	vst v63  }
0x469: {  	_ =	swait.ge [sflag:s16], $0x5000  }
0x46a: {  	s26 =	sld [smem:$0x7E0]  }
0x46b: {  	[sflag:s16] =	ssyncset.done $0x0  }
0x46c: {  	[sflag:s16] =	ssyncadd.s32 $0xFFFFB000  }
0x46d: {  	[hbm4b:s26+s2] =	stream.linear.scatter [tilespmem:s10], [sflag:$0x5], $0x5000, $0x38;
	[tilespmem:$0x1A400] =	vst v63  }
0x46e: {  	_ =	swait.ge [sflag:s12], $0x5000  }
0x46f: {  	[sflag:s12] =	ssyncset.done $0x0  }
0x470: {  	[sflag:s12] =	ssyncadd.s32 $0xFFFFB000  }
0x471: {  	[tilespmem:s6], [sflag:$0x4] =	stream.indirect.gather [hbm4b:s3+s5], $0x20, s17, s5, $0xb8;
	[tilespmem:$0x1A400] =	vst v63  }
0x472: {  	_ =	swait.ge [sflag:s13], $0x5000  }
0x473: {  	s28 =	sld [smem:$0x7E1]  }
0x474: {  	[sflag:s13] =	ssyncset.done $0x0  }
0x475: {  	[sflag:s13] =	ssyncadd.s32 $0xFFFFB000  }
0x476: {  	[hbm4b:s28+s2] =	stream.linear.scatter [tilespmem:s7], [sflag:$0x6], $0x5000, $0x38;
	[tilespmem:$0x1A400] =	vst v63  }
0x477: {  	_ =	swait.ge [sflag:s14], $0x5000  }
0x478: {  	s29 =	sld [smem:$0x7E2]  }
0x479: {  	[sflag:s14] =	ssyncset.done $0x0  }
0x47a: {  	[sflag:s14] =	ssyncadd.s32 $0xFFFFB000  }
0x47b: {  	[hbm4b:s29+s2] =	stream.linear.scatter [tilespmem:s4], [sflag:$0x7], $0x5000, $0x38;
	[tilespmem:$0x1A400] =	vst v63  }
0x47c: {  	_ =	swait.ge [sflag:s15], $0x5000  }
0x47d: {  	s30 =	sld [smem:$0x7E3]  }
0x47e: {  	[sflag:s15] =	ssyncset.done $0x0  }
0x47f: {  	[sflag:s15] =	ssyncadd.s32 $0xFFFFB000  }
0x480: {  	[hbm4b:s30+s2] =	stream.linear.scatter [tilespmem:s6], [sflag:$0x8], $0x5000, $0x38;
	[tilespmem:$0x1A400] =	vst v63  }
0x481: {  	_ =	swait.ge [sflag:s8], $0x5000  }
0x482: {  	[sflag:s8] =	ssyncset.done $0x0  }
0x483: {  	[sflag:s8] =	ssyncadd.s32 $0xFFFFB000  }
0x484: {  	_ =	swait.ge [sflag:s9], $0x5000  }
0x485: {  	[sflag:s9] =	ssyncset.done $0x0  }
0x486: {  	[sflag:s9] =	ssyncadd.s32 $0xFFFFB000  }
0x487: {  	_ =	swait.ge [sflag:s11], $0x5000  }
0x488: {  	[sflag:s11] =	ssyncset.done $0x0  }
0x489: {  	[sflag:s11] =	ssyncadd.s32 $0xFFFFB000  }
0x48a: {  	_ =	swait.ge [sflag:s12], $0x5000  }
0x48b: {  	[sflag:s12] =	ssyncset.done $0x0  }
0x48c: {  	[sflag:s12] =	ssyncadd.s32 $0xFFFFB000  }
0x48d: {  	_ =	sfence.sel $0x180000  }
0x48e: {  	[bflag:$0x0] =	sbarrier.arrive $0xFFFF  }
0x48f: {  	_ =	strace $0x90000047  }
0x490: {  	s31 =	stileid.u32;
	[bflag:$0x2] =	sbarrier.arrive $0xFFFF  }
0x491: {  	p0 =	sne.s32 s31, $0x0;
	s0 =	rddreg [dreg:$0x2]  }
0x492: {  	s0 =	sadd.s32 @!p0 $0x100000, s0  }
0x493: {  	[sflag:s0] =	ssyncadd.tile.s32 @!p0 $0x1;
	_ =	shalt  }
.Lfunc_end2:
_tile_overlayer_lowered:
.L_overlay_start_2:
0x494: {  	(tag) =	ssettag $0x2  }
0x495: {  	s0 =	rddreg [dreg:$0x0];
	s2 =	stileid.u32  }
0x496: {  	s1 =	rddreg [dreg:$0x1];
	p0 =	sne.s32 s2, $0x0  }
0x497: {  	s3 =	rddreg [dreg:$0x2];
	[bflag:$0x3] =	sbarrier.arrive $0xFFFF;
	s2 =	simm.s32 @!p0 $0x1C09  }
0x498: {  	[timem:s3], [sflag:s2] =	dma.local @!p0 [hbm:s0], s1  }
0x499: {  	s0 =	simm.s32 @!p0 $0x9  }
0x49a: {  	_ =	swait.ge @!p0 [sflag:s0], s1  }
0x49b: {  	s1 =	ssub.s32 @!p0 $0x0, s1;
	[sflag:s0] =	ssyncset.done @!p0 $0x0  }
0x49c: {  	[sflag:s0] =	ssyncadd.s32 @!p0 s1  }
0x49d: {  	[bflag:$0x3] =	sbarrier.arrive $0xFFFF  }
0x49e: {  	_ =	shalt  }

// kernel: sparse-core-data-format-call.cloned.1.call-start
scs
called_computation_lowered:
.L_overlay_start_0:
0x0: {  	s2 =	sld [smem:$0x3FD9]  }
0x1: {  	s3 =	sld [smem:$0x3FFE];
	_ =	sdelay $0x1  }
0x2: {  	s1 =	srdreg.scid  }
0x3: {  	s0 =	sand.u32 $0x1, s1  }
0x4: {  	s18 =	sshll.u32 s0, $0xA;
	s2 =	sadd.s32 s3, s2  }
0x5: {  	s2 =	sadd.s32 s2, s18  }
0x6: {  	[smem:$0x3FC6] =	sst s2  }
0x7: {  	_ = 	snop  }
0x8: {  	s2 =	sld [smem:$0x3FD0];
	(tm) =	ssettm $0x1  }
0x9: {  	s19 =	sld [smem:$0x3FFB];
	_ =	sdelay $0x3  }
0xa: {  	_ =	strace s19  }
0xb: {  	s3 =	sld [smem:$0x3FFC];
	_ =	sdelay $0x3  }
0xc: {  	_ =	strace s3  }
0xd: {  	s3 =	sld [smem:$0x3FFD];
	_ =	sdelay $0x3  }
0xe: {  	_ =	strace s3  }
0xf: {  	_ =	strace $0x8FFFFFFF  }
0x10: {  	s20 =	sld [smem:$0x3FDB];
	_ =	sdelay $0x1  }
0x11: {  	s4 =	simm.s32 $_scs_section_size  }
0x12: {  	s5 =	simm.s32 $_size__tile_overlayer_lowered;
	s6 =	simm.s32 $_tile_overlayer_lowered  }
0x13: {  	s23 =	simm.s32 $0x1BFF;
	s22 =	sshll.u32 s6, $0x1;
	s3 =	sadd.s32 s4, s20  }
0x14: {  	s7 =	simm.s32 $0x0;
	s21 =	sshll.u32 s5, $0x1;
	s5 =	sadd.s32 s22, s3  }
0x15: {  	[timem:s7], [sflag:s23] =	dma.local [hbm:s5], s21  }
0x16: {  	_ =	swait.ge [sflag:s23], s21  }
0x17: {  	s4 =	ssub.s32 $0x0, s21;
	[sflag:s23] =	ssyncset.done $0x0  }
0x18: {  	[sflag:s23] =	ssyncadd.s32 s4;
	_ =	sdelay $0x1  }
0x19: {  	s24 =	simm.s32 $0x1B8B  }
0x1a: {  	_ =	swait.ge [sflag:s24], $0x1  }
0x1b: {  	[sflag:s24] =	ssyncset.done $0x0  }
0x1c: {  	s26 =	simm.s32 $0x1B8E;
	s25 =	sld [smem:$0x3FFE];
	[sflag:s24] =	ssyncadd.s32 $0xFFFFFFFF  }
0x1d: {  	s27 =	simm.s32 $execute0_lowered;
	[smem:$0x3FD2] =	sst s26  }
0x1e: {  	s5 =	sshll.u32 s27, $0x1;
	_ =	strace $0x80000049;
	[dreg:$0x1] =	wrdreg $0xFFFFFFFF  }
0x1f: {  	s28 =	simm.s32 $_size_execute0_lowered;
	s3 =	sadd.s32 s3, s5;
	[dreg:$0x0] =	wrdreg $0x0  }
0x20: {  	s5 =	sshll.u32 s28, $0x1;
	[dreg:$0x2] =	wrdreg s3  }
0x21: {  	[dreg:$0x3] =	wrdreg s5  }
0x22: {  	[dreg:$0x4] =	wrdreg $0xC0  }
0x23: {  	_ =	task [dreg:s7], $0x5FFFF  }
0x24: {  	[dreg:$0x1] =	wrdreg $0xFFFFFFFF  }
0x25: {  	[dreg:$0x0] =	wrdreg $0x60  }
0x26: {  	[dreg:$0x2] =	wrdreg s25  }
0x27: {  	[dreg:$0x3] =	wrdreg s2  }
0x28: {  	[dreg:$0x4] =	wrdreg $0x9  }
0x29: {  	_ =	task.clear_ibuf [dreg:s7], $0x5FFFF;
	_ =	strace $0x90000049  }
0x2a: {  	s29 =	simm.s32 $0x9;
	_ =	strace $0x8000004B  }
0x2b: {  	_ =	swait.ge [sflag:s29], $0x1  }
0x2c: {  	[sflag:s29] =	ssyncadd.s32 $0xFFFFFFFF  }
0x2d: {  	_ =	strace $0x9000004B  }
0x2e: {  	_ =	sfence  }
0x2f: {  	s30 =	sld [smem:$0x0];
	_ =	sdelay $0x2  }
0x30: {  	s31 =	sshll.u32 s1, $0xD;
	s1 =	sshrl.u32 s1, $0x2  }
0x31: {  	s3 =	sand.u32 $0x4000, s31;
	s1 =	sadd.s32 s1, s30  }
0x32: {  	s0 =	sor.u32 s3, s0;
	s1 =	sshll.u32 s1, $0x11  }
0x33: {  	s0 =	sor.u32 s1, s0  }
0x34: {  	s0 =	sadd.s32 $0x8F2B, s0  }
0x35: {  	[sflag:s0] =	ssyncadd.remote.s32 $0x1  }
0x36: {  	_ =	sfence.sel $0xFFFF  }
0x37: {  	[dreg:$0x0] =	wrdreg $0xFFFFFFFF;
	(pc) =	sbr.abs _section_cstart, $3  }
0x38: {  	[dreg:$0x1] =	wrdreg $0xFFFFFFFF  }
0x39: {  	_ =	task.clear_ibuf [dreg:s7], $0x2FFFF;
	_ =	strace $0x9FFFFFFF  }
0x3a: {  	(tm) =	ssettm $0x7FFFFFFF  }
0x3b: {  	_ =	shalt  }
tec
execute0_lowered:
.L_overlay_start_1:
0x0: {  	(tag) =	ssettag $0x1  }
0x1: {  	s0 =	srdreg.scid  }
0x2: {  	s1 =	sshll.u32 s0, $0x4  }
0x3: {  	s0 =	stileid.u32;
	s1 =	sand.u32 $0x10, s1  }
0x4: {  	s1 =	sor.u32 s0, s1  }
0x5: {  	s6 =	rddreg [dreg:$0x0];
	s4 =	simm.s32 $0x1;
	s2 =	sshll.u32 s1, $0x7  }
0x6: {  	s7 =	simm.s32 $0x2;
	s12 =	simm.s32 $0x0;
	s1 =	ssub.s32 $0x1000, s2  }
0x7: {  	s8 =	simm.s32 $0x8000;
	s13 =	simm.s32 $0x0;
	s3 =	sand.u32 $0xF80, s1  }
0x8: {  	s9 =	simm.s32 $0x0;
	s5 =	sshrl.u32 s1, $0xC;
	p0 =	sne.s32 s3, $0x0  }
.Ltmp0:
0x9: {  	s1 =	rddreg [dreg:$0x2];
	s4 =	simm.s32 @!p0 $0x0;
	(pc) =	sbr.rel .LBB1_1-.Ltmp0, $4  }
0xa: {  	s11 =	simm.s32 $0x0;
	s3 =	rddreg [dreg:$0x1];
	s5 =	sadd.s32 s4, s5  }
0xb: {  	_ =	strace $0x8000004A;
	s4 =	simm.s32 $0x1;
	s5 =	smul.u32 $0xC8, s5  }
0xc: {  	s6 =	sadd.s32 $0xA00, s6;
	s10 =	smov.u32 s2;
	[sflag:s4] =	ssyncpa.u1 $0x0  }
0xd: {  	p0 =	por $0x0, $0x0;
	[sflag:s7] =	ssyncpa.u1 $0x0;
	s7 =	sor.u32 $0x1, s5  }
.LBB1_4:
0xe: {  	s16 =	sshll.u32 s13, $0x3;
	s17 =	sand.u32 $0x78, s13  }
0xf: {  	s30 =	sand.u32 $0x3E00, s13;
	s12 =	sshll.u32 s12, $0xE;
	s16 =	sand.u32 $0xC00, s16  }
0x10: {  	s31 =	sand.u32 $0x7, s13;
	s16 =	sor.u32 s17, s16;
	s17 =	sadd.s32 s3, s30  }
0x11: {  	s13 =	sshll.u32 s31, $0x12;
	s16 =	sshrl.u32 s16, $0x3;
	s12 =	sadd.s32 s12, s17  }
0x12: {  	[tilespmem:s15+$0x0 ss:$0x81] =	vst.msk $0xffff, v0;
	s13 =	sor.u32 $0x400, s13;
	s12 =	sadd.s32 s16, s12  }
0x13: {  	[hbm4b:s12+s13] =	stream.strided.scatter [tilespmem:s14], [sflag:$0x2], $0x1000, s8, s13, $0x20;
	[tilespmem:$0x4040] =	vst v63  }
.LBB1_5:
0x14: {  	s14 =	sadd.s32 $0x1, s9  }
0x15: {  	s12 =	sadd.s32 $0x1000, s10;
	s16 =	smov.u32 s10;
	p2 =	sgt.s32 s14, $0xC7  }
0x16: {  	s16 =	smov.u32 @p2 s12  }
0x17: {  	s14 =	simm.s32 @p2 $0x0;
	p2 =	sgt.s32 s16, $0xFFF  }
0x18: {  	s16 =	smov.u32 @p2 s2;
	p2 =	sne.s32 s11, s7  }
.Ltmp1:
0x19: {  	p1 =	slt.u32 s11, $0x2;
	(pc) =	sbr.rel @!p2 .LBB1_6-.Ltmp1, $4  }
0x1a: {  	s15 =	simm.s32 @!p1 $0x2  }
0x1b: {  	s13 =	smov.u32 s10;
	p0 =	por !p0, !p0;
	_ =	swait.ge @!p1 [sflag:s15], $0x1000  }
0x1c: {  	s12 =	smov.u32 s9;
	[sflag:s15] =	ssyncset.done @!p1 $0x0;
	s9 =	smov.u32 s14  }
0x1d: {  	s11 =	sadd.s32 $0x1, s11;
	[sflag:s15] =	ssyncadd.s32 @!p1 $0xFFFFF000;
	s10 =	smov.u32 s16  }
.LBB1_1:
0x1e: {  	p1 =	sge.u32 s11, s5  }
0x1f: {  	s14 =	sand.u32 @!p1 $0x1FFFFFF, s9  }
0x20: {  	s15 =	smulhi.u32 @!p1 $0x147AE15, s14;
	_ =	sdelay $0x1  }
0x21: {  	s15 =	smul.u32 @!p1 $0xC8, s15  }
0x22: {  	s16 =	sxor.u32 @!p1 $0xFFFFFFFF, s11;
	s17 =	smul.u32 @!p1 $0xC80, s10  }
0x23: {  	s31 =	sadd.s32 $0xFFFFFFFF, s11;
	s16 =	sshll.u32 @!p1 s16, $0xC;
	s14 =	ssub.s32 @!p1 s14, s15  }
0x24: {  	s15 =	sand.u32 @!p1 $0x1000, s16;
	s16 =	sadd.s32 @!p1 s6, s17;
	s14 =	sshll.u32 @!p1 s14, $0x4  }
0x25: {  	s17 =	simm.s32 @!p1 $0x6400;
	s14 =	sadd.s32 @!p1 s14, s16;
	s16 =	simm.s32 @!p1 $0x20  }
0x26: {  	[tilespmem:s15], [sflag:$0x1] =	stream.strided.gather @!p1 [hbm4b:s14+s16], $0x1000, s17, s16, $0x38;
	[tilespmem:$0x4040] =	vst v63  }
0x27: {  	p1 =	sge.u32 s31, s5  }
.Ltmp2:
0x28: {  	_ = 	snop;
	(pc) =	sbr.rel @p1 .LBB1_5-.Ltmp2, $1  }
0x29: {  	_ =	sdelay $0x3  }
0x2a: {  	s14 =	simm.s32 $0x1  }
0x2b: {  	_ =	swait.ge [sflag:s4], $0x1000;
	s14 =	simm.s32 @!p0 $0x0  }
0x2c: {  	[sflag:s4] =	ssyncset.done $0x0;
	s15 =	sshll.u32 s14, $0xC  }
0x2d: {  	[sflag:s4] =	ssyncadd.s32 $0xFFFFF000;
	s18 =	sor.u32 $0x10, s15  }
0x2e: {  	s14 =	smul.u32 $0x4080, s14;
	v1 =	vld [tilespmem:s18+$0x0]  }
0x2f: {  	s30 =	sand.u32 $0x1, s11;
	v0 =	vld [tilespmem:s18+$0xFFFFFFF0]  }
0x30: {  	s15 =	smul.u32 $0x4080, s30;
	s14 =	sshrl.u32 s14, $0x2  }
0x31: {  	s16 =	sor.u32 $0x2000, s14  }
0x32: {  	s31 =	sshrl.u32 s15, $0x2;
	s15 =	sadd.s32 $0x0, s16  }
0x33: {  	s17 =	simm.s32 $0x4;
	s18 =	sadd.s32 $0x20, s18;
	s14 =	sor.u32 $0x2000, s31;
	[tilespmem:s15+$0x810 ss:$0x81] =	vst.msk $0xffff, v1  }
.LBB1_3:
0x34: {  	v1 =	vld [tilespmem:s18+$0x0];
	p1 =	sne.s32 s17, $0x1FC;
	[tilespmem:s15+$0x0 ss:$0x81] =	vst.msk $0xffff, v0;
	s15 =	smov.u32 s17;
	s17 =	sadd.s32 $0x4, s17  }
.Ltmp3:
0x35: {  	v0 =	vld [tilespmem:s18+$0xFFFFFFF0];
	(pc) =	sbr.rel @p1 .LBB1_3-.Ltmp3, $4  }
0x36: {  	_ = 	snop  }
0x37: {  	s15 =	sshra.s32 s15, $0x2  }
0x38: {  	s15 =	sadd.s32 s15, s16  }
0x39: {  	s18 =	sadd.s32 $0x20, s18;
	[tilespmem:s15+$0x810 ss:$0x81] =	vst.msk $0xffff, v1  }
.Ltmp4:
0x3a: {  	_ = 	snop;
	(pc) =	sbr.rel .LBB1_4-.Ltmp4, $1  }
0x3b: {  	_ =	sdelay $0x3  }
.LBB1_6:
0x3c: {  	_ =	sfence.sel $0x180000  }
0x3d: {  	s2 =	simm.s32 $0x1;
	[bflag:$0x0] =	sbarrier.arrive $0xFFFF  }
0x3e: {  	s31 =	simm.s32 $0x2;
	[sflag:s2] =	ssyncpa.u1 $0x1  }
0x3f: {  	[sflag:s31] =	ssyncpa.u1 $0x1  }
0x40: {  	p0 =	sne.s32 s0, $0x0;
	_ =	strace $0x9000004A  }
0x41: {  	s0 =	sadd.s32 @!p0 $0x100000, s1;
	[bflag:$0x2] =	sbarrier.arrive $0xFFFF  }
0x42: {  	[sflag:s0] =	ssyncadd.tile.s32 @!p0 $0x1;
	_ =	shalt  }
.Lfunc_end1:
_tile_overlayer_lowered:
.L_overlay_start_2:
0x43: {  	(tag) =	ssettag $0x2  }
0x44: {  	s0 =	rddreg [dreg:$0x0];
	s2 =	stileid.u32  }
0x45: {  	s1 =	rddreg [dreg:$0x1];
	p0 =	sne.s32 s2, $0x0  }
0x46: {  	s3 =	rddreg [dreg:$0x2];
	[bflag:$0x3] =	sbarrier.arrive $0xFFFF;
	s2 =	simm.s32 @!p0 $0x1C01  }
0x47: {  	[timem:s3], [sflag:s2] =	dma.local @!p0 [hbm:s0], s1  }
0x48: {  	s0 =	simm.s32 @!p0 $0x1  }
0x49: {  	_ =	swait.ge @!p0 [sflag:s0], s1  }
0x4a: {  	s1 =	ssub.s32 @!p0 $0x0, s1;
	[sflag:s0] =	ssyncset.done @!p0 $0x0  }
0x4b: {  	[sflag:s0] =	ssyncadd.s32 @!p0 s1  }
0x4c: {  	[bflag:$0x3] =	sbarrier.arrive $0xFFFF  }
0x4d: {  	_ =	shalt  }

</sc_bundles>
